<compile_context>
chip_gen: v7x
topology: tpu7x:2x2x1
jax: 0.10.2.dev20260603
libtpu: 0.0.44.dev20260713+nightly
codegen_flags: <defaults>
</compile_context>

<pallas_src>
import jax
import jax.numpy as jnp
from jax import lax
from jax.experimental import pallas as pl
from jax.experimental.pallas import tpu as pltpu
from jax.experimental.pallas import tpu_sc as plsc

N_NODES = 100000
IN_C = 100000
HID_C = 32
OUT_C = 64
N_USER = 30000

NC = 2
NS = 16
L = 16

C = 512
CI = C // 128

E_REAL = 1600000
G_CHUNKS = E_REAL // C

RPT = -(-N_NODES // NS // 8) * 8
N_PAD = NS * RPT

_GDN = lax.GatherDimensionNumbers(
    offset_dims=(), collapsed_slice_dims=(0,), start_index_map=(0,))


def _splat(vec, j):
    idx = jnp.full((L, 1), j, jnp.int32)
    return lax.gather(vec, idx, _GDN, (1,),
                      mode=lax.GatherScatterMode.PROMISE_IN_BOUNDS)


def _sc_body(table_ref, src_ref, et_ref, dst_ref, norm_ref, out_ref,
             src4, et4, gidx4, dstc4, norm4, rows_v, acc, edg, gth, sct):
    h = lax.axis_index("c")
    t = lax.axis_index("s")

    def _zrow(i, _):
        rows_v[0, i, :] = jnp.zeros((L,), jnp.float32)
        return 0
    lax.fori_loop(0, C, _zrow, 0)
    r0 = t * RPT
    for i in range(RPT // C):
        pltpu.sync_copy(rows_v.at[0], acc.at[pl.ds(r0 + i * C, C)])
    rem = RPT - (RPT // C) * C
    if rem:
        pltpu.sync_copy(rows_v.at[0, pl.ds(0, rem)],
                        acc.at[pl.ds(r0 + (RPT // C) * C, rem)])
    plsc.subcore_barrier()

    n_t = (G_CHUNKS - 1 - t) // NS + 1

    def _fire_edge(ci, b):
        gc = ci * NS + t
        base = pl.multiple_of(gc * C, C)
        rbase = pl.multiple_of(gc * CI, CI)
        pltpu.async_copy(src_ref.at[pl.ds(base, C)], src4.at[b], edg.at[b])
        pltpu.async_copy(et_ref.at[pl.ds(base, C)], et4.at[b], edg.at[b])
        pltpu.async_copy(norm_ref.at[pl.ds(base, C)], norm4.at[b], edg.at[b])
        pltpu.async_copy(dst_ref.at[pl.ds(rbase, CI)], dstc4.at[b], edg.at[b])

    def _wait_edge(b):
        pltpu.make_async_copy(src_ref.at[pl.ds(0, C)], src4.at[b], edg.at[b]).wait()
        pltpu.make_async_copy(et_ref.at[pl.ds(0, C)], et4.at[b], edg.at[b]).wait()
        pltpu.make_async_copy(norm_ref.at[pl.ds(0, C)], norm4.at[b], edg.at[b]).wait()
        pltpu.make_async_copy(dst_ref.at[pl.ds(0, CI)], dstc4.at[b], edg.at[b]).wait()

    def _scale_fire_scatter(ci):
        pr = lax.bitwise_and(ci - 1, 1)
        pb = lax.bitwise_and(ci - 1, 3)
        pltpu.make_async_copy(table_ref.at[pl.ds(0, C)], rows_v.at[pr],
                              gth.at[pr]).wait()

        @plsc.parallel_loop(0, C // L, 1, unroll=2)
        def _scale(g):
            nv = norm4[pb, pl.ds(g * L, L)]
            rr = g * L
            for j in range(L):
                rows_v[pr, rr + j, :] = rows_v[pr, rr + j, :] * _splat(nv, j)

        for j in range(CI):
            pltpu.async_copy(rows_v.at[pr, pl.ds(j * 128, 128)],
                             acc.at[dstc4.at[pb, j]], sct.at[pr], add=True)

    def _gidx_for(ci):
        b = lax.bitwise_and(ci, 3)
        _wait_edge(b)

        def _gidx(g, _):
            s = src4[b, pl.ds(g * L, L)]
            e = et4[b, pl.ds(g * L, L)]
            gidx4[b, pl.ds(g * L, L)] = (e * IN_C + s) * 2 + h
            return 0
        lax.fori_loop(0, C // L, _gidx, 0)

    def _chunk(ci, _):
        b = lax.bitwise_and(ci, 3)
        r = lax.bitwise_and(ci, 1)

        def _wait_sct():
            pltpu.make_async_copy(table_ref.at[pl.ds(0, C)], rows_v.at[r],
                                  sct.at[r]).wait()
        pl.when(ci >= 2)(_wait_sct)

        for j in range(CI):
            pltpu.async_copy(table_ref.at[gidx4.at[b, pl.ds(j * 128, 128)]],
                             rows_v.at[r, pl.ds(j * 128, 128)], gth.at[r])

        pl.when(ci >= 1)(lambda: _scale_fire_scatter(ci))

        pl.when(ci + 1 < n_t)(lambda: _gidx_for(ci + 1))

        nb = lax.bitwise_and(ci + 2, 3)
        pl.when(ci + 2 < n_t)(lambda: _fire_edge(ci + 2, nb))
        return 0

    _fire_edge(0, 0)
    _fire_edge(1, 1)
    _gidx_for(0)
    lax.fori_loop(0, n_t, _chunk, 0)
    _scale_fire_scatter(n_t)
    for rr in range(2):
        pltpu.make_async_copy(table_ref.at[pl.ds(0, C)], rows_v.at[rr],
                              sct.at[rr]).wait()
    plsc.subcore_barrier()

    for i in range(RPT // C):
        pltpu.sync_copy(acc.at[pl.ds(r0 + i * C, C)],
                        out_ref.at[h, pl.ds(r0 + i * C, C)])
    if rem:
        pltpu.sync_copy(acc.at[pl.ds(r0 + (RPT // C) * C, rem)],
                        out_ref.at[h, pl.ds(r0 + (RPT // C) * C, rem)])


def _sc_aggregate(table2, src, et, dst2, norm):
    fn = pl.kernel(
        _sc_body,
        out_type=jax.ShapeDtypeStruct((NC, N_PAD, L), jnp.float32),
        mesh=plsc.VectorSubcoreMesh(core_axis_name="c", subcore_axis_name="s"),
        compiler_params=pltpu.CompilerParams(use_tc_tiling_on_sc=False),
        scratch_types=[
            pltpu.VMEM((4, C), jnp.int32),
            pltpu.VMEM((4, C), jnp.int32),
            pltpu.VMEM((4, C), jnp.int32),
            pltpu.VMEM((4, CI, 128), jnp.int32),
            pltpu.VMEM((4, C), jnp.float32),
            pltpu.VMEM((2, C, L), jnp.float32),
            pltpu.VMEM_SHARED((N_PAD, L), jnp.float32),
            pltpu.SemaphoreType.DMA((4,)),
            pltpu.SemaphoreType.DMA((2,)),
            pltpu.SemaphoreType.DMA((2,)),
        ],
    )
    return fn(table2, src, et, dst2, norm)


def _tc_body(a_ref, b_ref, wu_ref, wi_ref, o_ref):
    i = pl.program_id(0)
    a = jnp.maximum(a_ref[0], 0.0)
    b = jnp.maximum(b_ref[0], 0.0)
    x = jnp.concatenate([a, b], axis=1)
    ou = lax.dot_general(x, wu_ref[...], (((1,), (0,)), ((), ())),
                         preferred_element_type=jnp.float32)
    oi = lax.dot_general(x, wi_ref[...], (((1,), (0,)), ((), ())),
                         preferred_element_type=jnp.float32)
    rows = lax.broadcasted_iota(jnp.int32, (BF, 8 * OUT_C), 0) + i * BF
    o = jnp.where(rows < N_USER // 8, ou, oi)
    o_ref[...] = jnp.maximum(o, 0.0)


BF = 736


def _tc_dense(agg_flat, w_u, w_i):
    eye8 = jnp.eye(8, dtype=jnp.float32)
    wu = jnp.concatenate([jnp.kron(eye8, w_u[:16]), jnp.kron(eye8, w_u[16:])])
    wi = jnp.concatenate([jnp.kron(eye8, w_i[:16]), jnp.kron(eye8, w_i[16:])])
    n_flat = N_PAD // 8
    grid = n_flat // BF
    return pl.pallas_call(
        _tc_body,
        grid=(grid,),
        in_specs=[
            pl.BlockSpec((1, BF, 128), lambda i: (0, i, 0)),
            pl.BlockSpec((1, BF, 128), lambda i: (1, i, 0)),
            pl.BlockSpec((256, 8 * OUT_C), lambda i: (0, 0)),
            pl.BlockSpec((256, 8 * OUT_C), lambda i: (0, 0)),
        ],
        out_specs=pl.BlockSpec((BF, 8 * OUT_C), lambda i: (i, 0)),
        out_shape=jax.ShapeDtypeStruct((n_flat, 8 * OUT_C), jnp.float32),
    )(agg_flat, agg_flat, wu, wi)


def kernel(x, edge_index, edge_type, edge_norm, rgc_weight, dense_w_u, dense_w_i):
    src = edge_index[0].astype(jnp.int32)
    et = edge_type.astype(jnp.int32)
    norm = edge_norm.astype(jnp.float32)
    dst2 = edge_index[1].astype(jnp.int32).reshape(E_REAL // 128, 128)
    table2 = rgc_weight.reshape(-1, L)

    agg = _sc_aggregate(table2, src, et, dst2, norm)
    agg_flat = agg.reshape(NC, N_PAD // 8, 128)

    out = _tc_dense(agg_flat, dense_w_u, dense_w_i)
    out = out.reshape(N_PAD, OUT_C)
    return (out[:N_USER], out[N_USER:N_NODES])

# --- scband reference (transcript-rebuilt; emitter-appended) ---
"""Pipeline reference for scband-gcencoder-47991964565538 (READ-ONLY COPY).

The authoritative reference and input builder live on the scoring server;
editing this copy changes nothing except your own understanding.
"""

import jax, jax.numpy as jnp
import numpy as np

NUM_NODES = 100000
NUM_EDGES = 1600000
IN_C = 100000
HID_C = 32
OUT_C = 64
NUM_RELATIONS = 5
NUM_USER = 30000


def setup_inputs(seed: int = 0) -> dict:
    key = jax.random.key(seed)
    k1, k2, k3, k4, k5, k6 = jax.random.split(key, 6)
    # forward args per input_specs
    x = jnp.arange(NUM_NODES)  # node ids (one-hot identity features)
    edge_index = jax.random.randint(k1, (2, NUM_EDGES), 0, NUM_NODES)
    edge_type = jax.random.randint(k2, (NUM_EDGES,), 0, NUM_RELATIONS)
    edge_norm = jax.random.uniform(k3, (NUM_EDGES,), dtype=jnp.float32)
    # learned parameters sized per init_kwargs
    # RGCLayer: relation-specific weight table, rows = num_relations * in_c
    rgc_weight = jax.random.normal(k4, (NUM_RELATIONS * IN_C, HID_C), dtype=jnp.float32) * 0.1
    # DenseLayer: separate user/item dense weights (GC-MC style, no bias)
    dense_w_u = jax.random.normal(k5, (HID_C, OUT_C), dtype=jnp.float32) * (1.0 / np.sqrt(HID_C))
    dense_w_i = jax.random.normal(k6, (HID_C, OUT_C), dtype=jnp.float32) * (1.0 / np.sqrt(HID_C))
    return {
        "x": x,
        "edge_index": edge_index,
        "edge_type": edge_type,
        "edge_norm": edge_norm,
        "rgc_weight": rgc_weight,
        "dense_w_u": dense_w_u,
        "dense_w_i": dense_w_i,
    }


def reference(x, edge_index, edge_type, edge_norm, rgc_weight, dense_w_u, dense_w_i):
    # --- RGCLayer (GC-MC relational graph conv with one-hot node features) ---
    src = edge_index[0]
    dst = edge_index[1]
    x_j = jnp.take(x, src, axis=0)  # source node ids per edge
    # message = weight row selected by (edge_type, source node id)
    idx = edge_type * IN_C + x_j
    msg = jnp.take(rgc_weight, idx, axis=0) * edge_norm[:, None]  # [E, HID_C]
    # sum accumulation at destination nodes
    agg = jax.ops.segment_sum(msg, dst, num_segments=NUM_NODES)  # [N, HID_C]
    features = jax.nn.relu(agg)  # dropout omitted (eval-mode deterministic reference)
    # --- separate_features ---
    u_features = features[:NUM_USER]
    i_features = features[NUM_USER:]
    # --- DenseLayer ---
    u_out = jax.nn.relu(u_features @ dense_w_u)
    i_out = jax.nn.relu(i_features @ dense_w_i)
    return (u_out, i_out)

if __name__ == "__main__":
    import jax
    _d = setup_inputs()
    print(jax.jit(kernel)(*tuple(_d.values())))

</pallas_src>

<mosaic_0001>
#map = affine_map<(d0, d1) -> (0, 0)>
#map1 = affine_map<(d0, d1) -> (0)>
#map2 = affine_map<(d0, d1) -> (0, 0, 0)>
module attributes {stable_mosaic.version = 14 : i64} {
  func.func @_sc_body(%arg0: i32, %arg1: i32, %arg2: memref<1000000x16xf32, #tpu.memory_space<hbm>>, %arg3: memref<1600000xi32, #tpu.memory_space<hbm>>, %arg4: memref<1600000xi32, #tpu.memory_space<hbm>>, %arg5: memref<12500x128xi32, #tpu.memory_space<hbm>>, %arg6: memref<1600000xf32, #tpu.memory_space<hbm>>, %arg7: memref<2x100096x16xf32, #tpu.memory_space<hbm>>, %arg8: memref<4x512xi32, #tpu.memory_space<vmem>>, %arg9: memref<4x512xi32, #tpu.memory_space<vmem>>, %arg10: memref<4x512xi32, #tpu.memory_space<vmem>>, %arg11: memref<4x4x128xi32, #tpu.memory_space<vmem>>, %arg12: memref<4x512xf32, #tpu.memory_space<vmem>>, %arg13: memref<2x512x16xf32, #tpu.memory_space<vmem>>, %arg14: memref<100096x16xf32, #tpu.memory_space<vmem_shared>>, %arg15: memref<4x!tpu.dma_semaphore, #tpu.memory_space<semaphore_mem>>, %arg16: memref<2x!tpu.dma_semaphore, #tpu.memory_space<semaphore_mem>>, %arg17: memref<2x!tpu.dma_semaphore, #tpu.memory_space<semaphore_mem>>) attributes {dimension_semantics = [#tpu.dimension_semantics<core_parallel>, #tpu.dimension_semantics<subcore_parallel>], iteration_bounds = array<i64: 2, 16>, scalar_prefetch = 0 : i64, scratch_operands = 10 : i64, tpu.core_type = #tpu.core_type<sc_vector_subcore>, window_params = [{transform_indices = #map}, {transform_indices = #map1}, {transform_indices = #map1}, {transform_indices = #map}, {transform_indices = #map1}, {transform_indices = #map2}]} {
    %scan3A = arith.constant 0 : i32
    %scan3A_0 = arith.constant 0 : i32
    %scan3A_1 = arith.constant 512 : i32
    %scan3A_2 = arith.addi %scan3A_0, %scan3A_1 : i32
    %scan3A_3 = arith.constant 1 : i32
    %scan3A_4 = scf.for %scan3A_421 = %scan3A_0 to %scan3A_2 step %scan3A_3 iter_args(%scan3A_422 = %scan3A) -> (i32)  : i32 {
      %broadcast_in_dim3A = arith.constant 0.000000e+00 : f32
      %broadcast_in_dim3A_423 = vector.broadcast %broadcast_in_dim3A : f32 to vector<16xf32>
      %swap3A = arith.constant 0 : i32
      %swap3A_424 = arith.index_cast %swap3A : i32 to index
      %swap3A_425 = arith.index_cast %scan3A_421 : i32 to index
      %swap3A_426 = arith.constant 0 : index
      %swap3A_427 = tpu.vector_load %arg13[%swap3A_424, %swap3A_425, %swap3A_426] {strides = array<i32>} : memref<2x512x16xf32, #tpu.memory_space<vmem>>, vector<1x1x16xf32>,
      %swap3A_428 = vector.shape_cast %swap3A_427 : vector<1x1x16xf32> to vector<16xf32>
      %swap3A_429 = vector.shape_cast %broadcast_in_dim3A_423 : vector<16xf32> to vector<1x1x16xf32>
      tpu.vector_store %arg13[%swap3A_424, %swap3A_425, %swap3A_426], %swap3A_429 {strides = array<i32>} : memref<2x512x16xf32, #tpu.memory_space<vmem>>, vector<1x1x16xf32>,
      %scan3A_430 = arith.constant 0 : i32
      scf.yield %scan3A_430 : i32
    }
    %scan3A_5 = arith.constant 512 : i32
    %mul3A = arith.constant 6256 : i32
    %mul3A_6 = arith.muli %arg1, %mul3A : i32
    %add3A = arith.constant 0 : i32
    %add3A_7 = arith.addi %mul3A_6, %add3A : i32
    %run_scoped3A = arith.constant 0 : i32
    "tpu.region"() ({
      %run_scoped3A_421 = tpu.sem_alloc : memref<!tpu.dma_semaphore, #tpu.memory_space<semaphore_mem>>
      %dma_start3A_422 = arith.constant 0 : i32
      %dma_start3A_423 = arith.constant 0 : i32
      %dma_start3A_424 = tpu.memref_slice %arg13[%run_scoped3A, %dma_start3A_422, %dma_start3A_423] : memref<2x512x16xf32, #tpu.memory_space<vmem>> -> memref<1x512x16xf32, #tpu.memory_space<vmem>>
      %dma_start3A_425 = tpu.memref_squeeze %dma_start3A_424 : memref<1x512x16xf32, #tpu.memory_space<vmem>> -> memref<512x16xf32, #tpu.memory_space<vmem>>
      %dma_start3A_426 = arith.constant 0 : i32
      %dma_start3A_427 = tpu.memref_slice %arg14[%add3A_7, %dma_start3A_426] : memref<100096x16xf32, #tpu.memory_space<vmem_shared>> -> memref<512x16xf32, #tpu.memory_space<vmem_shared>>
      %dma_start3A_428 = arith.constant 0 : i32
      %dma_start3A_429 = tpu.memref_slice %arg14[%add3A_7, %dma_start3A_428] : memref<100096x16xf32, #tpu.memory_space<vmem_shared>> -> memref<512x16xf32, #tpu.memory_space<vmem_shared>>
      %dma_start3A_430 = arith.constant 0 : i32
      %dma_start3A_431 = arith.constant 0 : i32
      %dma_start3A_432 = tpu.memref_slice %arg13[%run_scoped3A, %dma_start3A_430, %dma_start3A_431] : memref<2x512x16xf32, #tpu.memory_space<vmem>> -> memref<1x512x16xf32, #tpu.memory_space<vmem>>
      %dma_start3A_433 = tpu.memref_squeeze %dma_start3A_432 : memref<1x512x16xf32, #tpu.memory_space<vmem>> -> memref<512x16xf32, #tpu.memory_space<vmem>>
      tpu.enqueue_dma source(%dma_start3A_433 : memref<512x16xf32, #tpu.memory_space<vmem>>) target(%dma_start3A_429 : memref<512x16xf32, #tpu.memory_space<vmem_shared>>) target_semaphore(%run_scoped3A_421 : memref<!tpu.dma_semaphore, #tpu.memory_space<semaphore_mem>>)
      %dma_wait3A_434 = arith.constant 0 : i32
      %dma_wait3A_435 = arith.constant 0 : i32
      %dma_wait3A_436 = tpu.memref_slice %arg13[%run_scoped3A, %dma_wait3A_434, %dma_wait3A_435] : memref<2x512x16xf32, #tpu.memory_space<vmem>> -> memref<1x512x16xf32, #tpu.memory_space<vmem>>
      %dma_wait3A_437 = tpu.memref_squeeze %dma_wait3A_436 : memref<1x512x16xf32, #tpu.memory_space<vmem>> -> memref<512x16xf32, #tpu.memory_space<vmem>>
      %dma_wait3A_438 = arith.constant 0 : i32
      %dma_wait3A_439 = tpu.memref_slice %arg14[%add3A_7, %dma_wait3A_438] : memref<100096x16xf32, #tpu.memory_space<vmem_shared>> -> memref<512x16xf32, #tpu.memory_space<vmem_shared>>
      %dma_wait3A_440 = arith.constant 0 : i32
      %dma_wait3A_441 = tpu.memref_slice %arg14[%add3A_7, %dma_wait3A_440] : memref<100096x16xf32, #tpu.memory_space<vmem_shared>> -> memref<512x16xf32, #tpu.memory_space<vmem_shared>>
      %dma_wait3A_442 = arith.constant 0 : i32
      %dma_wait3A_443 = arith.constant 0 : i32
      %dma_wait3A_444 = tpu.memref_slice %arg13[%run_scoped3A, %dma_wait3A_442, %dma_wait3A_443] : memref<2x512x16xf32, #tpu.memory_space<vmem>> -> memref<1x512x16xf32, #tpu.memory_space<vmem>>
      %dma_wait3A_445 = tpu.memref_squeeze %dma_wait3A_444 : memref<1x512x16xf32, #tpu.memory_space<vmem>> -> memref<512x16xf32, #tpu.memory_space<vmem>>
      tpu.wait_dma2 semaphore(%run_scoped3A_421 : memref<!tpu.dma_semaphore, #tpu.memory_space<semaphore_mem>>) src(%dma_wait3A_445 : memref<512x16xf32, #tpu.memory_space<vmem>>) dst(%dma_wait3A_441 : memref<512x16xf32, #tpu.memory_space<vmem_shared>>)
      tpu.yield
    }) : () -> ()
    %add3A_8 = arith.constant 512 : i32
    %add3A_9 = arith.addi %mul3A_6, %add3A_8 : i32
    %run_scoped3A_10 = arith.constant 0 : i32
    "tpu.region"() ({
      %run_scoped3A_421 = tpu.sem_alloc : memref<!tpu.dma_semaphore, #tpu.memory_space<semaphore_mem>>
      %dma_start3A_422 = arith.constant 0 : i32
      %dma_start3A_423 = arith.constant 0 : i32
      %dma_start3A_424 = tpu.memref_slice %arg13[%run_scoped3A_10, %dma_start3A_422, %dma_start3A_423] : memref<2x512x16xf32, #tpu.memory_space<vmem>> -> memref<1x512x16xf32, #tpu.memory_space<vmem>>
      %dma_start3A_425 = tpu.memref_squeeze %dma_start3A_424 : memref<1x512x16xf32, #tpu.memory_space<vmem>> -> memref<512x16xf32, #tpu.memory_space<vmem>>
      %dma_start3A_426 = arith.constant 0 : i32
      %dma_start3A_427 = tpu.memref_slice %arg14[%add3A_9, %dma_start3A_426] : memref<100096x16xf32, #tpu.memory_space<vmem_shared>> -> memref<512x16xf32, #tpu.memory_space<vmem_shared>>
      %dma_start3A_428 = arith.constant 0 : i32
      %dma_start3A_429 = tpu.memref_slice %arg14[%add3A_9, %dma_start3A_428] : memref<100096x16xf32, #tpu.memory_space<vmem_shared>> -> memref<512x16xf32, #tpu.memory_space<vmem_shared>>
      %dma_start3A_430 = arith.constant 0 : i32
      %dma_start3A_431 = arith.constant 0 : i32
      %dma_start3A_432 = tpu.memref_slice %arg13[%run_scoped3A_10, %dma_start3A_430, %dma_start3A_431] : memref<2x512x16xf32, #tpu.memory_space<vmem>> -> memref<1x512x16xf32, #tpu.memory_space<vmem>>
      %dma_start3A_433 = tpu.memref_squeeze %dma_start3A_432 : memref<1x512x16xf32, #tpu.memory_space<vmem>> -> memref<512x16xf32, #tpu.memory_space<vmem>>
      tpu.enqueue_dma source(%dma_start3A_433 : memref<512x16xf32, #tpu.memory_space<vmem>>) target(%dma_start3A_429 : memref<512x16xf32, #tpu.memory_space<vmem_shared>>) target_semaphore(%run_scoped3A_421 : memref<!tpu.dma_semaphore, #tpu.memory_space<semaphore_mem>>)
      %dma_wait3A_434 = arith.constant 0 : i32
      %dma_wait3A_435 = arith.constant 0 : i32
      %dma_wait3A_436 = tpu.memref_slice %arg13[%run_scoped3A_10, %dma_wait3A_434, %dma_wait3A_435] : memref<2x512x16xf32, #tpu.memory_space<vmem>> -> memref<1x512x16xf32, #tpu.memory_space<vmem>>
      %dma_wait3A_437 = tpu.memref_squeeze %dma_wait3A_436 : memref<1x512x16xf32, #tpu.memory_space<vmem>> -> memref<512x16xf32, #tpu.memory_space<vmem>>
      %dma_wait3A_438 = arith.constant 0 : i32
      %dma_wait3A_439 = tpu.memref_slice %arg14[%add3A_9, %dma_wait3A_438] : memref<100096x16xf32, #tpu.memory_space<vmem_shared>> -> memref<512x16xf32, #tpu.memory_space<vmem_shared>>
      %dma_wait3A_440 = arith.constant 0 : i32
      %dma_wait3A_441 = tpu.memref_slice %arg14[%add3A_9, %dma_wait3A_440] : memref<100096x16xf32, #tpu.memory_space<vmem_shared>> -> memref<512x16xf32, #tpu.memory_space<vmem_shared>>
      %dma_wait3A_442 = arith.constant 0 : i32
      %dma_wait3A_443 = arith.constant 0 : i32
      %dma_wait3A_444 = tpu.memref_slice %arg13[%run_scoped3A_10, %dma_wait3A_442, %dma_wait3A_443] : memref<2x512x16xf32, #tpu.memory_space<vmem>> -> memref<1x512x16xf32, #tpu.memory_space<vmem>>
      %dma_wait3A_445 = tpu.memref_squeeze %dma_wait3A_444 : memref<1x512x16xf32, #tpu.memory_space<vmem>> -> memref<512x16xf32, #tpu.memory_space<vmem>>
      tpu.wait_dma2 semaphore(%run_scoped3A_421 : memref<!tpu.dma_semaphore, #tpu.memory_space<semaphore_mem>>) src(%dma_wait3A_445 : memref<512x16xf32, #tpu.memory_space<vmem>>) dst(%dma_wait3A_441 : memref<512x16xf32, #tpu.memory_space<vmem_shared>>)
      tpu.yield
    }) : () -> ()
    %add3A_11 = arith.constant 1024 : i32
    %add3A_12 = arith.addi %mul3A_6, %add3A_11 : i32
    %run_scoped3A_13 = arith.constant 0 : i32
    "tpu.region"() ({
      %run_scoped3A_421 = tpu.sem_alloc : memref<!tpu.dma_semaphore, #tpu.memory_space<semaphore_mem>>
      %dma_start3A_422 = arith.constant 0 : i32
      %dma_start3A_423 = arith.constant 0 : i32
      %dma_start3A_424 = tpu.memref_slice %arg13[%run_scoped3A_13, %dma_start3A_422, %dma_start3A_423] : memref<2x512x16xf32, #tpu.memory_space<vmem>> -> memref<1x512x16xf32, #tpu.memory_space<vmem>>
      %dma_start3A_425 = tpu.memref_squeeze %dma_start3A_424 : memref<1x512x16xf32, #tpu.memory_space<vmem>> -> memref<512x16xf32, #tpu.memory_space<vmem>>
      %dma_start3A_426 = arith.constant 0 : i32
      %dma_start3A_427 = tpu.memref_slice %arg14[%add3A_12, %dma_start3A_426] : memref<100096x16xf32, #tpu.memory_space<vmem_shared>> -> memref<512x16xf32, #tpu.memory_space<vmem_shared>>
      %dma_start3A_428 = arith.constant 0 : i32
      %dma_start3A_429 = tpu.memref_slice %arg14[%add3A_12, %dma_start3A_428] : memref<100096x16xf32, #tpu.memory_space<vmem_shared>> -> memref<512x16xf32, #tpu.memory_space<vmem_shared>>
      %dma_start3A_430 = arith.constant 0 : i32
      %dma_start3A_431 = arith.constant 0 : i32
      %dma_start3A_432 = tpu.memref_slice %arg13[%run_scoped3A_13, %dma_start3A_430, %dma_start3A_431] : memref<2x512x16xf32, #tpu.memory_space<vmem>> -> memref<1x512x16xf32, #tpu.memory_space<vmem>>
      %dma_start3A_433 = tpu.memref_squeeze %dma_start3A_432 : memref<1x512x16xf32, #tpu.memory_space<vmem>> -> memref<512x16xf32, #tpu.memory_space<vmem>>
      tpu.enqueue_dma source(%dma_start3A_433 : memref<512x16xf32, #tpu.memory_space<vmem>>) target(%dma_start3A_429 : memref<512x16xf32, #tpu.memory_space<vmem_shared>>) target_semaphore(%run_scoped3A_421 : memref<!tpu.dma_semaphore, #tpu.memory_space<semaphore_mem>>)
      %dma_wait3A_434 = arith.constant 0 : i32
      %dma_wait3A_435 = arith.constant 0 : i32
      %dma_wait3A_436 = tpu.memref_slice %arg13[%run_scoped3A_13, %dma_wait3A_434, %dma_wait3A_435] : memref<2x512x16xf32, #tpu.memory_space<vmem>> -> memref<1x512x16xf32, #tpu.memory_space<vmem>>
      %dma_wait3A_437 = tpu.memref_squeeze %dma_wait3A_436 : memref<1x512x16xf32, #tpu.memory_space<vmem>> -> memref<512x16xf32, #tpu.memory_space<vmem>>
      %dma_wait3A_438 = arith.constant 0 : i32
      %dma_wait3A_439 = tpu.memref_slice %arg14[%add3A_12, %dma_wait3A_438] : memref<100096x16xf32, #tpu.memory_space<vmem_shared>> -> memref<512x16xf32, #tpu.memory_space<vmem_shared>>
      %dma_wait3A_440 = arith.constant 0 : i32
      %dma_wait3A_441 = tpu.memref_slice %arg14[%add3A_12, %dma_wait3A_440] : memref<100096x16xf32, #tpu.memory_space<vmem_shared>> -> memref<512x16xf32, #tpu.memory_space<vmem_shared>>
      %dma_wait3A_442 = arith.constant 0 : i32
      %dma_wait3A_443 = arith.constant 0 : i32
      %dma_wait3A_444 = tpu.memref_slice %arg13[%run_scoped3A_13, %dma_wait3A_442, %dma_wait3A_443] : memref<2x512x16xf32, #tpu.memory_space<vmem>> -> memref<1x512x16xf32, #tpu.memory_space<vmem>>
      %dma_wait3A_445 = tpu.memref_squeeze %dma_wait3A_444 : memref<1x512x16xf32, #tpu.memory_space<vmem>> -> memref<512x16xf32, #tpu.memory_space<vmem>>
      tpu.wait_dma2 semaphore(%run_scoped3A_421 : memref<!tpu.dma_semaphore, #tpu.memory_space<semaphore_mem>>) src(%dma_wait3A_445 : memref<512x16xf32, #tpu.memory_space<vmem>>) dst(%dma_wait3A_441 : memref<512x16xf32, #tpu.memory_space<vmem_shared>>)
      tpu.yield
    }) : () -> ()
    %add3A_14 = arith.constant 1536 : i32
    %add3A_15 = arith.addi %mul3A_6, %add3A_14 : i32
    %run_scoped3A_16 = arith.constant 0 : i32
    "tpu.region"() ({
      %run_scoped3A_421 = tpu.sem_alloc : memref<!tpu.dma_semaphore, #tpu.memory_space<semaphore_mem>>
      %dma_start3A_422 = arith.constant 0 : i32
      %dma_start3A_423 = arith.constant 0 : i32
      %dma_start3A_424 = tpu.memref_slice %arg13[%run_scoped3A_16, %dma_start3A_422, %dma_start3A_423] : memref<2x512x16xf32, #tpu.memory_space<vmem>> -> memref<1x512x16xf32, #tpu.memory_space<vmem>>
      %dma_start3A_425 = tpu.memref_squeeze %dma_start3A_424 : memref<1x512x16xf32, #tpu.memory_space<vmem>> -> memref<512x16xf32, #tpu.memory_space<vmem>>
      %dma_start3A_426 = arith.constant 0 : i32
      %dma_start3A_427 = tpu.memref_slice %arg14[%add3A_15, %dma_start3A_426] : memref<100096x16xf32, #tpu.memory_space<vmem_shared>> -> memref<512x16xf32, #tpu.memory_space<vmem_shared>>
      %dma_start3A_428 = arith.constant 0 : i32
      %dma_start3A_429 = tpu.memref_slice %arg14[%add3A_15, %dma_start3A_428] : memref<100096x16xf32, #tpu.memory_space<vmem_shared>> -> memref<512x16xf32, #tpu.memory_space<vmem_shared>>
      %dma_start3A_430 = arith.constant 0 : i32
      %dma_start3A_431 = arith.constant 0 : i32
      %dma_start3A_432 = tpu.memref_slice %arg13[%run_scoped3A_16, %dma_start3A_430, %dma_start3A_431] : memref<2x512x16xf32, #tpu.memory_space<vmem>> -> memref<1x512x16xf32, #tpu.memory_space<vmem>>
      %dma_start3A_433 = tpu.memref_squeeze %dma_start3A_432 : memref<1x512x16xf32, #tpu.memory_space<vmem>> -> memref<512x16xf32, #tpu.memory_space<vmem>>
      tpu.enqueue_dma source(%dma_start3A_433 : memref<512x16xf32, #tpu.memory_space<vmem>>) target(%dma_start3A_429 : memref<512x16xf32, #tpu.memory_space<vmem_shared>>) target_semaphore(%run_scoped3A_421 : memref<!tpu.dma_semaphore, #tpu.memory_space<semaphore_mem>>)
      %dma_wait3A_434 = arith.constant 0 : i32
      %dma_wait3A_435 = arith.constant 0 : i32
      %dma_wait3A_436 = tpu.memref_slice %arg13[%run_scoped3A_16, %dma_wait3A_434, %dma_wait3A_435] : memref<2x512x16xf32, #tpu.memory_space<vmem>> -> memref<1x512x16xf32, #tpu.memory_space<vmem>>
      %dma_wait3A_437 = tpu.memref_squeeze %dma_wait3A_436 : memref<1x512x16xf32, #tpu.memory_space<vmem>> -> memref<512x16xf32, #tpu.memory_space<vmem>>
      %dma_wait3A_438 = arith.constant 0 : i32
      %dma_wait3A_439 = tpu.memref_slice %arg14[%add3A_15, %dma_wait3A_438] : memref<100096x16xf32, #tpu.memory_space<vmem_shared>> -> memref<512x16xf32, #tpu.memory_space<vmem_shared>>
      %dma_wait3A_440 = arith.constant 0 : i32
      %dma_wait3A_441 = tpu.memref_slice %arg14[%add3A_15, %dma_wait3A_440] : memref<100096x16xf32, #tpu.memory_space<vmem_shared>> -> memref<512x16xf32, #tpu.memory_space<vmem_shared>>
      %dma_wait3A_442 = arith.constant 0 : i32
      %dma_wait3A_443 = arith.constant 0 : i32
      %dma_wait3A_444 = tpu.memref_slice %arg13[%run_scoped3A_16, %dma_wait3A_442, %dma_wait3A_443] : memref<2x512x16xf32, #tpu.memory_space<vmem>> -> memref<1x512x16xf32, #tpu.memory_space<vmem>>
      %dma_wait3A_445 = tpu.memref_squeeze %dma_wait3A_444 : memref<1x512x16xf32, #tpu.memory_space<vmem>> -> memref<512x16xf32, #tpu.memory_space<vmem>>
      tpu.wait_dma2 semaphore(%run_scoped3A_421 : memref<!tpu.dma_semaphore, #tpu.memory_space<semaphore_mem>>) src(%dma_wait3A_445 : memref<512x16xf32, #tpu.memory_space<vmem>>) dst(%dma_wait3A_441 : memref<512x16xf32, #tpu.memory_space<vmem_shared>>)
      tpu.yield
    }) : () -> ()
    %add3A_17 = arith.constant 2048 : i32
    %add3A_18 = arith.addi %mul3A_6, %add3A_17 : i32
    %run_scoped3A_19 = arith.constant 0 : i32
    "tpu.region"() ({
      %run_scoped3A_421 = tpu.sem_alloc : memref<!tpu.dma_semaphore, #tpu.memory_space<semaphore_mem>>
      %dma_start3A_422 = arith.constant 0 : i32
      %dma_start3A_423 = arith.constant 0 : i32
      %dma_start3A_424 = tpu.memref_slice %arg13[%run_scoped3A_19, %dma_start3A_422, %dma_start3A_423] : memref<2x512x16xf32, #tpu.memory_space<vmem>> -> memref<1x512x16xf32, #tpu.memory_space<vmem>>
      %dma_start3A_425 = tpu.memref_squeeze %dma_start3A_424 : memref<1x512x16xf32, #tpu.memory_space<vmem>> -> memref<512x16xf32, #tpu.memory_space<vmem>>
      %dma_start3A_426 = arith.constant 0 : i32
      %dma_start3A_427 = tpu.memref_slice %arg14[%add3A_18, %dma_start3A_426] : memref<100096x16xf32, #tpu.memory_space<vmem_shared>> -> memref<512x16xf32, #tpu.memory_space<vmem_shared>>
      %dma_start3A_428 = arith.constant 0 : i32
      %dma_start3A_429 = tpu.memref_slice %arg14[%add3A_18, %dma_start3A_428] : memref<100096x16xf32, #tpu.memory_space<vmem_shared>> -> memref<512x16xf32, #tpu.memory_space<vmem_shared>>
      %dma_start3A_430 = arith.constant 0 : i32
      %dma_start3A_431 = arith.constant 0 : i32
      %dma_start3A_432 = tpu.memref_slice %arg13[%run_scoped3A_19, %dma_start3A_430, %dma_start3A_431] : memref<2x512x16xf32, #tpu.memory_space<vmem>> -> memref<1x512x16xf32, #tpu.memory_space<vmem>>
      %dma_start3A_433 = tpu.memref_squeeze %dma_start3A_432 : memref<1x512x16xf32, #tpu.memory_space<vmem>> -> memref<512x16xf32, #tpu.memory_space<vmem>>
      tpu.enqueue_dma source(%dma_start3A_433 : memref<512x16xf32, #tpu.memory_space<vmem>>) target(%dma_start3A_429 : memref<512x16xf32, #tpu.memory_space<vmem_shared>>) target_semaphore(%run_scoped3A_421 : memref<!tpu.dma_semaphore, #tpu.memory_space<semaphore_mem>>)
      %dma_wait3A_434 = arith.constant 0 : i32
      %dma_wait3A_435 = arith.constant 0 : i32
      %dma_wait3A_436 = tpu.memref_slice %arg13[%run_scoped3A_19, %dma_wait3A_434, %dma_wait3A_435] : memref<2x512x16xf32, #tpu.memory_space<vmem>> -> memref<1x512x16xf32, #tpu.memory_space<vmem>>
      %dma_wait3A_437 = tpu.memref_squeeze %dma_wait3A_436 : memref<1x512x16xf32, #tpu.memory_space<vmem>> -> memref<512x16xf32, #tpu.memory_space<vmem>>
      %dma_wait3A_438 = arith.constant 0 : i32
      %dma_wait3A_439 = tpu.memref_slice %arg14[%add3A_18, %dma_wait3A_438] : memref<100096x16xf32, #tpu.memory_space<vmem_shared>> -> memref<512x16xf32, #tpu.memory_space<vmem_shared>>
      %dma_wait3A_440 = arith.constant 0 : i32
      %dma_wait3A_441 = tpu.memref_slice %arg14[%add3A_18, %dma_wait3A_440] : memref<100096x16xf32, #tpu.memory_space<vmem_shared>> -> memref<512x16xf32, #tpu.memory_space<vmem_shared>>
      %dma_wait3A_442 = arith.constant 0 : i32
      %dma_wait3A_443 = arith.constant 0 : i32
      %dma_wait3A_444 = tpu.memref_slice %arg13[%run_scoped3A_19, %dma_wait3A_442, %dma_wait3A_443] : memref<2x512x16xf32, #tpu.memory_space<vmem>> -> memref<1x512x16xf32, #tpu.memory_space<vmem>>
      %dma_wait3A_445 = tpu.memref_squeeze %dma_wait3A_444 : memref<1x512x16xf32, #tpu.memory_space<vmem>> -> memref<512x16xf32, #tpu.memory_space<vmem>>
      tpu.wait_dma2 semaphore(%run_scoped3A_421 : memref<!tpu.dma_semaphore, #tpu.memory_space<semaphore_mem>>) src(%dma_wait3A_445 : memref<512x16xf32, #tpu.memory_space<vmem>>) dst(%dma_wait3A_441 : memref<512x16xf32, #tpu.memory_space<vmem_shared>>)
      tpu.yield
    }) : () -> ()
    %add3A_20 = arith.constant 2560 : i32
    %add3A_21 = arith.addi %mul3A_6, %add3A_20 : i32
    %run_scoped3A_22 = arith.constant 0 : i32
    "tpu.region"() ({
      %run_scoped3A_421 = tpu.sem_alloc : memref<!tpu.dma_semaphore, #tpu.memory_space<semaphore_mem>>
      %dma_start3A_422 = arith.constant 0 : i32
      %dma_start3A_423 = arith.constant 0 : i32
      %dma_start3A_424 = tpu.memref_slice %arg13[%run_scoped3A_22, %dma_start3A_422, %dma_start3A_423] : memref<2x512x16xf32, #tpu.memory_space<vmem>> -> memref<1x512x16xf32, #tpu.memory_space<vmem>>
      %dma_start3A_425 = tpu.memref_squeeze %dma_start3A_424 : memref<1x512x16xf32, #tpu.memory_space<vmem>> -> memref<512x16xf32, #tpu.memory_space<vmem>>
      %dma_start3A_426 = arith.constant 0 : i32
      %dma_start3A_427 = tpu.memref_slice %arg14[%add3A_21, %dma_start3A_426] : memref<100096x16xf32, #tpu.memory_space<vmem_shared>> -> memref<512x16xf32, #tpu.memory_space<vmem_shared>>
      %dma_start3A_428 = arith.constant 0 : i32
      %dma_start3A_429 = tpu.memref_slice %arg14[%add3A_21, %dma_start3A_428] : memref<100096x16xf32, #tpu.memory_space<vmem_shared>> -> memref<512x16xf32, #tpu.memory_space<vmem_shared>>
      %dma_start3A_430 = arith.constant 0 : i32
      %dma_start3A_431 = arith.constant 0 : i32
      %dma_start3A_432 = tpu.memref_slice %arg13[%run_scoped3A_22, %dma_start3A_430, %dma_start3A_431] : memref<2x512x16xf32, #tpu.memory_space<vmem>> -> memref<1x512x16xf32, #tpu.memory_space<vmem>>
      %dma_start3A_433 = tpu.memref_squeeze %dma_start3A_432 : memref<1x512x16xf32, #tpu.memory_space<vmem>> -> memref<512x16xf32, #tpu.memory_space<vmem>>
      tpu.enqueue_dma source(%dma_start3A_433 : memref<512x16xf32, #tpu.memory_space<vmem>>) target(%dma_start3A_429 : memref<512x16xf32, #tpu.memory_space<vmem_shared>>) target_semaphore(%run_scoped3A_421 : memref<!tpu.dma_semaphore, #tpu.memory_space<semaphore_mem>>)
      %dma_wait3A_434 = arith.constant 0 : i32
      %dma_wait3A_435 = arith.constant 0 : i32
      %dma_wait3A_436 = tpu.memref_slice %arg13[%run_scoped3A_22, %dma_wait3A_434, %dma_wait3A_435] : memref<2x512x16xf32, #tpu.memory_space<vmem>> -> memref<1x512x16xf32, #tpu.memory_space<vmem>>
      %dma_wait3A_437 = tpu.memref_squeeze %dma_wait3A_436 : memref<1x512x16xf32, #tpu.memory_space<vmem>> -> memref<512x16xf32, #tpu.memory_space<vmem>>
      %dma_wait3A_438 = arith.constant 0 : i32
      %dma_wait3A_439 = tpu.memref_slice %arg14[%add3A_21, %dma_wait3A_438] : memref<100096x16xf32, #tpu.memory_space<vmem_shared>> -> memref<512x16xf32, #tpu.memory_space<vmem_shared>>
      %dma_wait3A_440 = arith.constant 0 : i32
      %dma_wait3A_441 = tpu.memref_slice %arg14[%add3A_21, %dma_wait3A_440] : memref<100096x16xf32, #tpu.memory_space<vmem_shared>> -> memref<512x16xf32, #tpu.memory_space<vmem_shared>>
      %dma_wait3A_442 = arith.constant 0 : i32
      %dma_wait3A_443 = arith.constant 0 : i32
      %dma_wait3A_444 = tpu.memref_slice %arg13[%run_scoped3A_22, %dma_wait3A_442, %dma_wait3A_443] : memref<2x512x16xf32, #tpu.memory_space<vmem>> -> memref<1x512x16xf32, #tpu.memory_space<vmem>>
      %dma_wait3A_445 = tpu.memref_squeeze %dma_wait3A_444 : memref<1x512x16xf32, #tpu.memory_space<vmem>> -> memref<512x16xf32, #tpu.memory_space<vmem>>
      tpu.wait_dma2 semaphore(%run_scoped3A_421 : memref<!tpu.dma_semaphore, #tpu.memory_space<semaphore_mem>>) src(%dma_wait3A_445 : memref<512x16xf32, #tpu.memory_space<vmem>>) dst(%dma_wait3A_441 : memref<512x16xf32, #tpu.memory_space<vmem_shared>>)
      tpu.yield
    }) : () -> ()
    %add3A_23 = arith.constant 3072 : i32
    %add3A_24 = arith.addi %mul3A_6, %add3A_23 : i32
    %run_scoped3A_25 = arith.constant 0 : i32
    "tpu.region"() ({
      %run_scoped3A_421 = tpu.sem_alloc : memref<!tpu.dma_semaphore, #tpu.memory_space<semaphore_mem>>
      %dma_start3A_422 = arith.constant 0 : i32
      %dma_start3A_423 = arith.constant 0 : i32
      %dma_start3A_424 = tpu.memref_slice %arg13[%run_scoped3A_25, %dma_start3A_422, %dma_start3A_423] : memref<2x512x16xf32, #tpu.memory_space<vmem>> -> memref<1x512x16xf32, #tpu.memory_space<vmem>>
      %dma_start3A_425 = tpu.memref_squeeze %dma_start3A_424 : memref<1x512x16xf32, #tpu.memory_space<vmem>> -> memref<512x16xf32, #tpu.memory_space<vmem>>
      %dma_start3A_426 = arith.constant 0 : i32
      %dma_start3A_427 = tpu.memref_slice %arg14[%add3A_24, %dma_start3A_426] : memref<100096x16xf32, #tpu.memory_space<vmem_shared>> -> memref<512x16xf32, #tpu.memory_space<vmem_shared>>
      %dma_start3A_428 = arith.constant 0 : i32
      %dma_start3A_429 = tpu.memref_slice %arg14[%add3A_24, %dma_start3A_428] : memref<100096x16xf32, #tpu.memory_space<vmem_shared>> -> memref<512x16xf32, #tpu.memory_space<vmem_shared>>
      %dma_start3A_430 = arith.constant 0 : i32
      %dma_start3A_431 = arith.constant 0 : i32
      %dma_start3A_432 = tpu.memref_slice %arg13[%run_scoped3A_25, %dma_start3A_430, %dma_start3A_431] : memref<2x512x16xf32, #tpu.memory_space<vmem>> -> memref<1x512x16xf32, #tpu.memory_space<vmem>>
      %dma_start3A_433 = tpu.memref_squeeze %dma_start3A_432 : memref<1x512x16xf32, #tpu.memory_space<vmem>> -> memref<512x16xf32, #tpu.memory_space<vmem>>
      tpu.enqueue_dma source(%dma_start3A_433 : memref<512x16xf32, #tpu.memory_space<vmem>>) target(%dma_start3A_429 : memref<512x16xf32, #tpu.memory_space<vmem_shared>>) target_semaphore(%run_scoped3A_421 : memref<!tpu.dma_semaphore, #tpu.memory_space<semaphore_mem>>)
      %dma_wait3A_434 = arith.constant 0 : i32
      %dma_wait3A_435 = arith.constant 0 : i32
      %dma_wait3A_436 = tpu.memref_slice %arg13[%run_scoped3A_25, %dma_wait3A_434, %dma_wait3A_435] : memref<2x512x16xf32, #tpu.memory_space<vmem>> -> memref<1x512x16xf32, #tpu.memory_space<vmem>>
      %dma_wait3A_437 = tpu.memref_squeeze %dma_wait3A_436 : memref<1x512x16xf32, #tpu.memory_space<vmem>> -> memref<512x16xf32, #tpu.memory_space<vmem>>
      %dma_wait3A_438 = arith.constant 0 : i32
      %dma_wait3A_439 = tpu.memref_slice %arg14[%add3A_24, %dma_wait3A_438] : memref<100096x16xf32, #tpu.memory_space<vmem_shared>> -> memref<512x16xf32, #tpu.memory_space<vmem_shared>>
      %dma_wait3A_440 = arith.constant 0 : i32
      %dma_wait3A_441 = tpu.memref_slice %arg14[%add3A_24, %dma_wait3A_440] : memref<100096x16xf32, #tpu.memory_space<vmem_shared>> -> memref<512x16xf32, #tpu.memory_space<vmem_shared>>
      %dma_wait3A_442 = arith.constant 0 : i32
      %dma_wait3A_443 = arith.constant 0 : i32
      %dma_wait3A_444 = tpu.memref_slice %arg13[%run_scoped3A_25, %dma_wait3A_442, %dma_wait3A_443] : memref<2x512x16xf32, #tpu.memory_space<vmem>> -> memref<1x512x16xf32, #tpu.memory_space<vmem>>
      %dma_wait3A_445 = tpu.memref_squeeze %dma_wait3A_444 : memref<1x512x16xf32, #tpu.memory_space<vmem>> -> memref<512x16xf32, #tpu.memory_space<vmem>>
      tpu.wait_dma2 semaphore(%run_scoped3A_421 : memref<!tpu.dma_semaphore, #tpu.memory_space<semaphore_mem>>) src(%dma_wait3A_445 : memref<512x16xf32, #tpu.memory_space<vmem>>) dst(%dma_wait3A_441 : memref<512x16xf32, #tpu.memory_space<vmem_shared>>)
      tpu.yield
    }) : () -> ()
    %add3A_26 = arith.constant 3584 : i32
    %add3A_27 = arith.addi %mul3A_6, %add3A_26 : i32
    %run_scoped3A_28 = arith.constant 0 : i32
    "tpu.region"() ({
      %run_scoped3A_421 = tpu.sem_alloc : memref<!tpu.dma_semaphore, #tpu.memory_space<semaphore_mem>>
      %dma_start3A_422 = arith.constant 0 : i32
      %dma_start3A_423 = arith.constant 0 : i32
      %dma_start3A_424 = tpu.memref_slice %arg13[%run_scoped3A_28, %dma_start3A_422, %dma_start3A_423] : memref<2x512x16xf32, #tpu.memory_space<vmem>> -> memref<1x512x16xf32, #tpu.memory_space<vmem>>
      %dma_start3A_425 = tpu.memref_squeeze %dma_start3A_424 : memref<1x512x16xf32, #tpu.memory_space<vmem>> -> memref<512x16xf32, #tpu.memory_space<vmem>>
      %dma_start3A_426 = arith.constant 0 : i32
      %dma_start3A_427 = tpu.memref_slice %arg14[%add3A_27, %dma_start3A_426] : memref<100096x16xf32, #tpu.memory_space<vmem_shared>> -> memref<512x16xf32, #tpu.memory_space<vmem_shared>>
      %dma_start3A_428 = arith.constant 0 : i32
      %dma_start3A_429 = tpu.memref_slice %arg14[%add3A_27, %dma_start3A_428] : memref<100096x16xf32, #tpu.memory_space<vmem_shared>> -> memref<512x16xf32, #tpu.memory_space<vmem_shared>>
      %dma_start3A_430 = arith.constant 0 : i32
      %dma_start3A_431 = arith.constant 0 : i32
      %dma_start3A_432 = tpu.memref_slice %arg13[%run_scoped3A_28, %dma_start3A_430, %dma_start3A_431] : memref<2x512x16xf32, #tpu.memory_space<vmem>> -> memref<1x512x16xf32, #tpu.memory_space<vmem>>
      %dma_start3A_433 = tpu.memref_squeeze %dma_start3A_432 : memref<1x512x16xf32, #tpu.memory_space<vmem>> -> memref<512x16xf32, #tpu.memory_space<vmem>>
      tpu.enqueue_dma source(%dma_start3A_433 : memref<512x16xf32, #tpu.memory_space<vmem>>) target(%dma_start3A_429 : memref<512x16xf32, #tpu.memory_space<vmem_shared>>) target_semaphore(%run_scoped3A_421 : memref<!tpu.dma_semaphore, #tpu.memory_space<semaphore_mem>>)
      %dma_wait3A_434 = arith.constant 0 : i32
      %dma_wait3A_435 = arith.constant 0 : i32
      %dma_wait3A_436 = tpu.memref_slice %arg13[%run_scoped3A_28, %dma_wait3A_434, %dma_wait3A_435] : memref<2x512x16xf32, #tpu.memory_space<vmem>> -> memref<1x512x16xf32, #tpu.memory_space<vmem>>
      %dma_wait3A_437 = tpu.memref_squeeze %dma_wait3A_436 : memref<1x512x16xf32, #tpu.memory_space<vmem>> -> memref<512x16xf32, #tpu.memory_space<vmem>>
      %dma_wait3A_438 = arith.constant 0 : i32
      %dma_wait3A_439 = tpu.memref_slice %arg14[%add3A_27, %dma_wait3A_438] : memref<100096x16xf32, #tpu.memory_space<vmem_shared>> -> memref<512x16xf32, #tpu.memory_space<vmem_shared>>
      %dma_wait3A_440 = arith.constant 0 : i32
      %dma_wait3A_441 = tpu.memref_slice %arg14[%add3A_27, %dma_wait3A_440] : memref<100096x16xf32, #tpu.memory_space<vmem_shared>> -> memref<512x16xf32, #tpu.memory_space<vmem_shared>>
      %dma_wait3A_442 = arith.constant 0 : i32
      %dma_wait3A_443 = arith.constant 0 : i32
      %dma_wait3A_444 = tpu.memref_slice %arg13[%run_scoped3A_28, %dma_wait3A_442, %dma_wait3A_443] : memref<2x512x16xf32, #tpu.memory_space<vmem>> -> memref<1x512x16xf32, #tpu.memory_space<vmem>>
      %dma_wait3A_445 = tpu.memref_squeeze %dma_wait3A_444 : memref<1x512x16xf32, #tpu.memory_space<vmem>> -> memref<512x16xf32, #tpu.memory_space<vmem>>
      tpu.wait_dma2 semaphore(%run_scoped3A_421 : memref<!tpu.dma_semaphore, #tpu.memory_space<semaphore_mem>>) src(%dma_wait3A_445 : memref<512x16xf32, #tpu.memory_space<vmem>>) dst(%dma_wait3A_441 : memref<512x16xf32, #tpu.memory_space<vmem_shared>>)
      tpu.yield
    }) : () -> ()
    %add3A_29 = arith.constant 4096 : i32
    %add3A_30 = arith.addi %mul3A_6, %add3A_29 : i32
    %run_scoped3A_31 = arith.constant 0 : i32
    "tpu.region"() ({
      %run_scoped3A_421 = tpu.sem_alloc : memref<!tpu.dma_semaphore, #tpu.memory_space<semaphore_mem>>
      %dma_start3A_422 = arith.constant 0 : i32
      %dma_start3A_423 = arith.constant 0 : i32
      %dma_start3A_424 = tpu.memref_slice %arg13[%run_scoped3A_31, %dma_start3A_422, %dma_start3A_423] : memref<2x512x16xf32, #tpu.memory_space<vmem>> -> memref<1x512x16xf32, #tpu.memory_space<vmem>>
      %dma_start3A_425 = tpu.memref_squeeze %dma_start3A_424 : memref<1x512x16xf32, #tpu.memory_space<vmem>> -> memref<512x16xf32, #tpu.memory_space<vmem>>
      %dma_start3A_426 = arith.constant 0 : i32
      %dma_start3A_427 = tpu.memref_slice %arg14[%add3A_30, %dma_start3A_426] : memref<100096x16xf32, #tpu.memory_space<vmem_shared>> -> memref<512x16xf32, #tpu.memory_space<vmem_shared>>
      %dma_start3A_428 = arith.constant 0 : i32
      %dma_start3A_429 = tpu.memref_slice %arg14[%add3A_30, %dma_start3A_428] : memref<100096x16xf32, #tpu.memory_space<vmem_shared>> -> memref<512x16xf32, #tpu.memory_space<vmem_shared>>
      %dma_start3A_430 = arith.constant 0 : i32
      %dma_start3A_431 = arith.constant 0 : i32
      %dma_start3A_432 = tpu.memref_slice %arg13[%run_scoped3A_31, %dma_start3A_430, %dma_start3A_431] : memref<2x512x16xf32, #tpu.memory_space<vmem>> -> memref<1x512x16xf32, #tpu.memory_space<vmem>>
      %dma_start3A_433 = tpu.memref_squeeze %dma_start3A_432 : memref<1x512x16xf32, #tpu.memory_space<vmem>> -> memref<512x16xf32, #tpu.memory_space<vmem>>
      tpu.enqueue_dma source(%dma_start3A_433 : memref<512x16xf32, #tpu.memory_space<vmem>>) target(%dma_start3A_429 : memref<512x16xf32, #tpu.memory_space<vmem_shared>>) target_semaphore(%run_scoped3A_421 : memref<!tpu.dma_semaphore, #tpu.memory_space<semaphore_mem>>)
      %dma_wait3A_434 = arith.constant 0 : i32
      %dma_wait3A_435 = arith.constant 0 : i32
      %dma_wait3A_436 = tpu.memref_slice %arg13[%run_scoped3A_31, %dma_wait3A_434, %dma_wait3A_435] : memref<2x512x16xf32, #tpu.memory_space<vmem>> -> memref<1x512x16xf32, #tpu.memory_space<vmem>>
      %dma_wait3A_437 = tpu.memref_squeeze %dma_wait3A_436 : memref<1x512x16xf32, #tpu.memory_space<vmem>> -> memref<512x16xf32, #tpu.memory_space<vmem>>
      %dma_wait3A_438 = arith.constant 0 : i32
      %dma_wait3A_439 = tpu.memref_slice %arg14[%add3A_30, %dma_wait3A_438] : memref<100096x16xf32, #tpu.memory_space<vmem_shared>> -> memref<512x16xf32, #tpu.memory_space<vmem_shared>>
      %dma_wait3A_440 = arith.constant 0 : i32
      %dma_wait3A_441 = tpu.memref_slice %arg14[%add3A_30, %dma_wait3A_440] : memref<100096x16xf32, #tpu.memory_space<vmem_shared>> -> memref<512x16xf32, #tpu.memory_space<vmem_shared>>
      %dma_wait3A_442 = arith.constant 0 : i32
      %dma_wait3A_443 = arith.constant 0 : i32
      %dma_wait3A_444 = tpu.memref_slice %arg13[%run_scoped3A_31, %dma_wait3A_442, %dma_wait3A_443] : memref<2x512x16xf32, #tpu.memory_space<vmem>> -> memref<1x512x16xf32, #tpu.memory_space<vmem>>
      %dma_wait3A_445 = tpu.memref_squeeze %dma_wait3A_444 : memref<1x512x16xf32, #tpu.memory_space<vmem>> -> memref<512x16xf32, #tpu.memory_space<vmem>>
      tpu.wait_dma2 semaphore(%run_scoped3A_421 : memref<!tpu.dma_semaphore, #tpu.memory_space<semaphore_mem>>) src(%dma_wait3A_445 : memref<512x16xf32, #tpu.memory_space<vmem>>) dst(%dma_wait3A_441 : memref<512x16xf32, #tpu.memory_space<vmem_shared>>)
      tpu.yield
    }) : () -> ()
    %add3A_32 = arith.constant 4608 : i32
    %add3A_33 = arith.addi %mul3A_6, %add3A_32 : i32
    %run_scoped3A_34 = arith.constant 0 : i32
    "tpu.region"() ({
      %run_scoped3A_421 = tpu.sem_alloc : memref<!tpu.dma_semaphore, #tpu.memory_space<semaphore_mem>>
      %dma_start3A_422 = arith.constant 0 : i32
      %dma_start3A_423 = arith.constant 0 : i32
      %dma_start3A_424 = tpu.memref_slice %arg13[%run_scoped3A_34, %dma_start3A_422, %dma_start3A_423] : memref<2x512x16xf32, #tpu.memory_space<vmem>> -> memref<1x512x16xf32, #tpu.memory_space<vmem>>
      %dma_start3A_425 = tpu.memref_squeeze %dma_start3A_424 : memref<1x512x16xf32, #tpu.memory_space<vmem>> -> memref<512x16xf32, #tpu.memory_space<vmem>>
      %dma_start3A_426 = arith.constant 0 : i32
      %dma_start3A_427 = tpu.memref_slice %arg14[%add3A_33, %dma_start3A_426] : memref<100096x16xf32, #tpu.memory_space<vmem_shared>> -> memref<512x16xf32, #tpu.memory_space<vmem_shared>>
      %dma_start3A_428 = arith.constant 0 : i32
      %dma_start3A_429 = tpu.memref_slice %arg14[%add3A_33, %dma_start3A_428] : memref<100096x16xf32, #tpu.memory_space<vmem_shared>> -> memref<512x16xf32, #tpu.memory_space<vmem_shared>>
      %dma_start3A_430 = arith.constant 0 : i32
      %dma_start3A_431 = arith.constant 0 : i32
      %dma_start3A_432 = tpu.memref_slice %arg13[%run_scoped3A_34, %dma_start3A_430, %dma_start3A_431] : memref<2x512x16xf32, #tpu.memory_space<vmem>> -> memref<1x512x16xf32, #tpu.memory_space<vmem>>
      %dma_start3A_433 = tpu.memref_squeeze %dma_start3A_432 : memref<1x512x16xf32, #tpu.memory_space<vmem>> -> memref<512x16xf32, #tpu.memory_space<vmem>>
      tpu.enqueue_dma source(%dma_start3A_433 : memref<512x16xf32, #tpu.memory_space<vmem>>) target(%dma_start3A_429 : memref<512x16xf32, #tpu.memory_space<vmem_shared>>) target_semaphore(%run_scoped3A_421 : memref<!tpu.dma_semaphore, #tpu.memory_space<semaphore_mem>>)
      %dma_wait3A_434 = arith.constant 0 : i32
      %dma_wait3A_435 = arith.constant 0 : i32
      %dma_wait3A_436 = tpu.memref_slice %arg13[%run_scoped3A_34, %dma_wait3A_434, %dma_wait3A_435] : memref<2x512x16xf32, #tpu.memory_space<vmem>> -> memref<1x512x16xf32, #tpu.memory_space<vmem>>
      %dma_wait3A_437 = tpu.memref_squeeze %dma_wait3A_436 : memref<1x512x16xf32, #tpu.memory_space<vmem>> -> memref<512x16xf32, #tpu.memory_space<vmem>>
      %dma_wait3A_438 = arith.constant 0 : i32
      %dma_wait3A_439 = tpu.memref_slice %arg14[%add3A_33, %dma_wait3A_438] : memref<100096x16xf32, #tpu.memory_space<vmem_shared>> -> memref<512x16xf32, #tpu.memory_space<vmem_shared>>
      %dma_wait3A_440 = arith.constant 0 : i32
      %dma_wait3A_441 = tpu.memref_slice %arg14[%add3A_33, %dma_wait3A_440] : memref<100096x16xf32, #tpu.memory_space<vmem_shared>> -> memref<512x16xf32, #tpu.memory_space<vmem_shared>>
      %dma_wait3A_442 = arith.constant 0 : i32
      %dma_wait3A_443 = arith.constant 0 : i32
      %dma_wait3A_444 = tpu.memref_slice %arg13[%run_scoped3A_34, %dma_wait3A_442, %dma_wait3A_443] : memref<2x512x16xf32, #tpu.memory_space<vmem>> -> memref<1x512x16xf32, #tpu.memory_space<vmem>>
      %dma_wait3A_445 = tpu.memref_squeeze %dma_wait3A_444 : memref<1x512x16xf32, #tpu.memory_space<vmem>> -> memref<512x16xf32, #tpu.memory_space<vmem>>
      tpu.wait_dma2 semaphore(%run_scoped3A_421 : memref<!tpu.dma_semaphore, #tpu.memory_space<semaphore_mem>>) src(%dma_wait3A_445 : memref<512x16xf32, #tpu.memory_space<vmem>>) dst(%dma_wait3A_441 : memref<512x16xf32, #tpu.memory_space<vmem_shared>>)
      tpu.yield
    }) : () -> ()
    %add3A_35 = arith.constant 5120 : i32
    %add3A_36 = arith.addi %mul3A_6, %add3A_35 : i32
    %run_scoped3A_37 = arith.constant 0 : i32
    "tpu.region"() ({
      %run_scoped3A_421 = tpu.sem_alloc : memref<!tpu.dma_semaphore, #tpu.memory_space<semaphore_mem>>
      %dma_start3A_422 = arith.constant 0 : i32
      %dma_start3A_423 = arith.constant 0 : i32
      %dma_start3A_424 = tpu.memref_slice %arg13[%run_scoped3A_37, %dma_start3A_422, %dma_start3A_423] : memref<2x512x16xf32, #tpu.memory_space<vmem>> -> memref<1x512x16xf32, #tpu.memory_space<vmem>>
      %dma_start3A_425 = tpu.memref_squeeze %dma_start3A_424 : memref<1x512x16xf32, #tpu.memory_space<vmem>> -> memref<512x16xf32, #tpu.memory_space<vmem>>
      %dma_start3A_426 = arith.constant 0 : i32
      %dma_start3A_427 = tpu.memref_slice %arg14[%add3A_36, %dma_start3A_426] : memref<100096x16xf32, #tpu.memory_space<vmem_shared>> -> memref<512x16xf32, #tpu.memory_space<vmem_shared>>
      %dma_start3A_428 = arith.constant 0 : i32
      %dma_start3A_429 = tpu.memref_slice %arg14[%add3A_36, %dma_start3A_428] : memref<100096x16xf32, #tpu.memory_space<vmem_shared>> -> memref<512x16xf32, #tpu.memory_space<vmem_shared>>
      %dma_start3A_430 = arith.constant 0 : i32
      %dma_start3A_431 = arith.constant 0 : i32
      %dma_start3A_432 = tpu.memref_slice %arg13[%run_scoped3A_37, %dma_start3A_430, %dma_start3A_431] : memref<2x512x16xf32, #tpu.memory_space<vmem>> -> memref<1x512x16xf32, #tpu.memory_space<vmem>>
      %dma_start3A_433 = tpu.memref_squeeze %dma_start3A_432 : memref<1x512x16xf32, #tpu.memory_space<vmem>> -> memref<512x16xf32, #tpu.memory_space<vmem>>
      tpu.enqueue_dma source(%dma_start3A_433 : memref<512x16xf32, #tpu.memory_space<vmem>>) target(%dma_start3A_429 : memref<512x16xf32, #tpu.memory_space<vmem_shared>>) target_semaphore(%run_scoped3A_421 : memref<!tpu.dma_semaphore, #tpu.memory_space<semaphore_mem>>)
      %dma_wait3A_434 = arith.constant 0 : i32
      %dma_wait3A_435 = arith.constant 0 : i32
      %dma_wait3A_436 = tpu.memref_slice %arg13[%run_scoped3A_37, %dma_wait3A_434, %dma_wait3A_435] : memref<2x512x16xf32, #tpu.memory_space<vmem>> -> memref<1x512x16xf32, #tpu.memory_space<vmem>>
      %dma_wait3A_437 = tpu.memref_squeeze %dma_wait3A_436 : memref<1x512x16xf32, #tpu.memory_space<vmem>> -> memref<512x16xf32, #tpu.memory_space<vmem>>
      %dma_wait3A_438 = arith.constant 0 : i32
      %dma_wait3A_439 = tpu.memref_slice %arg14[%add3A_36, %dma_wait3A_438] : memref<100096x16xf32, #tpu.memory_space<vmem_shared>> -> memref<512x16xf32, #tpu.memory_space<vmem_shared>>
      %dma_wait3A_440 = arith.constant 0 : i32
      %dma_wait3A_441 = tpu.memref_slice %arg14[%add3A_36, %dma_wait3A_440] : memref<100096x16xf32, #tpu.memory_space<vmem_shared>> -> memref<512x16xf32, #tpu.memory_space<vmem_shared>>
      %dma_wait3A_442 = arith.constant 0 : i32
      %dma_wait3A_443 = arith.constant 0 : i32
      %dma_wait3A_444 = tpu.memref_slice %arg13[%run_scoped3A_37, %dma_wait3A_442, %dma_wait3A_443] : memref<2x512x16xf32, #tpu.memory_space<vmem>> -> memref<1x512x16xf32, #tpu.memory_space<vmem>>
      %dma_wait3A_445 = tpu.memref_squeeze %dma_wait3A_444 : memref<1x512x16xf32, #tpu.memory_space<vmem>> -> memref<512x16xf32, #tpu.memory_space<vmem>>
      tpu.wait_dma2 semaphore(%run_scoped3A_421 : memref<!tpu.dma_semaphore, #tpu.memory_space<semaphore_mem>>) src(%dma_wait3A_445 : memref<512x16xf32, #tpu.memory_space<vmem>>) dst(%dma_wait3A_441 : memref<512x16xf32, #tpu.memory_space<vmem_shared>>)
      tpu.yield
    }) : () -> ()
    %add3A_38 = arith.constant 5632 : i32
    %add3A_39 = arith.addi %mul3A_6, %add3A_38 : i32
    %run_scoped3A_40 = arith.constant 0 : i32
    "tpu.region"() ({
      %run_scoped3A_421 = tpu.sem_alloc : memref<!tpu.dma_semaphore, #tpu.memory_space<semaphore_mem>>
      %dma_start3A_422 = arith.constant 0 : i32
      %dma_start3A_423 = arith.constant 0 : i32
      %dma_start3A_424 = tpu.memref_slice %arg13[%run_scoped3A_40, %dma_start3A_422, %dma_start3A_423] : memref<2x512x16xf32, #tpu.memory_space<vmem>> -> memref<1x512x16xf32, #tpu.memory_space<vmem>>
      %dma_start3A_425 = tpu.memref_squeeze %dma_start3A_424 : memref<1x512x16xf32, #tpu.memory_space<vmem>> -> memref<512x16xf32, #tpu.memory_space<vmem>>
      %dma_start3A_426 = arith.constant 0 : i32
      %dma_start3A_427 = tpu.memref_slice %arg14[%add3A_39, %dma_start3A_426] : memref<100096x16xf32, #tpu.memory_space<vmem_shared>> -> memref<512x16xf32, #tpu.memory_space<vmem_shared>>
      %dma_start3A_428 = arith.constant 0 : i32
      %dma_start3A_429 = tpu.memref_slice %arg14[%add3A_39, %dma_start3A_428] : memref<100096x16xf32, #tpu.memory_space<vmem_shared>> -> memref<512x16xf32, #tpu.memory_space<vmem_shared>>
      %dma_start3A_430 = arith.constant 0 : i32
      %dma_start3A_431 = arith.constant 0 : i32
      %dma_start3A_432 = tpu.memref_slice %arg13[%run_scoped3A_40, %dma_start3A_430, %dma_start3A_431] : memref<2x512x16xf32, #tpu.memory_space<vmem>> -> memref<1x512x16xf32, #tpu.memory_space<vmem>>
      %dma_start3A_433 = tpu.memref_squeeze %dma_start3A_432 : memref<1x512x16xf32, #tpu.memory_space<vmem>> -> memref<512x16xf32, #tpu.memory_space<vmem>>
      tpu.enqueue_dma source(%dma_start3A_433 : memref<512x16xf32, #tpu.memory_space<vmem>>) target(%dma_start3A_429 : memref<512x16xf32, #tpu.memory_space<vmem_shared>>) target_semaphore(%run_scoped3A_421 : memref<!tpu.dma_semaphore, #tpu.memory_space<semaphore_mem>>)
      %dma_wait3A_434 = arith.constant 0 : i32
      %dma_wait3A_435 = arith.constant 0 : i32
      %dma_wait3A_436 = tpu.memref_slice %arg13[%run_scoped3A_40, %dma_wait3A_434, %dma_wait3A_435] : memref<2x512x16xf32, #tpu.memory_space<vmem>> -> memref<1x512x16xf32, #tpu.memory_space<vmem>>
      %dma_wait3A_437 = tpu.memref_squeeze %dma_wait3A_436 : memref<1x512x16xf32, #tpu.memory_space<vmem>> -> memref<512x16xf32, #tpu.memory_space<vmem>>
      %dma_wait3A_438 = arith.constant 0 : i32
      %dma_wait3A_439 = tpu.memref_slice %arg14[%add3A_39, %dma_wait3A_438] : memref<100096x16xf32, #tpu.memory_space<vmem_shared>> -> memref<512x16xf32, #tpu.memory_space<vmem_shared>>
      %dma_wait3A_440 = arith.constant 0 : i32
      %dma_wait3A_441 = tpu.memref_slice %arg14[%add3A_39, %dma_wait3A_440] : memref<100096x16xf32, #tpu.memory_space<vmem_shared>> -> memref<512x16xf32, #tpu.memory_space<vmem_shared>>
      %dma_wait3A_442 = arith.constant 0 : i32
      %dma_wait3A_443 = arith.constant 0 : i32
      %dma_wait3A_444 = tpu.memref_slice %arg13[%run_scoped3A_40, %dma_wait3A_442, %dma_wait3A_443] : memref<2x512x16xf32, #tpu.memory_space<vmem>> -> memref<1x512x16xf32, #tpu.memory_space<vmem>>
      %dma_wait3A_445 = tpu.memref_squeeze %dma_wait3A_444 : memref<1x512x16xf32, #tpu.memory_space<vmem>> -> memref<512x16xf32, #tpu.memory_space<vmem>>
      tpu.wait_dma2 semaphore(%run_scoped3A_421 : memref<!tpu.dma_semaphore, #tpu.memory_space<semaphore_mem>>) src(%dma_wait3A_445 : memref<512x16xf32, #tpu.memory_space<vmem>>) dst(%dma_wait3A_441 : memref<512x16xf32, #tpu.memory_space<vmem_shared>>)
      tpu.yield
    }) : () -> ()
    %add3A_41 = arith.constant 6144 : i32
    %add3A_42 = arith.addi %mul3A_6, %add3A_41 : i32
    %run_scoped3A_43 = arith.constant 0 : i32
    "tpu.region"() ({
      %run_scoped3A_421 = tpu.sem_alloc : memref<!tpu.dma_semaphore, #tpu.memory_space<semaphore_mem>>
      %dma_start3A_422 = arith.constant 0 : i32
      %dma_start3A_423 = arith.constant 0 : i32
      %dma_start3A_424 = tpu.memref_slice %arg13[%run_scoped3A_43, %dma_start3A_422, %dma_start3A_423] : memref<2x512x16xf32, #tpu.memory_space<vmem>> -> memref<1x112x16xf32, #tpu.memory_space<vmem>>
      %dma_start3A_425 = tpu.memref_squeeze %dma_start3A_424 : memref<1x112x16xf32, #tpu.memory_space<vmem>> -> memref<112x16xf32, #tpu.memory_space<vmem>>
      %dma_start3A_426 = arith.constant 0 : i32
      %dma_start3A_427 = tpu.memref_slice %arg14[%add3A_42, %dma_start3A_426] : memref<100096x16xf32, #tpu.memory_space<vmem_shared>> -> memref<112x16xf32, #tpu.memory_space<vmem_shared>>
      %dma_start3A_428 = arith.constant 0 : i32
      %dma_start3A_429 = tpu.memref_slice %arg14[%add3A_42, %dma_start3A_428] : memref<100096x16xf32, #tpu.memory_space<vmem_shared>> -> memref<112x16xf32, #tpu.memory_space<vmem_shared>>
      %dma_start3A_430 = arith.constant 0 : i32
      %dma_start3A_431 = arith.constant 0 : i32
      %dma_start3A_432 = tpu.memref_slice %arg13[%run_scoped3A_43, %dma_start3A_430, %dma_start3A_431] : memref<2x512x16xf32, #tpu.memory_space<vmem>> -> memref<1x112x16xf32, #tpu.memory_space<vmem>>
      %dma_start3A_433 = tpu.memref_squeeze %dma_start3A_432 : memref<1x112x16xf32, #tpu.memory_space<vmem>> -> memref<112x16xf32, #tpu.memory_space<vmem>>
      tpu.enqueue_dma source(%dma_start3A_433 : memref<112x16xf32, #tpu.memory_space<vmem>>) target(%dma_start3A_429 : memref<112x16xf32, #tpu.memory_space<vmem_shared>>) target_semaphore(%run_scoped3A_421 : memref<!tpu.dma_semaphore, #tpu.memory_space<semaphore_mem>>)
      %dma_wait3A_434 = arith.constant 0 : i32
      %dma_wait3A_435 = arith.constant 0 : i32
      %dma_wait3A_436 = tpu.memref_slice %arg13[%run_scoped3A_43, %dma_wait3A_434, %dma_wait3A_435] : memref<2x512x16xf32, #tpu.memory_space<vmem>> -> memref<1x112x16xf32, #tpu.memory_space<vmem>>
      %dma_wait3A_437 = tpu.memref_squeeze %dma_wait3A_436 : memref<1x112x16xf32, #tpu.memory_space<vmem>> -> memref<112x16xf32, #tpu.memory_space<vmem>>
      %dma_wait3A_438 = arith.constant 0 : i32
      %dma_wait3A_439 = tpu.memref_slice %arg14[%add3A_42, %dma_wait3A_438] : memref<100096x16xf32, #tpu.memory_space<vmem_shared>> -> memref<112x16xf32, #tpu.memory_space<vmem_shared>>
      %dma_wait3A_440 = arith.constant 0 : i32
      %dma_wait3A_441 = tpu.memref_slice %arg14[%add3A_42, %dma_wait3A_440] : memref<100096x16xf32, #tpu.memory_space<vmem_shared>> -> memref<112x16xf32, #tpu.memory_space<vmem_shared>>
      %dma_wait3A_442 = arith.constant 0 : i32
      %dma_wait3A_443 = arith.constant 0 : i32
      %dma_wait3A_444 = tpu.memref_slice %arg13[%run_scoped3A_43, %dma_wait3A_442, %dma_wait3A_443] : memref<2x512x16xf32, #tpu.memory_space<vmem>> -> memref<1x112x16xf32, #tpu.memory_space<vmem>>
      %dma_wait3A_445 = tpu.memref_squeeze %dma_wait3A_444 : memref<1x112x16xf32, #tpu.memory_space<vmem>> -> memref<112x16xf32, #tpu.memory_space<vmem>>
      tpu.wait_dma2 semaphore(%run_scoped3A_421 : memref<!tpu.dma_semaphore, #tpu.memory_space<semaphore_mem>>) src(%dma_wait3A_445 : memref<112x16xf32, #tpu.memory_space<vmem>>) dst(%dma_wait3A_441 : memref<112x16xf32, #tpu.memory_space<vmem_shared>>)
      tpu.yield
    }) : () -> ()
    %barrier3A = arith.constant 0 : index
    tpu.barrier barrier_id(%barrier3A)
    %sub3A = arith.constant 3124 : i32
    %sub3A_44 = arith.subi %sub3A, %arg1 : i32
    %jit3A = arith.constant 16 : i32
    %div3A = arith.divsi %sub3A_44, %jit3A : i32
    %sign3A = arith.constant 0 : i32
    %sign3A_45 = arith.cmpi sgt, %sub3A_44, %sign3A : i32
    %sign3A_46 = arith.extui %sign3A_45 : i1 to i32
    %sign3A_47 = arith.constant 0 : i32
    %sign3A_48 = arith.cmpi slt, %sub3A_44, %sign3A_47 : i32
    %sign3A_49 = arith.extui %sign3A_48 : i1 to i32
    %sign3A_50 = arith.subi %sign3A_46, %sign3A_49 : i32
    %sign3A_51 = arith.constant 0 : i32
    %sign3A_52 = arith.cmpi sgt, %jit3A, %sign3A_51 : i32
    %sign3A_53 = arith.extui %sign3A_52 : i1 to i32
    %sign3A_54 = arith.constant 0 : i32
    %sign3A_55 = arith.cmpi slt, %jit3A, %sign3A_54 : i32
    %sign3A_56 = arith.extui %sign3A_55 : i1 to i32
    %sign3A_57 = arith.subi %sign3A_53, %sign3A_56 : i32
    %ne3A = arith.cmpi ne, %sign3A_50, %sign3A_57 : i32
    %rem3A = arith.remsi %sub3A_44, %jit3A : i32
    %ne3A_58 = arith.constant 0 : i32
    %ne3A_59 = arith.cmpi ne, %rem3A, %ne3A_58 : i32
    %and3A = arith.andi %ne3A, %ne3A_59 : i1
    %sub3A_60 = arith.constant 1 : i32
    %sub3A_61 = arith.subi %div3A, %sub3A_60 : i32
    %select_n3A = arith.select %and3A, %sub3A_61, %div3A : i32
    %add3A_62 = arith.constant 1 : i32
    %add3A_63 = arith.addi %select_n3A, %add3A_62 : i32
    %add3A_64 = arith.constant 0 : i32
    %add3A_65 = arith.addi %add3A_64, %arg1 : i32
    %mul3A_66 = arith.constant 512 : i32
    %mul3A_67 = arith.muli %add3A_65, %mul3A_66 : i32
    %multiple_of3A = tpu.assume_multiple %mul3A_67, 512 : i32
    %mul3A_68 = arith.constant 4 : i32
    %mul3A_69 = arith.muli %add3A_65, %mul3A_68 : i32
    %multiple_of3A_70 = tpu.assume_multiple %mul3A_69, 4 : i32
    %dma_start3A = arith.constant 0 : i32
    %dma_start3A_71 = arith.constant 0 : i32
    %dma_start3A_72 = arith.constant 0 : i32
    %dma_start3A_73 = tpu.memref_slice %arg8[%dma_start3A, %dma_start3A_72] : memref<4x512xi32, #tpu.memory_space<vmem>> -> memref<1x512xi32, #tpu.memory_space<vmem>>
    %dma_start3A_74 = tpu.memref_squeeze %dma_start3A_73 : memref<1x512xi32, #tpu.memory_space<vmem>> -> memref<512xi32, #tpu.memory_space<vmem>>
    %dma_start3A_75 = tpu.memref_slice %arg3[%multiple_of3A] : memref<1600000xi32, #tpu.memory_space<hbm>> -> memref<512xi32, #tpu.memory_space<hbm>>
    %dma_start3A_76 = tpu.memref_slice %arg15[%dma_start3A_71] : memref<4x!tpu.dma_semaphore, #tpu.memory_space<semaphore_mem>> -> memref<1x!tpu.dma_semaphore, #tpu.memory_space<semaphore_mem>>
    %dma_start3A_77 = tpu.memref_squeeze %dma_start3A_76 : memref<1x!tpu.dma_semaphore, #tpu.memory_space<semaphore_mem>> -> memref<!tpu.dma_semaphore, #tpu.memory_space<semaphore_mem>>
    %dma_start3A_78 = arith.constant 0 : i32
    %dma_start3A_79 = tpu.memref_slice %arg8[%dma_start3A, %dma_start3A_78] : memref<4x512xi32, #tpu.memory_space<vmem>> -> memref<1x512xi32, #tpu.memory_space<vmem>>
    %dma_start3A_80 = tpu.memref_squeeze %dma_start3A_79 : memref<1x512xi32, #tpu.memory_space<vmem>> -> memref<512xi32, #tpu.memory_space<vmem>>
    %dma_start3A_81 = tpu.memref_slice %arg3[%multiple_of3A] : memref<1600000xi32, #tpu.memory_space<hbm>> -> memref<512xi32, #tpu.memory_space<hbm>>
    tpu.enqueue_dma source(%dma_start3A_81 : memref<512xi32, #tpu.memory_space<hbm>>) target(%dma_start3A_80 : memref<512xi32, #tpu.memory_space<vmem>>) target_semaphore(%dma_start3A_77 : memref<!tpu.dma_semaphore, #tpu.memory_space<semaphore_mem>>)
    %dma_start3A_82 = arith.constant 0 : i32
    %dma_start3A_83 = arith.constant 0 : i32
    %dma_start3A_84 = arith.constant 0 : i32
    %dma_start3A_85 = tpu.memref_slice %arg9[%dma_start3A_82, %dma_start3A_84] : memref<4x512xi32, #tpu.memory_space<vmem>> -> memref<1x512xi32, #tpu.memory_space<vmem>>
    %dma_start3A_86 = tpu.memref_squeeze %dma_start3A_85 : memref<1x512xi32, #tpu.memory_space<vmem>> -> memref<512xi32, #tpu.memory_space<vmem>>
    %dma_start3A_87 = tpu.memref_slice %arg4[%multiple_of3A] : memref<1600000xi32, #tpu.memory_space<hbm>> -> memref<512xi32, #tpu.memory_space<hbm>>
    %dma_start3A_88 = tpu.memref_slice %arg15[%dma_start3A_83] : memref<4x!tpu.dma_semaphore, #tpu.memory_space<semaphore_mem>> -> memref<1x!tpu.dma_semaphore, #tpu.memory_space<semaphore_mem>>
    %dma_start3A_89 = tpu.memref_squeeze %dma_start3A_88 : memref<1x!tpu.dma_semaphore, #tpu.memory_space<semaphore_mem>> -> memref<!tpu.dma_semaphore, #tpu.memory_space<semaphore_mem>>
    %dma_start3A_90 = arith.constant 0 : i32
    %dma_start3A_91 = tpu.memref_slice %arg9[%dma_start3A_82, %dma_start3A_90] : memref<4x512xi32, #tpu.memory_space<vmem>> -> memref<1x512xi32, #tpu.memory_space<vmem>>
    %dma_start3A_92 = tpu.memref_squeeze %dma_start3A_91 : memref<1x512xi32, #tpu.memory_space<vmem>> -> memref<512xi32, #tpu.memory_space<vmem>>
    %dma_start3A_93 = tpu.memref_slice %arg4[%multiple_of3A] : memref<1600000xi32, #tpu.memory_space<hbm>> -> memref<512xi32, #tpu.memory_space<hbm>>
    tpu.enqueue_dma source(%dma_start3A_93 : memref<512xi32, #tpu.memory_space<hbm>>) target(%dma_start3A_92 : memref<512xi32, #tpu.memory_space<vmem>>) target_semaphore(%dma_start3A_89 : memref<!tpu.dma_semaphore, #tpu.memory_space<semaphore_mem>>)
    %dma_start3A_94 = arith.constant 0 : i32
    %dma_start3A_95 = arith.constant 0 : i32
    %dma_start3A_96 = arith.constant 0 : i32
    %dma_start3A_97 = tpu.memref_slice %arg12[%dma_start3A_94, %dma_start3A_96] : memref<4x512xf32, #tpu.memory_space<vmem>> -> memref<1x512xf32, #tpu.memory_space<vmem>>
    %dma_start3A_98 = tpu.memref_squeeze %dma_start3A_97 : memref<1x512xf32, #tpu.memory_space<vmem>> -> memref<512xf32, #tpu.memory_space<vmem>>
    %dma_start3A_99 = tpu.memref_slice %arg6[%multiple_of3A] : memref<1600000xf32, #tpu.memory_space<hbm>> -> memref<512xf32, #tpu.memory_space<hbm>>
    %dma_start3A_100 = tpu.memref_slice %arg15[%dma_start3A_95] : memref<4x!tpu.dma_semaphore, #tpu.memory_space<semaphore_mem>> -> memref<1x!tpu.dma_semaphore, #tpu.memory_space<semaphore_mem>>
    %dma_start3A_101 = tpu.memref_squeeze %dma_start3A_100 : memref<1x!tpu.dma_semaphore, #tpu.memory_space<semaphore_mem>> -> memref<!tpu.dma_semaphore, #tpu.memory_space<semaphore_mem>>
    %dma_start3A_102 = arith.constant 0 : i32
    %dma_start3A_103 = tpu.memref_slice %arg12[%dma_start3A_94, %dma_start3A_102] : memref<4x512xf32, #tpu.memory_space<vmem>> -> memref<1x512xf32, #tpu.memory_space<vmem>>
    %dma_start3A_104 = tpu.memref_squeeze %dma_start3A_103 : memref<1x512xf32, #tpu.memory_space<vmem>> -> memref<512xf32, #tpu.memory_space<vmem>>
    %dma_start3A_105 = tpu.memref_slice %arg6[%multiple_of3A] : memref<1600000xf32, #tpu.memory_space<hbm>> -> memref<512xf32, #tpu.memory_space<hbm>>
    tpu.enqueue_dma source(%dma_start3A_105 : memref<512xf32, #tpu.memory_space<hbm>>) target(%dma_start3A_104 : memref<512xf32, #tpu.memory_space<vmem>>) target_semaphore(%dma_start3A_101 : memref<!tpu.dma_semaphore, #tpu.memory_space<semaphore_mem>>)
    %dma_start3A_106 = arith.constant 0 : i32
    %dma_start3A_107 = arith.constant 0 : i32
    %dma_start3A_108 = arith.constant 0 : i32
    %dma_start3A_109 = arith.constant 0 : i32
    %dma_start3A_110 = tpu.memref_slice %arg11[%dma_start3A_106, %dma_start3A_108, %dma_start3A_109] : memref<4x4x128xi32, #tpu.memory_space<vmem>> -> memref<1x4x128xi32, #tpu.memory_space<vmem>>
    %dma_start3A_111 = tpu.memref_squeeze %dma_start3A_110 : memref<1x4x128xi32, #tpu.memory_space<vmem>> -> memref<4x128xi32, #tpu.memory_space<vmem>>
    %dma_start3A_112 = arith.constant 0 : i32
    %dma_start3A_113 = tpu.memref_slice %arg5[%multiple_of3A_70, %dma_start3A_112] : memref<12500x128xi32, #tpu.memory_space<hbm>> -> memref<4x128xi32, #tpu.memory_space<hbm>>
    %dma_start3A_114 = tpu.memref_slice %arg15[%dma_start3A_107] : memref<4x!tpu.dma_semaphore, #tpu.memory_space<semaphore_mem>> -> memref<1x!tpu.dma_semaphore, #tpu.memory_space<semaphore_mem>>
    %dma_start3A_115 = tpu.memref_squeeze %dma_start3A_114 : memref<1x!tpu.dma_semaphore, #tpu.memory_space<semaphore_mem>> -> memref<!tpu.dma_semaphore, #tpu.memory_space<semaphore_mem>>
    %dma_start3A_116 = arith.constant 0 : i32
    %dma_start3A_117 = arith.constant 0 : i32
    %dma_start3A_118 = tpu.memref_slice %arg11[%dma_start3A_106, %dma_start3A_116, %dma_start3A_117] : memref<4x4x128xi32, #tpu.memory_space<vmem>> -> memref<1x4x128xi32, #tpu.memory_space<vmem>>
    %dma_start3A_119 = tpu.memref_squeeze %dma_start3A_118 : memref<1x4x128xi32, #tpu.memory_space<vmem>> -> memref<4x128xi32, #tpu.memory_space<vmem>>
    %dma_start3A_120 = arith.constant 0 : i32
    %dma_start3A_121 = tpu.memref_slice %arg5[%multiple_of3A_70, %dma_start3A_120] : memref<12500x128xi32, #tpu.memory_space<hbm>> -> memref<4x128xi32, #tpu.memory_space<hbm>>
    tpu.enqueue_dma source(%dma_start3A_121 : memref<4x128xi32, #tpu.memory_space<hbm>>) target(%dma_start3A_119 : memref<4x128xi32, #tpu.memory_space<vmem>>) target_semaphore(%dma_start3A_115 : memref<!tpu.dma_semaphore, #tpu.memory_space<semaphore_mem>>)
    %add3A_122 = arith.constant 16 : i32
    %add3A_123 = arith.addi %add3A_122, %arg1 : i32
    %mul3A_124 = arith.constant 512 : i32
    %mul3A_125 = arith.muli %add3A_123, %mul3A_124 : i32
    %multiple_of3A_126 = tpu.assume_multiple %mul3A_125, 512 : i32
    %mul3A_127 = arith.constant 4 : i32
    %mul3A_128 = arith.muli %add3A_123, %mul3A_127 : i32
    %multiple_of3A_129 = tpu.assume_multiple %mul3A_128, 4 : i32
    %dma_start3A_130 = arith.constant 1 : i32
    %dma_start3A_131 = arith.constant 1 : i32
    %dma_start3A_132 = arith.constant 0 : i32
    %dma_start3A_133 = tpu.memref_slice %arg8[%dma_start3A_130, %dma_start3A_132] : memref<4x512xi32, #tpu.memory_space<vmem>> -> memref<1x512xi32, #tpu.memory_space<vmem>>
    %dma_start3A_134 = tpu.memref_squeeze %dma_start3A_133 : memref<1x512xi32, #tpu.memory_space<vmem>> -> memref<512xi32, #tpu.memory_space<vmem>>
    %dma_start3A_135 = tpu.memref_slice %arg3[%multiple_of3A_126] : memref<1600000xi32, #tpu.memory_space<hbm>> -> memref<512xi32, #tpu.memory_space<hbm>>
    %dma_start3A_136 = tpu.memref_slice %arg15[%dma_start3A_131] : memref<4x!tpu.dma_semaphore, #tpu.memory_space<semaphore_mem>> -> memref<1x!tpu.dma_semaphore, #tpu.memory_space<semaphore_mem>>
    %dma_start3A_137 = tpu.memref_squeeze %dma_start3A_136 : memref<1x!tpu.dma_semaphore, #tpu.memory_space<semaphore_mem>> -> memref<!tpu.dma_semaphore, #tpu.memory_space<semaphore_mem>>
    %dma_start3A_138 = arith.constant 0 : i32
    %dma_start3A_139 = tpu.memref_slice %arg8[%dma_start3A_130, %dma_start3A_138] : memref<4x512xi32, #tpu.memory_space<vmem>> -> memref<1x512xi32, #tpu.memory_space<vmem>>
    %dma_start3A_140 = tpu.memref_squeeze %dma_start3A_139 : memref<1x512xi32, #tpu.memory_space<vmem>> -> memref<512xi32, #tpu.memory_space<vmem>>
    %dma_start3A_141 = tpu.memref_slice %arg3[%multiple_of3A_126] : memref<1600000xi32, #tpu.memory_space<hbm>> -> memref<512xi32, #tpu.memory_space<hbm>>
    tpu.enqueue_dma source(%dma_start3A_141 : memref<512xi32, #tpu.memory_space<hbm>>) target(%dma_start3A_140 : memref<512xi32, #tpu.memory_space<vmem>>) target_semaphore(%dma_start3A_137 : memref<!tpu.dma_semaphore, #tpu.memory_space<semaphore_mem>>)
    %dma_start3A_142 = arith.constant 1 : i32
    %dma_start3A_143 = arith.constant 1 : i32
    %dma_start3A_144 = arith.constant 0 : i32
    %dma_start3A_145 = tpu.memref_slice %arg9[%dma_start3A_142, %dma_start3A_144] : memref<4x512xi32, #tpu.memory_space<vmem>> -> memref<1x512xi32, #tpu.memory_space<vmem>>
    %dma_start3A_146 = tpu.memref_squeeze %dma_start3A_145 : memref<1x512xi32, #tpu.memory_space<vmem>> -> memref<512xi32, #tpu.memory_space<vmem>>
    %dma_start3A_147 = tpu.memref_slice %arg4[%multiple_of3A_126] : memref<1600000xi32, #tpu.memory_space<hbm>> -> memref<512xi32, #tpu.memory_space<hbm>>
    %dma_start3A_148 = tpu.memref_slice %arg15[%dma_start3A_143] : memref<4x!tpu.dma_semaphore, #tpu.memory_space<semaphore_mem>> -> memref<1x!tpu.dma_semaphore, #tpu.memory_space<semaphore_mem>>
    %dma_start3A_149 = tpu.memref_squeeze %dma_start3A_148 : memref<1x!tpu.dma_semaphore, #tpu.memory_space<semaphore_mem>> -> memref<!tpu.dma_semaphore, #tpu.memory_space<semaphore_mem>>
    %dma_start3A_150 = arith.constant 0 : i32
    %dma_start3A_151 = tpu.memref_slice %arg9[%dma_start3A_142, %dma_start3A_150] : memref<4x512xi32, #tpu.memory_space<vmem>> -> memref<1x512xi32, #tpu.memory_space<vmem>>
    %dma_start3A_152 = tpu.memref_squeeze %dma_start3A_151 : memref<1x512xi32, #tpu.memory_space<vmem>> -> memref<512xi32, #tpu.memory_space<vmem>>
    %dma_start3A_153 = tpu.memref_slice %arg4[%multiple_of3A_126] : memref<1600000xi32, #tpu.memory_space<hbm>> -> memref<512xi32, #tpu.memory_space<hbm>>
    tpu.enqueue_dma source(%dma_start3A_153 : memref<512xi32, #tpu.memory_space<hbm>>) target(%dma_start3A_152 : memref<512xi32, #tpu.memory_space<vmem>>) target_semaphore(%dma_start3A_149 : memref<!tpu.dma_semaphore, #tpu.memory_space<semaphore_mem>>)
    %dma_start3A_154 = arith.constant 1 : i32
    %dma_start3A_155 = arith.constant 1 : i32
    %dma_start3A_156 = arith.constant 0 : i32
    %dma_start3A_157 = tpu.memref_slice %arg12[%dma_start3A_154, %dma_start3A_156] : memref<4x512xf32, #tpu.memory_space<vmem>> -> memref<1x512xf32, #tpu.memory_space<vmem>>
    %dma_start3A_158 = tpu.memref_squeeze %dma_start3A_157 : memref<1x512xf32, #tpu.memory_space<vmem>> -> memref<512xf32, #tpu.memory_space<vmem>>
    %dma_start3A_159 = tpu.memref_slice %arg6[%multiple_of3A_126] : memref<1600000xf32, #tpu.memory_space<hbm>> -> memref<512xf32, #tpu.memory_space<hbm>>
    %dma_start3A_160 = tpu.memref_slice %arg15[%dma_start3A_155] : memref<4x!tpu.dma_semaphore, #tpu.memory_space<semaphore_mem>> -> memref<1x!tpu.dma_semaphore, #tpu.memory_space<semaphore_mem>>
    %dma_start3A_161 = tpu.memref_squeeze %dma_start3A_160 : memref<1x!tpu.dma_semaphore, #tpu.memory_space<semaphore_mem>> -> memref<!tpu.dma_semaphore, #tpu.memory_space<semaphore_mem>>
    %dma_start3A_162 = arith.constant 0 : i32
    %dma_start3A_163 = tpu.memref_slice %arg12[%dma_start3A_154, %dma_start3A_162] : memref<4x512xf32, #tpu.memory_space<vmem>> -> memref<1x512xf32, #tpu.memory_space<vmem>>
    %dma_start3A_164 = tpu.memref_squeeze %dma_start3A_163 : memref<1x512xf32, #tpu.memory_space<vmem>> -> memref<512xf32, #tpu.memory_space<vmem>>
    %dma_start3A_165 = tpu.memref_slice %arg6[%multiple_of3A_126] : memref<1600000xf32, #tpu.memory_space<hbm>> -> memref<512xf32, #tpu.memory_space<hbm>>
    tpu.enqueue_dma source(%dma_start3A_165 : memref<512xf32, #tpu.memory_space<hbm>>) target(%dma_start3A_164 : memref<512xf32, #tpu.memory_space<vmem>>) target_semaphore(%dma_start3A_161 : memref<!tpu.dma_semaphore, #tpu.memory_space<semaphore_mem>>)
    %dma_start3A_166 = arith.constant 1 : i32
    %dma_start3A_167 = arith.constant 1 : i32
    %dma_start3A_168 = arith.constant 0 : i32
    %dma_start3A_169 = arith.constant 0 : i32
    %dma_start3A_170 = tpu.memref_slice %arg11[%dma_start3A_166, %dma_start3A_168, %dma_start3A_169] : memref<4x4x128xi32, #tpu.memory_space<vmem>> -> memref<1x4x128xi32, #tpu.memory_space<vmem>>
    %dma_start3A_171 = tpu.memref_squeeze %dma_start3A_170 : memref<1x4x128xi32, #tpu.memory_space<vmem>> -> memref<4x128xi32, #tpu.memory_space<vmem>>
    %dma_start3A_172 = arith.constant 0 : i32
    %dma_start3A_173 = tpu.memref_slice %arg5[%multiple_of3A_129, %dma_start3A_172] : memref<12500x128xi32, #tpu.memory_space<hbm>> -> memref<4x128xi32, #tpu.memory_space<hbm>>
    %dma_start3A_174 = tpu.memref_slice %arg15[%dma_start3A_167] : memref<4x!tpu.dma_semaphore, #tpu.memory_space<semaphore_mem>> -> memref<1x!tpu.dma_semaphore, #tpu.memory_space<semaphore_mem>>
    %dma_start3A_175 = tpu.memref_squeeze %dma_start3A_174 : memref<1x!tpu.dma_semaphore, #tpu.memory_space<semaphore_mem>> -> memref<!tpu.dma_semaphore, #tpu.memory_space<semaphore_mem>>
    %dma_start3A_176 = arith.constant 0 : i32
    %dma_start3A_177 = arith.constant 0 : i32
    %dma_start3A_178 = tpu.memref_slice %arg11[%dma_start3A_166, %dma_start3A_176, %dma_start3A_177] : memref<4x4x128xi32, #tpu.memory_space<vmem>> -> memref<1x4x128xi32, #tpu.memory_space<vmem>>
    %dma_start3A_179 = tpu.memref_squeeze %dma_start3A_178 : memref<1x4x128xi32, #tpu.memory_space<vmem>> -> memref<4x128xi32, #tpu.memory_space<vmem>>
    %dma_start3A_180 = arith.constant 0 : i32
    %dma_start3A_181 = tpu.memref_slice %arg5[%multiple_of3A_129, %dma_start3A_180] : memref<12500x128xi32, #tpu.memory_space<hbm>> -> memref<4x128xi32, #tpu.memory_space<hbm>>
    tpu.enqueue_dma source(%dma_start3A_181 : memref<4x128xi32, #tpu.memory_space<hbm>>) target(%dma_start3A_179 : memref<4x128xi32, #tpu.memory_space<vmem>>) target_semaphore(%dma_start3A_175 : memref<!tpu.dma_semaphore, #tpu.memory_space<semaphore_mem>>)
    %and3A_182 = arith.constant 0 : i32
    %and3A_183 = arith.constant 3 : i32
    %and3A_184 = arith.andi %and3A_182, %and3A_183 : i32
    %dma_wait3A = arith.constant 0 : i32
    %dma_wait3A_185 = tpu.memref_slice %arg8[%and3A_184, %dma_wait3A] : memref<4x512xi32, #tpu.memory_space<vmem>> -> memref<1x512xi32, #tpu.memory_space<vmem>>
    %dma_wait3A_186 = tpu.memref_squeeze %dma_wait3A_185 : memref<1x512xi32, #tpu.memory_space<vmem>> -> memref<512xi32, #tpu.memory_space<vmem>>
    %dma_wait3A_187 = arith.constant 0 : i32
    %dma_wait3A_188 = tpu.memref_slice %arg3[%dma_wait3A_187] : memref<1600000xi32, #tpu.memory_space<hbm>> -> memref<512xi32, #tpu.memory_space<hbm>>
    %dma_wait3A_189 = tpu.memref_slice %arg15[%and3A_184] : memref<4x!tpu.dma_semaphore, #tpu.memory_space<semaphore_mem>> -> memref<1x!tpu.dma_semaphore, #tpu.memory_space<semaphore_mem>>
    %dma_wait3A_190 = tpu.memref_squeeze %dma_wait3A_189 : memref<1x!tpu.dma_semaphore, #tpu.memory_space<semaphore_mem>> -> memref<!tpu.dma_semaphore, #tpu.memory_space<semaphore_mem>>
    %dma_wait3A_191 = arith.constant 0 : i32
    %dma_wait3A_192 = tpu.memref_slice %arg8[%and3A_184, %dma_wait3A_191] : memref<4x512xi32, #tpu.memory_space<vmem>> -> memref<1x512xi32, #tpu.memory_space<vmem>>
    %dma_wait3A_193 = tpu.memref_squeeze %dma_wait3A_192 : memref<1x512xi32, #tpu.memory_space<vmem>> -> memref<512xi32, #tpu.memory_space<vmem>>
    %dma_wait3A_194 = arith.constant 0 : i32
    %dma_wait3A_195 = tpu.memref_slice %arg3[%dma_wait3A_194] : memref<1600000xi32, #tpu.memory_space<hbm>> -> memref<512xi32, #tpu.memory_space<hbm>>
    tpu.wait_dma2 semaphore(%dma_wait3A_190 : memref<!tpu.dma_semaphore, #tpu.memory_space<semaphore_mem>>) src(%dma_wait3A_195 : memref<512xi32, #tpu.memory_space<hbm>>) dst(%dma_wait3A_193 : memref<512xi32, #tpu.memory_space<vmem>>)
    %dma_wait3A_196 = arith.constant 0 : i32
    %dma_wait3A_197 = tpu.memref_slice %arg9[%and3A_184, %dma_wait3A_196] : memref<4x512xi32, #tpu.memory_space<vmem>> -> memref<1x512xi32, #tpu.memory_space<vmem>>
    %dma_wait3A_198 = tpu.memref_squeeze %dma_wait3A_197 : memref<1x512xi32, #tpu.memory_space<vmem>> -> memref<512xi32, #tpu.memory_space<vmem>>
    %dma_wait3A_199 = arith.constant 0 : i32
    %dma_wait3A_200 = tpu.memref_slice %arg4[%dma_wait3A_199] : memref<1600000xi32, #tpu.memory_space<hbm>> -> memref<512xi32, #tpu.memory_space<hbm>>
    %dma_wait3A_201 = tpu.memref_slice %arg15[%and3A_184] : memref<4x!tpu.dma_semaphore, #tpu.memory_space<semaphore_mem>> -> memref<1x!tpu.dma_semaphore, #tpu.memory_space<semaphore_mem>>
    %dma_wait3A_202 = tpu.memref_squeeze %dma_wait3A_201 : memref<1x!tpu.dma_semaphore, #tpu.memory_space<semaphore_mem>> -> memref<!tpu.dma_semaphore, #tpu.memory_space<semaphore_mem>>
    %dma_wait3A_203 = arith.constant 0 : i32
    %dma_wait3A_204 = tpu.memref_slice %arg9[%and3A_184, %dma_wait3A_203] : memref<4x512xi32, #tpu.memory_space<vmem>> -> memref<1x512xi32, #tpu.memory_space<vmem>>
    %dma_wait3A_205 = tpu.memref_squeeze %dma_wait3A_204 : memref<1x512xi32, #tpu.memory_space<vmem>> -> memref<512xi32, #tpu.memory_space<vmem>>
    %dma_wait3A_206 = arith.constant 0 : i32
    %dma_wait3A_207 = tpu.memref_slice %arg4[%dma_wait3A_206] : memref<1600000xi32, #tpu.memory_space<hbm>> -> memref<512xi32, #tpu.memory_space<hbm>>
    tpu.wait_dma2 semaphore(%dma_wait3A_202 : memref<!tpu.dma_semaphore, #tpu.memory_space<semaphore_mem>>) src(%dma_wait3A_207 : memref<512xi32, #tpu.memory_space<hbm>>) dst(%dma_wait3A_205 : memref<512xi32, #tpu.memory_space<vmem>>)
    %dma_wait3A_208 = arith.constant 0 : i32
    %dma_wait3A_209 = tpu.memref_slice %arg12[%and3A_184, %dma_wait3A_208] : memref<4x512xf32, #tpu.memory_space<vmem>> -> memref<1x512xf32, #tpu.memory_space<vmem>>
    %dma_wait3A_210 = tpu.memref_squeeze %dma_wait3A_209 : memref<1x512xf32, #tpu.memory_space<vmem>> -> memref<512xf32, #tpu.memory_space<vmem>>
    %dma_wait3A_211 = arith.constant 0 : i32
    %dma_wait3A_212 = tpu.memref_slice %arg6[%dma_wait3A_211] : memref<1600000xf32, #tpu.memory_space<hbm>> -> memref<512xf32, #tpu.memory_space<hbm>>
    %dma_wait3A_213 = tpu.memref_slice %arg15[%and3A_184] : memref<4x!tpu.dma_semaphore, #tpu.memory_space<semaphore_mem>> -> memref<1x!tpu.dma_semaphore, #tpu.memory_space<semaphore_mem>>
    %dma_wait3A_214 = tpu.memref_squeeze %dma_wait3A_213 : memref<1x!tpu.dma_semaphore, #tpu.memory_space<semaphore_mem>> -> memref<!tpu.dma_semaphore, #tpu.memory_space<semaphore_mem>>
    %dma_wait3A_215 = arith.constant 0 : i32
    %dma_wait3A_216 = tpu.memref_slice %arg12[%and3A_184, %dma_wait3A_215] : memref<4x512xf32, #tpu.memory_space<vmem>> -> memref<1x512xf32, #tpu.memory_space<vmem>>
    %dma_wait3A_217 = tpu.memref_squeeze %dma_wait3A_216 : memref<1x512xf32, #tpu.memory_space<vmem>> -> memref<512xf32, #tpu.memory_space<vmem>>
    %dma_wait3A_218 = arith.constant 0 : i32
    %dma_wait3A_219 = tpu.memref_slice %arg6[%dma_wait3A_218] : memref<1600000xf32, #tpu.memory_space<hbm>> -> memref<512xf32, #tpu.memory_space<hbm>>
    tpu.wait_dma2 semaphore(%dma_wait3A_214 : memref<!tpu.dma_semaphore, #tpu.memory_space<semaphore_mem>>) src(%dma_wait3A_219 : memref<512xf32, #tpu.memory_space<hbm>>) dst(%dma_wait3A_217 : memref<512xf32, #tpu.memory_space<vmem>>)
    %dma_wait3A_220 = arith.constant 0 : i32
    %dma_wait3A_221 = arith.constant 0 : i32
    %dma_wait3A_222 = tpu.memref_slice %arg11[%and3A_184, %dma_wait3A_220, %dma_wait3A_221] : memref<4x4x128xi32, #tpu.memory_space<vmem>> -> memref<1x4x128xi32, #tpu.memory_space<vmem>>
    %dma_wait3A_223 = tpu.memref_squeeze %dma_wait3A_222 : memref<1x4x128xi32, #tpu.memory_space<vmem>> -> memref<4x128xi32, #tpu.memory_space<vmem>>
    %dma_wait3A_224 = arith.constant 0 : i32
    %dma_wait3A_225 = arith.constant 0 : i32
    %dma_wait3A_226 = tpu.memref_slice %arg5[%dma_wait3A_224, %dma_wait3A_225] : memref<12500x128xi32, #tpu.memory_space<hbm>> -> memref<4x128xi32, #tpu.memory_space<hbm>>
    %dma_wait3A_227 = tpu.memref_slice %arg15[%and3A_184] : memref<4x!tpu.dma_semaphore, #tpu.memory_space<semaphore_mem>> -> memref<1x!tpu.dma_semaphore, #tpu.memory_space<semaphore_mem>>
    %dma_wait3A_228 = tpu.memref_squeeze %dma_wait3A_227 : memref<1x!tpu.dma_semaphore, #tpu.memory_space<semaphore_mem>> -> memref<!tpu.dma_semaphore, #tpu.memory_space<semaphore_mem>>
    %dma_wait3A_229 = arith.constant 0 : i32
    %dma_wait3A_230 = arith.constant 0 : i32
    %dma_wait3A_231 = tpu.memref_slice %arg11[%and3A_184, %dma_wait3A_229, %dma_wait3A_230] : memref<4x4x128xi32, #tpu.memory_space<vmem>> -> memref<1x4x128xi32, #tpu.memory_space<vmem>>
    %dma_wait3A_232 = tpu.memref_squeeze %dma_wait3A_231 : memref<1x4x128xi32, #tpu.memory_space<vmem>> -> memref<4x128xi32, #tpu.memory_space<vmem>>
    %dma_wait3A_233 = arith.constant 0 : i32
    %dma_wait3A_234 = arith.constant 0 : i32
    %dma_wait3A_235 = tpu.memref_slice %arg5[%dma_wait3A_233, %dma_wait3A_234] : memref<12500x128xi32, #tpu.memory_space<hbm>> -> memref<4x128xi32, #tpu.memory_space<hbm>>
    tpu.wait_dma2 semaphore(%dma_wait3A_228 : memref<!tpu.dma_semaphore, #tpu.memory_space<semaphore_mem>>) src(%dma_wait3A_235 : memref<4x128xi32, #tpu.memory_space<hbm>>) dst(%dma_wait3A_232 : memref<4x128xi32, #tpu.memory_space<vmem>>)
    %scan3A_236 = arith.constant 0 : i32
    %scan3A_237 = arith.constant 0 : i32
    %scan3A_238 = arith.constant 32 : i32
    %scan3A_239 = arith.addi %scan3A_237, %scan3A_238 : i32
    %scan3A_240 = arith.constant 1 : i32
    %scan3A_241 = scf.for %scan3A_421 = %scan3A_237 to %scan3A_239 step %scan3A_240 iter_args(%scan3A_422 = %scan3A_236) -> (i32)  : i32 {
      %mul3A_423 = arith.constant 16 : i32
      %mul3A_424 = arith.muli %scan3A_421, %mul3A_423 : i32
      %get3A = arith.index_cast %and3A_184 : i32 to index
      %get3A_425 = arith.index_cast %mul3A_424 : i32 to index
      %get3A_426 = tpu.vector_load %arg8[%get3A, %get3A_425] {strides = array<i32>} : memref<4x512xi32, #tpu.memory_space<vmem>>, vector<1x16xi32>,
      %get3A_427 = vector.shape_cast %get3A_426 : vector<1x16xi32> to vector<16xi32>
      %mul3A_428 = arith.constant 16 : i32
      %mul3A_429 = arith.muli %scan3A_421, %mul3A_428 : i32
      %get3A_430 = arith.index_cast %and3A_184 : i32 to index
      %get3A_431 = arith.index_cast %mul3A_429 : i32 to index
      %get3A_432 = tpu.vector_load %arg9[%get3A_430, %get3A_431] {strides = array<i32>} : memref<4x512xi32, #tpu.memory_space<vmem>>, vector<1x16xi32>,
      %get3A_433 = vector.shape_cast %get3A_432 : vector<1x16xi32> to vector<16xi32>
      %mul3A_434 = arith.constant 100000 : i32
      %mul3A_435 = vector.broadcast %mul3A_434 : i32 to vector<16xi32>
      %mul3A_436 = arith.muli %get3A_433, %mul3A_435 : vector<16xi32>
      %add3A_437 = arith.addi %mul3A_436, %get3A_427 : vector<16xi32>
      %mul3A_438 = arith.constant 2 : i32
      %mul3A_439 = vector.broadcast %mul3A_438 : i32 to vector<16xi32>
      %mul3A_440 = arith.muli %add3A_437, %mul3A_439 : vector<16xi32>
      %add3A_441 = vector.broadcast %arg0 : i32 to vector<16xi32>
      %add3A_442 = arith.addi %mul3A_440, %add3A_441 : vector<16xi32>
      %mul3A_443 = arith.constant 16 : i32
      %mul3A_444 = arith.muli %scan3A_421, %mul3A_443 : i32
      %swap3A = arith.index_cast %and3A_184 : i32 to index
      %swap3A_445 = arith.index_cast %mul3A_444 : i32 to index
      %swap3A_446 = tpu.vector_load %arg10[%swap3A, %swap3A_445] {strides = array<i32>} : memref<4x512xi32, #tpu.memory_space<vmem>>, vector<1x16xi32>,
      %swap3A_447 = vector.shape_cast %swap3A_446 : vector<1x16xi32> to vector<16xi32>
      %swap3A_448 = vector.shape_cast %add3A_442 : vector<16xi32> to vector<1x16xi32>
      tpu.vector_store %arg10[%swap3A, %swap3A_445], %swap3A_448 {strides = array<i32>} : memref<4x512xi32, #tpu.memory_space<vmem>>, vector<1x16xi32>,
      %scan3A_449 = arith.constant 0 : i32
      scf.yield %scan3A_449 : i32
    }
    %scan3A_242 = arith.constant 32 : i32
    %while3A = arith.constant 0 : i32
    %while3A_243 = arith.constant 0 : i32
    %while3A_244 = arith.subi %add3A_63, %while3A : i32
    %while3A_245 = arith.addi %while3A, %while3A_244 : i32
    %while3A_246 = arith.constant 1 : i32
    %while3A_247 = arith.divsi %while3A_244, %while3A_246 : i32
    %while3A_248 = arith.muli %while3A_247, %while3A_246 : i32
    %while3A_249 = arith.addi %while3A, %while3A_248 : i32
    %while3A_250 = arith.constant 1 : i32
    %while3A_251 = scf.for %while3A_421 = %while3A to %while3A_249 step %while3A_250 iter_args(%while3A_422 = %while3A_243) -> (i32)  : i32 {
      %and3A_423 = arith.constant 3 : i32
      %and3A_424 = arith.andi %while3A_421, %and3A_423 : i32
      %and3A_425 = arith.constant 1 : i32
      %and3A_426 = arith.andi %while3A_421, %and3A_425 : i32
      %ge3A = arith.constant 2 : i32
      %ge3A_427 = arith.cmpi sge, %while3A_421, %ge3A : i32
      %convert_element_type3A = arith.extui %ge3A_427 : i1 to i32
      %cond3A = arith.constant 0 : i32
      %cond3A_428 = arith.cmpi ne, %convert_element_type3A, %cond3A : i32
      scf.if %cond3A_428 {
        %dma_wait3A_498 = arith.constant 0 : i32
        %dma_wait3A_499 = arith.constant 0 : i32
        %dma_wait3A_500 = tpu.memref_slice %arg13[%and3A_426, %dma_wait3A_498, %dma_wait3A_499] : memref<2x512x16xf32, #tpu.memory_space<vmem>> -> memref<1x512x16xf32, #tpu.memory_space<vmem>>
        %dma_wait3A_501 = tpu.memref_squeeze %dma_wait3A_500 : memref<1x512x16xf32, #tpu.memory_space<vmem>> -> memref<512x16xf32, #tpu.memory_space<vmem>>
        %dma_wait3A_502 = arith.constant 0 : i32
        %dma_wait3A_503 = arith.constant 0 : i32
        %dma_wait3A_504 = tpu.memref_slice %arg2[%dma_wait3A_502, %dma_wait3A_503] : memref<1000000x16xf32, #tpu.memory_space<hbm>> -> memref<512x16xf32, #tpu.memory_space<hbm>>
        %dma_wait3A_505 = tpu.memref_slice %arg17[%and3A_426] : memref<2x!tpu.dma_semaphore, #tpu.memory_space<semaphore_mem>> -> memref<1x!tpu.dma_semaphore, #tpu.memory_space<semaphore_mem>>
        %dma_wait3A_506 = tpu.memref_squeeze %dma_wait3A_505 : memref<1x!tpu.dma_semaphore, #tpu.memory_space<semaphore_mem>> -> memref<!tpu.dma_semaphore, #tpu.memory_space<semaphore_mem>>
        %dma_wait3A_507 = arith.constant 0 : i32
        %dma_wait3A_508 = arith.constant 0 : i32
        %dma_wait3A_509 = tpu.memref_slice %arg13[%and3A_426, %dma_wait3A_507, %dma_wait3A_508] : memref<2x512x16xf32, #tpu.memory_space<vmem>> -> memref<1x512x16xf32, #tpu.memory_space<vmem>>
        %dma_wait3A_510 = tpu.memref_squeeze %dma_wait3A_509 : memref<1x512x16xf32, #tpu.memory_space<vmem>> -> memref<512x16xf32, #tpu.memory_space<vmem>>
        %dma_wait3A_511 = arith.constant 0 : i32
        %dma_wait3A_512 = arith.constant 0 : i32
        %dma_wait3A_513 = tpu.memref_slice %arg2[%dma_wait3A_511, %dma_wait3A_512] : memref<1000000x16xf32, #tpu.memory_space<hbm>> -> memref<512x16xf32, #tpu.memory_space<hbm>>
        tpu.wait_dma2 semaphore(%dma_wait3A_506 : memref<!tpu.dma_semaphore, #tpu.memory_space<semaphore_mem>>) src(%dma_wait3A_513 : memref<512x16xf32, #tpu.memory_space<hbm>>) dst(%dma_wait3A_510 : memref<512x16xf32, #tpu.memory_space<vmem>>)
      } else {
      }
      %dma_start3A_429 = arith.constant 0 : i32
      %dma_start3A_430 = arith.constant 0 : i32
      %dma_start3A_431 = tpu.memref_slice %arg13[%and3A_426, %dma_start3A_429, %dma_start3A_430] : memref<2x512x16xf32, #tpu.memory_space<vmem>> -> memref<1x128x16xf32, #tpu.memory_space<vmem>>
      %dma_start3A_432 = tpu.memref_squeeze %dma_start3A_431 : memref<1x128x16xf32, #tpu.memory_space<vmem>> -> memref<128x16xf32, #tpu.memory_space<vmem>>
      %dma_start3A_433 = arith.constant 0 : i32
      %dma_start3A_434 = tpu.memref_slice %arg10[%and3A_424, %dma_start3A_433] : memref<4x512xi32, #tpu.memory_space<vmem>> -> memref<1x128xi32, #tpu.memory_space<vmem>>
      %dma_start3A_435 = tpu.memref_squeeze %dma_start3A_434 : memref<1x128xi32, #tpu.memory_space<vmem>> -> memref<128xi32, #tpu.memory_space<vmem>>
      %dma_start3A_436 = arith.constant 0 : i32
      %dma_start3A_437 = arith.constant 0 : i32
      %dma_start3A_438 = tpu.memref_slice %arg2[%dma_start3A_436, %dma_start3A_437] : memref<1000000x16xf32, #tpu.memory_space<hbm>> -> memref<1000000x16xf32, #tpu.memory_space<hbm>>
      %dma_start3A_439 = tpu.memref_slice %arg16[%and3A_426] : memref<2x!tpu.dma_semaphore, #tpu.memory_space<semaphore_mem>> -> memref<1x!tpu.dma_semaphore, #tpu.memory_space<semaphore_mem>>
      %dma_start3A_440 = tpu.memref_squeeze %dma_start3A_439 : memref<1x!tpu.dma_semaphore, #tpu.memory_space<semaphore_mem>> -> memref<!tpu.dma_semaphore, #tpu.memory_space<semaphore_mem>>
      tpu.enqueue_indirect_dma source(%dma_start3A_438 : memref<1000000x16xf32, #tpu.memory_space<hbm>>) target(%dma_start3A_432 : memref<128x16xf32, #tpu.memory_space<vmem>>) offsets(%dma_start3A_435 : memref<128xi32, #tpu.memory_space<vmem>>) semaphore(%dma_start3A_440 : memref<!tpu.dma_semaphore, #tpu.memory_space<semaphore_mem>>)
      %dma_start3A_441 = arith.constant 128 : i32
      %dma_start3A_442 = arith.constant 0 : i32
      %dma_start3A_443 = tpu.memref_slice %arg13[%and3A_426, %dma_start3A_441, %dma_start3A_442] : memref<2x512x16xf32, #tpu.memory_space<vmem>> -> memref<1x128x16xf32, #tpu.memory_space<vmem>>
      %dma_start3A_444 = tpu.memref_squeeze %dma_start3A_443 : memref<1x128x16xf32, #tpu.memory_space<vmem>> -> memref<128x16xf32, #tpu.memory_space<vmem>>
      %dma_start3A_445 = arith.constant 128 : i32
      %dma_start3A_446 = tpu.memref_slice %arg10[%and3A_424, %dma_start3A_445] : memref<4x512xi32, #tpu.memory_space<vmem>> -> memref<1x128xi32, #tpu.memory_space<vmem>>
      %dma_start3A_447 = tpu.memref_squeeze %dma_start3A_446 : memref<1x128xi32, #tpu.memory_space<vmem>> -> memref<128xi32, #tpu.memory_space<vmem>>
      %dma_start3A_448 = arith.constant 0 : i32
      %dma_start3A_449 = arith.constant 0 : i32
      %dma_start3A_450 = tpu.memref_slice %arg2[%dma_start3A_448, %dma_start3A_449] : memref<1000000x16xf32, #tpu.memory_space<hbm>> -> memref<1000000x16xf32, #tpu.memory_space<hbm>>
      %dma_start3A_451 = tpu.memref_slice %arg16[%and3A_426] : memref<2x!tpu.dma_semaphore, #tpu.memory_space<semaphore_mem>> -> memref<1x!tpu.dma_semaphore, #tpu.memory_space<semaphore_mem>>
      %dma_start3A_452 = tpu.memref_squeeze %dma_start3A_451 : memref<1x!tpu.dma_semaphore, #tpu.memory_space<semaphore_mem>> -> memref<!tpu.dma_semaphore, #tpu.memory_space<semaphore_mem>>
      tpu.enqueue_indirect_dma source(%dma_start3A_450 : memref<1000000x16xf32, #tpu.memory_space<hbm>>) target(%dma_start3A_444 : memref<128x16xf32, #tpu.memory_space<vmem>>) offsets(%dma_start3A_447 : memref<128xi32, #tpu.memory_space<vmem>>) semaphore(%dma_start3A_452 : memref<!tpu.dma_semaphore, #tpu.memory_space<semaphore_mem>>)
      %dma_start3A_453 = arith.constant 256 : i32
      %dma_start3A_454 = arith.constant 0 : i32
      %dma_start3A_455 = tpu.memref_slice %arg13[%and3A_426, %dma_start3A_453, %dma_start3A_454] : memref<2x512x16xf32, #tpu.memory_space<vmem>> -> memref<1x128x16xf32, #tpu.memory_space<vmem>>
      %dma_start3A_456 = tpu.memref_squeeze %dma_start3A_455 : memref<1x128x16xf32, #tpu.memory_space<vmem>> -> memref<128x16xf32, #tpu.memory_space<vmem>>
      %dma_start3A_457 = arith.constant 256 : i32
      %dma_start3A_458 = tpu.memref_slice %arg10[%and3A_424, %dma_start3A_457] : memref<4x512xi32, #tpu.memory_space<vmem>> -> memref<1x128xi32, #tpu.memory_space<vmem>>
      %dma_start3A_459 = tpu.memref_squeeze %dma_start3A_458 : memref<1x128xi32, #tpu.memory_space<vmem>> -> memref<128xi32, #tpu.memory_space<vmem>>
      %dma_start3A_460 = arith.constant 0 : i32
      %dma_start3A_461 = arith.constant 0 : i32
      %dma_start3A_462 = tpu.memref_slice %arg2[%dma_start3A_460, %dma_start3A_461] : memref<1000000x16xf32, #tpu.memory_space<hbm>> -> memref<1000000x16xf32, #tpu.memory_space<hbm>>
      %dma_start3A_463 = tpu.memref_slice %arg16[%and3A_426] : memref<2x!tpu.dma_semaphore, #tpu.memory_space<semaphore_mem>> -> memref<1x!tpu.dma_semaphore, #tpu.memory_space<semaphore_mem>>
      %dma_start3A_464 = tpu.memref_squeeze %dma_start3A_463 : memref<1x!tpu.dma_semaphore, #tpu.memory_space<semaphore_mem>> -> memref<!tpu.dma_semaphore, #tpu.memory_space<semaphore_mem>>
      tpu.enqueue_indirect_dma source(%dma_start3A_462 : memref<1000000x16xf32, #tpu.memory_space<hbm>>) target(%dma_start3A_456 : memref<128x16xf32, #tpu.memory_space<vmem>>) offsets(%dma_start3A_459 : memref<128xi32, #tpu.memory_space<vmem>>) semaphore(%dma_start3A_464 : memref<!tpu.dma_semaphore, #tpu.memory_space<semaphore_mem>>)
      %dma_start3A_465 = arith.constant 384 : i32
      %dma_start3A_466 = arith.constant 0 : i32
      %dma_start3A_467 = tpu.memref_slice %arg13[%and3A_426, %dma_start3A_465, %dma_start3A_466] : memref<2x512x16xf32, #tpu.memory_space<vmem>> -> memref<1x128x16xf32, #tpu.memory_space<vmem>>
      %dma_start3A_468 = tpu.memref_squeeze %dma_start3A_467 : memref<1x128x16xf32, #tpu.memory_space<vmem>> -> memref<128x16xf32, #tpu.memory_space<vmem>>
      %dma_start3A_469 = arith.constant 384 : i32
      %dma_start3A_470 = tpu.memref_slice %arg10[%and3A_424, %dma_start3A_469] : memref<4x512xi32, #tpu.memory_space<vmem>> -> memref<1x128xi32, #tpu.memory_space<vmem>>
      %dma_start3A_471 = tpu.memref_squeeze %dma_start3A_470 : memref<1x128xi32, #tpu.memory_space<vmem>> -> memref<128xi32, #tpu.memory_space<vmem>>
      %dma_start3A_472 = arith.constant 0 : i32
      %dma_start3A_473 = arith.constant 0 : i32
      %dma_start3A_474 = tpu.memref_slice %arg2[%dma_start3A_472, %dma_start3A_473] : memref<1000000x16xf32, #tpu.memory_space<hbm>> -> memref<1000000x16xf32, #tpu.memory_space<hbm>>
      %dma_start3A_475 = tpu.memref_slice %arg16[%and3A_426] : memref<2x!tpu.dma_semaphore, #tpu.memory_space<semaphore_mem>> -> memref<1x!tpu.dma_semaphore, #tpu.memory_space<semaphore_mem>>
      %dma_start3A_476 = tpu.memref_squeeze %dma_start3A_475 : memref<1x!tpu.dma_semaphore, #tpu.memory_space<semaphore_mem>> -> memref<!tpu.dma_semaphore, #tpu.memory_space<semaphore_mem>>
      tpu.enqueue_indirect_dma source(%dma_start3A_474 : memref<1000000x16xf32, #tpu.memory_space<hbm>>) target(%dma_start3A_468 : memref<128x16xf32, #tpu.memory_space<vmem>>) offsets(%dma_start3A_471 : memref<128xi32, #tpu.memory_space<vmem>>) semaphore(%dma_start3A_476 : memref<!tpu.dma_semaphore, #tpu.memory_space<semaphore_mem>>)
      %ge3A_477 = arith.constant 1 : i32
      %ge3A_478 = arith.cmpi sge, %while3A_421, %ge3A_477 : i32
      %convert_element_type3A_479 = arith.extui %ge3A_478 : i1 to i32
      %cond3A_480 = arith.constant 0 : i32
      %cond3A_481 = arith.cmpi ne, %convert_element_type3A_479, %cond3A_480 : i32
      scf.if %cond3A_481 {
        %sub3A_498 = arith.constant 1 : i32
        %sub3A_499 = arith.subi %while3A_421, %sub3A_498 : i32
        %and3A_500 = arith.constant 1 : i32
        %and3A_501 = arith.andi %sub3A_499, %and3A_500 : i32
        %sub3A_502 = arith.constant 1 : i32
        %sub3A_503 = arith.subi %while3A_421, %sub3A_502 : i32
        %and3A_504 = arith.constant 3 : i32
        %and3A_505 = arith.andi %sub3A_503, %and3A_504 : i32
        %dma_wait3A_506 = arith.constant 0 : i32
        %dma_wait3A_507 = arith.constant 0 : i32
        %dma_wait3A_508 = tpu.memref_slice %arg13[%and3A_501, %dma_wait3A_506, %dma_wait3A_507] : memref<2x512x16xf32, #tpu.memory_space<vmem>> -> memref<1x512x16xf32, #tpu.memory_space<vmem>>
        %dma_wait3A_509 = tpu.memref_squeeze %dma_wait3A_508 : memref<1x512x16xf32, #tpu.memory_space<vmem>> -> memref<512x16xf32, #tpu.memory_space<vmem>>
        %dma_wait3A_510 = arith.constant 0 : i32
        %dma_wait3A_511 = arith.constant 0 : i32
        %dma_wait3A_512 = tpu.memref_slice %arg2[%dma_wait3A_510, %dma_wait3A_511] : memref<1000000x16xf32, #tpu.memory_space<hbm>> -> memref<512x16xf32, #tpu.memory_space<hbm>>
        %dma_wait3A_513 = tpu.memref_slice %arg16[%and3A_501] : memref<2x!tpu.dma_semaphore, #tpu.memory_space<semaphore_mem>> -> memref<1x!tpu.dma_semaphore, #tpu.memory_space<semaphore_mem>>
        %dma_wait3A_514 = tpu.memref_squeeze %dma_wait3A_513 : memref<1x!tpu.dma_semaphore, #tpu.memory_space<semaphore_mem>> -> memref<!tpu.dma_semaphore, #tpu.memory_space<semaphore_mem>>
        %dma_wait3A_515 = arith.constant 0 : i32
        %dma_wait3A_516 = arith.constant 0 : i32
        %dma_wait3A_517 = tpu.memref_slice %arg13[%and3A_501, %dma_wait3A_515, %dma_wait3A_516] : memref<2x512x16xf32, #tpu.memory_space<vmem>> -> memref<1x512x16xf32, #tpu.memory_space<vmem>>
        %dma_wait3A_518 = tpu.memref_squeeze %dma_wait3A_517 : memref<1x512x16xf32, #tpu.memory_space<vmem>> -> memref<512x16xf32, #tpu.memory_space<vmem>>
        %dma_wait3A_519 = arith.constant 0 : i32
        %dma_wait3A_520 = arith.constant 0 : i32
        %dma_wait3A_521 = tpu.memref_slice %arg2[%dma_wait3A_519, %dma_wait3A_520] : memref<1000000x16xf32, #tpu.memory_space<hbm>> -> memref<512x16xf32, #tpu.memory_space<hbm>>
        tpu.wait_dma2 semaphore(%dma_wait3A_514 : memref<!tpu.dma_semaphore, #tpu.memory_space<semaphore_mem>>) src(%dma_wait3A_521 : memref<512x16xf32, #tpu.memory_space<hbm>>) dst(%dma_wait3A_518 : memref<512x16xf32, #tpu.memory_space<vmem>>)
        %parallel_loop3A_522 = arith.constant 0 : i32
        %parallel_loop3A_523 = arith.constant 32 : i32
        %parallel_loop3A_524 = arith.constant 1 : i32
        scf.for %parallel_loop3A_577 = %parallel_loop3A_522 to %parallel_loop3A_523 step %parallel_loop3A_524  : i32 {
          %parallel_loop3A_578 = arith.constant 16 : i32
          %parallel_loop3A_579 = arith.muli %parallel_loop3A_577, %parallel_loop3A_578 : i32
          %parallel_loop3A_580 = arith.index_cast %and3A_505 : i32 to index
          %parallel_loop3A_581 = arith.index_cast %parallel_loop3A_579 : i32 to index
          %parallel_loop3A_582 = tpu.vector_load %arg12[%parallel_loop3A_580, %parallel_loop3A_581] {strides = array<i32>} : memref<4x512xf32, #tpu.memory_space<vmem>>, vector<1x16xf32>,
          %parallel_loop3A_583 = vector.shape_cast %parallel_loop3A_582 : vector<1x16xf32> to vector<16xf32>
          %parallel_loop3A_584 = arith.constant 16 : i32
          %parallel_loop3A_585 = arith.muli %parallel_loop3A_577, %parallel_loop3A_584 : i32
          %parallel_loop3A_586 = arith.constant 0 : i32
          %parallel_loop3A_587 = arith.addi %parallel_loop3A_585, %parallel_loop3A_586 : i32
          %parallel_loop3A_588 = arith.index_cast %and3A_501 : i32 to index
          %parallel_loop3A_589 = arith.index_cast %parallel_loop3A_587 : i32 to index
          %parallel_loop3A_590 = arith.constant 0 : index
          %parallel_loop3A_591 = tpu.vector_load %arg13[%parallel_loop3A_588, %parallel_loop3A_589, %parallel_loop3A_590] {strides = array<i32>} : memref<2x512x16xf32, #tpu.memory_space<vmem>>, vector<1x1x16xf32>,
          %parallel_loop3A_592 = vector.shape_cast %parallel_loop3A_591 : vector<1x1x16xf32> to vector<16xf32>
          %parallel_loop3A_593 = arith.constant 0 : i32
          %parallel_loop3A_594 = vector.broadcast %parallel_loop3A_593 : i32 to vector<16x1xi32>
          %parallel_loop3A_595 = vector.shape_cast %parallel_loop3A_594 : vector<16x1xi32> to vector<16xi32>
          %parallel_loop3A_596 = tpu.dynamic_gather %parallel_loop3A_583[%parallel_loop3A_595] in [0] : vector<16xf32>, vector<16xi32> -> vector<16xf32>
          %parallel_loop3A_597 = arith.mulf %parallel_loop3A_592, %parallel_loop3A_596 : vector<16xf32>
          %parallel_loop3A_598 = arith.constant 0 : i32
          %parallel_loop3A_599 = arith.addi %parallel_loop3A_585, %parallel_loop3A_598 : i32
          %parallel_loop3A_600 = arith.index_cast %and3A_501 : i32 to index
          %parallel_loop3A_601 = arith.index_cast %parallel_loop3A_599 : i32 to index
          %parallel_loop3A_602 = arith.constant 0 : index
          %parallel_loop3A_603 = tpu.vector_load %arg13[%parallel_loop3A_600, %parallel_loop3A_601, %parallel_loop3A_602] {strides = array<i32>} : memref<2x512x16xf32, #tpu.memory_space<vmem>>, vector<1x1x16xf32>,
          %parallel_loop3A_604 = vector.shape_cast %parallel_loop3A_603 : vector<1x1x16xf32> to vector<16xf32>
          %parallel_loop3A_605 = vector.shape_cast %parallel_loop3A_597 : vector<16xf32> to vector<1x1x16xf32>
          tpu.vector_store %arg13[%parallel_loop3A_600, %parallel_loop3A_601, %parallel_loop3A_602], %parallel_loop3A_605 {strides = array<i32>} : memref<2x512x16xf32, #tpu.memory_space<vmem>>, vector<1x1x16xf32>,
          %parallel_loop3A_606 = arith.constant 1 : i32
          %parallel_loop3A_607 = arith.addi %parallel_loop3A_585, %parallel_loop3A_606 : i32
          %parallel_loop3A_608 = arith.index_cast %and3A_501 : i32 to index
          %parallel_loop3A_609 = arith.index_cast %parallel_loop3A_607 : i32 to index
          %parallel_loop3A_610 = arith.constant 0 : index
          %parallel_loop3A_611 = tpu.vector_load %arg13[%parallel_loop3A_608, %parallel_loop3A_609, %parallel_loop3A_610] {strides = array<i32>} : memref<2x512x16xf32, #tpu.memory_space<vmem>>, vector<1x1x16xf32>,
          %parallel_loop3A_612 = vector.shape_cast %parallel_loop3A_611 : vector<1x1x16xf32> to vector<16xf32>
          %parallel_loop3A_613 = arith.constant 1 : i32
          %parallel_loop3A_614 = vector.broadcast %parallel_loop3A_613 : i32 to vector<16x1xi32>
          %parallel_loop3A_615 = vector.shape_cast %parallel_loop3A_614 : vector<16x1xi32> to vector<16xi32>
          %parallel_loop3A_616 = tpu.dynamic_gather %parallel_loop3A_583[%parallel_loop3A_615] in [0] : vector<16xf32>, vector<16xi32> -> vector<16xf32>
          %parallel_loop3A_617 = arith.mulf %parallel_loop3A_612, %parallel_loop3A_616 : vector<16xf32>
          %parallel_loop3A_618 = arith.constant 1 : i32
          %parallel_loop3A_619 = arith.addi %parallel_loop3A_585, %parallel_loop3A_618 : i32
          %parallel_loop3A_620 = arith.index_cast %and3A_501 : i32 to index
          %parallel_loop3A_621 = arith.index_cast %parallel_loop3A_619 : i32 to index
          %parallel_loop3A_622 = arith.constant 0 : index
          %parallel_loop3A_623 = tpu.vector_load %arg13[%parallel_loop3A_620, %parallel_loop3A_621, %parallel_loop3A_622] {strides = array<i32>} : memref<2x512x16xf32, #tpu.memory_space<vmem>>, vector<1x1x16xf32>,
          %parallel_loop3A_624 = vector.shape_cast %parallel_loop3A_623 : vector<1x1x16xf32> to vector<16xf32>
          %parallel_loop3A_625 = vector.shape_cast %parallel_loop3A_617 : vector<16xf32> to vector<1x1x16xf32>
          tpu.vector_store %arg13[%parallel_loop3A_620, %parallel_loop3A_621, %parallel_loop3A_622], %parallel_loop3A_625 {strides = array<i32>} : memref<2x512x16xf32, #tpu.memory_space<vmem>>, vector<1x1x16xf32>,
          %parallel_loop3A_626 = arith.constant 2 : i32
          %parallel_loop3A_627 = arith.addi %parallel_loop3A_585, %parallel_loop3A_626 : i32
          %parallel_loop3A_628 = arith.index_cast %and3A_501 : i32 to index
          %parallel_loop3A_629 = arith.index_cast %parallel_loop3A_627 : i32 to index
          %parallel_loop3A_630 = arith.constant 0 : index
          %parallel_loop3A_631 = tpu.vector_load %arg13[%parallel_loop3A_628, %parallel_loop3A_629, %parallel_loop3A_630] {strides = array<i32>} : memref<2x512x16xf32, #tpu.memory_space<vmem>>, vector<1x1x16xf32>,
          %parallel_loop3A_632 = vector.shape_cast %parallel_loop3A_631 : vector<1x1x16xf32> to vector<16xf32>
          %parallel_loop3A_633 = arith.constant 2 : i32
          %parallel_loop3A_634 = vector.broadcast %parallel_loop3A_633 : i32 to vector<16x1xi32>
          %parallel_loop3A_635 = vector.shape_cast %parallel_loop3A_634 : vector<16x1xi32> to vector<16xi32>
          %parallel_loop3A_636 = tpu.dynamic_gather %parallel_loop3A_583[%parallel_loop3A_635] in [0] : vector<16xf32>, vector<16xi32> -> vector<16xf32>
          %parallel_loop3A_637 = arith.mulf %parallel_loop3A_632, %parallel_loop3A_636 : vector<16xf32>
          %parallel_loop3A_638 = arith.constant 2 : i32
          %parallel_loop3A_639 = arith.addi %parallel_loop3A_585, %parallel_loop3A_638 : i32
          %parallel_loop3A_640 = arith.index_cast %and3A_501 : i32 to index
          %parallel_loop3A_641 = arith.index_cast %parallel_loop3A_639 : i32 to index
          %parallel_loop3A_642 = arith.constant 0 : index
          %parallel_loop3A_643 = tpu.vector_load %arg13[%parallel_loop3A_640, %parallel_loop3A_641, %parallel_loop3A_642] {strides = array<i32>} : memref<2x512x16xf32, #tpu.memory_space<vmem>>, vector<1x1x16xf32>,
          %parallel_loop3A_644 = vector.shape_cast %parallel_loop3A_643 : vector<1x1x16xf32> to vector<16xf32>
          %parallel_loop3A_645 = vector.shape_cast %parallel_loop3A_637 : vector<16xf32> to vector<1x1x16xf32>
          tpu.vector_store %arg13[%parallel_loop3A_640, %parallel_loop3A_641, %parallel_loop3A_642], %parallel_loop3A_645 {strides = array<i32>} : memref<2x512x16xf32, #tpu.memory_space<vmem>>, vector<1x1x16xf32>,
          %parallel_loop3A_646 = arith.constant 3 : i32
          %parallel_loop3A_647 = arith.addi %parallel_loop3A_585, %parallel_loop3A_646 : i32
          %parallel_loop3A_648 = arith.index_cast %and3A_501 : i32 to index
          %parallel_loop3A_649 = arith.index_cast %parallel_loop3A_647 : i32 to index
          %parallel_loop3A_650 = arith.constant 0 : index
          %parallel_loop3A_651 = tpu.vector_load %arg13[%parallel_loop3A_648, %parallel_loop3A_649, %parallel_loop3A_650] {strides = array<i32>} : memref<2x512x16xf32, #tpu.memory_space<vmem>>, vector<1x1x16xf32>,
          %parallel_loop3A_652 = vector.shape_cast %parallel_loop3A_651 : vector<1x1x16xf32> to vector<16xf32>
          %parallel_loop3A_653 = arith.constant 3 : i32
          %parallel_loop3A_654 = vector.broadcast %parallel_loop3A_653 : i32 to vector<16x1xi32>
          %parallel_loop3A_655 = vector.shape_cast %parallel_loop3A_654 : vector<16x1xi32> to vector<16xi32>
          %parallel_loop3A_656 = tpu.dynamic_gather %parallel_loop3A_583[%parallel_loop3A_655] in [0] : vector<16xf32>, vector<16xi32> -> vector<16xf32>
          %parallel_loop3A_657 = arith.mulf %parallel_loop3A_652, %parallel_loop3A_656 : vector<16xf32>
          %parallel_loop3A_658 = arith.constant 3 : i32
          %parallel_loop3A_659 = arith.addi %parallel_loop3A_585, %parallel_loop3A_658 : i32
          %parallel_loop3A_660 = arith.index_cast %and3A_501 : i32 to index
          %parallel_loop3A_661 = arith.index_cast %parallel_loop3A_659 : i32 to index
          %parallel_loop3A_662 = arith.constant 0 : index
          %parallel_loop3A_663 = tpu.vector_load %arg13[%parallel_loop3A_660, %parallel_loop3A_661, %parallel_loop3A_662] {strides = array<i32>} : memref<2x512x16xf32, #tpu.memory_space<vmem>>, vector<1x1x16xf32>,
          %parallel_loop3A_664 = vector.shape_cast %parallel_loop3A_663 : vector<1x1x16xf32> to vector<16xf32>
          %parallel_loop3A_665 = vector.shape_cast %parallel_loop3A_657 : vector<16xf32> to vector<1x1x16xf32>
          tpu.vector_store %arg13[%parallel_loop3A_660, %parallel_loop3A_661, %parallel_loop3A_662], %parallel_loop3A_665 {strides = array<i32>} : memref<2x512x16xf32, #tpu.memory_space<vmem>>, vector<1x1x16xf32>,
          %parallel_loop3A_666 = arith.constant 4 : i32
          %parallel_loop3A_667 = arith.addi %parallel_loop3A_585, %parallel_loop3A_666 : i32
          %parallel_loop3A_668 = arith.index_cast %and3A_501 : i32 to index
          %parallel_loop3A_669 = arith.index_cast %parallel_loop3A_667 : i32 to index
          %parallel_loop3A_670 = arith.constant 0 : index
          %parallel_loop3A_671 = tpu.vector_load %arg13[%parallel_loop3A_668, %parallel_loop3A_669, %parallel_loop3A_670] {strides = array<i32>} : memref<2x512x16xf32, #tpu.memory_space<vmem>>, vector<1x1x16xf32>,
          %parallel_loop3A_672 = vector.shape_cast %parallel_loop3A_671 : vector<1x1x16xf32> to vector<16xf32>
          %parallel_loop3A_673 = arith.constant 4 : i32
          %parallel_loop3A_674 = vector.broadcast %parallel_loop3A_673 : i32 to vector<16x1xi32>
          %parallel_loop3A_675 = vector.shape_cast %parallel_loop3A_674 : vector<16x1xi32> to vector<16xi32>
          %parallel_loop3A_676 = tpu.dynamic_gather %parallel_loop3A_583[%parallel_loop3A_675] in [0] : vector<16xf32>, vector<16xi32> -> vector<16xf32>
          %parallel_loop3A_677 = arith.mulf %parallel_loop3A_672, %parallel_loop3A_676 : vector<16xf32>
          %parallel_loop3A_678 = arith.constant 4 : i32
          %parallel_loop3A_679 = arith.addi %parallel_loop3A_585, %parallel_loop3A_678 : i32
          %parallel_loop3A_680 = arith.index_cast %and3A_501 : i32 to index
          %parallel_loop3A_681 = arith.index_cast %parallel_loop3A_679 : i32 to index
          %parallel_loop3A_682 = arith.constant 0 : index
          %parallel_loop3A_683 = tpu.vector_load %arg13[%parallel_loop3A_680, %parallel_loop3A_681, %parallel_loop3A_682] {strides = array<i32>} : memref<2x512x16xf32, #tpu.memory_space<vmem>>, vector<1x1x16xf32>,
          %parallel_loop3A_684 = vector.shape_cast %parallel_loop3A_683 : vector<1x1x16xf32> to vector<16xf32>
          %parallel_loop3A_685 = vector.shape_cast %parallel_loop3A_677 : vector<16xf32> to vector<1x1x16xf32>
          tpu.vector_store %arg13[%parallel_loop3A_680, %parallel_loop3A_681, %parallel_loop3A_682], %parallel_loop3A_685 {strides = array<i32>} : memref<2x512x16xf32, #tpu.memory_space<vmem>>, vector<1x1x16xf32>,
          %parallel_loop3A_686 = arith.constant 5 : i32
          %parallel_loop3A_687 = arith.addi %parallel_loop3A_585, %parallel_loop3A_686 : i32
          %parallel_loop3A_688 = arith.index_cast %and3A_501 : i32 to index
          %parallel_loop3A_689 = arith.index_cast %parallel_loop3A_687 : i32 to index
          %parallel_loop3A_690 = arith.constant 0 : index
          %parallel_loop3A_691 = tpu.vector_load %arg13[%parallel_loop3A_688, %parallel_loop3A_689, %parallel_loop3A_690] {strides = array<i32>} : memref<2x512x16xf32, #tpu.memory_space<vmem>>, vector<1x1x16xf32>,
          %parallel_loop3A_692 = vector.shape_cast %parallel_loop3A_691 : vector<1x1x16xf32> to vector<16xf32>
          %parallel_loop3A_693 = arith.constant 5 : i32
          %parallel_loop3A_694 = vector.broadcast %parallel_loop3A_693 : i32 to vector<16x1xi32>
          %parallel_loop3A_695 = vector.shape_cast %parallel_loop3A_694 : vector<16x1xi32> to vector<16xi32>
          %parallel_loop3A_696 = tpu.dynamic_gather %parallel_loop3A_583[%parallel_loop3A_695] in [0] : vector<16xf32>, vector<16xi32> -> vector<16xf32>
          %parallel_loop3A_697 = arith.mulf %parallel_loop3A_692, %parallel_loop3A_696 : vector<16xf32>
          %parallel_loop3A_698 = arith.constant 5 : i32
          %parallel_loop3A_699 = arith.addi %parallel_loop3A_585, %parallel_loop3A_698 : i32
          %parallel_loop3A_700 = arith.index_cast %and3A_501 : i32 to index
          %parallel_loop3A_701 = arith.index_cast %parallel_loop3A_699 : i32 to index
          %parallel_loop3A_702 = arith.constant 0 : index
          %parallel_loop3A_703 = tpu.vector_load %arg13[%parallel_loop3A_700, %parallel_loop3A_701, %parallel_loop3A_702] {strides = array<i32>} : memref<2x512x16xf32, #tpu.memory_space<vmem>>, vector<1x1x16xf32>,
          %parallel_loop3A_704 = vector.shape_cast %parallel_loop3A_703 : vector<1x1x16xf32> to vector<16xf32>
          %parallel_loop3A_705 = vector.shape_cast %parallel_loop3A_697 : vector<16xf32> to vector<1x1x16xf32>
          tpu.vector_store %arg13[%parallel_loop3A_700, %parallel_loop3A_701, %parallel_loop3A_702], %parallel_loop3A_705 {strides = array<i32>} : memref<2x512x16xf32, #tpu.memory_space<vmem>>, vector<1x1x16xf32>,
          %parallel_loop3A_706 = arith.constant 6 : i32
          %parallel_loop3A_707 = arith.addi %parallel_loop3A_585, %parallel_loop3A_706 : i32
          %parallel_loop3A_708 = arith.index_cast %and3A_501 : i32 to index
          %parallel_loop3A_709 = arith.index_cast %parallel_loop3A_707 : i32 to index
          %parallel_loop3A_710 = arith.constant 0 : index
          %parallel_loop3A_711 = tpu.vector_load %arg13[%parallel_loop3A_708, %parallel_loop3A_709, %parallel_loop3A_710] {strides = array<i32>} : memref<2x512x16xf32, #tpu.memory_space<vmem>>, vector<1x1x16xf32>,
          %parallel_loop3A_712 = vector.shape_cast %parallel_loop3A_711 : vector<1x1x16xf32> to vector<16xf32>
          %parallel_loop3A_713 = arith.constant 6 : i32
          %parallel_loop3A_714 = vector.broadcast %parallel_loop3A_713 : i32 to vector<16x1xi32>
          %parallel_loop3A_715 = vector.shape_cast %parallel_loop3A_714 : vector<16x1xi32> to vector<16xi32>
          %parallel_loop3A_716 = tpu.dynamic_gather %parallel_loop3A_583[%parallel_loop3A_715] in [0] : vector<16xf32>, vector<16xi32> -> vector<16xf32>
          %parallel_loop3A_717 = arith.mulf %parallel_loop3A_712, %parallel_loop3A_716 : vector<16xf32>
          %parallel_loop3A_718 = arith.constant 6 : i32
          %parallel_loop3A_719 = arith.addi %parallel_loop3A_585, %parallel_loop3A_718 : i32
          %parallel_loop3A_720 = arith.index_cast %and3A_501 : i32 to index
          %parallel_loop3A_721 = arith.index_cast %parallel_loop3A_719 : i32 to index
          %parallel_loop3A_722 = arith.constant 0 : index
          %parallel_loop3A_723 = tpu.vector_load %arg13[%parallel_loop3A_720, %parallel_loop3A_721, %parallel_loop3A_722] {strides = array<i32>} : memref<2x512x16xf32, #tpu.memory_space<vmem>>, vector<1x1x16xf32>,
          %parallel_loop3A_724 = vector.shape_cast %parallel_loop3A_723 : vector<1x1x16xf32> to vector<16xf32>
          %parallel_loop3A_725 = vector.shape_cast %parallel_loop3A_717 : vector<16xf32> to vector<1x1x16xf32>
          tpu.vector_store %arg13[%parallel_loop3A_720, %parallel_loop3A_721, %parallel_loop3A_722], %parallel_loop3A_725 {strides = array<i32>} : memref<2x512x16xf32, #tpu.memory_space<vmem>>, vector<1x1x16xf32>,
          %parallel_loop3A_726 = arith.constant 7 : i32
          %parallel_loop3A_727 = arith.addi %parallel_loop3A_585, %parallel_loop3A_726 : i32
          %parallel_loop3A_728 = arith.index_cast %and3A_501 : i32 to index
          %parallel_loop3A_729 = arith.index_cast %parallel_loop3A_727 : i32 to index
          %parallel_loop3A_730 = arith.constant 0 : index
          %parallel_loop3A_731 = tpu.vector_load %arg13[%parallel_loop3A_728, %parallel_loop3A_729, %parallel_loop3A_730] {strides = array<i32>} : memref<2x512x16xf32, #tpu.memory_space<vmem>>, vector<1x1x16xf32>,
          %parallel_loop3A_732 = vector.shape_cast %parallel_loop3A_731 : vector<1x1x16xf32> to vector<16xf32>
          %parallel_loop3A_733 = arith.constant 7 : i32
          %parallel_loop3A_734 = vector.broadcast %parallel_loop3A_733 : i32 to vector<16x1xi32>
          %parallel_loop3A_735 = vector.shape_cast %parallel_loop3A_734 : vector<16x1xi32> to vector<16xi32>
          %parallel_loop3A_736 = tpu.dynamic_gather %parallel_loop3A_583[%parallel_loop3A_735] in [0] : vector<16xf32>, vector<16xi32> -> vector<16xf32>
          %parallel_loop3A_737 = arith.mulf %parallel_loop3A_732, %parallel_loop3A_736 : vector<16xf32>
          %parallel_loop3A_738 = arith.constant 7 : i32
          %parallel_loop3A_739 = arith.addi %parallel_loop3A_585, %parallel_loop3A_738 : i32
          %parallel_loop3A_740 = arith.index_cast %and3A_501 : i32 to index
          %parallel_loop3A_741 = arith.index_cast %parallel_loop3A_739 : i32 to index
          %parallel_loop3A_742 = arith.constant 0 : index
          %parallel_loop3A_743 = tpu.vector_load %arg13[%parallel_loop3A_740, %parallel_loop3A_741, %parallel_loop3A_742] {strides = array<i32>} : memref<2x512x16xf32, #tpu.memory_space<vmem>>, vector<1x1x16xf32>,
          %parallel_loop3A_744 = vector.shape_cast %parallel_loop3A_743 : vector<1x1x16xf32> to vector<16xf32>
          %parallel_loop3A_745 = vector.shape_cast %parallel_loop3A_737 : vector<16xf32> to vector<1x1x16xf32>
          tpu.vector_store %arg13[%parallel_loop3A_740, %parallel_loop3A_741, %parallel_loop3A_742], %parallel_loop3A_745 {strides = array<i32>} : memref<2x512x16xf32, #tpu.memory_space<vmem>>, vector<1x1x16xf32>,
          %parallel_loop3A_746 = arith.constant 8 : i32
          %parallel_loop3A_747 = arith.addi %parallel_loop3A_585, %parallel_loop3A_746 : i32
          %parallel_loop3A_748 = arith.index_cast %and3A_501 : i32 to index
          %parallel_loop3A_749 = arith.index_cast %parallel_loop3A_747 : i32 to index
          %parallel_loop3A_750 = arith.constant 0 : index
          %parallel_loop3A_751 = tpu.vector_load %arg13[%parallel_loop3A_748, %parallel_loop3A_749, %parallel_loop3A_750] {strides = array<i32>} : memref<2x512x16xf32, #tpu.memory_space<vmem>>, vector<1x1x16xf32>,
          %parallel_loop3A_752 = vector.shape_cast %parallel_loop3A_751 : vector<1x1x16xf32> to vector<16xf32>
          %parallel_loop3A_753 = arith.constant 8 : i32
          %parallel_loop3A_754 = vector.broadcast %parallel_loop3A_753 : i32 to vector<16x1xi32>
          %parallel_loop3A_755 = vector.shape_cast %parallel_loop3A_754 : vector<16x1xi32> to vector<16xi32>
          %parallel_loop3A_756 = tpu.dynamic_gather %parallel_loop3A_583[%parallel_loop3A_755] in [0] : vector<16xf32>, vector<16xi32> -> vector<16xf32>
          %parallel_loop3A_757 = arith.mulf %parallel_loop3A_752, %parallel_loop3A_756 : vector<16xf32>
          %parallel_loop3A_758 = arith.constant 8 : i32
          %parallel_loop3A_759 = arith.addi %parallel_loop3A_585, %parallel_loop3A_758 : i32
          %parallel_loop3A_760 = arith.index_cast %and3A_501 : i32 to index
          %parallel_loop3A_761 = arith.index_cast %parallel_loop3A_759 : i32 to index
          %parallel_loop3A_762 = arith.constant 0 : index
          %parallel_loop3A_763 = tpu.vector_load %arg13[%parallel_loop3A_760, %parallel_loop3A_761, %parallel_loop3A_762] {strides = array<i32>} : memref<2x512x16xf32, #tpu.memory_space<vmem>>, vector<1x1x16xf32>,
          %parallel_loop3A_764 = vector.shape_cast %parallel_loop3A_763 : vector<1x1x16xf32> to vector<16xf32>
          %parallel_loop3A_765 = vector.shape_cast %parallel_loop3A_757 : vector<16xf32> to vector<1x1x16xf32>
          tpu.vector_store %arg13[%parallel_loop3A_760, %parallel_loop3A_761, %parallel_loop3A_762], %parallel_loop3A_765 {strides = array<i32>} : memref<2x512x16xf32, #tpu.memory_space<vmem>>, vector<1x1x16xf32>,
          %parallel_loop3A_766 = arith.constant 9 : i32
          %parallel_loop3A_767 = arith.addi %parallel_loop3A_585, %parallel_loop3A_766 : i32
          %parallel_loop3A_768 = arith.index_cast %and3A_501 : i32 to index
          %parallel_loop3A_769 = arith.index_cast %parallel_loop3A_767 : i32 to index
          %parallel_loop3A_770 = arith.constant 0 : index
          %parallel_loop3A_771 = tpu.vector_load %arg13[%parallel_loop3A_768, %parallel_loop3A_769, %parallel_loop3A_770] {strides = array<i32>} : memref<2x512x16xf32, #tpu.memory_space<vmem>>, vector<1x1x16xf32>,
          %parallel_loop3A_772 = vector.shape_cast %parallel_loop3A_771 : vector<1x1x16xf32> to vector<16xf32>
          %parallel_loop3A_773 = arith.constant 9 : i32
          %parallel_loop3A_774 = vector.broadcast %parallel_loop3A_773 : i32 to vector<16x1xi32>
          %parallel_loop3A_775 = vector.shape_cast %parallel_loop3A_774 : vector<16x1xi32> to vector<16xi32>
          %parallel_loop3A_776 = tpu.dynamic_gather %parallel_loop3A_583[%parallel_loop3A_775] in [0] : vector<16xf32>, vector<16xi32> -> vector<16xf32>
          %parallel_loop3A_777 = arith.mulf %parallel_loop3A_772, %parallel_loop3A_776 : vector<16xf32>
          %parallel_loop3A_778 = arith.constant 9 : i32
          %parallel_loop3A_779 = arith.addi %parallel_loop3A_585, %parallel_loop3A_778 : i32
          %parallel_loop3A_780 = arith.index_cast %and3A_501 : i32 to index
          %parallel_loop3A_781 = arith.index_cast %parallel_loop3A_779 : i32 to index
          %parallel_loop3A_782 = arith.constant 0 : index
          %parallel_loop3A_783 = tpu.vector_load %arg13[%parallel_loop3A_780, %parallel_loop3A_781, %parallel_loop3A_782] {strides = array<i32>} : memref<2x512x16xf32, #tpu.memory_space<vmem>>, vector<1x1x16xf32>,
          %parallel_loop3A_784 = vector.shape_cast %parallel_loop3A_783 : vector<1x1x16xf32> to vector<16xf32>
          %parallel_loop3A_785 = vector.shape_cast %parallel_loop3A_777 : vector<16xf32> to vector<1x1x16xf32>
          tpu.vector_store %arg13[%parallel_loop3A_780, %parallel_loop3A_781, %parallel_loop3A_782], %parallel_loop3A_785 {strides = array<i32>} : memref<2x512x16xf32, #tpu.memory_space<vmem>>, vector<1x1x16xf32>,
          %parallel_loop3A_786 = arith.constant 10 : i32
          %parallel_loop3A_787 = arith.addi %parallel_loop3A_585, %parallel_loop3A_786 : i32
          %parallel_loop3A_788 = arith.index_cast %and3A_501 : i32 to index
          %parallel_loop3A_789 = arith.index_cast %parallel_loop3A_787 : i32 to index
          %parallel_loop3A_790 = arith.constant 0 : index
          %parallel_loop3A_791 = tpu.vector_load %arg13[%parallel_loop3A_788, %parallel_loop3A_789, %parallel_loop3A_790] {strides = array<i32>} : memref<2x512x16xf32, #tpu.memory_space<vmem>>, vector<1x1x16xf32>,
          %parallel_loop3A_792 = vector.shape_cast %parallel_loop3A_791 : vector<1x1x16xf32> to vector<16xf32>
          %parallel_loop3A_793 = arith.constant 10 : i32
          %parallel_loop3A_794 = vector.broadcast %parallel_loop3A_793 : i32 to vector<16x1xi32>
          %parallel_loop3A_795 = vector.shape_cast %parallel_loop3A_794 : vector<16x1xi32> to vector<16xi32>
          %parallel_loop3A_796 = tpu.dynamic_gather %parallel_loop3A_583[%parallel_loop3A_795] in [0] : vector<16xf32>, vector<16xi32> -> vector<16xf32>
          %parallel_loop3A_797 = arith.mulf %parallel_loop3A_792, %parallel_loop3A_796 : vector<16xf32>
          %parallel_loop3A_798 = arith.constant 10 : i32
          %parallel_loop3A_799 = arith.addi %parallel_loop3A_585, %parallel_loop3A_798 : i32
          %parallel_loop3A_800 = arith.index_cast %and3A_501 : i32 to index
          %parallel_loop3A_801 = arith.index_cast %parallel_loop3A_799 : i32 to index
          %parallel_loop3A_802 = arith.constant 0 : index
          %parallel_loop3A_803 = tpu.vector_load %arg13[%parallel_loop3A_800, %parallel_loop3A_801, %parallel_loop3A_802] {strides = array<i32>} : memref<2x512x16xf32, #tpu.memory_space<vmem>>, vector<1x1x16xf32>,
          %parallel_loop3A_804 = vector.shape_cast %parallel_loop3A_803 : vector<1x1x16xf32> to vector<16xf32>
          %parallel_loop3A_805 = vector.shape_cast %parallel_loop3A_797 : vector<16xf32> to vector<1x1x16xf32>
          tpu.vector_store %arg13[%parallel_loop3A_800, %parallel_loop3A_801, %parallel_loop3A_802], %parallel_loop3A_805 {strides = array<i32>} : memref<2x512x16xf32, #tpu.memory_space<vmem>>, vector<1x1x16xf32>,
          %parallel_loop3A_806 = arith.constant 11 : i32
          %parallel_loop3A_807 = arith.addi %parallel_loop3A_585, %parallel_loop3A_806 : i32
          %parallel_loop3A_808 = arith.index_cast %and3A_501 : i32 to index
          %parallel_loop3A_809 = arith.index_cast %parallel_loop3A_807 : i32 to index
          %parallel_loop3A_810 = arith.constant 0 : index
          %parallel_loop3A_811 = tpu.vector_load %arg13[%parallel_loop3A_808, %parallel_loop3A_809, %parallel_loop3A_810] {strides = array<i32>} : memref<2x512x16xf32, #tpu.memory_space<vmem>>, vector<1x1x16xf32>,
          %parallel_loop3A_812 = vector.shape_cast %parallel_loop3A_811 : vector<1x1x16xf32> to vector<16xf32>
          %parallel_loop3A_813 = arith.constant 11 : i32
          %parallel_loop3A_814 = vector.broadcast %parallel_loop3A_813 : i32 to vector<16x1xi32>
          %parallel_loop3A_815 = vector.shape_cast %parallel_loop3A_814 : vector<16x1xi32> to vector<16xi32>
          %parallel_loop3A_816 = tpu.dynamic_gather %parallel_loop3A_583[%parallel_loop3A_815] in [0] : vector<16xf32>, vector<16xi32> -> vector<16xf32>
          %parallel_loop3A_817 = arith.mulf %parallel_loop3A_812, %parallel_loop3A_816 : vector<16xf32>
          %parallel_loop3A_818 = arith.constant 11 : i32
          %parallel_loop3A_819 = arith.addi %parallel_loop3A_585, %parallel_loop3A_818 : i32
          %parallel_loop3A_820 = arith.index_cast %and3A_501 : i32 to index
          %parallel_loop3A_821 = arith.index_cast %parallel_loop3A_819 : i32 to index
          %parallel_loop3A_822 = arith.constant 0 : index
          %parallel_loop3A_823 = tpu.vector_load %arg13[%parallel_loop3A_820, %parallel_loop3A_821, %parallel_loop3A_822] {strides = array<i32>} : memref<2x512x16xf32, #tpu.memory_space<vmem>>, vector<1x1x16xf32>,
          %parallel_loop3A_824 = vector.shape_cast %parallel_loop3A_823 : vector<1x1x16xf32> to vector<16xf32>
          %parallel_loop3A_825 = vector.shape_cast %parallel_loop3A_817 : vector<16xf32> to vector<1x1x16xf32>
          tpu.vector_store %arg13[%parallel_loop3A_820, %parallel_loop3A_821, %parallel_loop3A_822], %parallel_loop3A_825 {strides = array<i32>} : memref<2x512x16xf32, #tpu.memory_space<vmem>>, vector<1x1x16xf32>,
          %parallel_loop3A_826 = arith.constant 12 : i32
          %parallel_loop3A_827 = arith.addi %parallel_loop3A_585, %parallel_loop3A_826 : i32
          %parallel_loop3A_828 = arith.index_cast %and3A_501 : i32 to index
          %parallel_loop3A_829 = arith.index_cast %parallel_loop3A_827 : i32 to index
          %parallel_loop3A_830 = arith.constant 0 : index
          %parallel_loop3A_831 = tpu.vector_load %arg13[%parallel_loop3A_828, %parallel_loop3A_829, %parallel_loop3A_830] {strides = array<i32>} : memref<2x512x16xf32, #tpu.memory_space<vmem>>, vector<1x1x16xf32>,
          %parallel_loop3A_832 = vector.shape_cast %parallel_loop3A_831 : vector<1x1x16xf32> to vector<16xf32>
          %parallel_loop3A_833 = arith.constant 12 : i32
          %parallel_loop3A_834 = vector.broadcast %parallel_loop3A_833 : i32 to vector<16x1xi32>
          %parallel_loop3A_835 = vector.shape_cast %parallel_loop3A_834 : vector<16x1xi32> to vector<16xi32>
          %parallel_loop3A_836 = tpu.dynamic_gather %parallel_loop3A_583[%parallel_loop3A_835] in [0] : vector<16xf32>, vector<16xi32> -> vector<16xf32>
          %parallel_loop3A_837 = arith.mulf %parallel_loop3A_832, %parallel_loop3A_836 : vector<16xf32>
          %parallel_loop3A_838 = arith.constant 12 : i32
          %parallel_loop3A_839 = arith.addi %parallel_loop3A_585, %parallel_loop3A_838 : i32
          %parallel_loop3A_840 = arith.index_cast %and3A_501 : i32 to index
          %parallel_loop3A_841 = arith.index_cast %parallel_loop3A_839 : i32 to index
          %parallel_loop3A_842 = arith.constant 0 : index
          %parallel_loop3A_843 = tpu.vector_load %arg13[%parallel_loop3A_840, %parallel_loop3A_841, %parallel_loop3A_842] {strides = array<i32>} : memref<2x512x16xf32, #tpu.memory_space<vmem>>, vector<1x1x16xf32>,
          %parallel_loop3A_844 = vector.shape_cast %parallel_loop3A_843 : vector<1x1x16xf32> to vector<16xf32>
          %parallel_loop3A_845 = vector.shape_cast %parallel_loop3A_837 : vector<16xf32> to vector<1x1x16xf32>
          tpu.vector_store %arg13[%parallel_loop3A_840, %parallel_loop3A_841, %parallel_loop3A_842], %parallel_loop3A_845 {strides = array<i32>} : memref<2x512x16xf32, #tpu.memory_space<vmem>>, vector<1x1x16xf32>,
          %parallel_loop3A_846 = arith.constant 13 : i32
          %parallel_loop3A_847 = arith.addi %parallel_loop3A_585, %parallel_loop3A_846 : i32
          %parallel_loop3A_848 = arith.index_cast %and3A_501 : i32 to index
          %parallel_loop3A_849 = arith.index_cast %parallel_loop3A_847 : i32 to index
          %parallel_loop3A_850 = arith.constant 0 : index
          %parallel_loop3A_851 = tpu.vector_load %arg13[%parallel_loop3A_848, %parallel_loop3A_849, %parallel_loop3A_850] {strides = array<i32>} : memref<2x512x16xf32, #tpu.memory_space<vmem>>, vector<1x1x16xf32>,
          %parallel_loop3A_852 = vector.shape_cast %parallel_loop3A_851 : vector<1x1x16xf32> to vector<16xf32>
          %parallel_loop3A_853 = arith.constant 13 : i32
          %parallel_loop3A_854 = vector.broadcast %parallel_loop3A_853 : i32 to vector<16x1xi32>
          %parallel_loop3A_855 = vector.shape_cast %parallel_loop3A_854 : vector<16x1xi32> to vector<16xi32>
          %parallel_loop3A_856 = tpu.dynamic_gather %parallel_loop3A_583[%parallel_loop3A_855] in [0] : vector<16xf32>, vector<16xi32> -> vector<16xf32>
          %parallel_loop3A_857 = arith.mulf %parallel_loop3A_852, %parallel_loop3A_856 : vector<16xf32>
          %parallel_loop3A_858 = arith.constant 13 : i32
          %parallel_loop3A_859 = arith.addi %parallel_loop3A_585, %parallel_loop3A_858 : i32
          %parallel_loop3A_860 = arith.index_cast %and3A_501 : i32 to index
          %parallel_loop3A_861 = arith.index_cast %parallel_loop3A_859 : i32 to index
          %parallel_loop3A_862 = arith.constant 0 : index
          %parallel_loop3A_863 = tpu.vector_load %arg13[%parallel_loop3A_860, %parallel_loop3A_861, %parallel_loop3A_862] {strides = array<i32>} : memref<2x512x16xf32, #tpu.memory_space<vmem>>, vector<1x1x16xf32>,
          %parallel_loop3A_864 = vector.shape_cast %parallel_loop3A_863 : vector<1x1x16xf32> to vector<16xf32>
          %parallel_loop3A_865 = vector.shape_cast %parallel_loop3A_857 : vector<16xf32> to vector<1x1x16xf32>
          tpu.vector_store %arg13[%parallel_loop3A_860, %parallel_loop3A_861, %parallel_loop3A_862], %parallel_loop3A_865 {strides = array<i32>} : memref<2x512x16xf32, #tpu.memory_space<vmem>>, vector<1x1x16xf32>,
          %parallel_loop3A_866 = arith.constant 14 : i32
          %parallel_loop3A_867 = arith.addi %parallel_loop3A_585, %parallel_loop3A_866 : i32
          %parallel_loop3A_868 = arith.index_cast %and3A_501 : i32 to index
          %parallel_loop3A_869 = arith.index_cast %parallel_loop3A_867 : i32 to index
          %parallel_loop3A_870 = arith.constant 0 : index
          %parallel_loop3A_871 = tpu.vector_load %arg13[%parallel_loop3A_868, %parallel_loop3A_869, %parallel_loop3A_870] {strides = array<i32>} : memref<2x512x16xf32, #tpu.memory_space<vmem>>, vector<1x1x16xf32>,
          %parallel_loop3A_872 = vector.shape_cast %parallel_loop3A_871 : vector<1x1x16xf32> to vector<16xf32>
          %parallel_loop3A_873 = arith.constant 14 : i32
          %parallel_loop3A_874 = vector.broadcast %parallel_loop3A_873 : i32 to vector<16x1xi32>
          %parallel_loop3A_875 = vector.shape_cast %parallel_loop3A_874 : vector<16x1xi32> to vector<16xi32>
          %parallel_loop3A_876 = tpu.dynamic_gather %parallel_loop3A_583[%parallel_loop3A_875] in [0] : vector<16xf32>, vector<16xi32> -> vector<16xf32>
          %parallel_loop3A_877 = arith.mulf %parallel_loop3A_872, %parallel_loop3A_876 : vector<16xf32>
          %parallel_loop3A_878 = arith.constant 14 : i32
          %parallel_loop3A_879 = arith.addi %parallel_loop3A_585, %parallel_loop3A_878 : i32
          %parallel_loop3A_880 = arith.index_cast %and3A_501 : i32 to index
          %parallel_loop3A_881 = arith.index_cast %parallel_loop3A_879 : i32 to index
          %parallel_loop3A_882 = arith.constant 0 : index
          %parallel_loop3A_883 = tpu.vector_load %arg13[%parallel_loop3A_880, %parallel_loop3A_881, %parallel_loop3A_882] {strides = array<i32>} : memref<2x512x16xf32, #tpu.memory_space<vmem>>, vector<1x1x16xf32>,
          %parallel_loop3A_884 = vector.shape_cast %parallel_loop3A_883 : vector<1x1x16xf32> to vector<16xf32>
          %parallel_loop3A_885 = vector.shape_cast %parallel_loop3A_877 : vector<16xf32> to vector<1x1x16xf32>
          tpu.vector_store %arg13[%parallel_loop3A_880, %parallel_loop3A_881, %parallel_loop3A_882], %parallel_loop3A_885 {strides = array<i32>} : memref<2x512x16xf32, #tpu.memory_space<vmem>>, vector<1x1x16xf32>,
          %parallel_loop3A_886 = arith.constant 15 : i32
          %parallel_loop3A_887 = arith.addi %parallel_loop3A_585, %parallel_loop3A_886 : i32
          %parallel_loop3A_888 = arith.index_cast %and3A_501 : i32 to index
          %parallel_loop3A_889 = arith.index_cast %parallel_loop3A_887 : i32 to index
          %parallel_loop3A_890 = arith.constant 0 : index
          %parallel_loop3A_891 = tpu.vector_load %arg13[%parallel_loop3A_888, %parallel_loop3A_889, %parallel_loop3A_890] {strides = array<i32>} : memref<2x512x16xf32, #tpu.memory_space<vmem>>, vector<1x1x16xf32>,
          %parallel_loop3A_892 = vector.shape_cast %parallel_loop3A_891 : vector<1x1x16xf32> to vector<16xf32>
          %parallel_loop3A_893 = arith.constant 15 : i32
          %parallel_loop3A_894 = vector.broadcast %parallel_loop3A_893 : i32 to vector<16x1xi32>
          %parallel_loop3A_895 = vector.shape_cast %parallel_loop3A_894 : vector<16x1xi32> to vector<16xi32>
          %parallel_loop3A_896 = tpu.dynamic_gather %parallel_loop3A_583[%parallel_loop3A_895] in [0] : vector<16xf32>, vector<16xi32> -> vector<16xf32>
          %parallel_loop3A_897 = arith.mulf %parallel_loop3A_892, %parallel_loop3A_896 : vector<16xf32>
          %parallel_loop3A_898 = arith.constant 15 : i32
          %parallel_loop3A_899 = arith.addi %parallel_loop3A_585, %parallel_loop3A_898 : i32
          %parallel_loop3A_900 = arith.index_cast %and3A_501 : i32 to index
          %parallel_loop3A_901 = arith.index_cast %parallel_loop3A_899 : i32 to index
          %parallel_loop3A_902 = arith.constant 0 : index
          %parallel_loop3A_903 = tpu.vector_load %arg13[%parallel_loop3A_900, %parallel_loop3A_901, %parallel_loop3A_902] {strides = array<i32>} : memref<2x512x16xf32, #tpu.memory_space<vmem>>, vector<1x1x16xf32>,
          %parallel_loop3A_904 = vector.shape_cast %parallel_loop3A_903 : vector<1x1x16xf32> to vector<16xf32>
          %parallel_loop3A_905 = vector.shape_cast %parallel_loop3A_897 : vector<16xf32> to vector<1x1x16xf32>
          tpu.vector_store %arg13[%parallel_loop3A_900, %parallel_loop3A_901, %parallel_loop3A_902], %parallel_loop3A_905 {strides = array<i32>} : memref<2x512x16xf32, #tpu.memory_space<vmem>>, vector<1x1x16xf32>,
        } {sc.loop_unroll_factor = 2 : i64, sc.parallel_access}
        %dma_start3A_525 = arith.constant 0 : i32
        %dma_start3A_526 = arith.constant 0 : i32
        %dma_start3A_527 = arith.constant 0 : i32
        %dma_start3A_528 = tpu.memref_slice %arg13[%and3A_501, %dma_start3A_526, %dma_start3A_527] : memref<2x512x16xf32, #tpu.memory_space<vmem>> -> memref<1x128x16xf32, #tpu.memory_space<vmem>>
        %dma_start3A_529 = tpu.memref_squeeze %dma_start3A_528 : memref<1x128x16xf32, #tpu.memory_space<vmem>> -> memref<128x16xf32, #tpu.memory_space<vmem>>
        %dma_start3A_530 = arith.constant 0 : i32
        %dma_start3A_531 = tpu.memref_slice %arg11[%and3A_505, %dma_start3A_525, %dma_start3A_530] : memref<4x4x128xi32, #tpu.memory_space<vmem>> -> memref<1x1x128xi32, #tpu.memory_space<vmem>>
        %dma_start3A_532 = tpu.memref_squeeze %dma_start3A_531 : memref<1x1x128xi32, #tpu.memory_space<vmem>> -> memref<128xi32, #tpu.memory_space<vmem>>
        %dma_start3A_533 = arith.constant 0 : i32
        %dma_start3A_534 = arith.constant 0 : i32
        %dma_start3A_535 = tpu.memref_slice %arg14[%dma_start3A_533, %dma_start3A_534] : memref<100096x16xf32, #tpu.memory_space<vmem_shared>> -> memref<100096x16xf32, #tpu.memory_space<vmem_shared>>
        %dma_start3A_536 = tpu.memref_slice %arg17[%and3A_501] : memref<2x!tpu.dma_semaphore, #tpu.memory_space<semaphore_mem>> -> memref<1x!tpu.dma_semaphore, #tpu.memory_space<semaphore_mem>>
        %dma_start3A_537 = tpu.memref_squeeze %dma_start3A_536 : memref<1x!tpu.dma_semaphore, #tpu.memory_space<semaphore_mem>> -> memref<!tpu.dma_semaphore, #tpu.memory_space<semaphore_mem>>
        tpu.enqueue_indirect_dma source(%dma_start3A_529 : memref<128x16xf32, #tpu.memory_space<vmem>>) target(%dma_start3A_535 : memref<100096x16xf32, #tpu.memory_space<vmem_shared>>) offsets(%dma_start3A_532 : memref<128xi32, #tpu.memory_space<vmem>>) semaphore(%dma_start3A_537 : memref<!tpu.dma_semaphore, #tpu.memory_space<semaphore_mem>>) {add = true}
        %dma_start3A_538 = arith.constant 1 : i32
        %dma_start3A_539 = arith.constant 128 : i32
        %dma_start3A_540 = arith.constant 0 : i32
        %dma_start3A_541 = tpu.memref_slice %arg13[%and3A_501, %dma_start3A_539, %dma_start3A_540] : memref<2x512x16xf32, #tpu.memory_space<vmem>> -> memref<1x128x16xf32, #tpu.memory_space<vmem>>
        %dma_start3A_542 = tpu.memref_squeeze %dma_start3A_541 : memref<1x128x16xf32, #tpu.memory_space<vmem>> -> memref<128x16xf32, #tpu.memory_space<vmem>>
        %dma_start3A_543 = arith.constant 0 : i32
        %dma_start3A_544 = tpu.memref_slice %arg11[%and3A_505, %dma_start3A_538, %dma_start3A_543] : memref<4x4x128xi32, #tpu.memory_space<vmem>> -> memref<1x1x128xi32, #tpu.memory_space<vmem>>
        %dma_start3A_545 = tpu.memref_squeeze %dma_start3A_544 : memref<1x1x128xi32, #tpu.memory_space<vmem>> -> memref<128xi32, #tpu.memory_space<vmem>>
        %dma_start3A_546 = arith.constant 0 : i32
        %dma_start3A_547 = arith.constant 0 : i32
        %dma_start3A_548 = tpu.memref_slice %arg14[%dma_start3A_546, %dma_start3A_547] : memref<100096x16xf32, #tpu.memory_space<vmem_shared>> -> memref<100096x16xf32, #tpu.memory_space<vmem_shared>>
        %dma_start3A_549 = tpu.memref_slice %arg17[%and3A_501] : memref<2x!tpu.dma_semaphore, #tpu.memory_space<semaphore_mem>> -> memref<1x!tpu.dma_semaphore, #tpu.memory_space<semaphore_mem>>
        %dma_start3A_550 = tpu.memref_squeeze %dma_start3A_549 : memref<1x!tpu.dma_semaphore, #tpu.memory_space<semaphore_mem>> -> memref<!tpu.dma_semaphore, #tpu.memory_space<semaphore_mem>>
        tpu.enqueue_indirect_dma source(%dma_start3A_542 : memref<128x16xf32, #tpu.memory_space<vmem>>) target(%dma_start3A_548 : memref<100096x16xf32, #tpu.memory_space<vmem_shared>>) offsets(%dma_start3A_545 : memref<128xi32, #tpu.memory_space<vmem>>) semaphore(%dma_start3A_550 : memref<!tpu.dma_semaphore, #tpu.memory_space<semaphore_mem>>) {add = true}
        %dma_start3A_551 = arith.constant 2 : i32
        %dma_start3A_552 = arith.constant 256 : i32
        %dma_start3A_553 = arith.constant 0 : i32
        %dma_start3A_554 = tpu.memref_slice %arg13[%and3A_501, %dma_start3A_552, %dma_start3A_553] : memref<2x512x16xf32, #tpu.memory_space<vmem>> -> memref<1x128x16xf32, #tpu.memory_space<vmem>>
        %dma_start3A_555 = tpu.memref_squeeze %dma_start3A_554 : memref<1x128x16xf32, #tpu.memory_space<vmem>> -> memref<128x16xf32, #tpu.memory_space<vmem>>
        %dma_start3A_556 = arith.constant 0 : i32
        %dma_start3A_557 = tpu.memref_slice %arg11[%and3A_505, %dma_start3A_551, %dma_start3A_556] : memref<4x4x128xi32, #tpu.memory_space<vmem>> -> memref<1x1x128xi32, #tpu.memory_space<vmem>>
        %dma_start3A_558 = tpu.memref_squeeze %dma_start3A_557 : memref<1x1x128xi32, #tpu.memory_space<vmem>> -> memref<128xi32, #tpu.memory_space<vmem>>
        %dma_start3A_559 = arith.constant 0 : i32
        %dma_start3A_560 = arith.constant 0 : i32
        %dma_start3A_561 = tpu.memref_slice %arg14[%dma_start3A_559, %dma_start3A_560] : memref<100096x16xf32, #tpu.memory_space<vmem_shared>> -> memref<100096x16xf32, #tpu.memory_space<vmem_shared>>
        %dma_start3A_562 = tpu.memref_slice %arg17[%and3A_501] : memref<2x!tpu.dma_semaphore, #tpu.memory_space<semaphore_mem>> -> memref<1x!tpu.dma_semaphore, #tpu.memory_space<semaphore_mem>>
        %dma_start3A_563 = tpu.memref_squeeze %dma_start3A_562 : memref<1x!tpu.dma_semaphore, #tpu.memory_space<semaphore_mem>> -> memref<!tpu.dma_semaphore, #tpu.memory_space<semaphore_mem>>
        tpu.enqueue_indirect_dma source(%dma_start3A_555 : memref<128x16xf32, #tpu.memory_space<vmem>>) target(%dma_start3A_561 : memref<100096x16xf32, #tpu.memory_space<vmem_shared>>) offsets(%dma_start3A_558 : memref<128xi32, #tpu.memory_space<vmem>>) semaphore(%dma_start3A_563 : memref<!tpu.dma_semaphore, #tpu.memory_space<semaphore_mem>>) {add = true}
        %dma_start3A_564 = arith.constant 3 : i32
        %dma_start3A_565 = arith.constant 384 : i32
        %dma_start3A_566 = arith.constant 0 : i32
        %dma_start3A_567 = tpu.memref_slice %arg13[%and3A_501, %dma_start3A_565, %dma_start3A_566] : memref<2x512x16xf32, #tpu.memory_space<vmem>> -> memref<1x128x16xf32, #tpu.memory_space<vmem>>
        %dma_start3A_568 = tpu.memref_squeeze %dma_start3A_567 : memref<1x128x16xf32, #tpu.memory_space<vmem>> -> memref<128x16xf32, #tpu.memory_space<vmem>>
        %dma_start3A_569 = arith.constant 0 : i32
        %dma_start3A_570 = tpu.memref_slice %arg11[%and3A_505, %dma_start3A_564, %dma_start3A_569] : memref<4x4x128xi32, #tpu.memory_space<vmem>> -> memref<1x1x128xi32, #tpu.memory_space<vmem>>
        %dma_start3A_571 = tpu.memref_squeeze %dma_start3A_570 : memref<1x1x128xi32, #tpu.memory_space<vmem>> -> memref<128xi32, #tpu.memory_space<vmem>>
        %dma_start3A_572 = arith.constant 0 : i32
        %dma_start3A_573 = arith.constant 0 : i32
        %dma_start3A_574 = tpu.memref_slice %arg14[%dma_start3A_572, %dma_start3A_573] : memref<100096x16xf32, #tpu.memory_space<vmem_shared>> -> memref<100096x16xf32, #tpu.memory_space<vmem_shared>>
        %dma_start3A_575 = tpu.memref_slice %arg17[%and3A_501] : memref<2x!tpu.dma_semaphore, #tpu.memory_space<semaphore_mem>> -> memref<1x!tpu.dma_semaphore, #tpu.memory_space<semaphore_mem>>
        %dma_start3A_576 = tpu.memref_squeeze %dma_start3A_575 : memref<1x!tpu.dma_semaphore, #tpu.memory_space<semaphore_mem>> -> memref<!tpu.dma_semaphore, #tpu.memory_space<semaphore_mem>>
        tpu.enqueue_indirect_dma source(%dma_start3A_568 : memref<128x16xf32, #tpu.memory_space<vmem>>) target(%dma_start3A_574 : memref<100096x16xf32, #tpu.memory_space<vmem_shared>>) offsets(%dma_start3A_571 : memref<128xi32, #tpu.memory_space<vmem>>) semaphore(%dma_start3A_576 : memref<!tpu.dma_semaphore, #tpu.memory_space<semaphore_mem>>) {add = true}
      } else {
      }
      %add3A_482 = arith.constant 1 : i32
      %add3A_483 = arith.addi %while3A_421, %add3A_482 : i32
      %lt3A = arith.cmpi slt, %add3A_483, %add3A_63 : i32
      %convert_element_type3A_484 = arith.extui %lt3A : i1 to i32
      %cond3A_485 = arith.constant 0 : i32
      %cond3A_486 = arith.cmpi ne, %convert_element_type3A_484, %cond3A_485 : i32
      scf.if %cond3A_486 {
        %add3A_498 = arith.constant 1 : i32
        %add3A_499 = arith.addi %while3A_421, %add3A_498 : i32
        %and3A_500 = arith.constant 3 : i32
        %and3A_501 = arith.andi %add3A_499, %and3A_500 : i32
        %dma_wait3A_502 = arith.constant 0 : i32
        %dma_wait3A_503 = tpu.memref_slice %arg8[%and3A_501, %dma_wait3A_502] : memref<4x512xi32, #tpu.memory_space<vmem>> -> memref<1x512xi32, #tpu.memory_space<vmem>>
        %dma_wait3A_504 = tpu.memref_squeeze %dma_wait3A_503 : memref<1x512xi32, #tpu.memory_space<vmem>> -> memref<512xi32, #tpu.memory_space<vmem>>
        %dma_wait3A_505 = arith.constant 0 : i32
        %dma_wait3A_506 = tpu.memref_slice %arg3[%dma_wait3A_505] : memref<1600000xi32, #tpu.memory_space<hbm>> -> memref<512xi32, #tpu.memory_space<hbm>>
        %dma_wait3A_507 = tpu.memref_slice %arg15[%and3A_501] : memref<4x!tpu.dma_semaphore, #tpu.memory_space<semaphore_mem>> -> memref<1x!tpu.dma_semaphore, #tpu.memory_space<semaphore_mem>>
        %dma_wait3A_508 = tpu.memref_squeeze %dma_wait3A_507 : memref<1x!tpu.dma_semaphore, #tpu.memory_space<semaphore_mem>> -> memref<!tpu.dma_semaphore, #tpu.memory_space<semaphore_mem>>
        %dma_wait3A_509 = arith.constant 0 : i32
        %dma_wait3A_510 = tpu.memref_slice %arg8[%and3A_501, %dma_wait3A_509] : memref<4x512xi32, #tpu.memory_space<vmem>> -> memref<1x512xi32, #tpu.memory_space<vmem>>
        %dma_wait3A_511 = tpu.memref_squeeze %dma_wait3A_510 : memref<1x512xi32, #tpu.memory_space<vmem>> -> memref<512xi32, #tpu.memory_space<vmem>>
        %dma_wait3A_512 = arith.constant 0 : i32
        %dma_wait3A_513 = tpu.memref_slice %arg3[%dma_wait3A_512] : memref<1600000xi32, #tpu.memory_space<hbm>> -> memref<512xi32, #tpu.memory_space<hbm>>
        tpu.wait_dma2 semaphore(%dma_wait3A_508 : memref<!tpu.dma_semaphore, #tpu.memory_space<semaphore_mem>>) src(%dma_wait3A_513 : memref<512xi32, #tpu.memory_space<hbm>>) dst(%dma_wait3A_511 : memref<512xi32, #tpu.memory_space<vmem>>)
        %dma_wait3A_514 = arith.constant 0 : i32
        %dma_wait3A_515 = tpu.memref_slice %arg9[%and3A_501, %dma_wait3A_514] : memref<4x512xi32, #tpu.memory_space<vmem>> -> memref<1x512xi32, #tpu.memory_space<vmem>>
        %dma_wait3A_516 = tpu.memref_squeeze %dma_wait3A_515 : memref<1x512xi32, #tpu.memory_space<vmem>> -> memref<512xi32, #tpu.memory_space<vmem>>
        %dma_wait3A_517 = arith.constant 0 : i32
        %dma_wait3A_518 = tpu.memref_slice %arg4[%dma_wait3A_517] : memref<1600000xi32, #tpu.memory_space<hbm>> -> memref<512xi32, #tpu.memory_space<hbm>>
        %dma_wait3A_519 = tpu.memref_slice %arg15[%and3A_501] : memref<4x!tpu.dma_semaphore, #tpu.memory_space<semaphore_mem>> -> memref<1x!tpu.dma_semaphore, #tpu.memory_space<semaphore_mem>>
        %dma_wait3A_520 = tpu.memref_squeeze %dma_wait3A_519 : memref<1x!tpu.dma_semaphore, #tpu.memory_space<semaphore_mem>> -> memref<!tpu.dma_semaphore, #tpu.memory_space<semaphore_mem>>
        %dma_wait3A_521 = arith.constant 0 : i32
        %dma_wait3A_522 = tpu.memref_slice %arg9[%and3A_501, %dma_wait3A_521] : memref<4x512xi32, #tpu.memory_space<vmem>> -> memref<1x512xi32, #tpu.memory_space<vmem>>
        %dma_wait3A_523 = tpu.memref_squeeze %dma_wait3A_522 : memref<1x512xi32, #tpu.memory_space<vmem>> -> memref<512xi32, #tpu.memory_space<vmem>>
        %dma_wait3A_524 = arith.constant 0 : i32
        %dma_wait3A_525 = tpu.memref_slice %arg4[%dma_wait3A_524] : memref<1600000xi32, #tpu.memory_space<hbm>> -> memref<512xi32, #tpu.memory_space<hbm>>
        tpu.wait_dma2 semaphore(%dma_wait3A_520 : memref<!tpu.dma_semaphore, #tpu.memory_space<semaphore_mem>>) src(%dma_wait3A_525 : memref<512xi32, #tpu.memory_space<hbm>>) dst(%dma_wait3A_523 : memref<512xi32, #tpu.memory_space<vmem>>)
        %dma_wait3A_526 = arith.constant 0 : i32
        %dma_wait3A_527 = tpu.memref_slice %arg12[%and3A_501, %dma_wait3A_526] : memref<4x512xf32, #tpu.memory_space<vmem>> -> memref<1x512xf32, #tpu.memory_space<vmem>>
        %dma_wait3A_528 = tpu.memref_squeeze %dma_wait3A_527 : memref<1x512xf32, #tpu.memory_space<vmem>> -> memref<512xf32, #tpu.memory_space<vmem>>
        %dma_wait3A_529 = arith.constant 0 : i32
        %dma_wait3A_530 = tpu.memref_slice %arg6[%dma_wait3A_529] : memref<1600000xf32, #tpu.memory_space<hbm>> -> memref<512xf32, #tpu.memory_space<hbm>>
        %dma_wait3A_531 = tpu.memref_slice %arg15[%and3A_501] : memref<4x!tpu.dma_semaphore, #tpu.memory_space<semaphore_mem>> -> memref<1x!tpu.dma_semaphore, #tpu.memory_space<semaphore_mem>>
        %dma_wait3A_532 = tpu.memref_squeeze %dma_wait3A_531 : memref<1x!tpu.dma_semaphore, #tpu.memory_space<semaphore_mem>> -> memref<!tpu.dma_semaphore, #tpu.memory_space<semaphore_mem>>
        %dma_wait3A_533 = arith.constant 0 : i32
        %dma_wait3A_534 = tpu.memref_slice %arg12[%and3A_501, %dma_wait3A_533] : memref<4x512xf32, #tpu.memory_space<vmem>> -> memref<1x512xf32, #tpu.memory_space<vmem>>
        %dma_wait3A_535 = tpu.memref_squeeze %dma_wait3A_534 : memref<1x512xf32, #tpu.memory_space<vmem>> -> memref<512xf32, #tpu.memory_space<vmem>>
        %dma_wait3A_536 = arith.constant 0 : i32
        %dma_wait3A_537 = tpu.memref_slice %arg6[%dma_wait3A_536] : memref<1600000xf32, #tpu.memory_space<hbm>> -> memref<512xf32, #tpu.memory_space<hbm>>
        tpu.wait_dma2 semaphore(%dma_wait3A_532 : memref<!tpu.dma_semaphore, #tpu.memory_space<semaphore_mem>>) src(%dma_wait3A_537 : memref<512xf32, #tpu.memory_space<hbm>>) dst(%dma_wait3A_535 : memref<512xf32, #tpu.memory_space<vmem>>)
        %dma_wait3A_538 = arith.constant 0 : i32
        %dma_wait3A_539 = arith.constant 0 : i32
        %dma_wait3A_540 = tpu.memref_slice %arg11[%and3A_501, %dma_wait3A_538, %dma_wait3A_539] : memref<4x4x128xi32, #tpu.memory_space<vmem>> -> memref<1x4x128xi32, #tpu.memory_space<vmem>>
        %dma_wait3A_541 = tpu.memref_squeeze %dma_wait3A_540 : memref<1x4x128xi32, #tpu.memory_space<vmem>> -> memref<4x128xi32, #tpu.memory_space<vmem>>
        %dma_wait3A_542 = arith.constant 0 : i32
        %dma_wait3A_543 = arith.constant 0 : i32
        %dma_wait3A_544 = tpu.memref_slice %arg5[%dma_wait3A_542, %dma_wait3A_543] : memref<12500x128xi32, #tpu.memory_space<hbm>> -> memref<4x128xi32, #tpu.memory_space<hbm>>
        %dma_wait3A_545 = tpu.memref_slice %arg15[%and3A_501] : memref<4x!tpu.dma_semaphore, #tpu.memory_space<semaphore_mem>> -> memref<1x!tpu.dma_semaphore, #tpu.memory_space<semaphore_mem>>
        %dma_wait3A_546 = tpu.memref_squeeze %dma_wait3A_545 : memref<1x!tpu.dma_semaphore, #tpu.memory_space<semaphore_mem>> -> memref<!tpu.dma_semaphore, #tpu.memory_space<semaphore_mem>>
        %dma_wait3A_547 = arith.constant 0 : i32
        %dma_wait3A_548 = arith.constant 0 : i32
        %dma_wait3A_549 = tpu.memref_slice %arg11[%and3A_501, %dma_wait3A_547, %dma_wait3A_548] : memref<4x4x128xi32, #tpu.memory_space<vmem>> -> memref<1x4x128xi32, #tpu.memory_space<vmem>>
        %dma_wait3A_550 = tpu.memref_squeeze %dma_wait3A_549 : memref<1x4x128xi32, #tpu.memory_space<vmem>> -> memref<4x128xi32, #tpu.memory_space<vmem>>
        %dma_wait3A_551 = arith.constant 0 : i32
        %dma_wait3A_552 = arith.constant 0 : i32
        %dma_wait3A_553 = tpu.memref_slice %arg5[%dma_wait3A_551, %dma_wait3A_552] : memref<12500x128xi32, #tpu.memory_space<hbm>> -> memref<4x128xi32, #tpu.memory_space<hbm>>
        tpu.wait_dma2 semaphore(%dma_wait3A_546 : memref<!tpu.dma_semaphore, #tpu.memory_space<semaphore_mem>>) src(%dma_wait3A_553 : memref<4x128xi32, #tpu.memory_space<hbm>>) dst(%dma_wait3A_550 : memref<4x128xi32, #tpu.memory_space<vmem>>)
        %scan3A_554 = arith.constant 0 : i32
        %scan3A_555 = arith.constant 0 : i32
        %scan3A_556 = arith.constant 32 : i32
        %scan3A_557 = arith.addi %scan3A_555, %scan3A_556 : i32
        %scan3A_558 = arith.constant 1 : i32
        %scan3A_559 = scf.for %scan3A_561 = %scan3A_555 to %scan3A_557 step %scan3A_558 iter_args(%scan3A_562 = %scan3A_554) -> (i32)  : i32 {
          %mul3A_563 = arith.constant 16 : i32
          %mul3A_564 = arith.muli %scan3A_561, %mul3A_563 : i32
          %get3A = arith.index_cast %and3A_501 : i32 to index
          %get3A_565 = arith.index_cast %mul3A_564 : i32 to index
          %get3A_566 = tpu.vector_load %arg8[%get3A, %get3A_565] {strides = array<i32>} : memref<4x512xi32, #tpu.memory_space<vmem>>, vector<1x16xi32>,
          %get3A_567 = vector.shape_cast %get3A_566 : vector<1x16xi32> to vector<16xi32>
          %mul3A_568 = arith.constant 16 : i32
          %mul3A_569 = arith.muli %scan3A_561, %mul3A_568 : i32
          %get3A_570 = arith.index_cast %and3A_501 : i32 to index
          %get3A_571 = arith.index_cast %mul3A_569 : i32 to index
          %get3A_572 = tpu.vector_load %arg9[%get3A_570, %get3A_571] {strides = array<i32>} : memref<4x512xi32, #tpu.memory_space<vmem>>, vector<1x16xi32>,
          %get3A_573 = vector.shape_cast %get3A_572 : vector<1x16xi32> to vector<16xi32>
          %mul3A_574 = arith.constant 100000 : i32
          %mul3A_575 = vector.broadcast %mul3A_574 : i32 to vector<16xi32>
          %mul3A_576 = arith.muli %get3A_573, %mul3A_575 : vector<16xi32>
          %add3A_577 = arith.addi %mul3A_576, %get3A_567 : vector<16xi32>
          %mul3A_578 = arith.constant 2 : i32
          %mul3A_579 = vector.broadcast %mul3A_578 : i32 to vector<16xi32>
          %mul3A_580 = arith.muli %add3A_577, %mul3A_579 : vector<16xi32>
          %add3A_581 = vector.broadcast %arg0 : i32 to vector<16xi32>
          %add3A_582 = arith.addi %mul3A_580, %add3A_581 : vector<16xi32>
          %mul3A_583 = arith.constant 16 : i32
          %mul3A_584 = arith.muli %scan3A_561, %mul3A_583 : i32
          %swap3A = arith.index_cast %and3A_501 : i32 to index
          %swap3A_585 = arith.index_cast %mul3A_584 : i32 to index
          %swap3A_586 = tpu.vector_load %arg10[%swap3A, %swap3A_585] {strides = array<i32>} : memref<4x512xi32, #tpu.memory_space<vmem>>, vector<1x16xi32>,
          %swap3A_587 = vector.shape_cast %swap3A_586 : vector<1x16xi32> to vector<16xi32>
          %swap3A_588 = vector.shape_cast %add3A_582 : vector<16xi32> to vector<1x16xi32>
          tpu.vector_store %arg10[%swap3A, %swap3A_585], %swap3A_588 {strides = array<i32>} : memref<4x512xi32, #tpu.memory_space<vmem>>, vector<1x16xi32>,
          %scan3A_589 = arith.constant 0 : i32
          scf.yield %scan3A_589 : i32
        }
        %scan3A_560 = arith.constant 32 : i32
      } else {
      }
      %add3A_487 = arith.constant 2 : i32
      %add3A_488 = arith.addi %while3A_421, %add3A_487 : i32
      %and3A_489 = arith.constant 3 : i32
      %and3A_490 = arith.andi %add3A_488, %and3A_489 : i32
      %add3A_491 = arith.constant 2 : i32
      %add3A_492 = arith.addi %while3A_421, %add3A_491 : i32
      %lt3A_493 = arith.cmpi slt, %add3A_492, %add3A_63 : i32
      %convert_element_type3A_494 = arith.extui %lt3A_493 : i1 to i32
      %cond3A_495 = arith.constant 0 : i32
      %cond3A_496 = arith.cmpi ne, %convert_element_type3A_494, %cond3A_495 : i32
      scf.if %cond3A_496 {
        %add3A_498 = arith.constant 2 : i32
        %add3A_499 = arith.addi %while3A_421, %add3A_498 : i32
        %mul3A_500 = arith.constant 16 : i32
        %mul3A_501 = arith.muli %add3A_499, %mul3A_500 : i32
        %add3A_502 = arith.addi %mul3A_501, %arg1 : i32
        %mul3A_503 = arith.constant 512 : i32
        %mul3A_504 = arith.muli %add3A_502, %mul3A_503 : i32
        %multiple_of3A_505 = tpu.assume_multiple %mul3A_504, 512 : i32
        %mul3A_506 = arith.constant 4 : i32
        %mul3A_507 = arith.muli %add3A_502, %mul3A_506 : i32
        %multiple_of3A_508 = tpu.assume_multiple %mul3A_507, 4 : i32
        %dma_start3A_509 = arith.constant 0 : i32
        %dma_start3A_510 = tpu.memref_slice %arg8[%and3A_490, %dma_start3A_509] : memref<4x512xi32, #tpu.memory_space<vmem>> -> memref<1x512xi32, #tpu.memory_space<vmem>>
        %dma_start3A_511 = tpu.memref_squeeze %dma_start3A_510 : memref<1x512xi32, #tpu.memory_space<vmem>> -> memref<512xi32, #tpu.memory_space<vmem>>
        %dma_start3A_512 = tpu.memref_slice %arg3[%multiple_of3A_505] : memref<1600000xi32, #tpu.memory_space<hbm>> -> memref<512xi32, #tpu.memory_space<hbm>>
        %dma_start3A_513 = tpu.memref_slice %arg15[%and3A_490] : memref<4x!tpu.dma_semaphore, #tpu.memory_space<semaphore_mem>> -> memref<1x!tpu.dma_semaphore, #tpu.memory_space<semaphore_mem>>
        %dma_start3A_514 = tpu.memref_squeeze %dma_start3A_513 : memref<1x!tpu.dma_semaphore, #tpu.memory_space<semaphore_mem>> -> memref<!tpu.dma_semaphore, #tpu.memory_space<semaphore_mem>>
        %dma_start3A_515 = arith.constant 0 : i32
        %dma_start3A_516 = tpu.memref_slice %arg8[%and3A_490, %dma_start3A_515] : memref<4x512xi32, #tpu.memory_space<vmem>> -> memref<1x512xi32, #tpu.memory_space<vmem>>
        %dma_start3A_517 = tpu.memref_squeeze %dma_start3A_516 : memref<1x512xi32, #tpu.memory_space<vmem>> -> memref<512xi32, #tpu.memory_space<vmem>>
        %dma_start3A_518 = tpu.memref_slice %arg3[%multiple_of3A_505] : memref<1600000xi32, #tpu.memory_space<hbm>> -> memref<512xi32, #tpu.memory_space<hbm>>
        tpu.enqueue_dma source(%dma_start3A_518 : memref<512xi32, #tpu.memory_space<hbm>>) target(%dma_start3A_517 : memref<512xi32, #tpu.memory_space<vmem>>) target_semaphore(%dma_start3A_514 : memref<!tpu.dma_semaphore, #tpu.memory_space<semaphore_mem>>)
        %dma_start3A_519 = arith.constant 0 : i32
        %dma_start3A_520 = tpu.memref_slice %arg9[%and3A_490, %dma_start3A_519] : memref<4x512xi32, #tpu.memory_space<vmem>> -> memref<1x512xi32, #tpu.memory_space<vmem>>
        %dma_start3A_521 = tpu.memref_squeeze %dma_start3A_520 : memref<1x512xi32, #tpu.memory_space<vmem>> -> memref<512xi32, #tpu.memory_space<vmem>>
        %dma_start3A_522 = tpu.memref_slice %arg4[%multiple_of3A_505] : memref<1600000xi32, #tpu.memory_space<hbm>> -> memref<512xi32, #tpu.memory_space<hbm>>
        %dma_start3A_523 = tpu.memref_slice %arg15[%and3A_490] : memref<4x!tpu.dma_semaphore, #tpu.memory_space<semaphore_mem>> -> memref<1x!tpu.dma_semaphore, #tpu.memory_space<semaphore_mem>>
        %dma_start3A_524 = tpu.memref_squeeze %dma_start3A_523 : memref<1x!tpu.dma_semaphore, #tpu.memory_space<semaphore_mem>> -> memref<!tpu.dma_semaphore, #tpu.memory_space<semaphore_mem>>
        %dma_start3A_525 = arith.constant 0 : i32
        %dma_start3A_526 = tpu.memref_slice %arg9[%and3A_490, %dma_start3A_525] : memref<4x512xi32, #tpu.memory_space<vmem>> -> memref<1x512xi32, #tpu.memory_space<vmem>>
        %dma_start3A_527 = tpu.memref_squeeze %dma_start3A_526 : memref<1x512xi32, #tpu.memory_space<vmem>> -> memref<512xi32, #tpu.memory_space<vmem>>
        %dma_start3A_528 = tpu.memref_slice %arg4[%multiple_of3A_505] : memref<1600000xi32, #tpu.memory_space<hbm>> -> memref<512xi32, #tpu.memory_space<hbm>>
        tpu.enqueue_dma source(%dma_start3A_528 : memref<512xi32, #tpu.memory_space<hbm>>) target(%dma_start3A_527 : memref<512xi32, #tpu.memory_space<vmem>>) target_semaphore(%dma_start3A_524 : memref<!tpu.dma_semaphore, #tpu.memory_space<semaphore_mem>>)
        %dma_start3A_529 = arith.constant 0 : i32
        %dma_start3A_530 = tpu.memref_slice %arg12[%and3A_490, %dma_start3A_529] : memref<4x512xf32, #tpu.memory_space<vmem>> -> memref<1x512xf32, #tpu.memory_space<vmem>>
        %dma_start3A_531 = tpu.memref_squeeze %dma_start3A_530 : memref<1x512xf32, #tpu.memory_space<vmem>> -> memref<512xf32, #tpu.memory_space<vmem>>
        %dma_start3A_532 = tpu.memref_slice %arg6[%multiple_of3A_505] : memref<1600000xf32, #tpu.memory_space<hbm>> -> memref<512xf32, #tpu.memory_space<hbm>>
        %dma_start3A_533 = tpu.memref_slice %arg15[%and3A_490] : memref<4x!tpu.dma_semaphore, #tpu.memory_space<semaphore_mem>> -> memref<1x!tpu.dma_semaphore, #tpu.memory_space<semaphore_mem>>
        %dma_start3A_534 = tpu.memref_squeeze %dma_start3A_533 : memref<1x!tpu.dma_semaphore, #tpu.memory_space<semaphore_mem>> -> memref<!tpu.dma_semaphore, #tpu.memory_space<semaphore_mem>>
        %dma_start3A_535 = arith.constant 0 : i32
        %dma_start3A_536 = tpu.memref_slice %arg12[%and3A_490, %dma_start3A_535] : memref<4x512xf32, #tpu.memory_space<vmem>> -> memref<1x512xf32, #tpu.memory_space<vmem>>
        %dma_start3A_537 = tpu.memref_squeeze %dma_start3A_536 : memref<1x512xf32, #tpu.memory_space<vmem>> -> memref<512xf32, #tpu.memory_space<vmem>>
        %dma_start3A_538 = tpu.memref_slice %arg6[%multiple_of3A_505] : memref<1600000xf32, #tpu.memory_space<hbm>> -> memref<512xf32, #tpu.memory_space<hbm>>
        tpu.enqueue_dma source(%dma_start3A_538 : memref<512xf32, #tpu.memory_space<hbm>>) target(%dma_start3A_537 : memref<512xf32, #tpu.memory_space<vmem>>) target_semaphore(%dma_start3A_534 : memref<!tpu.dma_semaphore, #tpu.memory_space<semaphore_mem>>)
        %dma_start3A_539 = arith.constant 0 : i32
        %dma_start3A_540 = arith.constant 0 : i32
        %dma_start3A_541 = tpu.memref_slice %arg11[%and3A_490, %dma_start3A_539, %dma_start3A_540] : memref<4x4x128xi32, #tpu.memory_space<vmem>> -> memref<1x4x128xi32, #tpu.memory_space<vmem>>
        %dma_start3A_542 = tpu.memref_squeeze %dma_start3A_541 : memref<1x4x128xi32, #tpu.memory_space<vmem>> -> memref<4x128xi32, #tpu.memory_space<vmem>>
        %dma_start3A_543 = arith.constant 0 : i32
        %dma_start3A_544 = tpu.memref_slice %arg5[%multiple_of3A_508, %dma_start3A_543] : memref<12500x128xi32, #tpu.memory_space<hbm>> -> memref<4x128xi32, #tpu.memory_space<hbm>>
        %dma_start3A_545 = tpu.memref_slice %arg15[%and3A_490] : memref<4x!tpu.dma_semaphore, #tpu.memory_space<semaphore_mem>> -> memref<1x!tpu.dma_semaphore, #tpu.memory_space<semaphore_mem>>
        %dma_start3A_546 = tpu.memref_squeeze %dma_start3A_545 : memref<1x!tpu.dma_semaphore, #tpu.memory_space<semaphore_mem>> -> memref<!tpu.dma_semaphore, #tpu.memory_space<semaphore_mem>>
        %dma_start3A_547 = arith.constant 0 : i32
        %dma_start3A_548 = arith.constant 0 : i32
        %dma_start3A_549 = tpu.memref_slice %arg11[%and3A_490, %dma_start3A_547, %dma_start3A_548] : memref<4x4x128xi32, #tpu.memory_space<vmem>> -> memref<1x4x128xi32, #tpu.memory_space<vmem>>
        %dma_start3A_550 = tpu.memref_squeeze %dma_start3A_549 : memref<1x4x128xi32, #tpu.memory_space<vmem>> -> memref<4x128xi32, #tpu.memory_space<vmem>>
        %dma_start3A_551 = arith.constant 0 : i32
        %dma_start3A_552 = tpu.memref_slice %arg5[%multiple_of3A_508, %dma_start3A_551] : memref<12500x128xi32, #tpu.memory_space<hbm>> -> memref<4x128xi32, #tpu.memory_space<hbm>>
        tpu.enqueue_dma source(%dma_start3A_552 : memref<4x128xi32, #tpu.memory_space<hbm>>) target(%dma_start3A_550 : memref<4x128xi32, #tpu.memory_space<vmem>>) target_semaphore(%dma_start3A_546 : memref<!tpu.dma_semaphore, #tpu.memory_space<semaphore_mem>>)
      } else {
      }
      %while3A_497 = arith.constant 0 : i32
      scf.yield %while3A_497 : i32
    }
    %while3A_252 = arith.constant 1 : i32
    %while3A_253 = scf.for %while3A_421 = %while3A_249 to %while3A_245 step %while3A_252 iter_args(%while3A_422 = %while3A_251) -> (i32)  : i32 {
      %and3A_423 = arith.constant 3 : i32
      %and3A_424 = arith.andi %while3A_421, %and3A_423 : i32
      %and3A_425 = arith.constant 1 : i32
      %and3A_426 = arith.andi %while3A_421, %and3A_425 : i32
      %ge3A = arith.constant 2 : i32
      %ge3A_427 = arith.cmpi sge, %while3A_421, %ge3A : i32
      %convert_element_type3A = arith.extui %ge3A_427 : i1 to i32
      %cond3A = arith.constant 0 : i32
      %cond3A_428 = arith.cmpi ne, %convert_element_type3A, %cond3A : i32
      scf.if %cond3A_428 {
        %dma_wait3A_498 = arith.constant 0 : i32
        %dma_wait3A_499 = arith.constant 0 : i32
        %dma_wait3A_500 = tpu.memref_slice %arg13[%and3A_426, %dma_wait3A_498, %dma_wait3A_499] : memref<2x512x16xf32, #tpu.memory_space<vmem>> -> memref<1x512x16xf32, #tpu.memory_space<vmem>>
        %dma_wait3A_501 = tpu.memref_squeeze %dma_wait3A_500 : memref<1x512x16xf32, #tpu.memory_space<vmem>> -> memref<512x16xf32, #tpu.memory_space<vmem>>
        %dma_wait3A_502 = arith.constant 0 : i32
        %dma_wait3A_503 = arith.constant 0 : i32
        %dma_wait3A_504 = tpu.memref_slice %arg2[%dma_wait3A_502, %dma_wait3A_503] : memref<1000000x16xf32, #tpu.memory_space<hbm>> -> memref<512x16xf32, #tpu.memory_space<hbm>>
        %dma_wait3A_505 = tpu.memref_slice %arg17[%and3A_426] : memref<2x!tpu.dma_semaphore, #tpu.memory_space<semaphore_mem>> -> memref<1x!tpu.dma_semaphore, #tpu.memory_space<semaphore_mem>>
        %dma_wait3A_506 = tpu.memref_squeeze %dma_wait3A_505 : memref<1x!tpu.dma_semaphore, #tpu.memory_space<semaphore_mem>> -> memref<!tpu.dma_semaphore, #tpu.memory_space<semaphore_mem>>
        %dma_wait3A_507 = arith.constant 0 : i32
        %dma_wait3A_508 = arith.constant 0 : i32
        %dma_wait3A_509 = tpu.memref_slice %arg13[%and3A_426, %dma_wait3A_507, %dma_wait3A_508] : memref<2x512x16xf32, #tpu.memory_space<vmem>> -> memref<1x512x16xf32, #tpu.memory_space<vmem>>
        %dma_wait3A_510 = tpu.memref_squeeze %dma_wait3A_509 : memref<1x512x16xf32, #tpu.memory_space<vmem>> -> memref<512x16xf32, #tpu.memory_space<vmem>>
        %dma_wait3A_511 = arith.constant 0 : i32
        %dma_wait3A_512 = arith.constant 0 : i32
        %dma_wait3A_513 = tpu.memref_slice %arg2[%dma_wait3A_511, %dma_wait3A_512] : memref<1000000x16xf32, #tpu.memory_space<hbm>> -> memref<512x16xf32, #tpu.memory_space<hbm>>
        tpu.wait_dma2 semaphore(%dma_wait3A_506 : memref<!tpu.dma_semaphore, #tpu.memory_space<semaphore_mem>>) src(%dma_wait3A_513 : memref<512x16xf32, #tpu.memory_space<hbm>>) dst(%dma_wait3A_510 : memref<512x16xf32, #tpu.memory_space<vmem>>)
      } else {
      }
      %dma_start3A_429 = arith.constant 0 : i32
      %dma_start3A_430 = arith.constant 0 : i32
      %dma_start3A_431 = tpu.memref_slice %arg13[%and3A_426, %dma_start3A_429, %dma_start3A_430] : memref<2x512x16xf32, #tpu.memory_space<vmem>> -> memref<1x128x16xf32, #tpu.memory_space<vmem>>
      %dma_start3A_432 = tpu.memref_squeeze %dma_start3A_431 : memref<1x128x16xf32, #tpu.memory_space<vmem>> -> memref<128x16xf32, #tpu.memory_space<vmem>>
      %dma_start3A_433 = arith.constant 0 : i32
      %dma_start3A_434 = tpu.memref_slice %arg10[%and3A_424, %dma_start3A_433] : memref<4x512xi32, #tpu.memory_space<vmem>> -> memref<1x128xi32, #tpu.memory_space<vmem>>
      %dma_start3A_435 = tpu.memref_squeeze %dma_start3A_434 : memref<1x128xi32, #tpu.memory_space<vmem>> -> memref<128xi32, #tpu.memory_space<vmem>>
      %dma_start3A_436 = arith.constant 0 : i32
      %dma_start3A_437 = arith.constant 0 : i32
      %dma_start3A_438 = tpu.memref_slice %arg2[%dma_start3A_436, %dma_start3A_437] : memref<1000000x16xf32, #tpu.memory_space<hbm>> -> memref<1000000x16xf32, #tpu.memory_space<hbm>>
      %dma_start3A_439 = tpu.memref_slice %arg16[%and3A_426] : memref<2x!tpu.dma_semaphore, #tpu.memory_space<semaphore_mem>> -> memref<1x!tpu.dma_semaphore, #tpu.memory_space<semaphore_mem>>
      %dma_start3A_440 = tpu.memref_squeeze %dma_start3A_439 : memref<1x!tpu.dma_semaphore, #tpu.memory_space<semaphore_mem>> -> memref<!tpu.dma_semaphore, #tpu.memory_space<semaphore_mem>>
      tpu.enqueue_indirect_dma source(%dma_start3A_438 : memref<1000000x16xf32, #tpu.memory_space<hbm>>) target(%dma_start3A_432 : memref<128x16xf32, #tpu.memory_space<vmem>>) offsets(%dma_start3A_435 : memref<128xi32, #tpu.memory_space<vmem>>) semaphore(%dma_start3A_440 : memref<!tpu.dma_semaphore, #tpu.memory_space<semaphore_mem>>)
      %dma_start3A_441 = arith.constant 128 : i32
      %dma_start3A_442 = arith.constant 0 : i32
      %dma_start3A_443 = tpu.memref_slice %arg13[%and3A_426, %dma_start3A_441, %dma_start3A_442] : memref<2x512x16xf32, #tpu.memory_space<vmem>> -> memref<1x128x16xf32, #tpu.memory_space<vmem>>
      %dma_start3A_444 = tpu.memref_squeeze %dma_start3A_443 : memref<1x128x16xf32, #tpu.memory_space<vmem>> -> memref<128x16xf32, #tpu.memory_space<vmem>>
      %dma_start3A_445 = arith.constant 128 : i32
      %dma_start3A_446 = tpu.memref_slice %arg10[%and3A_424, %dma_start3A_445] : memref<4x512xi32, #tpu.memory_space<vmem>> -> memref<1x128xi32, #tpu.memory_space<vmem>>
      %dma_start3A_447 = tpu.memref_squeeze %dma_start3A_446 : memref<1x128xi32, #tpu.memory_space<vmem>> -> memref<128xi32, #tpu.memory_space<vmem>>
      %dma_start3A_448 = arith.constant 0 : i32
      %dma_start3A_449 = arith.constant 0 : i32
      %dma_start3A_450 = tpu.memref_slice %arg2[%dma_start3A_448, %dma_start3A_449] : memref<1000000x16xf32, #tpu.memory_space<hbm>> -> memref<1000000x16xf32, #tpu.memory_space<hbm>>
      %dma_start3A_451 = tpu.memref_slice %arg16[%and3A_426] : memref<2x!tpu.dma_semaphore, #tpu.memory_space<semaphore_mem>> -> memref<1x!tpu.dma_semaphore, #tpu.memory_space<semaphore_mem>>
      %dma_start3A_452 = tpu.memref_squeeze %dma_start3A_451 : memref<1x!tpu.dma_semaphore, #tpu.memory_space<semaphore_mem>> -> memref<!tpu.dma_semaphore, #tpu.memory_space<semaphore_mem>>
      tpu.enqueue_indirect_dma source(%dma_start3A_450 : memref<1000000x16xf32, #tpu.memory_space<hbm>>) target(%dma_start3A_444 : memref<128x16xf32, #tpu.memory_space<vmem>>) offsets(%dma_start3A_447 : memref<128xi32, #tpu.memory_space<vmem>>) semaphore(%dma_start3A_452 : memref<!tpu.dma_semaphore, #tpu.memory_space<semaphore_mem>>)
      %dma_start3A_453 = arith.constant 256 : i32
      %dma_start3A_454 = arith.constant 0 : i32
      %dma_start3A_455 = tpu.memref_slice %arg13[%and3A_426, %dma_start3A_453, %dma_start3A_454] : memref<2x512x16xf32, #tpu.memory_space<vmem>> -> memref<1x128x16xf32, #tpu.memory_space<vmem>>
      %dma_start3A_456 = tpu.memref_squeeze %dma_start3A_455 : memref<1x128x16xf32, #tpu.memory_space<vmem>> -> memref<128x16xf32, #tpu.memory_space<vmem>>
      %dma_start3A_457 = arith.constant 256 : i32
      %dma_start3A_458 = tpu.memref_slice %arg10[%and3A_424, %dma_start3A_457] : memref<4x512xi32, #tpu.memory_space<vmem>> -> memref<1x128xi32, #tpu.memory_space<vmem>>
      %dma_start3A_459 = tpu.memref_squeeze %dma_start3A_458 : memref<1x128xi32, #tpu.memory_space<vmem>> -> memref<128xi32, #tpu.memory_space<vmem>>
      %dma_start3A_460 = arith.constant 0 : i32
      %dma_start3A_461 = arith.constant 0 : i32
      %dma_start3A_462 = tpu.memref_slice %arg2[%dma_start3A_460, %dma_start3A_461] : memref<1000000x16xf32, #tpu.memory_space<hbm>> -> memref<1000000x16xf32, #tpu.memory_space<hbm>>
      %dma_start3A_463 = tpu.memref_slice %arg16[%and3A_426] : memref<2x!tpu.dma_semaphore, #tpu.memory_space<semaphore_mem>> -> memref<1x!tpu.dma_semaphore, #tpu.memory_space<semaphore_mem>>
      %dma_start3A_464 = tpu.memref_squeeze %dma_start3A_463 : memref<1x!tpu.dma_semaphore, #tpu.memory_space<semaphore_mem>> -> memref<!tpu.dma_semaphore, #tpu.memory_space<semaphore_mem>>
      tpu.enqueue_indirect_dma source(%dma_start3A_462 : memref<1000000x16xf32, #tpu.memory_space<hbm>>) target(%dma_start3A_456 : memref<128x16xf32, #tpu.memory_space<vmem>>) offsets(%dma_start3A_459 : memref<128xi32, #tpu.memory_space<vmem>>) semaphore(%dma_start3A_464 : memref<!tpu.dma_semaphore, #tpu.memory_space<semaphore_mem>>)
      %dma_start3A_465 = arith.constant 384 : i32
      %dma_start3A_466 = arith.constant 0 : i32
      %dma_start3A_467 = tpu.memref_slice %arg13[%and3A_426, %dma_start3A_465, %dma_start3A_466] : memref<2x512x16xf32, #tpu.memory_space<vmem>> -> memref<1x128x16xf32, #tpu.memory_space<vmem>>
      %dma_start3A_468 = tpu.memref_squeeze %dma_start3A_467 : memref<1x128x16xf32, #tpu.memory_space<vmem>> -> memref<128x16xf32, #tpu.memory_space<vmem>>
      %dma_start3A_469 = arith.constant 384 : i32
      %dma_start3A_470 = tpu.memref_slice %arg10[%and3A_424, %dma_start3A_469] : memref<4x512xi32, #tpu.memory_space<vmem>> -> memref<1x128xi32, #tpu.memory_space<vmem>>
      %dma_start3A_471 = tpu.memref_squeeze %dma_start3A_470 : memref<1x128xi32, #tpu.memory_space<vmem>> -> memref<128xi32, #tpu.memory_space<vmem>>
      %dma_start3A_472 = arith.constant 0 : i32
      %dma_start3A_473 = arith.constant 0 : i32
      %dma_start3A_474 = tpu.memref_slice %arg2[%dma_start3A_472, %dma_start3A_473] : memref<1000000x16xf32, #tpu.memory_space<hbm>> -> memref<1000000x16xf32, #tpu.memory_space<hbm>>
      %dma_start3A_475 = tpu.memref_slice %arg16[%and3A_426] : memref<2x!tpu.dma_semaphore, #tpu.memory_space<semaphore_mem>> -> memref<1x!tpu.dma_semaphore, #tpu.memory_space<semaphore_mem>>
      %dma_start3A_476 = tpu.memref_squeeze %dma_start3A_475 : memref<1x!tpu.dma_semaphore, #tpu.memory_space<semaphore_mem>> -> memref<!tpu.dma_semaphore, #tpu.memory_space<semaphore_mem>>
      tpu.enqueue_indirect_dma source(%dma_start3A_474 : memref<1000000x16xf32, #tpu.memory_space<hbm>>) target(%dma_start3A_468 : memref<128x16xf32, #tpu.memory_space<vmem>>) offsets(%dma_start3A_471 : memref<128xi32, #tpu.memory_space<vmem>>) semaphore(%dma_start3A_476 : memref<!tpu.dma_semaphore, #tpu.memory_space<semaphore_mem>>)
      %ge3A_477 = arith.constant 1 : i32
      %ge3A_478 = arith.cmpi sge, %while3A_421, %ge3A_477 : i32
      %convert_element_type3A_479 = arith.extui %ge3A_478 : i1 to i32
      %cond3A_480 = arith.constant 0 : i32
      %cond3A_481 = arith.cmpi ne, %convert_element_type3A_479, %cond3A_480 : i32
      scf.if %cond3A_481 {
        %sub3A_498 = arith.constant 1 : i32
        %sub3A_499 = arith.subi %while3A_421, %sub3A_498 : i32
        %and3A_500 = arith.constant 1 : i32
        %and3A_501 = arith.andi %sub3A_499, %and3A_500 : i32
        %sub3A_502 = arith.constant 1 : i32
        %sub3A_503 = arith.subi %while3A_421, %sub3A_502 : i32
        %and3A_504 = arith.constant 3 : i32
        %and3A_505 = arith.andi %sub3A_503, %and3A_504 : i32
        %dma_wait3A_506 = arith.constant 0 : i32
        %dma_wait3A_507 = arith.constant 0 : i32
        %dma_wait3A_508 = tpu.memref_slice %arg13[%and3A_501, %dma_wait3A_506, %dma_wait3A_507] : memref<2x512x16xf32, #tpu.memory_space<vmem>> -> memref<1x512x16xf32, #tpu.memory_space<vmem>>
        %dma_wait3A_509 = tpu.memref_squeeze %dma_wait3A_508 : memref<1x512x16xf32, #tpu.memory_space<vmem>> -> memref<512x16xf32, #tpu.memory_space<vmem>>
        %dma_wait3A_510 = arith.constant 0 : i32
        %dma_wait3A_511 = arith.constant 0 : i32
        %dma_wait3A_512 = tpu.memref_slice %arg2[%dma_wait3A_510, %dma_wait3A_511] : memref<1000000x16xf32, #tpu.memory_space<hbm>> -> memref<512x16xf32, #tpu.memory_space<hbm>>
        %dma_wait3A_513 = tpu.memref_slice %arg16[%and3A_501] : memref<2x!tpu.dma_semaphore, #tpu.memory_space<semaphore_mem>> -> memref<1x!tpu.dma_semaphore, #tpu.memory_space<semaphore_mem>>
        %dma_wait3A_514 = tpu.memref_squeeze %dma_wait3A_513 : memref<1x!tpu.dma_semaphore, #tpu.memory_space<semaphore_mem>> -> memref<!tpu.dma_semaphore, #tpu.memory_space<semaphore_mem>>
        %dma_wait3A_515 = arith.constant 0 : i32
        %dma_wait3A_516 = arith.constant 0 : i32
        %dma_wait3A_517 = tpu.memref_slice %arg13[%and3A_501, %dma_wait3A_515, %dma_wait3A_516] : memref<2x512x16xf32, #tpu.memory_space<vmem>> -> memref<1x512x16xf32, #tpu.memory_space<vmem>>
        %dma_wait3A_518 = tpu.memref_squeeze %dma_wait3A_517 : memref<1x512x16xf32, #tpu.memory_space<vmem>> -> memref<512x16xf32, #tpu.memory_space<vmem>>
        %dma_wait3A_519 = arith.constant 0 : i32
        %dma_wait3A_520 = arith.constant 0 : i32
        %dma_wait3A_521 = tpu.memref_slice %arg2[%dma_wait3A_519, %dma_wait3A_520] : memref<1000000x16xf32, #tpu.memory_space<hbm>> -> memref<512x16xf32, #tpu.memory_space<hbm>>
        tpu.wait_dma2 semaphore(%dma_wait3A_514 : memref<!tpu.dma_semaphore, #tpu.memory_space<semaphore_mem>>) src(%dma_wait3A_521 : memref<512x16xf32, #tpu.memory_space<hbm>>) dst(%dma_wait3A_518 : memref<512x16xf32, #tpu.memory_space<vmem>>)
        %parallel_loop3A_522 = arith.constant 0 : i32
        %parallel_loop3A_523 = arith.constant 32 : i32
        %parallel_loop3A_524 = arith.constant 1 : i32
        scf.for %parallel_loop3A_577 = %parallel_loop3A_522 to %parallel_loop3A_523 step %parallel_loop3A_524  : i32 {
          %parallel_loop3A_578 = arith.constant 16 : i32
          %parallel_loop3A_579 = arith.muli %parallel_loop3A_577, %parallel_loop3A_578 : i32
          %parallel_loop3A_580 = arith.index_cast %and3A_505 : i32 to index
          %parallel_loop3A_581 = arith.index_cast %parallel_loop3A_579 : i32 to index
          %parallel_loop3A_582 = tpu.vector_load %arg12[%parallel_loop3A_580, %parallel_loop3A_581] {strides = array<i32>} : memref<4x512xf32, #tpu.memory_space<vmem>>, vector<1x16xf32>,
          %parallel_loop3A_583 = vector.shape_cast %parallel_loop3A_582 : vector<1x16xf32> to vector<16xf32>
          %parallel_loop3A_584 = arith.constant 16 : i32
          %parallel_loop3A_585 = arith.muli %parallel_loop3A_577, %parallel_loop3A_584 : i32
          %parallel_loop3A_586 = arith.constant 0 : i32
          %parallel_loop3A_587 = arith.addi %parallel_loop3A_585, %parallel_loop3A_586 : i32
          %parallel_loop3A_588 = arith.index_cast %and3A_501 : i32 to index
          %parallel_loop3A_589 = arith.index_cast %parallel_loop3A_587 : i32 to index
          %parallel_loop3A_590 = arith.constant 0 : index
          %parallel_loop3A_591 = tpu.vector_load %arg13[%parallel_loop3A_588, %parallel_loop3A_589, %parallel_loop3A_590] {strides = array<i32>} : memref<2x512x16xf32, #tpu.memory_space<vmem>>, vector<1x1x16xf32>,
          %parallel_loop3A_592 = vector.shape_cast %parallel_loop3A_591 : vector<1x1x16xf32> to vector<16xf32>
          %parallel_loop3A_593 = arith.constant 0 : i32
          %parallel_loop3A_594 = vector.broadcast %parallel_loop3A_593 : i32 to vector<16x1xi32>
          %parallel_loop3A_595 = vector.shape_cast %parallel_loop3A_594 : vector<16x1xi32> to vector<16xi32>
          %parallel_loop3A_596 = tpu.dynamic_gather %parallel_loop3A_583[%parallel_loop3A_595] in [0] : vector<16xf32>, vector<16xi32> -> vector<16xf32>
          %parallel_loop3A_597 = arith.mulf %parallel_loop3A_592, %parallel_loop3A_596 : vector<16xf32>
          %parallel_loop3A_598 = arith.constant 0 : i32
          %parallel_loop3A_599 = arith.addi %parallel_loop3A_585, %parallel_loop3A_598 : i32
          %parallel_loop3A_600 = arith.index_cast %and3A_501 : i32 to index
          %parallel_loop3A_601 = arith.index_cast %parallel_loop3A_599 : i32 to index
          %parallel_loop3A_602 = arith.constant 0 : index
          %parallel_loop3A_603 = tpu.vector_load %arg13[%parallel_loop3A_600, %parallel_loop3A_601, %parallel_loop3A_602] {strides = array<i32>} : memref<2x512x16xf32, #tpu.memory_space<vmem>>, vector<1x1x16xf32>,
          %parallel_loop3A_604 = vector.shape_cast %parallel_loop3A_603 : vector<1x1x16xf32> to vector<16xf32>
          %parallel_loop3A_605 = vector.shape_cast %parallel_loop3A_597 : vector<16xf32> to vector<1x1x16xf32>
          tpu.vector_store %arg13[%parallel_loop3A_600, %parallel_loop3A_601, %parallel_loop3A_602], %parallel_loop3A_605 {strides = array<i32>} : memref<2x512x16xf32, #tpu.memory_space<vmem>>, vector<1x1x16xf32>,
          %parallel_loop3A_606 = arith.constant 1 : i32
          %parallel_loop3A_607 = arith.addi %parallel_loop3A_585, %parallel_loop3A_606 : i32
          %parallel_loop3A_608 = arith.index_cast %and3A_501 : i32 to index
          %parallel_loop3A_609 = arith.index_cast %parallel_loop3A_607 : i32 to index
          %parallel_loop3A_610 = arith.constant 0 : index
          %parallel_loop3A_611 = tpu.vector_load %arg13[%parallel_loop3A_608, %parallel_loop3A_609, %parallel_loop3A_610] {strides = array<i32>} : memref<2x512x16xf32, #tpu.memory_space<vmem>>, vector<1x1x16xf32>,
          %parallel_loop3A_612 = vector.shape_cast %parallel_loop3A_611 : vector<1x1x16xf32> to vector<16xf32>
          %parallel_loop3A_613 = arith.constant 1 : i32
          %parallel_loop3A_614 = vector.broadcast %parallel_loop3A_613 : i32 to vector<16x1xi32>
          %parallel_loop3A_615 = vector.shape_cast %parallel_loop3A_614 : vector<16x1xi32> to vector<16xi32>
          %parallel_loop3A_616 = tpu.dynamic_gather %parallel_loop3A_583[%parallel_loop3A_615] in [0] : vector<16xf32>, vector<16xi32> -> vector<16xf32>
          %parallel_loop3A_617 = arith.mulf %parallel_loop3A_612, %parallel_loop3A_616 : vector<16xf32>
          %parallel_loop3A_618 = arith.constant 1 : i32
          %parallel_loop3A_619 = arith.addi %parallel_loop3A_585, %parallel_loop3A_618 : i32
          %parallel_loop3A_620 = arith.index_cast %and3A_501 : i32 to index
          %parallel_loop3A_621 = arith.index_cast %parallel_loop3A_619 : i32 to index
          %parallel_loop3A_622 = arith.constant 0 : index
          %parallel_loop3A_623 = tpu.vector_load %arg13[%parallel_loop3A_620, %parallel_loop3A_621, %parallel_loop3A_622] {strides = array<i32>} : memref<2x512x16xf32, #tpu.memory_space<vmem>>, vector<1x1x16xf32>,
          %parallel_loop3A_624 = vector.shape_cast %parallel_loop3A_623 : vector<1x1x16xf32> to vector<16xf32>
          %parallel_loop3A_625 = vector.shape_cast %parallel_loop3A_617 : vector<16xf32> to vector<1x1x16xf32>
          tpu.vector_store %arg13[%parallel_loop3A_620, %parallel_loop3A_621, %parallel_loop3A_622], %parallel_loop3A_625 {strides = array<i32>} : memref<2x512x16xf32, #tpu.memory_space<vmem>>, vector<1x1x16xf32>,
          %parallel_loop3A_626 = arith.constant 2 : i32
          %parallel_loop3A_627 = arith.addi %parallel_loop3A_585, %parallel_loop3A_626 : i32
          %parallel_loop3A_628 = arith.index_cast %and3A_501 : i32 to index
          %parallel_loop3A_629 = arith.index_cast %parallel_loop3A_627 : i32 to index
          %parallel_loop3A_630 = arith.constant 0 : index
          %parallel_loop3A_631 = tpu.vector_load %arg13[%parallel_loop3A_628, %parallel_loop3A_629, %parallel_loop3A_630] {strides = array<i32>} : memref<2x512x16xf32, #tpu.memory_space<vmem>>, vector<1x1x16xf32>,
          %parallel_loop3A_632 = vector.shape_cast %parallel_loop3A_631 : vector<1x1x16xf32> to vector<16xf32>
          %parallel_loop3A_633 = arith.constant 2 : i32
          %parallel_loop3A_634 = vector.broadcast %parallel_loop3A_633 : i32 to vector<16x1xi32>
          %parallel_loop3A_635 = vector.shape_cast %parallel_loop3A_634 : vector<16x1xi32> to vector<16xi32>
          %parallel_loop3A_636 = tpu.dynamic_gather %parallel_loop3A_583[%parallel_loop3A_635] in [0] : vector<16xf32>, vector<16xi32> -> vector<16xf32>
          %parallel_loop3A_637 = arith.mulf %parallel_loop3A_632, %parallel_loop3A_636 : vector<16xf32>
          %parallel_loop3A_638 = arith.constant 2 : i32
          %parallel_loop3A_639 = arith.addi %parallel_loop3A_585, %parallel_loop3A_638 : i32
          %parallel_loop3A_640 = arith.index_cast %and3A_501 : i32 to index
          %parallel_loop3A_641 = arith.index_cast %parallel_loop3A_639 : i32 to index
          %parallel_loop3A_642 = arith.constant 0 : index
          %parallel_loop3A_643 = tpu.vector_load %arg13[%parallel_loop3A_640, %parallel_loop3A_641, %parallel_loop3A_642] {strides = array<i32>} : memref<2x512x16xf32, #tpu.memory_space<vmem>>, vector<1x1x16xf32>,
          %parallel_loop3A_644 = vector.shape_cast %parallel_loop3A_643 : vector<1x1x16xf32> to vector<16xf32>
          %parallel_loop3A_645 = vector.shape_cast %parallel_loop3A_637 : vector<16xf32> to vector<1x1x16xf32>
          tpu.vector_store %arg13[%parallel_loop3A_640, %parallel_loop3A_641, %parallel_loop3A_642], %parallel_loop3A_645 {strides = array<i32>} : memref<2x512x16xf32, #tpu.memory_space<vmem>>, vector<1x1x16xf32>,
          %parallel_loop3A_646 = arith.constant 3 : i32
          %parallel_loop3A_647 = arith.addi %parallel_loop3A_585, %parallel_loop3A_646 : i32
          %parallel_loop3A_648 = arith.index_cast %and3A_501 : i32 to index
          %parallel_loop3A_649 = arith.index_cast %parallel_loop3A_647 : i32 to index
          %parallel_loop3A_650 = arith.constant 0 : index
          %parallel_loop3A_651 = tpu.vector_load %arg13[%parallel_loop3A_648, %parallel_loop3A_649, %parallel_loop3A_650] {strides = array<i32>} : memref<2x512x16xf32, #tpu.memory_space<vmem>>, vector<1x1x16xf32>,
          %parallel_loop3A_652 = vector.shape_cast %parallel_loop3A_651 : vector<1x1x16xf32> to vector<16xf32>
          %parallel_loop3A_653 = arith.constant 3 : i32
          %parallel_loop3A_654 = vector.broadcast %parallel_loop3A_653 : i32 to vector<16x1xi32>
          %parallel_loop3A_655 = vector.shape_cast %parallel_loop3A_654 : vector<16x1xi32> to vector<16xi32>
          %parallel_loop3A_656 = tpu.dynamic_gather %parallel_loop3A_583[%parallel_loop3A_655] in [0] : vector<16xf32>, vector<16xi32> -> vector<16xf32>
          %parallel_loop3A_657 = arith.mulf %parallel_loop3A_652, %parallel_loop3A_656 : vector<16xf32>
          %parallel_loop3A_658 = arith.constant 3 : i32
          %parallel_loop3A_659 = arith.addi %parallel_loop3A_585, %parallel_loop3A_658 : i32
          %parallel_loop3A_660 = arith.index_cast %and3A_501 : i32 to index
          %parallel_loop3A_661 = arith.index_cast %parallel_loop3A_659 : i32 to index
          %parallel_loop3A_662 = arith.constant 0 : index
          %parallel_loop3A_663 = tpu.vector_load %arg13[%parallel_loop3A_660, %parallel_loop3A_661, %parallel_loop3A_662] {strides = array<i32>} : memref<2x512x16xf32, #tpu.memory_space<vmem>>, vector<1x1x16xf32>,
          %parallel_loop3A_664 = vector.shape_cast %parallel_loop3A_663 : vector<1x1x16xf32> to vector<16xf32>
          %parallel_loop3A_665 = vector.shape_cast %parallel_loop3A_657 : vector<16xf32> to vector<1x1x16xf32>
          tpu.vector_store %arg13[%parallel_loop3A_660, %parallel_loop3A_661, %parallel_loop3A_662], %parallel_loop3A_665 {strides = array<i32>} : memref<2x512x16xf32, #tpu.memory_space<vmem>>, vector<1x1x16xf32>,
          %parallel_loop3A_666 = arith.constant 4 : i32
          %parallel_loop3A_667 = arith.addi %parallel_loop3A_585, %parallel_loop3A_666 : i32
          %parallel_loop3A_668 = arith.index_cast %and3A_501 : i32 to index
          %parallel_loop3A_669 = arith.index_cast %parallel_loop3A_667 : i32 to index
          %parallel_loop3A_670 = arith.constant 0 : index
          %parallel_loop3A_671 = tpu.vector_load %arg13[%parallel_loop3A_668, %parallel_loop3A_669, %parallel_loop3A_670] {strides = array<i32>} : memref<2x512x16xf32, #tpu.memory_space<vmem>>, vector<1x1x16xf32>,
          %parallel_loop3A_672 = vector.shape_cast %parallel_loop3A_671 : vector<1x1x16xf32> to vector<16xf32>
          %parallel_loop3A_673 = arith.constant 4 : i32
          %parallel_loop3A_674 = vector.broadcast %parallel_loop3A_673 : i32 to vector<16x1xi32>
          %parallel_loop3A_675 = vector.shape_cast %parallel_loop3A_674 : vector<16x1xi32> to vector<16xi32>
          %parallel_loop3A_676 = tpu.dynamic_gather %parallel_loop3A_583[%parallel_loop3A_675] in [0] : vector<16xf32>, vector<16xi32> -> vector<16xf32>
          %parallel_loop3A_677 = arith.mulf %parallel_loop3A_672, %parallel_loop3A_676 : vector<16xf32>
          %parallel_loop3A_678 = arith.constant 4 : i32
          %parallel_loop3A_679 = arith.addi %parallel_loop3A_585, %parallel_loop3A_678 : i32
          %parallel_loop3A_680 = arith.index_cast %and3A_501 : i32 to index
          %parallel_loop3A_681 = arith.index_cast %parallel_loop3A_679 : i32 to index
          %parallel_loop3A_682 = arith.constant 0 : index
          %parallel_loop3A_683 = tpu.vector_load %arg13[%parallel_loop3A_680, %parallel_loop3A_681, %parallel_loop3A_682] {strides = array<i32>} : memref<2x512x16xf32, #tpu.memory_space<vmem>>, vector<1x1x16xf32>,
          %parallel_loop3A_684 = vector.shape_cast %parallel_loop3A_683 : vector<1x1x16xf32> to vector<16xf32>
          %parallel_loop3A_685 = vector.shape_cast %parallel_loop3A_677 : vector<16xf32> to vector<1x1x16xf32>
          tpu.vector_store %arg13[%parallel_loop3A_680, %parallel_loop3A_681, %parallel_loop3A_682], %parallel_loop3A_685 {strides = array<i32>} : memref<2x512x16xf32, #tpu.memory_space<vmem>>, vector<1x1x16xf32>,
          %parallel_loop3A_686 = arith.constant 5 : i32
          %parallel_loop3A_687 = arith.addi %parallel_loop3A_585, %parallel_loop3A_686 : i32
          %parallel_loop3A_688 = arith.index_cast %and3A_501 : i32 to index
          %parallel_loop3A_689 = arith.index_cast %parallel_loop3A_687 : i32 to index
          %parallel_loop3A_690 = arith.constant 0 : index
          %parallel_loop3A_691 = tpu.vector_load %arg13[%parallel_loop3A_688, %parallel_loop3A_689, %parallel_loop3A_690] {strides = array<i32>} : memref<2x512x16xf32, #tpu.memory_space<vmem>>, vector<1x1x16xf32>,
          %parallel_loop3A_692 = vector.shape_cast %parallel_loop3A_691 : vector<1x1x16xf32> to vector<16xf32>
          %parallel_loop3A_693 = arith.constant 5 : i32
          %parallel_loop3A_694 = vector.broadcast %parallel_loop3A_693 : i32 to vector<16x1xi32>
          %parallel_loop3A_695 = vector.shape_cast %parallel_loop3A_694 : vector<16x1xi32> to vector<16xi32>
          %parallel_loop3A_696 = tpu.dynamic_gather %parallel_loop3A_583[%parallel_loop3A_695] in [0] : vector<16xf32>, vector<16xi32> -> vector<16xf32>
          %parallel_loop3A_697 = arith.mulf %parallel_loop3A_692, %parallel_loop3A_696 : vector<16xf32>
          %parallel_loop3A_698 = arith.constant 5 : i32
          %parallel_loop3A_699 = arith.addi %parallel_loop3A_585, %parallel_loop3A_698 : i32
          %parallel_loop3A_700 = arith.index_cast %and3A_501 : i32 to index
          %parallel_loop3A_701 = arith.index_cast %parallel_loop3A_699 : i32 to index
          %parallel_loop3A_702 = arith.constant 0 : index
          %parallel_loop3A_703 = tpu.vector_load %arg13[%parallel_loop3A_700, %parallel_loop3A_701, %parallel_loop3A_702] {strides = array<i32>} : memref<2x512x16xf32, #tpu.memory_space<vmem>>, vector<1x1x16xf32>,
          %parallel_loop3A_704 = vector.shape_cast %parallel_loop3A_703 : vector<1x1x16xf32> to vector<16xf32>
          %parallel_loop3A_705 = vector.shape_cast %parallel_loop3A_697 : vector<16xf32> to vector<1x1x16xf32>
          tpu.vector_store %arg13[%parallel_loop3A_700, %parallel_loop3A_701, %parallel_loop3A_702], %parallel_loop3A_705 {strides = array<i32>} : memref<2x512x16xf32, #tpu.memory_space<vmem>>, vector<1x1x16xf32>,
          %parallel_loop3A_706 = arith.constant 6 : i32
          %parallel_loop3A_707 = arith.addi %parallel_loop3A_585, %parallel_loop3A_706 : i32
          %parallel_loop3A_708 = arith.index_cast %and3A_501 : i32 to index
          %parallel_loop3A_709 = arith.index_cast %parallel_loop3A_707 : i32 to index
          %parallel_loop3A_710 = arith.constant 0 : index
          %parallel_loop3A_711 = tpu.vector_load %arg13[%parallel_loop3A_708, %parallel_loop3A_709, %parallel_loop3A_710] {strides = array<i32>} : memref<2x512x16xf32, #tpu.memory_space<vmem>>, vector<1x1x16xf32>,
          %parallel_loop3A_712 = vector.shape_cast %parallel_loop3A_711 : vector<1x1x16xf32> to vector<16xf32>
          %parallel_loop3A_713 = arith.constant 6 : i32
          %parallel_loop3A_714 = vector.broadcast %parallel_loop3A_713 : i32 to vector<16x1xi32>
          %parallel_loop3A_715 = vector.shape_cast %parallel_loop3A_714 : vector<16x1xi32> to vector<16xi32>
          %parallel_loop3A_716 = tpu.dynamic_gather %parallel_loop3A_583[%parallel_loop3A_715] in [0] : vector<16xf32>, vector<16xi32> -> vector<16xf32>
          %parallel_loop3A_717 = arith.mulf %parallel_loop3A_712, %parallel_loop3A_716 : vector<16xf32>
          %parallel_loop3A_718 = arith.constant 6 : i32
          %parallel_loop3A_719 = arith.addi %parallel_loop3A_585, %parallel_loop3A_718 : i32
          %parallel_loop3A_720 = arith.index_cast %and3A_501 : i32 to index
          %parallel_loop3A_721 = arith.index_cast %parallel_loop3A_719 : i32 to index
          %parallel_loop3A_722 = arith.constant 0 : index
          %parallel_loop3A_723 = tpu.vector_load %arg13[%parallel_loop3A_720, %parallel_loop3A_721, %parallel_loop3A_722] {strides = array<i32>} : memref<2x512x16xf32, #tpu.memory_space<vmem>>, vector<1x1x16xf32>,
          %parallel_loop3A_724 = vector.shape_cast %parallel_loop3A_723 : vector<1x1x16xf32> to vector<16xf32>
          %parallel_loop3A_725 = vector.shape_cast %parallel_loop3A_717 : vector<16xf32> to vector<1x1x16xf32>
          tpu.vector_store %arg13[%parallel_loop3A_720, %parallel_loop3A_721, %parallel_loop3A_722], %parallel_loop3A_725 {strides = array<i32>} : memref<2x512x16xf32, #tpu.memory_space<vmem>>, vector<1x1x16xf32>,
          %parallel_loop3A_726 = arith.constant 7 : i32
          %parallel_loop3A_727 = arith.addi %parallel_loop3A_585, %parallel_loop3A_726 : i32
          %parallel_loop3A_728 = arith.index_cast %and3A_501 : i32 to index
          %parallel_loop3A_729 = arith.index_cast %parallel_loop3A_727 : i32 to index
          %parallel_loop3A_730 = arith.constant 0 : index
          %parallel_loop3A_731 = tpu.vector_load %arg13[%parallel_loop3A_728, %parallel_loop3A_729, %parallel_loop3A_730] {strides = array<i32>} : memref<2x512x16xf32, #tpu.memory_space<vmem>>, vector<1x1x16xf32>,
          %parallel_loop3A_732 = vector.shape_cast %parallel_loop3A_731 : vector<1x1x16xf32> to vector<16xf32>
          %parallel_loop3A_733 = arith.constant 7 : i32
          %parallel_loop3A_734 = vector.broadcast %parallel_loop3A_733 : i32 to vector<16x1xi32>
          %parallel_loop3A_735 = vector.shape_cast %parallel_loop3A_734 : vector<16x1xi32> to vector<16xi32>
          %parallel_loop3A_736 = tpu.dynamic_gather %parallel_loop3A_583[%parallel_loop3A_735] in [0] : vector<16xf32>, vector<16xi32> -> vector<16xf32>
          %parallel_loop3A_737 = arith.mulf %parallel_loop3A_732, %parallel_loop3A_736 : vector<16xf32>
          %parallel_loop3A_738 = arith.constant 7 : i32
          %parallel_loop3A_739 = arith.addi %parallel_loop3A_585, %parallel_loop3A_738 : i32
          %parallel_loop3A_740 = arith.index_cast %and3A_501 : i32 to index
          %parallel_loop3A_741 = arith.index_cast %parallel_loop3A_739 : i32 to index
          %parallel_loop3A_742 = arith.constant 0 : index
          %parallel_loop3A_743 = tpu.vector_load %arg13[%parallel_loop3A_740, %parallel_loop3A_741, %parallel_loop3A_742] {strides = array<i32>} : memref<2x512x16xf32, #tpu.memory_space<vmem>>, vector<1x1x16xf32>,
          %parallel_loop3A_744 = vector.shape_cast %parallel_loop3A_743 : vector<1x1x16xf32> to vector<16xf32>
          %parallel_loop3A_745 = vector.shape_cast %parallel_loop3A_737 : vector<16xf32> to vector<1x1x16xf32>
          tpu.vector_store %arg13[%parallel_loop3A_740, %parallel_loop3A_741, %parallel_loop3A_742], %parallel_loop3A_745 {strides = array<i32>} : memref<2x512x16xf32, #tpu.memory_space<vmem>>, vector<1x1x16xf32>,
          %parallel_loop3A_746 = arith.constant 8 : i32
          %parallel_loop3A_747 = arith.addi %parallel_loop3A_585, %parallel_loop3A_746 : i32
          %parallel_loop3A_748 = arith.index_cast %and3A_501 : i32 to index
          %parallel_loop3A_749 = arith.index_cast %parallel_loop3A_747 : i32 to index
          %parallel_loop3A_750 = arith.constant 0 : index
          %parallel_loop3A_751 = tpu.vector_load %arg13[%parallel_loop3A_748, %parallel_loop3A_749, %parallel_loop3A_750] {strides = array<i32>} : memref<2x512x16xf32, #tpu.memory_space<vmem>>, vector<1x1x16xf32>,
          %parallel_loop3A_752 = vector.shape_cast %parallel_loop3A_751 : vector<1x1x16xf32> to vector<16xf32>
          %parallel_loop3A_753 = arith.constant 8 : i32
          %parallel_loop3A_754 = vector.broadcast %parallel_loop3A_753 : i32 to vector<16x1xi32>
          %parallel_loop3A_755 = vector.shape_cast %parallel_loop3A_754 : vector<16x1xi32> to vector<16xi32>
          %parallel_loop3A_756 = tpu.dynamic_gather %parallel_loop3A_583[%parallel_loop3A_755] in [0] : vector<16xf32>, vector<16xi32> -> vector<16xf32>
          %parallel_loop3A_757 = arith.mulf %parallel_loop3A_752, %parallel_loop3A_756 : vector<16xf32>
          %parallel_loop3A_758 = arith.constant 8 : i32
          %parallel_loop3A_759 = arith.addi %parallel_loop3A_585, %parallel_loop3A_758 : i32
          %parallel_loop3A_760 = arith.index_cast %and3A_501 : i32 to index
          %parallel_loop3A_761 = arith.index_cast %parallel_loop3A_759 : i32 to index
          %parallel_loop3A_762 = arith.constant 0 : index
          %parallel_loop3A_763 = tpu.vector_load %arg13[%parallel_loop3A_760, %parallel_loop3A_761, %parallel_loop3A_762] {strides = array<i32>} : memref<2x512x16xf32, #tpu.memory_space<vmem>>, vector<1x1x16xf32>,
          %parallel_loop3A_764 = vector.shape_cast %parallel_loop3A_763 : vector<1x1x16xf32> to vector<16xf32>
          %parallel_loop3A_765 = vector.shape_cast %parallel_loop3A_757 : vector<16xf32> to vector<1x1x16xf32>
          tpu.vector_store %arg13[%parallel_loop3A_760, %parallel_loop3A_761, %parallel_loop3A_762], %parallel_loop3A_765 {strides = array<i32>} : memref<2x512x16xf32, #tpu.memory_space<vmem>>, vector<1x1x16xf32>,
          %parallel_loop3A_766 = arith.constant 9 : i32
          %parallel_loop3A_767 = arith.addi %parallel_loop3A_585, %parallel_loop3A_766 : i32
          %parallel_loop3A_768 = arith.index_cast %and3A_501 : i32 to index
          %parallel_loop3A_769 = arith.index_cast %parallel_loop3A_767 : i32 to index
          %parallel_loop3A_770 = arith.constant 0 : index
          %parallel_loop3A_771 = tpu.vector_load %arg13[%parallel_loop3A_768, %parallel_loop3A_769, %parallel_loop3A_770] {strides = array<i32>} : memref<2x512x16xf32, #tpu.memory_space<vmem>>, vector<1x1x16xf32>,
          %parallel_loop3A_772 = vector.shape_cast %parallel_loop3A_771 : vector<1x1x16xf32> to vector<16xf32>
          %parallel_loop3A_773 = arith.constant 9 : i32
          %parallel_loop3A_774 = vector.broadcast %parallel_loop3A_773 : i32 to vector<16x1xi32>
          %parallel_loop3A_775 = vector.shape_cast %parallel_loop3A_774 : vector<16x1xi32> to vector<16xi32>
          %parallel_loop3A_776 = tpu.dynamic_gather %parallel_loop3A_583[%parallel_loop3A_775] in [0] : vector<16xf32>, vector<16xi32> -> vector<16xf32>
          %parallel_loop3A_777 = arith.mulf %parallel_loop3A_772, %parallel_loop3A_776 : vector<16xf32>
          %parallel_loop3A_778 = arith.constant 9 : i32
          %parallel_loop3A_779 = arith.addi %parallel_loop3A_585, %parallel_loop3A_778 : i32
          %parallel_loop3A_780 = arith.index_cast %and3A_501 : i32 to index
          %parallel_loop3A_781 = arith.index_cast %parallel_loop3A_779 : i32 to index
          %parallel_loop3A_782 = arith.constant 0 : index
          %parallel_loop3A_783 = tpu.vector_load %arg13[%parallel_loop3A_780, %parallel_loop3A_781, %parallel_loop3A_782] {strides = array<i32>} : memref<2x512x16xf32, #tpu.memory_space<vmem>>, vector<1x1x16xf32>,
          %parallel_loop3A_784 = vector.shape_cast %parallel_loop3A_783 : vector<1x1x16xf32> to vector<16xf32>
          %parallel_loop3A_785 = vector.shape_cast %parallel_loop3A_777 : vector<16xf32> to vector<1x1x16xf32>
          tpu.vector_store %arg13[%parallel_loop3A_780, %parallel_loop3A_781, %parallel_loop3A_782], %parallel_loop3A_785 {strides = array<i32>} : memref<2x512x16xf32, #tpu.memory_space<vmem>>, vector<1x1x16xf32>,
          %parallel_loop3A_786 = arith.constant 10 : i32
          %parallel_loop3A_787 = arith.addi %parallel_loop3A_585, %parallel_loop3A_786 : i32
          %parallel_loop3A_788 = arith.index_cast %and3A_501 : i32 to index
          %parallel_loop3A_789 = arith.index_cast %parallel_loop3A_787 : i32 to index
          %parallel_loop3A_790 = arith.constant 0 : index
          %parallel_loop3A_791 = tpu.vector_load %arg13[%parallel_loop3A_788, %parallel_loop3A_789, %parallel_loop3A_790] {strides = array<i32>} : memref<2x512x16xf32, #tpu.memory_space<vmem>>, vector<1x1x16xf32>,
          %parallel_loop3A_792 = vector.shape_cast %parallel_loop3A_791 : vector<1x1x16xf32> to vector<16xf32>
          %parallel_loop3A_793 = arith.constant 10 : i32
          %parallel_loop3A_794 = vector.broadcast %parallel_loop3A_793 : i32 to vector<16x1xi32>
          %parallel_loop3A_795 = vector.shape_cast %parallel_loop3A_794 : vector<16x1xi32> to vector<16xi32>
          %parallel_loop3A_796 = tpu.dynamic_gather %parallel_loop3A_583[%parallel_loop3A_795] in [0] : vector<16xf32>, vector<16xi32> -> vector<16xf32>
          %parallel_loop3A_797 = arith.mulf %parallel_loop3A_792, %parallel_loop3A_796 : vector<16xf32>
          %parallel_loop3A_798 = arith.constant 10 : i32
          %parallel_loop3A_799 = arith.addi %parallel_loop3A_585, %parallel_loop3A_798 : i32
          %parallel_loop3A_800 = arith.index_cast %and3A_501 : i32 to index
          %parallel_loop3A_801 = arith.index_cast %parallel_loop3A_799 : i32 to index
          %parallel_loop3A_802 = arith.constant 0 : index
          %parallel_loop3A_803 = tpu.vector_load %arg13[%parallel_loop3A_800, %parallel_loop3A_801, %parallel_loop3A_802] {strides = array<i32>} : memref<2x512x16xf32, #tpu.memory_space<vmem>>, vector<1x1x16xf32>,
          %parallel_loop3A_804 = vector.shape_cast %parallel_loop3A_803 : vector<1x1x16xf32> to vector<16xf32>
          %parallel_loop3A_805 = vector.shape_cast %parallel_loop3A_797 : vector<16xf32> to vector<1x1x16xf32>
          tpu.vector_store %arg13[%parallel_loop3A_800, %parallel_loop3A_801, %parallel_loop3A_802], %parallel_loop3A_805 {strides = array<i32>} : memref<2x512x16xf32, #tpu.memory_space<vmem>>, vector<1x1x16xf32>,
          %parallel_loop3A_806 = arith.constant 11 : i32
          %parallel_loop3A_807 = arith.addi %parallel_loop3A_585, %parallel_loop3A_806 : i32
          %parallel_loop3A_808 = arith.index_cast %and3A_501 : i32 to index
          %parallel_loop3A_809 = arith.index_cast %parallel_loop3A_807 : i32 to index
          %parallel_loop3A_810 = arith.constant 0 : index
          %parallel_loop3A_811 = tpu.vector_load %arg13[%parallel_loop3A_808, %parallel_loop3A_809, %parallel_loop3A_810] {strides = array<i32>} : memref<2x512x16xf32, #tpu.memory_space<vmem>>, vector<1x1x16xf32>,
          %parallel_loop3A_812 = vector.shape_cast %parallel_loop3A_811 : vector<1x1x16xf32> to vector<16xf32>
          %parallel_loop3A_813 = arith.constant 11 : i32
          %parallel_loop3A_814 = vector.broadcast %parallel_loop3A_813 : i32 to vector<16x1xi32>
          %parallel_loop3A_815 = vector.shape_cast %parallel_loop3A_814 : vector<16x1xi32> to vector<16xi32>
          %parallel_loop3A_816 = tpu.dynamic_gather %parallel_loop3A_583[%parallel_loop3A_815] in [0] : vector<16xf32>, vector<16xi32> -> vector<16xf32>
          %parallel_loop3A_817 = arith.mulf %parallel_loop3A_812, %parallel_loop3A_816 : vector<16xf32>
          %parallel_loop3A_818 = arith.constant 11 : i32
          %parallel_loop3A_819 = arith.addi %parallel_loop3A_585, %parallel_loop3A_818 : i32
          %parallel_loop3A_820 = arith.index_cast %and3A_501 : i32 to index
          %parallel_loop3A_821 = arith.index_cast %parallel_loop3A_819 : i32 to index
          %parallel_loop3A_822 = arith.constant 0 : index
          %parallel_loop3A_823 = tpu.vector_load %arg13[%parallel_loop3A_820, %parallel_loop3A_821, %parallel_loop3A_822] {strides = array<i32>} : memref<2x512x16xf32, #tpu.memory_space<vmem>>, vector<1x1x16xf32>,
          %parallel_loop3A_824 = vector.shape_cast %parallel_loop3A_823 : vector<1x1x16xf32> to vector<16xf32>
          %parallel_loop3A_825 = vector.shape_cast %parallel_loop3A_817 : vector<16xf32> to vector<1x1x16xf32>
          tpu.vector_store %arg13[%parallel_loop3A_820, %parallel_loop3A_821, %parallel_loop3A_822], %parallel_loop3A_825 {strides = array<i32>} : memref<2x512x16xf32, #tpu.memory_space<vmem>>, vector<1x1x16xf32>,
          %parallel_loop3A_826 = arith.constant 12 : i32
          %parallel_loop3A_827 = arith.addi %parallel_loop3A_585, %parallel_loop3A_826 : i32
          %parallel_loop3A_828 = arith.index_cast %and3A_501 : i32 to index
          %parallel_loop3A_829 = arith.index_cast %parallel_loop3A_827 : i32 to index
          %parallel_loop3A_830 = arith.constant 0 : index
          %parallel_loop3A_831 = tpu.vector_load %arg13[%parallel_loop3A_828, %parallel_loop3A_829, %parallel_loop3A_830] {strides = array<i32>} : memref<2x512x16xf32, #tpu.memory_space<vmem>>, vector<1x1x16xf32>,
          %parallel_loop3A_832 = vector.shape_cast %parallel_loop3A_831 : vector<1x1x16xf32> to vector<16xf32>
          %parallel_loop3A_833 = arith.constant 12 : i32
          %parallel_loop3A_834 = vector.broadcast %parallel_loop3A_833 : i32 to vector<16x1xi32>
          %parallel_loop3A_835 = vector.shape_cast %parallel_loop3A_834 : vector<16x1xi32> to vector<16xi32>
          %parallel_loop3A_836 = tpu.dynamic_gather %parallel_loop3A_583[%parallel_loop3A_835] in [0] : vector<16xf32>, vector<16xi32> -> vector<16xf32>
          %parallel_loop3A_837 = arith.mulf %parallel_loop3A_832, %parallel_loop3A_836 : vector<16xf32>
          %parallel_loop3A_838 = arith.constant 12 : i32
          %parallel_loop3A_839 = arith.addi %parallel_loop3A_585, %parallel_loop3A_838 : i32
          %parallel_loop3A_840 = arith.index_cast %and3A_501 : i32 to index
          %parallel_loop3A_841 = arith.index_cast %parallel_loop3A_839 : i32 to index
          %parallel_loop3A_842 = arith.constant 0 : index
          %parallel_loop3A_843 = tpu.vector_load %arg13[%parallel_loop3A_840, %parallel_loop3A_841, %parallel_loop3A_842] {strides = array<i32>} : memref<2x512x16xf32, #tpu.memory_space<vmem>>, vector<1x1x16xf32>,
          %parallel_loop3A_844 = vector.shape_cast %parallel_loop3A_843 : vector<1x1x16xf32> to vector<16xf32>
          %parallel_loop3A_845 = vector.shape_cast %parallel_loop3A_837 : vector<16xf32> to vector<1x1x16xf32>
          tpu.vector_store %arg13[%parallel_loop3A_840, %parallel_loop3A_841, %parallel_loop3A_842], %parallel_loop3A_845 {strides = array<i32>} : memref<2x512x16xf32, #tpu.memory_space<vmem>>, vector<1x1x16xf32>,
          %parallel_loop3A_846 = arith.constant 13 : i32
          %parallel_loop3A_847 = arith.addi %parallel_loop3A_585, %parallel_loop3A_846 : i32
          %parallel_loop3A_848 = arith.index_cast %and3A_501 : i32 to index
          %parallel_loop3A_849 = arith.index_cast %parallel_loop3A_847 : i32 to index
          %parallel_loop3A_850 = arith.constant 0 : index
          %parallel_loop3A_851 = tpu.vector_load %arg13[%parallel_loop3A_848, %parallel_loop3A_849, %parallel_loop3A_850] {strides = array<i32>} : memref<2x512x16xf32, #tpu.memory_space<vmem>>, vector<1x1x16xf32>,
          %parallel_loop3A_852 = vector.shape_cast %parallel_loop3A_851 : vector<1x1x16xf32> to vector<16xf32>
          %parallel_loop3A_853 = arith.constant 13 : i32
          %parallel_loop3A_854 = vector.broadcast %parallel_loop3A_853 : i32 to vector<16x1xi32>
          %parallel_loop3A_855 = vector.shape_cast %parallel_loop3A_854 : vector<16x1xi32> to vector<16xi32>
          %parallel_loop3A_856 = tpu.dynamic_gather %parallel_loop3A_583[%parallel_loop3A_855] in [0] : vector<16xf32>, vector<16xi32> -> vector<16xf32>
          %parallel_loop3A_857 = arith.mulf %parallel_loop3A_852, %parallel_loop3A_856 : vector<16xf32>
          %parallel_loop3A_858 = arith.constant 13 : i32
          %parallel_loop3A_859 = arith.addi %parallel_loop3A_585, %parallel_loop3A_858 : i32
          %parallel_loop3A_860 = arith.index_cast %and3A_501 : i32 to index
          %parallel_loop3A_861 = arith.index_cast %parallel_loop3A_859 : i32 to index
          %parallel_loop3A_862 = arith.constant 0 : index
          %parallel_loop3A_863 = tpu.vector_load %arg13[%parallel_loop3A_860, %parallel_loop3A_861, %parallel_loop3A_862] {strides = array<i32>} : memref<2x512x16xf32, #tpu.memory_space<vmem>>, vector<1x1x16xf32>,
          %parallel_loop3A_864 = vector.shape_cast %parallel_loop3A_863 : vector<1x1x16xf32> to vector<16xf32>
          %parallel_loop3A_865 = vector.shape_cast %parallel_loop3A_857 : vector<16xf32> to vector<1x1x16xf32>
          tpu.vector_store %arg13[%parallel_loop3A_860, %parallel_loop3A_861, %parallel_loop3A_862], %parallel_loop3A_865 {strides = array<i32>} : memref<2x512x16xf32, #tpu.memory_space<vmem>>, vector<1x1x16xf32>,
          %parallel_loop3A_866 = arith.constant 14 : i32
          %parallel_loop3A_867 = arith.addi %parallel_loop3A_585, %parallel_loop3A_866 : i32
          %parallel_loop3A_868 = arith.index_cast %and3A_501 : i32 to index
          %parallel_loop3A_869 = arith.index_cast %parallel_loop3A_867 : i32 to index
          %parallel_loop3A_870 = arith.constant 0 : index
          %parallel_loop3A_871 = tpu.vector_load %arg13[%parallel_loop3A_868, %parallel_loop3A_869, %parallel_loop3A_870] {strides = array<i32>} : memref<2x512x16xf32, #tpu.memory_space<vmem>>, vector<1x1x16xf32>,
          %parallel_loop3A_872 = vector.shape_cast %parallel_loop3A_871 : vector<1x1x16xf32> to vector<16xf32>
          %parallel_loop3A_873 = arith.constant 14 : i32
          %parallel_loop3A_874 = vector.broadcast %parallel_loop3A_873 : i32 to vector<16x1xi32>
          %parallel_loop3A_875 = vector.shape_cast %parallel_loop3A_874 : vector<16x1xi32> to vector<16xi32>
          %parallel_loop3A_876 = tpu.dynamic_gather %parallel_loop3A_583[%parallel_loop3A_875] in [0] : vector<16xf32>, vector<16xi32> -> vector<16xf32>
          %parallel_loop3A_877 = arith.mulf %parallel_loop3A_872, %parallel_loop3A_876 : vector<16xf32>
          %parallel_loop3A_878 = arith.constant 14 : i32
          %parallel_loop3A_879 = arith.addi %parallel_loop3A_585, %parallel_loop3A_878 : i32
          %parallel_loop3A_880 = arith.index_cast %and3A_501 : i32 to index
          %parallel_loop3A_881 = arith.index_cast %parallel_loop3A_879 : i32 to index
          %parallel_loop3A_882 = arith.constant 0 : index
          %parallel_loop3A_883 = tpu.vector_load %arg13[%parallel_loop3A_880, %parallel_loop3A_881, %parallel_loop3A_882] {strides = array<i32>} : memref<2x512x16xf32, #tpu.memory_space<vmem>>, vector<1x1x16xf32>,
          %parallel_loop3A_884 = vector.shape_cast %parallel_loop3A_883 : vector<1x1x16xf32> to vector<16xf32>
          %parallel_loop3A_885 = vector.shape_cast %parallel_loop3A_877 : vector<16xf32> to vector<1x1x16xf32>
          tpu.vector_store %arg13[%parallel_loop3A_880, %parallel_loop3A_881, %parallel_loop3A_882], %parallel_loop3A_885 {strides = array<i32>} : memref<2x512x16xf32, #tpu.memory_space<vmem>>, vector<1x1x16xf32>,
          %parallel_loop3A_886 = arith.constant 15 : i32
          %parallel_loop3A_887 = arith.addi %parallel_loop3A_585, %parallel_loop3A_886 : i32
          %parallel_loop3A_888 = arith.index_cast %and3A_501 : i32 to index
          %parallel_loop3A_889 = arith.index_cast %parallel_loop3A_887 : i32 to index
          %parallel_loop3A_890 = arith.constant 0 : index
          %parallel_loop3A_891 = tpu.vector_load %arg13[%parallel_loop3A_888, %parallel_loop3A_889, %parallel_loop3A_890] {strides = array<i32>} : memref<2x512x16xf32, #tpu.memory_space<vmem>>, vector<1x1x16xf32>,
          %parallel_loop3A_892 = vector.shape_cast %parallel_loop3A_891 : vector<1x1x16xf32> to vector<16xf32>
          %parallel_loop3A_893 = arith.constant 15 : i32
          %parallel_loop3A_894 = vector.broadcast %parallel_loop3A_893 : i32 to vector<16x1xi32>
          %parallel_loop3A_895 = vector.shape_cast %parallel_loop3A_894 : vector<16x1xi32> to vector<16xi32>
          %parallel_loop3A_896 = tpu.dynamic_gather %parallel_loop3A_583[%parallel_loop3A_895] in [0] : vector<16xf32>, vector<16xi32> -> vector<16xf32>
          %parallel_loop3A_897 = arith.mulf %parallel_loop3A_892, %parallel_loop3A_896 : vector<16xf32>
          %parallel_loop3A_898 = arith.constant 15 : i32
          %parallel_loop3A_899 = arith.addi %parallel_loop3A_585, %parallel_loop3A_898 : i32
          %parallel_loop3A_900 = arith.index_cast %and3A_501 : i32 to index
          %parallel_loop3A_901 = arith.index_cast %parallel_loop3A_899 : i32 to index
          %parallel_loop3A_902 = arith.constant 0 : index
          %parallel_loop3A_903 = tpu.vector_load %arg13[%parallel_loop3A_900, %parallel_loop3A_901, %parallel_loop3A_902] {strides = array<i32>} : memref<2x512x16xf32, #tpu.memory_space<vmem>>, vector<1x1x16xf32>,
          %parallel_loop3A_904 = vector.shape_cast %parallel_loop3A_903 : vector<1x1x16xf32> to vector<16xf32>
          %parallel_loop3A_905 = vector.shape_cast %parallel_loop3A_897 : vector<16xf32> to vector<1x1x16xf32>
          tpu.vector_store %arg13[%parallel_loop3A_900, %parallel_loop3A_901, %parallel_loop3A_902], %parallel_loop3A_905 {strides = array<i32>} : memref<2x512x16xf32, #tpu.memory_space<vmem>>, vector<1x1x16xf32>,
        } {sc.loop_unroll_factor = 2 : i64, sc.parallel_access}
        %dma_start3A_525 = arith.constant 0 : i32
        %dma_start3A_526 = arith.constant 0 : i32
        %dma_start3A_527 = arith.constant 0 : i32
        %dma_start3A_528 = tpu.memref_slice %arg13[%and3A_501, %dma_start3A_526, %dma_start3A_527] : memref<2x512x16xf32, #tpu.memory_space<vmem>> -> memref<1x128x16xf32, #tpu.memory_space<vmem>>
        %dma_start3A_529 = tpu.memref_squeeze %dma_start3A_528 : memref<1x128x16xf32, #tpu.memory_space<vmem>> -> memref<128x16xf32, #tpu.memory_space<vmem>>
        %dma_start3A_530 = arith.constant 0 : i32
        %dma_start3A_531 = tpu.memref_slice %arg11[%and3A_505, %dma_start3A_525, %dma_start3A_530] : memref<4x4x128xi32, #tpu.memory_space<vmem>> -> memref<1x1x128xi32, #tpu.memory_space<vmem>>
        %dma_start3A_532 = tpu.memref_squeeze %dma_start3A_531 : memref<1x1x128xi32, #tpu.memory_space<vmem>> -> memref<128xi32, #tpu.memory_space<vmem>>
        %dma_start3A_533 = arith.constant 0 : i32
        %dma_start3A_534 = arith.constant 0 : i32
        %dma_start3A_535 = tpu.memref_slice %arg14[%dma_start3A_533, %dma_start3A_534] : memref<100096x16xf32, #tpu.memory_space<vmem_shared>> -> memref<100096x16xf32, #tpu.memory_space<vmem_shared>>
        %dma_start3A_536 = tpu.memref_slice %arg17[%and3A_501] : memref<2x!tpu.dma_semaphore, #tpu.memory_space<semaphore_mem>> -> memref<1x!tpu.dma_semaphore, #tpu.memory_space<semaphore_mem>>
        %dma_start3A_537 = tpu.memref_squeeze %dma_start3A_536 : memref<1x!tpu.dma_semaphore, #tpu.memory_space<semaphore_mem>> -> memref<!tpu.dma_semaphore, #tpu.memory_space<semaphore_mem>>
        tpu.enqueue_indirect_dma source(%dma_start3A_529 : memref<128x16xf32, #tpu.memory_space<vmem>>) target(%dma_start3A_535 : memref<100096x16xf32, #tpu.memory_space<vmem_shared>>) offsets(%dma_start3A_532 : memref<128xi32, #tpu.memory_space<vmem>>) semaphore(%dma_start3A_537 : memref<!tpu.dma_semaphore, #tpu.memory_space<semaphore_mem>>) {add = true}
        %dma_start3A_538 = arith.constant 1 : i32
        %dma_start3A_539 = arith.constant 128 : i32
        %dma_start3A_540 = arith.constant 0 : i32
        %dma_start3A_541 = tpu.memref_slice %arg13[%and3A_501, %dma_start3A_539, %dma_start3A_540] : memref<2x512x16xf32, #tpu.memory_space<vmem>> -> memref<1x128x16xf32, #tpu.memory_space<vmem>>
        %dma_start3A_542 = tpu.memref_squeeze %dma_start3A_541 : memref<1x128x16xf32, #tpu.memory_space<vmem>> -> memref<128x16xf32, #tpu.memory_space<vmem>>
        %dma_start3A_543 = arith.constant 0 : i32
        %dma_start3A_544 = tpu.memref_slice %arg11[%and3A_505, %dma_start3A_538, %dma_start3A_543] : memref<4x4x128xi32, #tpu.memory_space<vmem>> -> memref<1x1x128xi32, #tpu.memory_space<vmem>>
        %dma_start3A_545 = tpu.memref_squeeze %dma_start3A_544 : memref<1x1x128xi32, #tpu.memory_space<vmem>> -> memref<128xi32, #tpu.memory_space<vmem>>
        %dma_start3A_546 = arith.constant 0 : i32
        %dma_start3A_547 = arith.constant 0 : i32
        %dma_start3A_548 = tpu.memref_slice %arg14[%dma_start3A_546, %dma_start3A_547] : memref<100096x16xf32, #tpu.memory_space<vmem_shared>> -> memref<100096x16xf32, #tpu.memory_space<vmem_shared>>
        %dma_start3A_549 = tpu.memref_slice %arg17[%and3A_501] : memref<2x!tpu.dma_semaphore, #tpu.memory_space<semaphore_mem>> -> memref<1x!tpu.dma_semaphore, #tpu.memory_space<semaphore_mem>>
        %dma_start3A_550 = tpu.memref_squeeze %dma_start3A_549 : memref<1x!tpu.dma_semaphore, #tpu.memory_space<semaphore_mem>> -> memref<!tpu.dma_semaphore, #tpu.memory_space<semaphore_mem>>
        tpu.enqueue_indirect_dma source(%dma_start3A_542 : memref<128x16xf32, #tpu.memory_space<vmem>>) target(%dma_start3A_548 : memref<100096x16xf32, #tpu.memory_space<vmem_shared>>) offsets(%dma_start3A_545 : memref<128xi32, #tpu.memory_space<vmem>>) semaphore(%dma_start3A_550 : memref<!tpu.dma_semaphore, #tpu.memory_space<semaphore_mem>>) {add = true}
        %dma_start3A_551 = arith.constant 2 : i32
        %dma_start3A_552 = arith.constant 256 : i32
        %dma_start3A_553 = arith.constant 0 : i32
        %dma_start3A_554 = tpu.memref_slice %arg13[%and3A_501, %dma_start3A_552, %dma_start3A_553] : memref<2x512x16xf32, #tpu.memory_space<vmem>> -> memref<1x128x16xf32, #tpu.memory_space<vmem>>
        %dma_start3A_555 = tpu.memref_squeeze %dma_start3A_554 : memref<1x128x16xf32, #tpu.memory_space<vmem>> -> memref<128x16xf32, #tpu.memory_space<vmem>>
        %dma_start3A_556 = arith.constant 0 : i32
        %dma_start3A_557 = tpu.memref_slice %arg11[%and3A_505, %dma_start3A_551, %dma_start3A_556] : memref<4x4x128xi32, #tpu.memory_space<vmem>> -> memref<1x1x128xi32, #tpu.memory_space<vmem>>
        %dma_start3A_558 = tpu.memref_squeeze %dma_start3A_557 : memref<1x1x128xi32, #tpu.memory_space<vmem>> -> memref<128xi32, #tpu.memory_space<vmem>>
        %dma_start3A_559 = arith.constant 0 : i32
        %dma_start3A_560 = arith.constant 0 : i32
        %dma_start3A_561 = tpu.memref_slice %arg14[%dma_start3A_559, %dma_start3A_560] : memref<100096x16xf32, #tpu.memory_space<vmem_shared>> -> memref<100096x16xf32, #tpu.memory_space<vmem_shared>>
        %dma_start3A_562 = tpu.memref_slice %arg17[%and3A_501] : memref<2x!tpu.dma_semaphore, #tpu.memory_space<semaphore_mem>> -> memref<1x!tpu.dma_semaphore, #tpu.memory_space<semaphore_mem>>
        %dma_start3A_563 = tpu.memref_squeeze %dma_start3A_562 : memref<1x!tpu.dma_semaphore, #tpu.memory_space<semaphore_mem>> -> memref<!tpu.dma_semaphore, #tpu.memory_space<semaphore_mem>>
        tpu.enqueue_indirect_dma source(%dma_start3A_555 : memref<128x16xf32, #tpu.memory_space<vmem>>) target(%dma_start3A_561 : memref<100096x16xf32, #tpu.memory_space<vmem_shared>>) offsets(%dma_start3A_558 : memref<128xi32, #tpu.memory_space<vmem>>) semaphore(%dma_start3A_563 : memref<!tpu.dma_semaphore, #tpu.memory_space<semaphore_mem>>) {add = true}
        %dma_start3A_564 = arith.constant 3 : i32
        %dma_start3A_565 = arith.constant 384 : i32
        %dma_start3A_566 = arith.constant 0 : i32
        %dma_start3A_567 = tpu.memref_slice %arg13[%and3A_501, %dma_start3A_565, %dma_start3A_566] : memref<2x512x16xf32, #tpu.memory_space<vmem>> -> memref<1x128x16xf32, #tpu.memory_space<vmem>>
        %dma_start3A_568 = tpu.memref_squeeze %dma_start3A_567 : memref<1x128x16xf32, #tpu.memory_space<vmem>> -> memref<128x16xf32, #tpu.memory_space<vmem>>
        %dma_start3A_569 = arith.constant 0 : i32
        %dma_start3A_570 = tpu.memref_slice %arg11[%and3A_505, %dma_start3A_564, %dma_start3A_569] : memref<4x4x128xi32, #tpu.memory_space<vmem>> -> memref<1x1x128xi32, #tpu.memory_space<vmem>>
        %dma_start3A_571 = tpu.memref_squeeze %dma_start3A_570 : memref<1x1x128xi32, #tpu.memory_space<vmem>> -> memref<128xi32, #tpu.memory_space<vmem>>
        %dma_start3A_572 = arith.constant 0 : i32
        %dma_start3A_573 = arith.constant 0 : i32
        %dma_start3A_574 = tpu.memref_slice %arg14[%dma_start3A_572, %dma_start3A_573] : memref<100096x16xf32, #tpu.memory_space<vmem_shared>> -> memref<100096x16xf32, #tpu.memory_space<vmem_shared>>
        %dma_start3A_575 = tpu.memref_slice %arg17[%and3A_501] : memref<2x!tpu.dma_semaphore, #tpu.memory_space<semaphore_mem>> -> memref<1x!tpu.dma_semaphore, #tpu.memory_space<semaphore_mem>>
        %dma_start3A_576 = tpu.memref_squeeze %dma_start3A_575 : memref<1x!tpu.dma_semaphore, #tpu.memory_space<semaphore_mem>> -> memref<!tpu.dma_semaphore, #tpu.memory_space<semaphore_mem>>
        tpu.enqueue_indirect_dma source(%dma_start3A_568 : memref<128x16xf32, #tpu.memory_space<vmem>>) target(%dma_start3A_574 : memref<100096x16xf32, #tpu.memory_space<vmem_shared>>) offsets(%dma_start3A_571 : memref<128xi32, #tpu.memory_space<vmem>>) semaphore(%dma_start3A_576 : memref<!tpu.dma_semaphore, #tpu.memory_space<semaphore_mem>>) {add = true}
      } else {
      }
      %add3A_482 = arith.constant 1 : i32
      %add3A_483 = arith.addi %while3A_421, %add3A_482 : i32
      %lt3A = arith.cmpi slt, %add3A_483, %add3A_63 : i32
      %convert_element_type3A_484 = arith.extui %lt3A : i1 to i32
      %cond3A_485 = arith.constant 0 : i32
      %cond3A_486 = arith.cmpi ne, %convert_element_type3A_484, %cond3A_485 : i32
      scf.if %cond3A_486 {
        %add3A_498 = arith.constant 1 : i32
        %add3A_499 = arith.addi %while3A_421, %add3A_498 : i32
        %and3A_500 = arith.constant 3 : i32
        %and3A_501 = arith.andi %add3A_499, %and3A_500 : i32
        %dma_wait3A_502 = arith.constant 0 : i32
        %dma_wait3A_503 = tpu.memref_slice %arg8[%and3A_501, %dma_wait3A_502] : memref<4x512xi32, #tpu.memory_space<vmem>> -> memref<1x512xi32, #tpu.memory_space<vmem>>
        %dma_wait3A_504 = tpu.memref_squeeze %dma_wait3A_503 : memref<1x512xi32, #tpu.memory_space<vmem>> -> memref<512xi32, #tpu.memory_space<vmem>>
        %dma_wait3A_505 = arith.constant 0 : i32
        %dma_wait3A_506 = tpu.memref_slice %arg3[%dma_wait3A_505] : memref<1600000xi32, #tpu.memory_space<hbm>> -> memref<512xi32, #tpu.memory_space<hbm>>
        %dma_wait3A_507 = tpu.memref_slice %arg15[%and3A_501] : memref<4x!tpu.dma_semaphore, #tpu.memory_space<semaphore_mem>> -> memref<1x!tpu.dma_semaphore, #tpu.memory_space<semaphore_mem>>
        %dma_wait3A_508 = tpu.memref_squeeze %dma_wait3A_507 : memref<1x!tpu.dma_semaphore, #tpu.memory_space<semaphore_mem>> -> memref<!tpu.dma_semaphore, #tpu.memory_space<semaphore_mem>>
        %dma_wait3A_509 = arith.constant 0 : i32
        %dma_wait3A_510 = tpu.memref_slice %arg8[%and3A_501, %dma_wait3A_509] : memref<4x512xi32, #tpu.memory_space<vmem>> -> memref<1x512xi32, #tpu.memory_space<vmem>>
        %dma_wait3A_511 = tpu.memref_squeeze %dma_wait3A_510 : memref<1x512xi32, #tpu.memory_space<vmem>> -> memref<512xi32, #tpu.memory_space<vmem>>
        %dma_wait3A_512 = arith.constant 0 : i32
        %dma_wait3A_513 = tpu.memref_slice %arg3[%dma_wait3A_512] : memref<1600000xi32, #tpu.memory_space<hbm>> -> memref<512xi32, #tpu.memory_space<hbm>>
        tpu.wait_dma2 semaphore(%dma_wait3A_508 : memref<!tpu.dma_semaphore, #tpu.memory_space<semaphore_mem>>) src(%dma_wait3A_513 : memref<512xi32, #tpu.memory_space<hbm>>) dst(%dma_wait3A_511 : memref<512xi32, #tpu.memory_space<vmem>>)
        %dma_wait3A_514 = arith.constant 0 : i32
        %dma_wait3A_515 = tpu.memref_slice %arg9[%and3A_501, %dma_wait3A_514] : memref<4x512xi32, #tpu.memory_space<vmem>> -> memref<1x512xi32, #tpu.memory_space<vmem>>
        %dma_wait3A_516 = tpu.memref_squeeze %dma_wait3A_515 : memref<1x512xi32, #tpu.memory_space<vmem>> -> memref<512xi32, #tpu.memory_space<vmem>>
        %dma_wait3A_517 = arith.constant 0 : i32
        %dma_wait3A_518 = tpu.memref_slice %arg4[%dma_wait3A_517] : memref<1600000xi32, #tpu.memory_space<hbm>> -> memref<512xi32, #tpu.memory_space<hbm>>
        %dma_wait3A_519 = tpu.memref_slice %arg15[%and3A_501] : memref<4x!tpu.dma_semaphore, #tpu.memory_space<semaphore_mem>> -> memref<1x!tpu.dma_semaphore, #tpu.memory_space<semaphore_mem>>
        %dma_wait3A_520 = tpu.memref_squeeze %dma_wait3A_519 : memref<1x!tpu.dma_semaphore, #tpu.memory_space<semaphore_mem>> -> memref<!tpu.dma_semaphore, #tpu.memory_space<semaphore_mem>>
        %dma_wait3A_521 = arith.constant 0 : i32
        %dma_wait3A_522 = tpu.memref_slice %arg9[%and3A_501, %dma_wait3A_521] : memref<4x512xi32, #tpu.memory_space<vmem>> -> memref<1x512xi32, #tpu.memory_space<vmem>>
        %dma_wait3A_523 = tpu.memref_squeeze %dma_wait3A_522 : memref<1x512xi32, #tpu.memory_space<vmem>> -> memref<512xi32, #tpu.memory_space<vmem>>
        %dma_wait3A_524 = arith.constant 0 : i32
        %dma_wait3A_525 = tpu.memref_slice %arg4[%dma_wait3A_524] : memref<1600000xi32, #tpu.memory_space<hbm>> -> memref<512xi32, #tpu.memory_space<hbm>>
        tpu.wait_dma2 semaphore(%dma_wait3A_520 : memref<!tpu.dma_semaphore, #tpu.memory_space<semaphore_mem>>) src(%dma_wait3A_525 : memref<512xi32, #tpu.memory_space<hbm>>) dst(%dma_wait3A_523 : memref<512xi32, #tpu.memory_space<vmem>>)
        %dma_wait3A_526 = arith.constant 0 : i32
        %dma_wait3A_527 = tpu.memref_slice %arg12[%and3A_501, %dma_wait3A_526] : memref<4x512xf32, #tpu.memory_space<vmem>> -> memref<1x512xf32, #tpu.memory_space<vmem>>
        %dma_wait3A_528 = tpu.memref_squeeze %dma_wait3A_527 : memref<1x512xf32, #tpu.memory_space<vmem>> -> memref<512xf32, #tpu.memory_space<vmem>>
        %dma_wait3A_529 = arith.constant 0 : i32
        %dma_wait3A_530 = tpu.memref_slice %arg6[%dma_wait3A_529] : memref<1600000xf32, #tpu.memory_space<hbm>> -> memref<512xf32, #tpu.memory_space<hbm>>
        %dma_wait3A_531 = tpu.memref_slice %arg15[%and3A_501] : memref<4x!tpu.dma_semaphore, #tpu.memory_space<semaphore_mem>> -> memref<1x!tpu.dma_semaphore, #tpu.memory_space<semaphore_mem>>
        %dma_wait3A_532 = tpu.memref_squeeze %dma_wait3A_531 : memref<1x!tpu.dma_semaphore, #tpu.memory_space<semaphore_mem>> -> memref<!tpu.dma_semaphore, #tpu.memory_space<semaphore_mem>>
        %dma_wait3A_533 = arith.constant 0 : i32
        %dma_wait3A_534 = tpu.memref_slice %arg12[%and3A_501, %dma_wait3A_533] : memref<4x512xf32, #tpu.memory_space<vmem>> -> memref<1x512xf32, #tpu.memory_space<vmem>>
        %dma_wait3A_535 = tpu.memref_squeeze %dma_wait3A_534 : memref<1x512xf32, #tpu.memory_space<vmem>> -> memref<512xf32, #tpu.memory_space<vmem>>
        %dma_wait3A_536 = arith.constant 0 : i32
        %dma_wait3A_537 = tpu.memref_slice %arg6[%dma_wait3A_536] : memref<1600000xf32, #tpu.memory_space<hbm>> -> memref<512xf32, #tpu.memory_space<hbm>>
        tpu.wait_dma2 semaphore(%dma_wait3A_532 : memref<!tpu.dma_semaphore, #tpu.memory_space<semaphore_mem>>) src(%dma_wait3A_537 : memref<512xf32, #tpu.memory_space<hbm>>) dst(%dma_wait3A_535 : memref<512xf32, #tpu.memory_space<vmem>>)
        %dma_wait3A_538 = arith.constant 0 : i32
        %dma_wait3A_539 = arith.constant 0 : i32
        %dma_wait3A_540 = tpu.memref_slice %arg11[%and3A_501, %dma_wait3A_538, %dma_wait3A_539] : memref<4x4x128xi32, #tpu.memory_space<vmem>> -> memref<1x4x128xi32, #tpu.memory_space<vmem>>
        %dma_wait3A_541 = tpu.memref_squeeze %dma_wait3A_540 : memref<1x4x128xi32, #tpu.memory_space<vmem>> -> memref<4x128xi32, #tpu.memory_space<vmem>>
        %dma_wait3A_542 = arith.constant 0 : i32
        %dma_wait3A_543 = arith.constant 0 : i32
        %dma_wait3A_544 = tpu.memref_slice %arg5[%dma_wait3A_542, %dma_wait3A_543] : memref<12500x128xi32, #tpu.memory_space<hbm>> -> memref<4x128xi32, #tpu.memory_space<hbm>>
        %dma_wait3A_545 = tpu.memref_slice %arg15[%and3A_501] : memref<4x!tpu.dma_semaphore, #tpu.memory_space<semaphore_mem>> -> memref<1x!tpu.dma_semaphore, #tpu.memory_space<semaphore_mem>>
        %dma_wait3A_546 = tpu.memref_squeeze %dma_wait3A_545 : memref<1x!tpu.dma_semaphore, #tpu.memory_space<semaphore_mem>> -> memref<!tpu.dma_semaphore, #tpu.memory_space<semaphore_mem>>
        %dma_wait3A_547 = arith.constant 0 : i32
        %dma_wait3A_548 = arith.constant 0 : i32
        %dma_wait3A_549 = tpu.memref_slice %arg11[%and3A_501, %dma_wait3A_547, %dma_wait3A_548] : memref<4x4x128xi32, #tpu.memory_space<vmem>> -> memref<1x4x128xi32, #tpu.memory_space<vmem>>
        %dma_wait3A_550 = tpu.memref_squeeze %dma_wait3A_549 : memref<1x4x128xi32, #tpu.memory_space<vmem>> -> memref<4x128xi32, #tpu.memory_space<vmem>>
        %dma_wait3A_551 = arith.constant 0 : i32
        %dma_wait3A_552 = arith.constant 0 : i32
        %dma_wait3A_553 = tpu.memref_slice %arg5[%dma_wait3A_551, %dma_wait3A_552] : memref<12500x128xi32, #tpu.memory_space<hbm>> -> memref<4x128xi32, #tpu.memory_space<hbm>>
        tpu.wait_dma2 semaphore(%dma_wait3A_546 : memref<!tpu.dma_semaphore, #tpu.memory_space<semaphore_mem>>) src(%dma_wait3A_553 : memref<4x128xi32, #tpu.memory_space<hbm>>) dst(%dma_wait3A_550 : memref<4x128xi32, #tpu.memory_space<vmem>>)
        %scan3A_554 = arith.constant 0 : i32
        %scan3A_555 = arith.constant 0 : i32
        %scan3A_556 = arith.constant 32 : i32
        %scan3A_557 = arith.addi %scan3A_555, %scan3A_556 : i32
        %scan3A_558 = arith.constant 1 : i32
        %scan3A_559 = scf.for %scan3A_561 = %scan3A_555 to %scan3A_557 step %scan3A_558 iter_args(%scan3A_562 = %scan3A_554) -> (i32)  : i32 {
          %mul3A_563 = arith.constant 16 : i32
          %mul3A_564 = arith.muli %scan3A_561, %mul3A_563 : i32
          %get3A = arith.index_cast %and3A_501 : i32 to index
          %get3A_565 = arith.index_cast %mul3A_564 : i32 to index
          %get3A_566 = tpu.vector_load %arg8[%get3A, %get3A_565] {strides = array<i32>} : memref<4x512xi32, #tpu.memory_space<vmem>>, vector<1x16xi32>,
          %get3A_567 = vector.shape_cast %get3A_566 : vector<1x16xi32> to vector<16xi32>
          %mul3A_568 = arith.constant 16 : i32
          %mul3A_569 = arith.muli %scan3A_561, %mul3A_568 : i32
          %get3A_570 = arith.index_cast %and3A_501 : i32 to index
          %get3A_571 = arith.index_cast %mul3A_569 : i32 to index
          %get3A_572 = tpu.vector_load %arg9[%get3A_570, %get3A_571] {strides = array<i32>} : memref<4x512xi32, #tpu.memory_space<vmem>>, vector<1x16xi32>,
          %get3A_573 = vector.shape_cast %get3A_572 : vector<1x16xi32> to vector<16xi32>
          %mul3A_574 = arith.constant 100000 : i32
          %mul3A_575 = vector.broadcast %mul3A_574 : i32 to vector<16xi32>
          %mul3A_576 = arith.muli %get3A_573, %mul3A_575 : vector<16xi32>
          %add3A_577 = arith.addi %mul3A_576, %get3A_567 : vector<16xi32>
          %mul3A_578 = arith.constant 2 : i32
          %mul3A_579 = vector.broadcast %mul3A_578 : i32 to vector<16xi32>
          %mul3A_580 = arith.muli %add3A_577, %mul3A_579 : vector<16xi32>
          %add3A_581 = vector.broadcast %arg0 : i32 to vector<16xi32>
          %add3A_582 = arith.addi %mul3A_580, %add3A_581 : vector<16xi32>
          %mul3A_583 = arith.constant 16 : i32
          %mul3A_584 = arith.muli %scan3A_561, %mul3A_583 : i32
          %swap3A = arith.index_cast %and3A_501 : i32 to index
          %swap3A_585 = arith.index_cast %mul3A_584 : i32 to index
          %swap3A_586 = tpu.vector_load %arg10[%swap3A, %swap3A_585] {strides = array<i32>} : memref<4x512xi32, #tpu.memory_space<vmem>>, vector<1x16xi32>,
          %swap3A_587 = vector.shape_cast %swap3A_586 : vector<1x16xi32> to vector<16xi32>
          %swap3A_588 = vector.shape_cast %add3A_582 : vector<16xi32> to vector<1x16xi32>
          tpu.vector_store %arg10[%swap3A, %swap3A_585], %swap3A_588 {strides = array<i32>} : memref<4x512xi32, #tpu.memory_space<vmem>>, vector<1x16xi32>,
          %scan3A_589 = arith.constant 0 : i32
          scf.yield %scan3A_589 : i32
        }
        %scan3A_560 = arith.constant 32 : i32
      } else {
      }
      %add3A_487 = arith.constant 2 : i32
      %add3A_488 = arith.addi %while3A_421, %add3A_487 : i32
      %and3A_489 = arith.constant 3 : i32
      %and3A_490 = arith.andi %add3A_488, %and3A_489 : i32
      %add3A_491 = arith.constant 2 : i32
      %add3A_492 = arith.addi %while3A_421, %add3A_491 : i32
      %lt3A_493 = arith.cmpi slt, %add3A_492, %add3A_63 : i32
      %convert_element_type3A_494 = arith.extui %lt3A_493 : i1 to i32
      %cond3A_495 = arith.constant 0 : i32
      %cond3A_496 = arith.cmpi ne, %convert_element_type3A_494, %cond3A_495 : i32
      scf.if %cond3A_496 {
        %add3A_498 = arith.constant 2 : i32
        %add3A_499 = arith.addi %while3A_421, %add3A_498 : i32
        %mul3A_500 = arith.constant 16 : i32
        %mul3A_501 = arith.muli %add3A_499, %mul3A_500 : i32
        %add3A_502 = arith.addi %mul3A_501, %arg1 : i32
        %mul3A_503 = arith.constant 512 : i32
        %mul3A_504 = arith.muli %add3A_502, %mul3A_503 : i32
        %multiple_of3A_505 = tpu.assume_multiple %mul3A_504, 512 : i32
        %mul3A_506 = arith.constant 4 : i32
        %mul3A_507 = arith.muli %add3A_502, %mul3A_506 : i32
        %multiple_of3A_508 = tpu.assume_multiple %mul3A_507, 4 : i32
        %dma_start3A_509 = arith.constant 0 : i32
        %dma_start3A_510 = tpu.memref_slice %arg8[%and3A_490, %dma_start3A_509] : memref<4x512xi32, #tpu.memory_space<vmem>> -> memref<1x512xi32, #tpu.memory_space<vmem>>
        %dma_start3A_511 = tpu.memref_squeeze %dma_start3A_510 : memref<1x512xi32, #tpu.memory_space<vmem>> -> memref<512xi32, #tpu.memory_space<vmem>>
        %dma_start3A_512 = tpu.memref_slice %arg3[%multiple_of3A_505] : memref<1600000xi32, #tpu.memory_space<hbm>> -> memref<512xi32, #tpu.memory_space<hbm>>
        %dma_start3A_513 = tpu.memref_slice %arg15[%and3A_490] : memref<4x!tpu.dma_semaphore, #tpu.memory_space<semaphore_mem>> -> memref<1x!tpu.dma_semaphore, #tpu.memory_space<semaphore_mem>>
        %dma_start3A_514 = tpu.memref_squeeze %dma_start3A_513 : memref<1x!tpu.dma_semaphore, #tpu.memory_space<semaphore_mem>> -> memref<!tpu.dma_semaphore, #tpu.memory_space<semaphore_mem>>
        %dma_start3A_515 = arith.constant 0 : i32
        %dma_start3A_516 = tpu.memref_slice %arg8[%and3A_490, %dma_start3A_515] : memref<4x512xi32, #tpu.memory_space<vmem>> -> memref<1x512xi32, #tpu.memory_space<vmem>>
        %dma_start3A_517 = tpu.memref_squeeze %dma_start3A_516 : memref<1x512xi32, #tpu.memory_space<vmem>> -> memref<512xi32, #tpu.memory_space<vmem>>
        %dma_start3A_518 = tpu.memref_slice %arg3[%multiple_of3A_505] : memref<1600000xi32, #tpu.memory_space<hbm>> -> memref<512xi32, #tpu.memory_space<hbm>>
        tpu.enqueue_dma source(%dma_start3A_518 : memref<512xi32, #tpu.memory_space<hbm>>) target(%dma_start3A_517 : memref<512xi32, #tpu.memory_space<vmem>>) target_semaphore(%dma_start3A_514 : memref<!tpu.dma_semaphore, #tpu.memory_space<semaphore_mem>>)
        %dma_start3A_519 = arith.constant 0 : i32
        %dma_start3A_520 = tpu.memref_slice %arg9[%and3A_490, %dma_start3A_519] : memref<4x512xi32, #tpu.memory_space<vmem>> -> memref<1x512xi32, #tpu.memory_space<vmem>>
        %dma_start3A_521 = tpu.memref_squeeze %dma_start3A_520 : memref<1x512xi32, #tpu.memory_space<vmem>> -> memref<512xi32, #tpu.memory_space<vmem>>
        %dma_start3A_522 = tpu.memref_slice %arg4[%multiple_of3A_505] : memref<1600000xi32, #tpu.memory_space<hbm>> -> memref<512xi32, #tpu.memory_space<hbm>>
        %dma_start3A_523 = tpu.memref_slice %arg15[%and3A_490] : memref<4x!tpu.dma_semaphore, #tpu.memory_space<semaphore_mem>> -> memref<1x!tpu.dma_semaphore, #tpu.memory_space<semaphore_mem>>
        %dma_start3A_524 = tpu.memref_squeeze %dma_start3A_523 : memref<1x!tpu.dma_semaphore, #tpu.memory_space<semaphore_mem>> -> memref<!tpu.dma_semaphore, #tpu.memory_space<semaphore_mem>>
        %dma_start3A_525 = arith.constant 0 : i32
        %dma_start3A_526 = tpu.memref_slice %arg9[%and3A_490, %dma_start3A_525] : memref<4x512xi32, #tpu.memory_space<vmem>> -> memref<1x512xi32, #tpu.memory_space<vmem>>
        %dma_start3A_527 = tpu.memref_squeeze %dma_start3A_526 : memref<1x512xi32, #tpu.memory_space<vmem>> -> memref<512xi32, #tpu.memory_space<vmem>>
        %dma_start3A_528 = tpu.memref_slice %arg4[%multiple_of3A_505] : memref<1600000xi32, #tpu.memory_space<hbm>> -> memref<512xi32, #tpu.memory_space<hbm>>
        tpu.enqueue_dma source(%dma_start3A_528 : memref<512xi32, #tpu.memory_space<hbm>>) target(%dma_start3A_527 : memref<512xi32, #tpu.memory_space<vmem>>) target_semaphore(%dma_start3A_524 : memref<!tpu.dma_semaphore, #tpu.memory_space<semaphore_mem>>)
        %dma_start3A_529 = arith.constant 0 : i32
        %dma_start3A_530 = tpu.memref_slice %arg12[%and3A_490, %dma_start3A_529] : memref<4x512xf32, #tpu.memory_space<vmem>> -> memref<1x512xf32, #tpu.memory_space<vmem>>
        %dma_start3A_531 = tpu.memref_squeeze %dma_start3A_530 : memref<1x512xf32, #tpu.memory_space<vmem>> -> memref<512xf32, #tpu.memory_space<vmem>>
        %dma_start3A_532 = tpu.memref_slice %arg6[%multiple_of3A_505] : memref<1600000xf32, #tpu.memory_space<hbm>> -> memref<512xf32, #tpu.memory_space<hbm>>
        %dma_start3A_533 = tpu.memref_slice %arg15[%and3A_490] : memref<4x!tpu.dma_semaphore, #tpu.memory_space<semaphore_mem>> -> memref<1x!tpu.dma_semaphore, #tpu.memory_space<semaphore_mem>>
        %dma_start3A_534 = tpu.memref_squeeze %dma_start3A_533 : memref<1x!tpu.dma_semaphore, #tpu.memory_space<semaphore_mem>> -> memref<!tpu.dma_semaphore, #tpu.memory_space<semaphore_mem>>
        %dma_start3A_535 = arith.constant 0 : i32
        %dma_start3A_536 = tpu.memref_slice %arg12[%and3A_490, %dma_start3A_535] : memref<4x512xf32, #tpu.memory_space<vmem>> -> memref<1x512xf32, #tpu.memory_space<vmem>>
        %dma_start3A_537 = tpu.memref_squeeze %dma_start3A_536 : memref<1x512xf32, #tpu.memory_space<vmem>> -> memref<512xf32, #tpu.memory_space<vmem>>
        %dma_start3A_538 = tpu.memref_slice %arg6[%multiple_of3A_505] : memref<1600000xf32, #tpu.memory_space<hbm>> -> memref<512xf32, #tpu.memory_space<hbm>>
        tpu.enqueue_dma source(%dma_start3A_538 : memref<512xf32, #tpu.memory_space<hbm>>) target(%dma_start3A_537 : memref<512xf32, #tpu.memory_space<vmem>>) target_semaphore(%dma_start3A_534 : memref<!tpu.dma_semaphore, #tpu.memory_space<semaphore_mem>>)
        %dma_start3A_539 = arith.constant 0 : i32
        %dma_start3A_540 = arith.constant 0 : i32
        %dma_start3A_541 = tpu.memref_slice %arg11[%and3A_490, %dma_start3A_539, %dma_start3A_540] : memref<4x4x128xi32, #tpu.memory_space<vmem>> -> memref<1x4x128xi32, #tpu.memory_space<vmem>>
        %dma_start3A_542 = tpu.memref_squeeze %dma_start3A_541 : memref<1x4x128xi32, #tpu.memory_space<vmem>> -> memref<4x128xi32, #tpu.memory_space<vmem>>
        %dma_start3A_543 = arith.constant 0 : i32
        %dma_start3A_544 = tpu.memref_slice %arg5[%multiple_of3A_508, %dma_start3A_543] : memref<12500x128xi32, #tpu.memory_space<hbm>> -> memref<4x128xi32, #tpu.memory_space<hbm>>
        %dma_start3A_545 = tpu.memref_slice %arg15[%and3A_490] : memref<4x!tpu.dma_semaphore, #tpu.memory_space<semaphore_mem>> -> memref<1x!tpu.dma_semaphore, #tpu.memory_space<semaphore_mem>>
        %dma_start3A_546 = tpu.memref_squeeze %dma_start3A_545 : memref<1x!tpu.dma_semaphore, #tpu.memory_space<semaphore_mem>> -> memref<!tpu.dma_semaphore, #tpu.memory_space<semaphore_mem>>
        %dma_start3A_547 = arith.constant 0 : i32
        %dma_start3A_548 = arith.constant 0 : i32
        %dma_start3A_549 = tpu.memref_slice %arg11[%and3A_490, %dma_start3A_547, %dma_start3A_548] : memref<4x4x128xi32, #tpu.memory_space<vmem>> -> memref<1x4x128xi32, #tpu.memory_space<vmem>>
        %dma_start3A_550 = tpu.memref_squeeze %dma_start3A_549 : memref<1x4x128xi32, #tpu.memory_space<vmem>> -> memref<4x128xi32, #tpu.memory_space<vmem>>
        %dma_start3A_551 = arith.constant 0 : i32
        %dma_start3A_552 = tpu.memref_slice %arg5[%multiple_of3A_508, %dma_start3A_551] : memref<12500x128xi32, #tpu.memory_space<hbm>> -> memref<4x128xi32, #tpu.memory_space<hbm>>
        tpu.enqueue_dma source(%dma_start3A_552 : memref<4x128xi32, #tpu.memory_space<hbm>>) target(%dma_start3A_550 : memref<4x128xi32, #tpu.memory_space<vmem>>) target_semaphore(%dma_start3A_546 : memref<!tpu.dma_semaphore, #tpu.memory_space<semaphore_mem>>)
      } else {
      }
      %while3A_497 = arith.constant 0 : i32
      scf.yield %while3A_497 : i32
    }
    %sub3A_254 = arith.constant 1 : i32
    %sub3A_255 = arith.subi %add3A_63, %sub3A_254 : i32
    %and3A_256 = arith.constant 1 : i32
    %and3A_257 = arith.andi %sub3A_255, %and3A_256 : i32
    %sub3A_258 = arith.constant 1 : i32
    %sub3A_259 = arith.subi %add3A_63, %sub3A_258 : i32
    %and3A_260 = arith.constant 3 : i32
    %and3A_261 = arith.andi %sub3A_259, %and3A_260 : i32
    %dma_wait3A_262 = arith.constant 0 : i32
    %dma_wait3A_263 = arith.constant 0 : i32
    %dma_wait3A_264 = tpu.memref_slice %arg13[%and3A_257, %dma_wait3A_262, %dma_wait3A_263] : memref<2x512x16xf32, #tpu.memory_space<vmem>> -> memref<1x512x16xf32, #tpu.memory_space<vmem>>
    %dma_wait3A_265 = tpu.memref_squeeze %dma_wait3A_264 : memref<1x512x16xf32, #tpu.memory_space<vmem>> -> memref<512x16xf32, #tpu.memory_space<vmem>>
    %dma_wait3A_266 = arith.constant 0 : i32
    %dma_wait3A_267 = arith.constant 0 : i32
    %dma_wait3A_268 = tpu.memref_slice %arg2[%dma_wait3A_266, %dma_wait3A_267] : memref<1000000x16xf32, #tpu.memory_space<hbm>> -> memref<512x16xf32, #tpu.memory_space<hbm>>
    %dma_wait3A_269 = tpu.memref_slice %arg16[%and3A_257] : memref<2x!tpu.dma_semaphore, #tpu.memory_space<semaphore_mem>> -> memref<1x!tpu.dma_semaphore, #tpu.memory_space<semaphore_mem>>
    %dma_wait3A_270 = tpu.memref_squeeze %dma_wait3A_269 : memref<1x!tpu.dma_semaphore, #tpu.memory_space<semaphore_mem>> -> memref<!tpu.dma_semaphore, #tpu.memory_space<semaphore_mem>>
    %dma_wait3A_271 = arith.constant 0 : i32
    %dma_wait3A_272 = arith.constant 0 : i32
    %dma_wait3A_273 = tpu.memref_slice %arg13[%and3A_257, %dma_wait3A_271, %dma_wait3A_272] : memref<2x512x16xf32, #tpu.memory_space<vmem>> -> memref<1x512x16xf32, #tpu.memory_space<vmem>>
    %dma_wait3A_274 = tpu.memref_squeeze %dma_wait3A_273 : memref<1x512x16xf32, #tpu.memory_space<vmem>> -> memref<512x16xf32, #tpu.memory_space<vmem>>
    %dma_wait3A_275 = arith.constant 0 : i32
    %dma_wait3A_276 = arith.constant 0 : i32
    %dma_wait3A_277 = tpu.memref_slice %arg2[%dma_wait3A_275, %dma_wait3A_276] : memref<1000000x16xf32, #tpu.memory_space<hbm>> -> memref<512x16xf32, #tpu.memory_space<hbm>>
    tpu.wait_dma2 semaphore(%dma_wait3A_270 : memref<!tpu.dma_semaphore, #tpu.memory_space<semaphore_mem>>) src(%dma_wait3A_277 : memref<512x16xf32, #tpu.memory_space<hbm>>) dst(%dma_wait3A_274 : memref<512x16xf32, #tpu.memory_space<vmem>>)
    %parallel_loop3A = arith.constant 0 : i32
    %parallel_loop3A_278 = arith.constant 32 : i32
    %parallel_loop3A_279 = arith.constant 1 : i32
    scf.for %parallel_loop3A_421 = %parallel_loop3A to %parallel_loop3A_278 step %parallel_loop3A_279  : i32 {
      %parallel_loop3A_422 = arith.constant 16 : i32
      %parallel_loop3A_423 = arith.muli %parallel_loop3A_421, %parallel_loop3A_422 : i32
      %parallel_loop3A_424 = arith.index_cast %and3A_261 : i32 to index
      %parallel_loop3A_425 = arith.index_cast %parallel_loop3A_423 : i32 to index
      %parallel_loop3A_426 = tpu.vector_load %arg12[%parallel_loop3A_424, %parallel_loop3A_425] {strides = array<i32>} : memref<4x512xf32, #tpu.memory_space<vmem>>, vector<1x16xf32>,
      %parallel_loop3A_427 = vector.shape_cast %parallel_loop3A_426 : vector<1x16xf32> to vector<16xf32>
      %parallel_loop3A_428 = arith.constant 16 : i32
      %parallel_loop3A_429 = arith.muli %parallel_loop3A_421, %parallel_loop3A_428 : i32
      %parallel_loop3A_430 = arith.constant 0 : i32
      %parallel_loop3A_431 = arith.addi %parallel_loop3A_429, %parallel_loop3A_430 : i32
      %parallel_loop3A_432 = arith.index_cast %and3A_257 : i32 to index
      %parallel_loop3A_433 = arith.index_cast %parallel_loop3A_431 : i32 to index
      %parallel_loop3A_434 = arith.constant 0 : index
      %parallel_loop3A_435 = tpu.vector_load %arg13[%parallel_loop3A_432, %parallel_loop3A_433, %parallel_loop3A_434] {strides = array<i32>} : memref<2x512x16xf32, #tpu.memory_space<vmem>>, vector<1x1x16xf32>,
      %parallel_loop3A_436 = vector.shape_cast %parallel_loop3A_435 : vector<1x1x16xf32> to vector<16xf32>
      %parallel_loop3A_437 = arith.constant 0 : i32
      %parallel_loop3A_438 = vector.broadcast %parallel_loop3A_437 : i32 to vector<16x1xi32>
      %parallel_loop3A_439 = vector.shape_cast %parallel_loop3A_438 : vector<16x1xi32> to vector<16xi32>
      %parallel_loop3A_440 = tpu.dynamic_gather %parallel_loop3A_427[%parallel_loop3A_439] in [0] : vector<16xf32>, vector<16xi32> -> vector<16xf32>
      %parallel_loop3A_441 = arith.mulf %parallel_loop3A_436, %parallel_loop3A_440 : vector<16xf32>
      %parallel_loop3A_442 = arith.constant 0 : i32
      %parallel_loop3A_443 = arith.addi %parallel_loop3A_429, %parallel_loop3A_442 : i32
      %parallel_loop3A_444 = arith.index_cast %and3A_257 : i32 to index
      %parallel_loop3A_445 = arith.index_cast %parallel_loop3A_443 : i32 to index
      %parallel_loop3A_446 = arith.constant 0 : index
      %parallel_loop3A_447 = tpu.vector_load %arg13[%parallel_loop3A_444, %parallel_loop3A_445, %parallel_loop3A_446] {strides = array<i32>} : memref<2x512x16xf32, #tpu.memory_space<vmem>>, vector<1x1x16xf32>,
      %parallel_loop3A_448 = vector.shape_cast %parallel_loop3A_447 : vector<1x1x16xf32> to vector<16xf32>
      %parallel_loop3A_449 = vector.shape_cast %parallel_loop3A_441 : vector<16xf32> to vector<1x1x16xf32>
      tpu.vector_store %arg13[%parallel_loop3A_444, %parallel_loop3A_445, %parallel_loop3A_446], %parallel_loop3A_449 {strides = array<i32>} : memref<2x512x16xf32, #tpu.memory_space<vmem>>, vector<1x1x16xf32>,
      %parallel_loop3A_450 = arith.constant 1 : i32
      %parallel_loop3A_451 = arith.addi %parallel_loop3A_429, %parallel_loop3A_450 : i32
      %parallel_loop3A_452 = arith.index_cast %and3A_257 : i32 to index
      %parallel_loop3A_453 = arith.index_cast %parallel_loop3A_451 : i32 to index
      %parallel_loop3A_454 = arith.constant 0 : index
      %parallel_loop3A_455 = tpu.vector_load %arg13[%parallel_loop3A_452, %parallel_loop3A_453, %parallel_loop3A_454] {strides = array<i32>} : memref<2x512x16xf32, #tpu.memory_space<vmem>>, vector<1x1x16xf32>,
      %parallel_loop3A_456 = vector.shape_cast %parallel_loop3A_455 : vector<1x1x16xf32> to vector<16xf32>
      %parallel_loop3A_457 = arith.constant 1 : i32
      %parallel_loop3A_458 = vector.broadcast %parallel_loop3A_457 : i32 to vector<16x1xi32>
      %parallel_loop3A_459 = vector.shape_cast %parallel_loop3A_458 : vector<16x1xi32> to vector<16xi32>
      %parallel_loop3A_460 = tpu.dynamic_gather %parallel_loop3A_427[%parallel_loop3A_459] in [0] : vector<16xf32>, vector<16xi32> -> vector<16xf32>
      %parallel_loop3A_461 = arith.mulf %parallel_loop3A_456, %parallel_loop3A_460 : vector<16xf32>
      %parallel_loop3A_462 = arith.constant 1 : i32
      %parallel_loop3A_463 = arith.addi %parallel_loop3A_429, %parallel_loop3A_462 : i32
      %parallel_loop3A_464 = arith.index_cast %and3A_257 : i32 to index
      %parallel_loop3A_465 = arith.index_cast %parallel_loop3A_463 : i32 to index
      %parallel_loop3A_466 = arith.constant 0 : index
      %parallel_loop3A_467 = tpu.vector_load %arg13[%parallel_loop3A_464, %parallel_loop3A_465, %parallel_loop3A_466] {strides = array<i32>} : memref<2x512x16xf32, #tpu.memory_space<vmem>>, vector<1x1x16xf32>,
      %parallel_loop3A_468 = vector.shape_cast %parallel_loop3A_467 : vector<1x1x16xf32> to vector<16xf32>
      %parallel_loop3A_469 = vector.shape_cast %parallel_loop3A_461 : vector<16xf32> to vector<1x1x16xf32>
      tpu.vector_store %arg13[%parallel_loop3A_464, %parallel_loop3A_465, %parallel_loop3A_466], %parallel_loop3A_469 {strides = array<i32>} : memref<2x512x16xf32, #tpu.memory_space<vmem>>, vector<1x1x16xf32>,
      %parallel_loop3A_470 = arith.constant 2 : i32
      %parallel_loop3A_471 = arith.addi %parallel_loop3A_429, %parallel_loop3A_470 : i32
      %parallel_loop3A_472 = arith.index_cast %and3A_257 : i32 to index
      %parallel_loop3A_473 = arith.index_cast %parallel_loop3A_471 : i32 to index
      %parallel_loop3A_474 = arith.constant 0 : index
      %parallel_loop3A_475 = tpu.vector_load %arg13[%parallel_loop3A_472, %parallel_loop3A_473, %parallel_loop3A_474] {strides = array<i32>} : memref<2x512x16xf32, #tpu.memory_space<vmem>>, vector<1x1x16xf32>,
      %parallel_loop3A_476 = vector.shape_cast %parallel_loop3A_475 : vector<1x1x16xf32> to vector<16xf32>
      %parallel_loop3A_477 = arith.constant 2 : i32
      %parallel_loop3A_478 = vector.broadcast %parallel_loop3A_477 : i32 to vector<16x1xi32>
      %parallel_loop3A_479 = vector.shape_cast %parallel_loop3A_478 : vector<16x1xi32> to vector<16xi32>
      %parallel_loop3A_480 = tpu.dynamic_gather %parallel_loop3A_427[%parallel_loop3A_479] in [0] : vector<16xf32>, vector<16xi32> -> vector<16xf32>
      %parallel_loop3A_481 = arith.mulf %parallel_loop3A_476, %parallel_loop3A_480 : vector<16xf32>
      %parallel_loop3A_482 = arith.constant 2 : i32
      %parallel_loop3A_483 = arith.addi %parallel_loop3A_429, %parallel_loop3A_482 : i32
      %parallel_loop3A_484 = arith.index_cast %and3A_257 : i32 to index
      %parallel_loop3A_485 = arith.index_cast %parallel_loop3A_483 : i32 to index
      %parallel_loop3A_486 = arith.constant 0 : index
      %parallel_loop3A_487 = tpu.vector_load %arg13[%parallel_loop3A_484, %parallel_loop3A_485, %parallel_loop3A_486] {strides = array<i32>} : memref<2x512x16xf32, #tpu.memory_space<vmem>>, vector<1x1x16xf32>,
      %parallel_loop3A_488 = vector.shape_cast %parallel_loop3A_487 : vector<1x1x16xf32> to vector<16xf32>
      %parallel_loop3A_489 = vector.shape_cast %parallel_loop3A_481 : vector<16xf32> to vector<1x1x16xf32>
      tpu.vector_store %arg13[%parallel_loop3A_484, %parallel_loop3A_485, %parallel_loop3A_486], %parallel_loop3A_489 {strides = array<i32>} : memref<2x512x16xf32, #tpu.memory_space<vmem>>, vector<1x1x16xf32>,
      %parallel_loop3A_490 = arith.constant 3 : i32
      %parallel_loop3A_491 = arith.addi %parallel_loop3A_429, %parallel_loop3A_490 : i32
      %parallel_loop3A_492 = arith.index_cast %and3A_257 : i32 to index
      %parallel_loop3A_493 = arith.index_cast %parallel_loop3A_491 : i32 to index
      %parallel_loop3A_494 = arith.constant 0 : index
      %parallel_loop3A_495 = tpu.vector_load %arg13[%parallel_loop3A_492, %parallel_loop3A_493, %parallel_loop3A_494] {strides = array<i32>} : memref<2x512x16xf32, #tpu.memory_space<vmem>>, vector<1x1x16xf32>,
      %parallel_loop3A_496 = vector.shape_cast %parallel_loop3A_495 : vector<1x1x16xf32> to vector<16xf32>
      %parallel_loop3A_497 = arith.constant 3 : i32
      %parallel_loop3A_498 = vector.broadcast %parallel_loop3A_497 : i32 to vector<16x1xi32>
      %parallel_loop3A_499 = vector.shape_cast %parallel_loop3A_498 : vector<16x1xi32> to vector<16xi32>
      %parallel_loop3A_500 = tpu.dynamic_gather %parallel_loop3A_427[%parallel_loop3A_499] in [0] : vector<16xf32>, vector<16xi32> -> vector<16xf32>
      %parallel_loop3A_501 = arith.mulf %parallel_loop3A_496, %parallel_loop3A_500 : vector<16xf32>
      %parallel_loop3A_502 = arith.constant 3 : i32
      %parallel_loop3A_503 = arith.addi %parallel_loop3A_429, %parallel_loop3A_502 : i32
      %parallel_loop3A_504 = arith.index_cast %and3A_257 : i32 to index
      %parallel_loop3A_505 = arith.index_cast %parallel_loop3A_503 : i32 to index
      %parallel_loop3A_506 = arith.constant 0 : index
      %parallel_loop3A_507 = tpu.vector_load %arg13[%parallel_loop3A_504, %parallel_loop3A_505, %parallel_loop3A_506] {strides = array<i32>} : memref<2x512x16xf32, #tpu.memory_space<vmem>>, vector<1x1x16xf32>,
      %parallel_loop3A_508 = vector.shape_cast %parallel_loop3A_507 : vector<1x1x16xf32> to vector<16xf32>
      %parallel_loop3A_509 = vector.shape_cast %parallel_loop3A_501 : vector<16xf32> to vector<1x1x16xf32>
      tpu.vector_store %arg13[%parallel_loop3A_504, %parallel_loop3A_505, %parallel_loop3A_506], %parallel_loop3A_509 {strides = array<i32>} : memref<2x512x16xf32, #tpu.memory_space<vmem>>, vector<1x1x16xf32>,
      %parallel_loop3A_510 = arith.constant 4 : i32
      %parallel_loop3A_511 = arith.addi %parallel_loop3A_429, %parallel_loop3A_510 : i32
      %parallel_loop3A_512 = arith.index_cast %and3A_257 : i32 to index
      %parallel_loop3A_513 = arith.index_cast %parallel_loop3A_511 : i32 to index
      %parallel_loop3A_514 = arith.constant 0 : index
      %parallel_loop3A_515 = tpu.vector_load %arg13[%parallel_loop3A_512, %parallel_loop3A_513, %parallel_loop3A_514] {strides = array<i32>} : memref<2x512x16xf32, #tpu.memory_space<vmem>>, vector<1x1x16xf32>,
      %parallel_loop3A_516 = vector.shape_cast %parallel_loop3A_515 : vector<1x1x16xf32> to vector<16xf32>
      %parallel_loop3A_517 = arith.constant 4 : i32
      %parallel_loop3A_518 = vector.broadcast %parallel_loop3A_517 : i32 to vector<16x1xi32>
      %parallel_loop3A_519 = vector.shape_cast %parallel_loop3A_518 : vector<16x1xi32> to vector<16xi32>
      %parallel_loop3A_520 = tpu.dynamic_gather %parallel_loop3A_427[%parallel_loop3A_519] in [0] : vector<16xf32>, vector<16xi32> -> vector<16xf32>
      %parallel_loop3A_521 = arith.mulf %parallel_loop3A_516, %parallel_loop3A_520 : vector<16xf32>
      %parallel_loop3A_522 = arith.constant 4 : i32
      %parallel_loop3A_523 = arith.addi %parallel_loop3A_429, %parallel_loop3A_522 : i32
      %parallel_loop3A_524 = arith.index_cast %and3A_257 : i32 to index
      %parallel_loop3A_525 = arith.index_cast %parallel_loop3A_523 : i32 to index
      %parallel_loop3A_526 = arith.constant 0 : index
      %parallel_loop3A_527 = tpu.vector_load %arg13[%parallel_loop3A_524, %parallel_loop3A_525, %parallel_loop3A_526] {strides = array<i32>} : memref<2x512x16xf32, #tpu.memory_space<vmem>>, vector<1x1x16xf32>,
      %parallel_loop3A_528 = vector.shape_cast %parallel_loop3A_527 : vector<1x1x16xf32> to vector<16xf32>
      %parallel_loop3A_529 = vector.shape_cast %parallel_loop3A_521 : vector<16xf32> to vector<1x1x16xf32>
      tpu.vector_store %arg13[%parallel_loop3A_524, %parallel_loop3A_525, %parallel_loop3A_526], %parallel_loop3A_529 {strides = array<i32>} : memref<2x512x16xf32, #tpu.memory_space<vmem>>, vector<1x1x16xf32>,
      %parallel_loop3A_530 = arith.constant 5 : i32
      %parallel_loop3A_531 = arith.addi %parallel_loop3A_429, %parallel_loop3A_530 : i32
      %parallel_loop3A_532 = arith.index_cast %and3A_257 : i32 to index
      %parallel_loop3A_533 = arith.index_cast %parallel_loop3A_531 : i32 to index
      %parallel_loop3A_534 = arith.constant 0 : index
      %parallel_loop3A_535 = tpu.vector_load %arg13[%parallel_loop3A_532, %parallel_loop3A_533, %parallel_loop3A_534] {strides = array<i32>} : memref<2x512x16xf32, #tpu.memory_space<vmem>>, vector<1x1x16xf32>,
      %parallel_loop3A_536 = vector.shape_cast %parallel_loop3A_535 : vector<1x1x16xf32> to vector<16xf32>
      %parallel_loop3A_537 = arith.constant 5 : i32
      %parallel_loop3A_538 = vector.broadcast %parallel_loop3A_537 : i32 to vector<16x1xi32>
      %parallel_loop3A_539 = vector.shape_cast %parallel_loop3A_538 : vector<16x1xi32> to vector<16xi32>
      %parallel_loop3A_540 = tpu.dynamic_gather %parallel_loop3A_427[%parallel_loop3A_539] in [0] : vector<16xf32>, vector<16xi32> -> vector<16xf32>
      %parallel_loop3A_541 = arith.mulf %parallel_loop3A_536, %parallel_loop3A_540 : vector<16xf32>
      %parallel_loop3A_542 = arith.constant 5 : i32
      %parallel_loop3A_543 = arith.addi %parallel_loop3A_429, %parallel_loop3A_542 : i32
      %parallel_loop3A_544 = arith.index_cast %and3A_257 : i32 to index
      %parallel_loop3A_545 = arith.index_cast %parallel_loop3A_543 : i32 to index
      %parallel_loop3A_546 = arith.constant 0 : index
      %parallel_loop3A_547 = tpu.vector_load %arg13[%parallel_loop3A_544, %parallel_loop3A_545, %parallel_loop3A_546] {strides = array<i32>} : memref<2x512x16xf32, #tpu.memory_space<vmem>>, vector<1x1x16xf32>,
      %parallel_loop3A_548 = vector.shape_cast %parallel_loop3A_547 : vector<1x1x16xf32> to vector<16xf32>
      %parallel_loop3A_549 = vector.shape_cast %parallel_loop3A_541 : vector<16xf32> to vector<1x1x16xf32>
      tpu.vector_store %arg13[%parallel_loop3A_544, %parallel_loop3A_545, %parallel_loop3A_546], %parallel_loop3A_549 {strides = array<i32>} : memref<2x512x16xf32, #tpu.memory_space<vmem>>, vector<1x1x16xf32>,
      %parallel_loop3A_550 = arith.constant 6 : i32
      %parallel_loop3A_551 = arith.addi %parallel_loop3A_429, %parallel_loop3A_550 : i32
      %parallel_loop3A_552 = arith.index_cast %and3A_257 : i32 to index
      %parallel_loop3A_553 = arith.index_cast %parallel_loop3A_551 : i32 to index
      %parallel_loop3A_554 = arith.constant 0 : index
      %parallel_loop3A_555 = tpu.vector_load %arg13[%parallel_loop3A_552, %parallel_loop3A_553, %parallel_loop3A_554] {strides = array<i32>} : memref<2x512x16xf32, #tpu.memory_space<vmem>>, vector<1x1x16xf32>,
      %parallel_loop3A_556 = vector.shape_cast %parallel_loop3A_555 : vector<1x1x16xf32> to vector<16xf32>
      %parallel_loop3A_557 = arith.constant 6 : i32
      %parallel_loop3A_558 = vector.broadcast %parallel_loop3A_557 : i32 to vector<16x1xi32>
      %parallel_loop3A_559 = vector.shape_cast %parallel_loop3A_558 : vector<16x1xi32> to vector<16xi32>
      %parallel_loop3A_560 = tpu.dynamic_gather %parallel_loop3A_427[%parallel_loop3A_559] in [0] : vector<16xf32>, vector<16xi32> -> vector<16xf32>
      %parallel_loop3A_561 = arith.mulf %parallel_loop3A_556, %parallel_loop3A_560 : vector<16xf32>
      %parallel_loop3A_562 = arith.constant 6 : i32
      %parallel_loop3A_563 = arith.addi %parallel_loop3A_429, %parallel_loop3A_562 : i32
      %parallel_loop3A_564 = arith.index_cast %and3A_257 : i32 to index
      %parallel_loop3A_565 = arith.index_cast %parallel_loop3A_563 : i32 to index
      %parallel_loop3A_566 = arith.constant 0 : index
      %parallel_loop3A_567 = tpu.vector_load %arg13[%parallel_loop3A_564, %parallel_loop3A_565, %parallel_loop3A_566] {strides = array<i32>} : memref<2x512x16xf32, #tpu.memory_space<vmem>>, vector<1x1x16xf32>,
      %parallel_loop3A_568 = vector.shape_cast %parallel_loop3A_567 : vector<1x1x16xf32> to vector<16xf32>
      %parallel_loop3A_569 = vector.shape_cast %parallel_loop3A_561 : vector<16xf32> to vector<1x1x16xf32>
      tpu.vector_store %arg13[%parallel_loop3A_564, %parallel_loop3A_565, %parallel_loop3A_566], %parallel_loop3A_569 {strides = array<i32>} : memref<2x512x16xf32, #tpu.memory_space<vmem>>, vector<1x1x16xf32>,
      %parallel_loop3A_570 = arith.constant 7 : i32
      %parallel_loop3A_571 = arith.addi %parallel_loop3A_429, %parallel_loop3A_570 : i32
      %parallel_loop3A_572 = arith.index_cast %and3A_257 : i32 to index
      %parallel_loop3A_573 = arith.index_cast %parallel_loop3A_571 : i32 to index
      %parallel_loop3A_574 = arith.constant 0 : index
      %parallel_loop3A_575 = tpu.vector_load %arg13[%parallel_loop3A_572, %parallel_loop3A_573, %parallel_loop3A_574] {strides = array<i32>} : memref<2x512x16xf32, #tpu.memory_space<vmem>>, vector<1x1x16xf32>,
      %parallel_loop3A_576 = vector.shape_cast %parallel_loop3A_575 : vector<1x1x16xf32> to vector<16xf32>
      %parallel_loop3A_577 = arith.constant 7 : i32
      %parallel_loop3A_578 = vector.broadcast %parallel_loop3A_577 : i32 to vector<16x1xi32>
      %parallel_loop3A_579 = vector.shape_cast %parallel_loop3A_578 : vector<16x1xi32> to vector<16xi32>
      %parallel_loop3A_580 = tpu.dynamic_gather %parallel_loop3A_427[%parallel_loop3A_579] in [0] : vector<16xf32>, vector<16xi32> -> vector<16xf32>
      %parallel_loop3A_581 = arith.mulf %parallel_loop3A_576, %parallel_loop3A_580 : vector<16xf32>
      %parallel_loop3A_582 = arith.constant 7 : i32
      %parallel_loop3A_583 = arith.addi %parallel_loop3A_429, %parallel_loop3A_582 : i32
      %parallel_loop3A_584 = arith.index_cast %and3A_257 : i32 to index
      %parallel_loop3A_585 = arith.index_cast %parallel_loop3A_583 : i32 to index
      %parallel_loop3A_586 = arith.constant 0 : index
      %parallel_loop3A_587 = tpu.vector_load %arg13[%parallel_loop3A_584, %parallel_loop3A_585, %parallel_loop3A_586] {strides = array<i32>} : memref<2x512x16xf32, #tpu.memory_space<vmem>>, vector<1x1x16xf32>,
      %parallel_loop3A_588 = vector.shape_cast %parallel_loop3A_587 : vector<1x1x16xf32> to vector<16xf32>
      %parallel_loop3A_589 = vector.shape_cast %parallel_loop3A_581 : vector<16xf32> to vector<1x1x16xf32>
      tpu.vector_store %arg13[%parallel_loop3A_584, %parallel_loop3A_585, %parallel_loop3A_586], %parallel_loop3A_589 {strides = array<i32>} : memref<2x512x16xf32, #tpu.memory_space<vmem>>, vector<1x1x16xf32>,
      %parallel_loop3A_590 = arith.constant 8 : i32
      %parallel_loop3A_591 = arith.addi %parallel_loop3A_429, %parallel_loop3A_590 : i32
      %parallel_loop3A_592 = arith.index_cast %and3A_257 : i32 to index
      %parallel_loop3A_593 = arith.index_cast %parallel_loop3A_591 : i32 to index
      %parallel_loop3A_594 = arith.constant 0 : index
      %parallel_loop3A_595 = tpu.vector_load %arg13[%parallel_loop3A_592, %parallel_loop3A_593, %parallel_loop3A_594] {strides = array<i32>} : memref<2x512x16xf32, #tpu.memory_space<vmem>>, vector<1x1x16xf32>,
      %parallel_loop3A_596 = vector.shape_cast %parallel_loop3A_595 : vector<1x1x16xf32> to vector<16xf32>
      %parallel_loop3A_597 = arith.constant 8 : i32
      %parallel_loop3A_598 = vector.broadcast %parallel_loop3A_597 : i32 to vector<16x1xi32>
      %parallel_loop3A_599 = vector.shape_cast %parallel_loop3A_598 : vector<16x1xi32> to vector<16xi32>
      %parallel_loop3A_600 = tpu.dynamic_gather %parallel_loop3A_427[%parallel_loop3A_599] in [0] : vector<16xf32>, vector<16xi32> -> vector<16xf32>
      %parallel_loop3A_601 = arith.mulf %parallel_loop3A_596, %parallel_loop3A_600 : vector<16xf32>
      %parallel_loop3A_602 = arith.constant 8 : i32
      %parallel_loop3A_603 = arith.addi %parallel_loop3A_429, %parallel_loop3A_602 : i32
      %parallel_loop3A_604 = arith.index_cast %and3A_257 : i32 to index
      %parallel_loop3A_605 = arith.index_cast %parallel_loop3A_603 : i32 to index
      %parallel_loop3A_606 = arith.constant 0 : index
      %parallel_loop3A_607 = tpu.vector_load %arg13[%parallel_loop3A_604, %parallel_loop3A_605, %parallel_loop3A_606] {strides = array<i32>} : memref<2x512x16xf32, #tpu.memory_space<vmem>>, vector<1x1x16xf32>,
      %parallel_loop3A_608 = vector.shape_cast %parallel_loop3A_607 : vector<1x1x16xf32> to vector<16xf32>
      %parallel_loop3A_609 = vector.shape_cast %parallel_loop3A_601 : vector<16xf32> to vector<1x1x16xf32>
      tpu.vector_store %arg13[%parallel_loop3A_604, %parallel_loop3A_605, %parallel_loop3A_606], %parallel_loop3A_609 {strides = array<i32>} : memref<2x512x16xf32, #tpu.memory_space<vmem>>, vector<1x1x16xf32>,
      %parallel_loop3A_610 = arith.constant 9 : i32
      %parallel_loop3A_611 = arith.addi %parallel_loop3A_429, %parallel_loop3A_610 : i32
      %parallel_loop3A_612 = arith.index_cast %and3A_257 : i32 to index
      %parallel_loop3A_613 = arith.index_cast %parallel_loop3A_611 : i32 to index
      %parallel_loop3A_614 = arith.constant 0 : index
      %parallel_loop3A_615 = tpu.vector_load %arg13[%parallel_loop3A_612, %parallel_loop3A_613, %parallel_loop3A_614] {strides = array<i32>} : memref<2x512x16xf32, #tpu.memory_space<vmem>>, vector<1x1x16xf32>,
      %parallel_loop3A_616 = vector.shape_cast %parallel_loop3A_615 : vector<1x1x16xf32> to vector<16xf32>
      %parallel_loop3A_617 = arith.constant 9 : i32
      %parallel_loop3A_618 = vector.broadcast %parallel_loop3A_617 : i32 to vector<16x1xi32>
      %parallel_loop3A_619 = vector.shape_cast %parallel_loop3A_618 : vector<16x1xi32> to vector<16xi32>
      %parallel_loop3A_620 = tpu.dynamic_gather %parallel_loop3A_427[%parallel_loop3A_619] in [0] : vector<16xf32>, vector<16xi32> -> vector<16xf32>
      %parallel_loop3A_621 = arith.mulf %parallel_loop3A_616, %parallel_loop3A_620 : vector<16xf32>
      %parallel_loop3A_622 = arith.constant 9 : i32
      %parallel_loop3A_623 = arith.addi %parallel_loop3A_429, %parallel_loop3A_622 : i32
      %parallel_loop3A_624 = arith.index_cast %and3A_257 : i32 to index
      %parallel_loop3A_625 = arith.index_cast %parallel_loop3A_623 : i32 to index
      %parallel_loop3A_626 = arith.constant 0 : index
      %parallel_loop3A_627 = tpu.vector_load %arg13[%parallel_loop3A_624, %parallel_loop3A_625, %parallel_loop3A_626] {strides = array<i32>} : memref<2x512x16xf32, #tpu.memory_space<vmem>>, vector<1x1x16xf32>,
      %parallel_loop3A_628 = vector.shape_cast %parallel_loop3A_627 : vector<1x1x16xf32> to vector<16xf32>
      %parallel_loop3A_629 = vector.shape_cast %parallel_loop3A_621 : vector<16xf32> to vector<1x1x16xf32>
      tpu.vector_store %arg13[%parallel_loop3A_624, %parallel_loop3A_625, %parallel_loop3A_626], %parallel_loop3A_629 {strides = array<i32>} : memref<2x512x16xf32, #tpu.memory_space<vmem>>, vector<1x1x16xf32>,
      %parallel_loop3A_630 = arith.constant 10 : i32
      %parallel_loop3A_631 = arith.addi %parallel_loop3A_429, %parallel_loop3A_630 : i32
      %parallel_loop3A_632 = arith.index_cast %and3A_257 : i32 to index
      %parallel_loop3A_633 = arith.index_cast %parallel_loop3A_631 : i32 to index
      %parallel_loop3A_634 = arith.constant 0 : index
      %parallel_loop3A_635 = tpu.vector_load %arg13[%parallel_loop3A_632, %parallel_loop3A_633, %parallel_loop3A_634] {strides = array<i32>} : memref<2x512x16xf32, #tpu.memory_space<vmem>>, vector<1x1x16xf32>,
      %parallel_loop3A_636 = vector.shape_cast %parallel_loop3A_635 : vector<1x1x16xf32> to vector<16xf32>
      %parallel_loop3A_637 = arith.constant 10 : i32
      %parallel_loop3A_638 = vector.broadcast %parallel_loop3A_637 : i32 to vector<16x1xi32>
      %parallel_loop3A_639 = vector.shape_cast %parallel_loop3A_638 : vector<16x1xi32> to vector<16xi32>
      %parallel_loop3A_640 = tpu.dynamic_gather %parallel_loop3A_427[%parallel_loop3A_639] in [0] : vector<16xf32>, vector<16xi32> -> vector<16xf32>
      %parallel_loop3A_641 = arith.mulf %parallel_loop3A_636, %parallel_loop3A_640 : vector<16xf32>
      %parallel_loop3A_642 = arith.constant 10 : i32
      %parallel_loop3A_643 = arith.addi %parallel_loop3A_429, %parallel_loop3A_642 : i32
      %parallel_loop3A_644 = arith.index_cast %and3A_257 : i32 to index
      %parallel_loop3A_645 = arith.index_cast %parallel_loop3A_643 : i32 to index
      %parallel_loop3A_646 = arith.constant 0 : index
      %parallel_loop3A_647 = tpu.vector_load %arg13[%parallel_loop3A_644, %parallel_loop3A_645, %parallel_loop3A_646] {strides = array<i32>} : memref<2x512x16xf32, #tpu.memory_space<vmem>>, vector<1x1x16xf32>,
      %parallel_loop3A_648 = vector.shape_cast %parallel_loop3A_647 : vector<1x1x16xf32> to vector<16xf32>
      %parallel_loop3A_649 = vector.shape_cast %parallel_loop3A_641 : vector<16xf32> to vector<1x1x16xf32>
      tpu.vector_store %arg13[%parallel_loop3A_644, %parallel_loop3A_645, %parallel_loop3A_646], %parallel_loop3A_649 {strides = array<i32>} : memref<2x512x16xf32, #tpu.memory_space<vmem>>, vector<1x1x16xf32>,
      %parallel_loop3A_650 = arith.constant 11 : i32
      %parallel_loop3A_651 = arith.addi %parallel_loop3A_429, %parallel_loop3A_650 : i32
      %parallel_loop3A_652 = arith.index_cast %and3A_257 : i32 to index
      %parallel_loop3A_653 = arith.index_cast %parallel_loop3A_651 : i32 to index
      %parallel_loop3A_654 = arith.constant 0 : index
      %parallel_loop3A_655 = tpu.vector_load %arg13[%parallel_loop3A_652, %parallel_loop3A_653, %parallel_loop3A_654] {strides = array<i32>} : memref<2x512x16xf32, #tpu.memory_space<vmem>>, vector<1x1x16xf32>,
      %parallel_loop3A_656 = vector.shape_cast %parallel_loop3A_655 : vector<1x1x16xf32> to vector<16xf32>
      %parallel_loop3A_657 = arith.constant 11 : i32
      %parallel_loop3A_658 = vector.broadcast %parallel_loop3A_657 : i32 to vector<16x1xi32>
      %parallel_loop3A_659 = vector.shape_cast %parallel_loop3A_658 : vector<16x1xi32> to vector<16xi32>
      %parallel_loop3A_660 = tpu.dynamic_gather %parallel_loop3A_427[%parallel_loop3A_659] in [0] : vector<16xf32>, vector<16xi32> -> vector<16xf32>
      %parallel_loop3A_661 = arith.mulf %parallel_loop3A_656, %parallel_loop3A_660 : vector<16xf32>
      %parallel_loop3A_662 = arith.constant 11 : i32
      %parallel_loop3A_663 = arith.addi %parallel_loop3A_429, %parallel_loop3A_662 : i32
      %parallel_loop3A_664 = arith.index_cast %and3A_257 : i32 to index
      %parallel_loop3A_665 = arith.index_cast %parallel_loop3A_663 : i32 to index
      %parallel_loop3A_666 = arith.constant 0 : index
      %parallel_loop3A_667 = tpu.vector_load %arg13[%parallel_loop3A_664, %parallel_loop3A_665, %parallel_loop3A_666] {strides = array<i32>} : memref<2x512x16xf32, #tpu.memory_space<vmem>>, vector<1x1x16xf32>,
      %parallel_loop3A_668 = vector.shape_cast %parallel_loop3A_667 : vector<1x1x16xf32> to vector<16xf32>
      %parallel_loop3A_669 = vector.shape_cast %parallel_loop3A_661 : vector<16xf32> to vector<1x1x16xf32>
      tpu.vector_store %arg13[%parallel_loop3A_664, %parallel_loop3A_665, %parallel_loop3A_666], %parallel_loop3A_669 {strides = array<i32>} : memref<2x512x16xf32, #tpu.memory_space<vmem>>, vector<1x1x16xf32>,
      %parallel_loop3A_670 = arith.constant 12 : i32
      %parallel_loop3A_671 = arith.addi %parallel_loop3A_429, %parallel_loop3A_670 : i32
      %parallel_loop3A_672 = arith.index_cast %and3A_257 : i32 to index
      %parallel_loop3A_673 = arith.index_cast %parallel_loop3A_671 : i32 to index
      %parallel_loop3A_674 = arith.constant 0 : index
      %parallel_loop3A_675 = tpu.vector_load %arg13[%parallel_loop3A_672, %parallel_loop3A_673, %parallel_loop3A_674] {strides = array<i32>} : memref<2x512x16xf32, #tpu.memory_space<vmem>>, vector<1x1x16xf32>,
      %parallel_loop3A_676 = vector.shape_cast %parallel_loop3A_675 : vector<1x1x16xf32> to vector<16xf32>
      %parallel_loop3A_677 = arith.constant 12 : i32
      %parallel_loop3A_678 = vector.broadcast %parallel_loop3A_677 : i32 to vector<16x1xi32>
      %parallel_loop3A_679 = vector.shape_cast %parallel_loop3A_678 : vector<16x1xi32> to vector<16xi32>
      %parallel_loop3A_680 = tpu.dynamic_gather %parallel_loop3A_427[%parallel_loop3A_679] in [0] : vector<16xf32>, vector<16xi32> -> vector<16xf32>
      %parallel_loop3A_681 = arith.mulf %parallel_loop3A_676, %parallel_loop3A_680 : vector<16xf32>
      %parallel_loop3A_682 = arith.constant 12 : i32
      %parallel_loop3A_683 = arith.addi %parallel_loop3A_429, %parallel_loop3A_682 : i32
      %parallel_loop3A_684 = arith.index_cast %and3A_257 : i32 to index
      %parallel_loop3A_685 = arith.index_cast %parallel_loop3A_683 : i32 to index
      %parallel_loop3A_686 = arith.constant 0 : index
      %parallel_loop3A_687 = tpu.vector_load %arg13[%parallel_loop3A_684, %parallel_loop3A_685, %parallel_loop3A_686] {strides = array<i32>} : memref<2x512x16xf32, #tpu.memory_space<vmem>>, vector<1x1x16xf32>,
      %parallel_loop3A_688 = vector.shape_cast %parallel_loop3A_687 : vector<1x1x16xf32> to vector<16xf32>
      %parallel_loop3A_689 = vector.shape_cast %parallel_loop3A_681 : vector<16xf32> to vector<1x1x16xf32>
      tpu.vector_store %arg13[%parallel_loop3A_684, %parallel_loop3A_685, %parallel_loop3A_686], %parallel_loop3A_689 {strides = array<i32>} : memref<2x512x16xf32, #tpu.memory_space<vmem>>, vector<1x1x16xf32>,
      %parallel_loop3A_690 = arith.constant 13 : i32
      %parallel_loop3A_691 = arith.addi %parallel_loop3A_429, %parallel_loop3A_690 : i32
      %parallel_loop3A_692 = arith.index_cast %and3A_257 : i32 to index
      %parallel_loop3A_693 = arith.index_cast %parallel_loop3A_691 : i32 to index
      %parallel_loop3A_694 = arith.constant 0 : index
      %parallel_loop3A_695 = tpu.vector_load %arg13[%parallel_loop3A_692, %parallel_loop3A_693, %parallel_loop3A_694] {strides = array<i32>} : memref<2x512x16xf32, #tpu.memory_space<vmem>>, vector<1x1x16xf32>,
      %parallel_loop3A_696 = vector.shape_cast %parallel_loop3A_695 : vector<1x1x16xf32> to vector<16xf32>
      %parallel_loop3A_697 = arith.constant 13 : i32
      %parallel_loop3A_698 = vector.broadcast %parallel_loop3A_697 : i32 to vector<16x1xi32>
      %parallel_loop3A_699 = vector.shape_cast %parallel_loop3A_698 : vector<16x1xi32> to vector<16xi32>
      %parallel_loop3A_700 = tpu.dynamic_gather %parallel_loop3A_427[%parallel_loop3A_699] in [0] : vector<16xf32>, vector<16xi32> -> vector<16xf32>
      %parallel_loop3A_701 = arith.mulf %parallel_loop3A_696, %parallel_loop3A_700 : vector<16xf32>
      %parallel_loop3A_702 = arith.constant 13 : i32
      %parallel_loop3A_703 = arith.addi %parallel_loop3A_429, %parallel_loop3A_702 : i32
      %parallel_loop3A_704 = arith.index_cast %and3A_257 : i32 to index
      %parallel_loop3A_705 = arith.index_cast %parallel_loop3A_703 : i32 to index
      %parallel_loop3A_706 = arith.constant 0 : index
      %parallel_loop3A_707 = tpu.vector_load %arg13[%parallel_loop3A_704, %parallel_loop3A_705, %parallel_loop3A_706] {strides = array<i32>} : memref<2x512x16xf32, #tpu.memory_space<vmem>>, vector<1x1x16xf32>,
      %parallel_loop3A_708 = vector.shape_cast %parallel_loop3A_707 : vector<1x1x16xf32> to vector<16xf32>
      %parallel_loop3A_709 = vector.shape_cast %parallel_loop3A_701 : vector<16xf32> to vector<1x1x16xf32>
      tpu.vector_store %arg13[%parallel_loop3A_704, %parallel_loop3A_705, %parallel_loop3A_706], %parallel_loop3A_709 {strides = array<i32>} : memref<2x512x16xf32, #tpu.memory_space<vmem>>, vector<1x1x16xf32>,
      %parallel_loop3A_710 = arith.constant 14 : i32
      %parallel_loop3A_711 = arith.addi %parallel_loop3A_429, %parallel_loop3A_710 : i32
      %parallel_loop3A_712 = arith.index_cast %and3A_257 : i32 to index
      %parallel_loop3A_713 = arith.index_cast %parallel_loop3A_711 : i32 to index
      %parallel_loop3A_714 = arith.constant 0 : index
      %parallel_loop3A_715 = tpu.vector_load %arg13[%parallel_loop3A_712, %parallel_loop3A_713, %parallel_loop3A_714] {strides = array<i32>} : memref<2x512x16xf32, #tpu.memory_space<vmem>>, vector<1x1x16xf32>,
      %parallel_loop3A_716 = vector.shape_cast %parallel_loop3A_715 : vector<1x1x16xf32> to vector<16xf32>
      %parallel_loop3A_717 = arith.constant 14 : i32
      %parallel_loop3A_718 = vector.broadcast %parallel_loop3A_717 : i32 to vector<16x1xi32>
      %parallel_loop3A_719 = vector.shape_cast %parallel_loop3A_718 : vector<16x1xi32> to vector<16xi32>
      %parallel_loop3A_720 = tpu.dynamic_gather %parallel_loop3A_427[%parallel_loop3A_719] in [0] : vector<16xf32>, vector<16xi32> -> vector<16xf32>
      %parallel_loop3A_721 = arith.mulf %parallel_loop3A_716, %parallel_loop3A_720 : vector<16xf32>
      %parallel_loop3A_722 = arith.constant 14 : i32
      %parallel_loop3A_723 = arith.addi %parallel_loop3A_429, %parallel_loop3A_722 : i32
      %parallel_loop3A_724 = arith.index_cast %and3A_257 : i32 to index
      %parallel_loop3A_725 = arith.index_cast %parallel_loop3A_723 : i32 to index
      %parallel_loop3A_726 = arith.constant 0 : index
      %parallel_loop3A_727 = tpu.vector_load %arg13[%parallel_loop3A_724, %parallel_loop3A_725, %parallel_loop3A_726] {strides = array<i32>} : memref<2x512x16xf32, #tpu.memory_space<vmem>>, vector<1x1x16xf32>,
      %parallel_loop3A_728 = vector.shape_cast %parallel_loop3A_727 : vector<1x1x16xf32> to vector<16xf32>
      %parallel_loop3A_729 = vector.shape_cast %parallel_loop3A_721 : vector<16xf32> to vector<1x1x16xf32>
      tpu.vector_store %arg13[%parallel_loop3A_724, %parallel_loop3A_725, %parallel_loop3A_726], %parallel_loop3A_729 {strides = array<i32>} : memref<2x512x16xf32, #tpu.memory_space<vmem>>, vector<1x1x16xf32>,
      %parallel_loop3A_730 = arith.constant 15 : i32
      %parallel_loop3A_731 = arith.addi %parallel_loop3A_429, %parallel_loop3A_730 : i32
      %parallel_loop3A_732 = arith.index_cast %and3A_257 : i32 to index
      %parallel_loop3A_733 = arith.index_cast %parallel_loop3A_731 : i32 to index
      %parallel_loop3A_734 = arith.constant 0 : index
      %parallel_loop3A_735 = tpu.vector_load %arg13[%parallel_loop3A_732, %parallel_loop3A_733, %parallel_loop3A_734] {strides = array<i32>} : memref<2x512x16xf32, #tpu.memory_space<vmem>>, vector<1x1x16xf32>,
      %parallel_loop3A_736 = vector.shape_cast %parallel_loop3A_735 : vector<1x1x16xf32> to vector<16xf32>
      %parallel_loop3A_737 = arith.constant 15 : i32
      %parallel_loop3A_738 = vector.broadcast %parallel_loop3A_737 : i32 to vector<16x1xi32>
      %parallel_loop3A_739 = vector.shape_cast %parallel_loop3A_738 : vector<16x1xi32> to vector<16xi32>
      %parallel_loop3A_740 = tpu.dynamic_gather %parallel_loop3A_427[%parallel_loop3A_739] in [0] : vector<16xf32>, vector<16xi32> -> vector<16xf32>
      %parallel_loop3A_741 = arith.mulf %parallel_loop3A_736, %parallel_loop3A_740 : vector<16xf32>
      %parallel_loop3A_742 = arith.constant 15 : i32
      %parallel_loop3A_743 = arith.addi %parallel_loop3A_429, %parallel_loop3A_742 : i32
      %parallel_loop3A_744 = arith.index_cast %and3A_257 : i32 to index
      %parallel_loop3A_745 = arith.index_cast %parallel_loop3A_743 : i32 to index
      %parallel_loop3A_746 = arith.constant 0 : index
      %parallel_loop3A_747 = tpu.vector_load %arg13[%parallel_loop3A_744, %parallel_loop3A_745, %parallel_loop3A_746] {strides = array<i32>} : memref<2x512x16xf32, #tpu.memory_space<vmem>>, vector<1x1x16xf32>,
      %parallel_loop3A_748 = vector.shape_cast %parallel_loop3A_747 : vector<1x1x16xf32> to vector<16xf32>
      %parallel_loop3A_749 = vector.shape_cast %parallel_loop3A_741 : vector<16xf32> to vector<1x1x16xf32>
      tpu.vector_store %arg13[%parallel_loop3A_744, %parallel_loop3A_745, %parallel_loop3A_746], %parallel_loop3A_749 {strides = array<i32>} : memref<2x512x16xf32, #tpu.memory_space<vmem>>, vector<1x1x16xf32>,
    } {sc.loop_unroll_factor = 2 : i64, sc.parallel_access}
    %dma_start3A_280 = arith.constant 0 : i32
    %dma_start3A_281 = arith.constant 0 : i32
    %dma_start3A_282 = arith.constant 0 : i32
    %dma_start3A_283 = tpu.memref_slice %arg13[%and3A_257, %dma_start3A_281, %dma_start3A_282] : memref<2x512x16xf32, #tpu.memory_space<vmem>> -> memref<1x128x16xf32, #tpu.memory_space<vmem>>
    %dma_start3A_284 = tpu.memref_squeeze %dma_start3A_283 : memref<1x128x16xf32, #tpu.memory_space<vmem>> -> memref<128x16xf32, #tpu.memory_space<vmem>>
    %dma_start3A_285 = arith.constant 0 : i32
    %dma_start3A_286 = tpu.memref_slice %arg11[%and3A_261, %dma_start3A_280, %dma_start3A_285] : memref<4x4x128xi32, #tpu.memory_space<vmem>> -> memref<1x1x128xi32, #tpu.memory_space<vmem>>
    %dma_start3A_287 = tpu.memref_squeeze %dma_start3A_286 : memref<1x1x128xi32, #tpu.memory_space<vmem>> -> memref<128xi32, #tpu.memory_space<vmem>>
    %dma_start3A_288 = arith.constant 0 : i32
    %dma_start3A_289 = arith.constant 0 : i32
    %dma_start3A_290 = tpu.memref_slice %arg14[%dma_start3A_288, %dma_start3A_289] : memref<100096x16xf32, #tpu.memory_space<vmem_shared>> -> memref<100096x16xf32, #tpu.memory_space<vmem_shared>>
    %dma_start3A_291 = tpu.memref_slice %arg17[%and3A_257] : memref<2x!tpu.dma_semaphore, #tpu.memory_space<semaphore_mem>> -> memref<1x!tpu.dma_semaphore, #tpu.memory_space<semaphore_mem>>
    %dma_start3A_292 = tpu.memref_squeeze %dma_start3A_291 : memref<1x!tpu.dma_semaphore, #tpu.memory_space<semaphore_mem>> -> memref<!tpu.dma_semaphore, #tpu.memory_space<semaphore_mem>>
    tpu.enqueue_indirect_dma source(%dma_start3A_284 : memref<128x16xf32, #tpu.memory_space<vmem>>) target(%dma_start3A_290 : memref<100096x16xf32, #tpu.memory_space<vmem_shared>>) offsets(%dma_start3A_287 : memref<128xi32, #tpu.memory_space<vmem>>) semaphore(%dma_start3A_292 : memref<!tpu.dma_semaphore, #tpu.memory_space<semaphore_mem>>) {add = true}
    %dma_start3A_293 = arith.constant 1 : i32
    %dma_start3A_294 = arith.constant 128 : i32
    %dma_start3A_295 = arith.constant 0 : i32
    %dma_start3A_296 = tpu.memref_slice %arg13[%and3A_257, %dma_start3A_294, %dma_start3A_295] : memref<2x512x16xf32, #tpu.memory_space<vmem>> -> memref<1x128x16xf32, #tpu.memory_space<vmem>>
    %dma_start3A_297 = tpu.memref_squeeze %dma_start3A_296 : memref<1x128x16xf32, #tpu.memory_space<vmem>> -> memref<128x16xf32, #tpu.memory_space<vmem>>
    %dma_start3A_298 = arith.constant 0 : i32
    %dma_start3A_299 = tpu.memref_slice %arg11[%and3A_261, %dma_start3A_293, %dma_start3A_298] : memref<4x4x128xi32, #tpu.memory_space<vmem>> -> memref<1x1x128xi32, #tpu.memory_space<vmem>>
    %dma_start3A_300 = tpu.memref_squeeze %dma_start3A_299 : memref<1x1x128xi32, #tpu.memory_space<vmem>> -> memref<128xi32, #tpu.memory_space<vmem>>
    %dma_start3A_301 = arith.constant 0 : i32
    %dma_start3A_302 = arith.constant 0 : i32
    %dma_start3A_303 = tpu.memref_slice %arg14[%dma_start3A_301, %dma_start3A_302] : memref<100096x16xf32, #tpu.memory_space<vmem_shared>> -> memref<100096x16xf32, #tpu.memory_space<vmem_shared>>
    %dma_start3A_304 = tpu.memref_slice %arg17[%and3A_257] : memref<2x!tpu.dma_semaphore, #tpu.memory_space<semaphore_mem>> -> memref<1x!tpu.dma_semaphore, #tpu.memory_space<semaphore_mem>>
    %dma_start3A_305 = tpu.memref_squeeze %dma_start3A_304 : memref<1x!tpu.dma_semaphore, #tpu.memory_space<semaphore_mem>> -> memref<!tpu.dma_semaphore, #tpu.memory_space<semaphore_mem>>
    tpu.enqueue_indirect_dma source(%dma_start3A_297 : memref<128x16xf32, #tpu.memory_space<vmem>>) target(%dma_start3A_303 : memref<100096x16xf32, #tpu.memory_space<vmem_shared>>) offsets(%dma_start3A_300 : memref<128xi32, #tpu.memory_space<vmem>>) semaphore(%dma_start3A_305 : memref<!tpu.dma_semaphore, #tpu.memory_space<semaphore_mem>>) {add = true}
    %dma_start3A_306 = arith.constant 2 : i32
    %dma_start3A_307 = arith.constant 256 : i32
    %dma_start3A_308 = arith.constant 0 : i32
    %dma_start3A_309 = tpu.memref_slice %arg13[%and3A_257, %dma_start3A_307, %dma_start3A_308] : memref<2x512x16xf32, #tpu.memory_space<vmem>> -> memref<1x128x16xf32, #tpu.memory_space<vmem>>
    %dma_start3A_310 = tpu.memref_squeeze %dma_start3A_309 : memref<1x128x16xf32, #tpu.memory_space<vmem>> -> memref<128x16xf32, #tpu.memory_space<vmem>>
    %dma_start3A_311 = arith.constant 0 : i32
    %dma_start3A_312 = tpu.memref_slice %arg11[%and3A_261, %dma_start3A_306, %dma_start3A_311] : memref<4x4x128xi32, #tpu.memory_space<vmem>> -> memref<1x1x128xi32, #tpu.memory_space<vmem>>
    %dma_start3A_313 = tpu.memref_squeeze %dma_start3A_312 : memref<1x1x128xi32, #tpu.memory_space<vmem>> -> memref<128xi32, #tpu.memory_space<vmem>>
    %dma_start3A_314 = arith.constant 0 : i32
    %dma_start3A_315 = arith.constant 0 : i32
    %dma_start3A_316 = tpu.memref_slice %arg14[%dma_start3A_314, %dma_start3A_315] : memref<100096x16xf32, #tpu.memory_space<vmem_shared>> -> memref<100096x16xf32, #tpu.memory_space<vmem_shared>>
    %dma_start3A_317 = tpu.memref_slice %arg17[%and3A_257] : memref<2x!tpu.dma_semaphore, #tpu.memory_space<semaphore_mem>> -> memref<1x!tpu.dma_semaphore, #tpu.memory_space<semaphore_mem>>
    %dma_start3A_318 = tpu.memref_squeeze %dma_start3A_317 : memref<1x!tpu.dma_semaphore, #tpu.memory_space<semaphore_mem>> -> memref<!tpu.dma_semaphore, #tpu.memory_space<semaphore_mem>>
    tpu.enqueue_indirect_dma source(%dma_start3A_310 : memref<128x16xf32, #tpu.memory_space<vmem>>) target(%dma_start3A_316 : memref<100096x16xf32, #tpu.memory_space<vmem_shared>>) offsets(%dma_start3A_313 : memref<128xi32, #tpu.memory_space<vmem>>) semaphore(%dma_start3A_318 : memref<!tpu.dma_semaphore, #tpu.memory_space<semaphore_mem>>) {add = true}
    %dma_start3A_319 = arith.constant 3 : i32
    %dma_start3A_320 = arith.constant 384 : i32
    %dma_start3A_321 = arith.constant 0 : i32
    %dma_start3A_322 = tpu.memref_slice %arg13[%and3A_257, %dma_start3A_320, %dma_start3A_321] : memref<2x512x16xf32, #tpu.memory_space<vmem>> -> memref<1x128x16xf32, #tpu.memory_space<vmem>>
    %dma_start3A_323 = tpu.memref_squeeze %dma_start3A_322 : memref<1x128x16xf32, #tpu.memory_space<vmem>> -> memref<128x16xf32, #tpu.memory_space<vmem>>
    %dma_start3A_324 = arith.constant 0 : i32
    %dma_start3A_325 = tpu.memref_slice %arg11[%and3A_261, %dma_start3A_319, %dma_start3A_324] : memref<4x4x128xi32, #tpu.memory_space<vmem>> -> memref<1x1x128xi32, #tpu.memory_space<vmem>>
    %dma_start3A_326 = tpu.memref_squeeze %dma_start3A_325 : memref<1x1x128xi32, #tpu.memory_space<vmem>> -> memref<128xi32, #tpu.memory_space<vmem>>
    %dma_start3A_327 = arith.constant 0 : i32
    %dma_start3A_328 = arith.constant 0 : i32
    %dma_start3A_329 = tpu.memref_slice %arg14[%dma_start3A_327, %dma_start3A_328] : memref<100096x16xf32, #tpu.memory_space<vmem_shared>> -> memref<100096x16xf32, #tpu.memory_space<vmem_shared>>
    %dma_start3A_330 = tpu.memref_slice %arg17[%and3A_257] : memref<2x!tpu.dma_semaphore, #tpu.memory_space<semaphore_mem>> -> memref<1x!tpu.dma_semaphore, #tpu.memory_space<semaphore_mem>>
    %dma_start3A_331 = tpu.memref_squeeze %dma_start3A_330 : memref<1x!tpu.dma_semaphore, #tpu.memory_space<semaphore_mem>> -> memref<!tpu.dma_semaphore, #tpu.memory_space<semaphore_mem>>
    tpu.enqueue_indirect_dma source(%dma_start3A_323 : memref<128x16xf32, #tpu.memory_space<vmem>>) target(%dma_start3A_329 : memref<100096x16xf32, #tpu.memory_space<vmem_shared>>) offsets(%dma_start3A_326 : memref<128xi32, #tpu.memory_space<vmem>>) semaphore(%dma_start3A_331 : memref<!tpu.dma_semaphore, #tpu.memory_space<semaphore_mem>>) {add = true}
    %dma_wait3A_332 = arith.constant 0 : i32
    %dma_wait3A_333 = arith.constant 0 : i32
    %dma_wait3A_334 = arith.constant 0 : i32
    %dma_wait3A_335 = arith.constant 0 : i32
    %dma_wait3A_336 = tpu.memref_slice %arg13[%dma_wait3A_332, %dma_wait3A_334, %dma_wait3A_335] : memref<2x512x16xf32, #tpu.memory_space<vmem>> -> memref<1x512x16xf32, #tpu.memory_space<vmem>>
    %dma_wait3A_337 = tpu.memref_squeeze %dma_wait3A_336 : memref<1x512x16xf32, #tpu.memory_space<vmem>> -> memref<512x16xf32, #tpu.memory_space<vmem>>
    %dma_wait3A_338 = arith.constant 0 : i32
    %dma_wait3A_339 = arith.constant 0 : i32
    %dma_wait3A_340 = tpu.memref_slice %arg2[%dma_wait3A_338, %dma_wait3A_339] : memref<1000000x16xf32, #tpu.memory_space<hbm>> -> memref<512x16xf32, #tpu.memory_space<hbm>>
    %dma_wait3A_341 = tpu.memref_slice %arg17[%dma_wait3A_333] : memref<2x!tpu.dma_semaphore, #tpu.memory_space<semaphore_mem>> -> memref<1x!tpu.dma_semaphore, #tpu.memory_space<semaphore_mem>>
    %dma_wait3A_342 = tpu.memref_squeeze %dma_wait3A_341 : memref<1x!tpu.dma_semaphore, #tpu.memory_space<semaphore_mem>> -> memref<!tpu.dma_semaphore, #tpu.memory_space<semaphore_mem>>
    %dma_wait3A_343 = arith.constant 0 : i32
    %dma_wait3A_344 = arith.constant 0 : i32
    %dma_wait3A_345 = tpu.memref_slice %arg13[%dma_wait3A_332, %dma_wait3A_343, %dma_wait3A_344] : memref<2x512x16xf32, #tpu.memory_space<vmem>> -> memref<1x512x16xf32, #tpu.memory_space<vmem>>
    %dma_wait3A_346 = tpu.memref_squeeze %dma_wait3A_345 : memref<1x512x16xf32, #tpu.memory_space<vmem>> -> memref<512x16xf32, #tpu.memory_space<vmem>>
    %dma_wait3A_347 = arith.constant 0 : i32
    %dma_wait3A_348 = arith.constant 0 : i32
    %dma_wait3A_349 = tpu.memref_slice %arg2[%dma_wait3A_347, %dma_wait3A_348] : memref<1000000x16xf32, #tpu.memory_space<hbm>> -> memref<512x16xf32, #tpu.memory_space<hbm>>
    tpu.wait_dma2 semaphore(%dma_wait3A_342 : memref<!tpu.dma_semaphore, #tpu.memory_space<semaphore_mem>>) src(%dma_wait3A_349 : memref<512x16xf32, #tpu.memory_space<hbm>>) dst(%dma_wait3A_346 : memref<512x16xf32, #tpu.memory_space<vmem>>)
    %dma_wait3A_350 = arith.constant 1 : i32
    %dma_wait3A_351 = arith.constant 1 : i32
    %dma_wait3A_352 = arith.constant 0 : i32
    %dma_wait3A_353 = arith.constant 0 : i32
    %dma_wait3A_354 = tpu.memref_slice %arg13[%dma_wait3A_350, %dma_wait3A_352, %dma_wait3A_353] : memref<2x512x16xf32, #tpu.memory_space<vmem>> -> memref<1x512x16xf32, #tpu.memory_space<vmem>>
    %dma_wait3A_355 = tpu.memref_squeeze %dma_wait3A_354 : memref<1x512x16xf32, #tpu.memory_space<vmem>> -> memref<512x16xf32, #tpu.memory_space<vmem>>
    %dma_wait3A_356 = arith.constant 0 : i32
    %dma_wait3A_357 = arith.constant 0 : i32
    %dma_wait3A_358 = tpu.memref_slice %arg2[%dma_wait3A_356, %dma_wait3A_357] : memref<1000000x16xf32, #tpu.memory_space<hbm>> -> memref<512x16xf32, #tpu.memory_space<hbm>>
    %dma_wait3A_359 = tpu.memref_slice %arg17[%dma_wait3A_351] : memref<2x!tpu.dma_semaphore, #tpu.memory_space<semaphore_mem>> -> memref<1x!tpu.dma_semaphore, #tpu.memory_space<semaphore_mem>>
    %dma_wait3A_360 = tpu.memref_squeeze %dma_wait3A_359 : memref<1x!tpu.dma_semaphore, #tpu.memory_space<semaphore_mem>> -> memref<!tpu.dma_semaphore, #tpu.memory_space<semaphore_mem>>
    %dma_wait3A_361 = arith.constant 0 : i32
    %dma_wait3A_362 = arith.constant 0 : i32
    %dma_wait3A_363 = tpu.memref_slice %arg13[%dma_wait3A_350, %dma_wait3A_361, %dma_wait3A_362] : memref<2x512x16xf32, #tpu.memory_space<vmem>> -> memref<1x512x16xf32, #tpu.memory_space<vmem>>
    %dma_wait3A_364 = tpu.memref_squeeze %dma_wait3A_363 : memref<1x512x16xf32, #tpu.memory_space<vmem>> -> memref<512x16xf32, #tpu.memory_space<vmem>>
    %dma_wait3A_365 = arith.constant 0 : i32
    %dma_wait3A_366 = arith.constant 0 : i32
    %dma_wait3A_367 = tpu.memref_slice %arg2[%dma_wait3A_365, %dma_wait3A_366] : memref<1000000x16xf32, #tpu.memory_space<hbm>> -> memref<512x16xf32, #tpu.memory_space<hbm>>
    tpu.wait_dma2 semaphore(%dma_wait3A_360 : memref<!tpu.dma_semaphore, #tpu.memory_space<semaphore_mem>>) src(%dma_wait3A_367 : memref<512x16xf32, #tpu.memory_space<hbm>>) dst(%dma_wait3A_364 : memref<512x16xf32, #tpu.memory_space<vmem>>)
    %barrier3A_368 = arith.constant 0 : index
    tpu.barrier barrier_id(%barrier3A_368)
    %add3A_369 = arith.constant 0 : i32
    %add3A_370 = arith.addi %mul3A_6, %add3A_369 : i32
    %add3A_371 = arith.constant 0 : i32
    %add3A_372 = arith.addi %mul3A_6, %add3A_371 : i32
    "tpu.region"() ({
      %run_scoped3A_421 = tpu.sem_alloc : memref<!tpu.dma_semaphore, #tpu.memory_space<semaphore_mem>>
      %dma_start3A_422 = arith.constant 0 : i32
      %dma_start3A_423 = tpu.memref_slice %arg7[%arg0, %add3A_372, %dma_start3A_422] : memref<2x100096x16xf32, #tpu.memory_space<hbm>> -> memref<1x512x16xf32, #tpu.memory_space<hbm>>
      %dma_start3A_424 = tpu.memref_squeeze %dma_start3A_423 : memref<1x512x16xf32, #tpu.memory_space<hbm>> -> memref<512x16xf32, #tpu.memory_space<hbm>>
      %dma_start3A_425 = arith.constant 0 : i32
      %dma_start3A_426 = tpu.memref_slice %arg14[%add3A_370, %dma_start3A_425] : memref<100096x16xf32, #tpu.memory_space<vmem_shared>> -> memref<512x16xf32, #tpu.memory_space<vmem_shared>>
      tpu.enqueue_dma source(%dma_start3A_426 : memref<512x16xf32, #tpu.memory_space<vmem_shared>>) target(%dma_start3A_424 : memref<512x16xf32, #tpu.memory_space<hbm>>) target_semaphore(%run_scoped3A_421 : memref<!tpu.dma_semaphore, #tpu.memory_space<semaphore_mem>>)
      %dma_wait3A_427 = arith.constant 0 : i32
      %dma_wait3A_428 = tpu.memref_slice %arg7[%arg0, %add3A_372, %dma_wait3A_427] : memref<2x100096x16xf32, #tpu.memory_space<hbm>> -> memref<1x512x16xf32, #tpu.memory_space<hbm>>
      %dma_wait3A_429 = tpu.memref_squeeze %dma_wait3A_428 : memref<1x512x16xf32, #tpu.memory_space<hbm>> -> memref<512x16xf32, #tpu.memory_space<hbm>>
      %dma_wait3A_430 = arith.constant 0 : i32
      %dma_wait3A_431 = tpu.memref_slice %arg14[%add3A_370, %dma_wait3A_430] : memref<100096x16xf32, #tpu.memory_space<vmem_shared>> -> memref<512x16xf32, #tpu.memory_space<vmem_shared>>
      tpu.wait_dma2 semaphore(%run_scoped3A_421 : memref<!tpu.dma_semaphore, #tpu.memory_space<semaphore_mem>>) src(%dma_wait3A_431 : memref<512x16xf32, #tpu.memory_space<vmem_shared>>) dst(%dma_wait3A_429 : memref<512x16xf32, #tpu.memory_space<hbm>>)
      tpu.yield
    }) : () -> ()
    %add3A_373 = arith.constant 512 : i32
    %add3A_374 = arith.addi %mul3A_6, %add3A_373 : i32
    %add3A_375 = arith.constant 512 : i32
    %add3A_376 = arith.addi %mul3A_6, %add3A_375 : i32
    "tpu.region"() ({
      %run_scoped3A_421 = tpu.sem_alloc : memref<!tpu.dma_semaphore, #tpu.memory_space<semaphore_mem>>
      %dma_start3A_422 = arith.constant 0 : i32
      %dma_start3A_423 = tpu.memref_slice %arg7[%arg0, %add3A_376, %dma_start3A_422] : memref<2x100096x16xf32, #tpu.memory_space<hbm>> -> memref<1x512x16xf32, #tpu.memory_space<hbm>>
      %dma_start3A_424 = tpu.memref_squeeze %dma_start3A_423 : memref<1x512x16xf32, #tpu.memory_space<hbm>> -> memref<512x16xf32, #tpu.memory_space<hbm>>
      %dma_start3A_425 = arith.constant 0 : i32
      %dma_start3A_426 = tpu.memref_slice %arg14[%add3A_374, %dma_start3A_425] : memref<100096x16xf32, #tpu.memory_space<vmem_shared>> -> memref<512x16xf32, #tpu.memory_space<vmem_shared>>
      tpu.enqueue_dma source(%dma_start3A_426 : memref<512x16xf32, #tpu.memory_space<vmem_shared>>) target(%dma_start3A_424 : memref<512x16xf32, #tpu.memory_space<hbm>>) target_semaphore(%run_scoped3A_421 : memref<!tpu.dma_semaphore, #tpu.memory_space<semaphore_mem>>)
      %dma_wait3A_427 = arith.constant 0 : i32
      %dma_wait3A_428 = tpu.memref_slice %arg7[%arg0, %add3A_376, %dma_wait3A_427] : memref<2x100096x16xf32, #tpu.memory_space<hbm>> -> memref<1x512x16xf32, #tpu.memory_space<hbm>>
      %dma_wait3A_429 = tpu.memref_squeeze %dma_wait3A_428 : memref<1x512x16xf32, #tpu.memory_space<hbm>> -> memref<512x16xf32, #tpu.memory_space<hbm>>
      %dma_wait3A_430 = arith.constant 0 : i32
      %dma_wait3A_431 = tpu.memref_slice %arg14[%add3A_374, %dma_wait3A_430] : memref<100096x16xf32, #tpu.memory_space<vmem_shared>> -> memref<512x16xf32, #tpu.memory_space<vmem_shared>>
      tpu.wait_dma2 semaphore(%run_scoped3A_421 : memref<!tpu.dma_semaphore, #tpu.memory_space<semaphore_mem>>) src(%dma_wait3A_431 : memref<512x16xf32, #tpu.memory_space<vmem_shared>>) dst(%dma_wait3A_429 : memref<512x16xf32, #tpu.memory_space<hbm>>)
      tpu.yield
    }) : () -> ()
    %add3A_377 = arith.constant 1024 : i32
    %add3A_378 = arith.addi %mul3A_6, %add3A_377 : i32
    %add3A_379 = arith.constant 1024 : i32
    %add3A_380 = arith.addi %mul3A_6, %add3A_379 : i32
    "tpu.region"() ({
      %run_scoped3A_421 = tpu.sem_alloc : memref<!tpu.dma_semaphore, #tpu.memory_space<semaphore_mem>>
      %dma_start3A_422 = arith.constant 0 : i32
      %dma_start3A_423 = tpu.memref_slice %arg7[%arg0, %add3A_380, %dma_start3A_422] : memref<2x100096x16xf32, #tpu.memory_space<hbm>> -> memref<1x512x16xf32, #tpu.memory_space<hbm>>
      %dma_start3A_424 = tpu.memref_squeeze %dma_start3A_423 : memref<1x512x16xf32, #tpu.memory_space<hbm>> -> memref<512x16xf32, #tpu.memory_space<hbm>>
      %dma_start3A_425 = arith.constant 0 : i32
      %dma_start3A_426 = tpu.memref_slice %arg14[%add3A_378, %dma_start3A_425] : memref<100096x16xf32, #tpu.memory_space<vmem_shared>> -> memref<512x16xf32, #tpu.memory_space<vmem_shared>>
      tpu.enqueue_dma source(%dma_start3A_426 : memref<512x16xf32, #tpu.memory_space<vmem_shared>>) target(%dma_start3A_424 : memref<512x16xf32, #tpu.memory_space<hbm>>) target_semaphore(%run_scoped3A_421 : memref<!tpu.dma_semaphore, #tpu.memory_space<semaphore_mem>>)
      %dma_wait3A_427 = arith.constant 0 : i32
      %dma_wait3A_428 = tpu.memref_slice %arg7[%arg0, %add3A_380, %dma_wait3A_427] : memref<2x100096x16xf32, #tpu.memory_space<hbm>> -> memref<1x512x16xf32, #tpu.memory_space<hbm>>
      %dma_wait3A_429 = tpu.memref_squeeze %dma_wait3A_428 : memref<1x512x16xf32, #tpu.memory_space<hbm>> -> memref<512x16xf32, #tpu.memory_space<hbm>>
      %dma_wait3A_430 = arith.constant 0 : i32
      %dma_wait3A_431 = tpu.memref_slice %arg14[%add3A_378, %dma_wait3A_430] : memref<100096x16xf32, #tpu.memory_space<vmem_shared>> -> memref<512x16xf32, #tpu.memory_space<vmem_shared>>
      tpu.wait_dma2 semaphore(%run_scoped3A_421 : memref<!tpu.dma_semaphore, #tpu.memory_space<semaphore_mem>>) src(%dma_wait3A_431 : memref<512x16xf32, #tpu.memory_space<vmem_shared>>) dst(%dma_wait3A_429 : memref<512x16xf32, #tpu.memory_space<hbm>>)
      tpu.yield
    }) : () -> ()
    %add3A_381 = arith.constant 1536 : i32
    %add3A_382 = arith.addi %mul3A_6, %add3A_381 : i32
    %add3A_383 = arith.constant 1536 : i32
    %add3A_384 = arith.addi %mul3A_6, %add3A_383 : i32
    "tpu.region"() ({
      %run_scoped3A_421 = tpu.sem_alloc : memref<!tpu.dma_semaphore, #tpu.memory_space<semaphore_mem>>
      %dma_start3A_422 = arith.constant 0 : i32
      %dma_start3A_423 = tpu.memref_slice %arg7[%arg0, %add3A_384, %dma_start3A_422] : memref<2x100096x16xf32, #tpu.memory_space<hbm>> -> memref<1x512x16xf32, #tpu.memory_space<hbm>>
      %dma_start3A_424 = tpu.memref_squeeze %dma_start3A_423 : memref<1x512x16xf32, #tpu.memory_space<hbm>> -> memref<512x16xf32, #tpu.memory_space<hbm>>
      %dma_start3A_425 = arith.constant 0 : i32
      %dma_start3A_426 = tpu.memref_slice %arg14[%add3A_382, %dma_start3A_425] : memref<100096x16xf32, #tpu.memory_space<vmem_shared>> -> memref<512x16xf32, #tpu.memory_space<vmem_shared>>
      tpu.enqueue_dma source(%dma_start3A_426 : memref<512x16xf32, #tpu.memory_space<vmem_shared>>) target(%dma_start3A_424 : memref<512x16xf32, #tpu.memory_space<hbm>>) target_semaphore(%run_scoped3A_421 : memref<!tpu.dma_semaphore, #tpu.memory_space<semaphore_mem>>)
      %dma_wait3A_427 = arith.constant 0 : i32
      %dma_wait3A_428 = tpu.memref_slice %arg7[%arg0, %add3A_384, %dma_wait3A_427] : memref<2x100096x16xf32, #tpu.memory_space<hbm>> -> memref<1x512x16xf32, #tpu.memory_space<hbm>>
      %dma_wait3A_429 = tpu.memref_squeeze %dma_wait3A_428 : memref<1x512x16xf32, #tpu.memory_space<hbm>> -> memref<512x16xf32, #tpu.memory_space<hbm>>
      %dma_wait3A_430 = arith.constant 0 : i32
      %dma_wait3A_431 = tpu.memref_slice %arg14[%add3A_382, %dma_wait3A_430] : memref<100096x16xf32, #tpu.memory_space<vmem_shared>> -> memref<512x16xf32, #tpu.memory_space<vmem_shared>>
      tpu.wait_dma2 semaphore(%run_scoped3A_421 : memref<!tpu.dma_semaphore, #tpu.memory_space<semaphore_mem>>) src(%dma_wait3A_431 : memref<512x16xf32, #tpu.memory_space<vmem_shared>>) dst(%dma_wait3A_429 : memref<512x16xf32, #tpu.memory_space<hbm>>)
      tpu.yield
    }) : () -> ()
    %add3A_385 = arith.constant 2048 : i32
    %add3A_386 = arith.addi %mul3A_6, %add3A_385 : i32
    %add3A_387 = arith.constant 2048 : i32
    %add3A_388 = arith.addi %mul3A_6, %add3A_387 : i32
    "tpu.region"() ({
      %run_scoped3A_421 = tpu.sem_alloc : memref<!tpu.dma_semaphore, #tpu.memory_space<semaphore_mem>>
      %dma_start3A_422 = arith.constant 0 : i32
      %dma_start3A_423 = tpu.memref_slice %arg7[%arg0, %add3A_388, %dma_start3A_422] : memref<2x100096x16xf32, #tpu.memory_space<hbm>> -> memref<1x512x16xf32, #tpu.memory_space<hbm>>
      %dma_start3A_424 = tpu.memref_squeeze %dma_start3A_423 : memref<1x512x16xf32, #tpu.memory_space<hbm>> -> memref<512x16xf32, #tpu.memory_space<hbm>>
      %dma_start3A_425 = arith.constant 0 : i32
      %dma_start3A_426 = tpu.memref_slice %arg14[%add3A_386, %dma_start3A_425] : memref<100096x16xf32, #tpu.memory_space<vmem_shared>> -> memref<512x16xf32, #tpu.memory_space<vmem_shared>>
      tpu.enqueue_dma source(%dma_start3A_426 : memref<512x16xf32, #tpu.memory_space<vmem_shared>>) target(%dma_start3A_424 : memref<512x16xf32, #tpu.memory_space<hbm>>) target_semaphore(%run_scoped3A_421 : memref<!tpu.dma_semaphore, #tpu.memory_space<semaphore_mem>>)
      %dma_wait3A_427 = arith.constant 0 : i32
      %dma_wait3A_428 = tpu.memref_slice %arg7[%arg0, %add3A_388, %dma_wait3A_427] : memref<2x100096x16xf32, #tpu.memory_space<hbm>> -> memref<1x512x16xf32, #tpu.memory_space<hbm>>
      %dma_wait3A_429 = tpu.memref_squeeze %dma_wait3A_428 : memref<1x512x16xf32, #tpu.memory_space<hbm>> -> memref<512x16xf32, #tpu.memory_space<hbm>>
      %dma_wait3A_430 = arith.constant 0 : i32
      %dma_wait3A_431 = tpu.memref_slice %arg14[%add3A_386, %dma_wait3A_430] : memref<100096x16xf32, #tpu.memory_space<vmem_shared>> -> memref<512x16xf32, #tpu.memory_space<vmem_shared>>
      tpu.wait_dma2 semaphore(%run_scoped3A_421 : memref<!tpu.dma_semaphore, #tpu.memory_space<semaphore_mem>>) src(%dma_wait3A_431 : memref<512x16xf32, #tpu.memory_space<vmem_shared>>) dst(%dma_wait3A_429 : memref<512x16xf32, #tpu.memory_space<hbm>>)
      tpu.yield
    }) : () -> ()
    %add3A_389 = arith.constant 2560 : i32
    %add3A_390 = arith.addi %mul3A_6, %add3A_389 : i32
    %add3A_391 = arith.constant 2560 : i32
    %add3A_392 = arith.addi %mul3A_6, %add3A_391 : i32
    "tpu.region"() ({
      %run_scoped3A_421 = tpu.sem_alloc : memref<!tpu.dma_semaphore, #tpu.memory_space<semaphore_mem>>
      %dma_start3A_422 = arith.constant 0 : i32
      %dma_start3A_423 = tpu.memref_slice %arg7[%arg0, %add3A_392, %dma_start3A_422] : memref<2x100096x16xf32, #tpu.memory_space<hbm>> -> memref<1x512x16xf32, #tpu.memory_space<hbm>>
      %dma_start3A_424 = tpu.memref_squeeze %dma_start3A_423 : memref<1x512x16xf32, #tpu.memory_space<hbm>> -> memref<512x16xf32, #tpu.memory_space<hbm>>
      %dma_start3A_425 = arith.constant 0 : i32
      %dma_start3A_426 = tpu.memref_slice %arg14[%add3A_390, %dma_start3A_425] : memref<100096x16xf32, #tpu.memory_space<vmem_shared>> -> memref<512x16xf32, #tpu.memory_space<vmem_shared>>
      tpu.enqueue_dma source(%dma_start3A_426 : memref<512x16xf32, #tpu.memory_space<vmem_shared>>) target(%dma_start3A_424 : memref<512x16xf32, #tpu.memory_space<hbm>>) target_semaphore(%run_scoped3A_421 : memref<!tpu.dma_semaphore, #tpu.memory_space<semaphore_mem>>)
      %dma_wait3A_427 = arith.constant 0 : i32
      %dma_wait3A_428 = tpu.memref_slice %arg7[%arg0, %add3A_392, %dma_wait3A_427] : memref<2x100096x16xf32, #tpu.memory_space<hbm>> -> memref<1x512x16xf32, #tpu.memory_space<hbm>>
      %dma_wait3A_429 = tpu.memref_squeeze %dma_wait3A_428 : memref<1x512x16xf32, #tpu.memory_space<hbm>> -> memref<512x16xf32, #tpu.memory_space<hbm>>
      %dma_wait3A_430 = arith.constant 0 : i32
      %dma_wait3A_431 = tpu.memref_slice %arg14[%add3A_390, %dma_wait3A_430] : memref<100096x16xf32, #tpu.memory_space<vmem_shared>> -> memref<512x16xf32, #tpu.memory_space<vmem_shared>>
      tpu.wait_dma2 semaphore(%run_scoped3A_421 : memref<!tpu.dma_semaphore, #tpu.memory_space<semaphore_mem>>) src(%dma_wait3A_431 : memref<512x16xf32, #tpu.memory_space<vmem_shared>>) dst(%dma_wait3A_429 : memref<512x16xf32, #tpu.memory_space<hbm>>)
      tpu.yield
    }) : () -> ()
    %add3A_393 = arith.constant 3072 : i32
    %add3A_394 = arith.addi %mul3A_6, %add3A_393 : i32
    %add3A_395 = arith.constant 3072 : i32
    %add3A_396 = arith.addi %mul3A_6, %add3A_395 : i32
    "tpu.region"() ({
      %run_scoped3A_421 = tpu.sem_alloc : memref<!tpu.dma_semaphore, #tpu.memory_space<semaphore_mem>>
      %dma_start3A_422 = arith.constant 0 : i32
      %dma_start3A_423 = tpu.memref_slice %arg7[%arg0, %add3A_396, %dma_start3A_422] : memref<2x100096x16xf32, #tpu.memory_space<hbm>> -> memref<1x512x16xf32, #tpu.memory_space<hbm>>
      %dma_start3A_424 = tpu.memref_squeeze %dma_start3A_423 : memref<1x512x16xf32, #tpu.memory_space<hbm>> -> memref<512x16xf32, #tpu.memory_space<hbm>>
      %dma_start3A_425 = arith.constant 0 : i32
      %dma_start3A_426 = tpu.memref_slice %arg14[%add3A_394, %dma_start3A_425] : memref<100096x16xf32, #tpu.memory_space<vmem_shared>> -> memref<512x16xf32, #tpu.memory_space<vmem_shared>>
      tpu.enqueue_dma source(%dma_start3A_426 : memref<512x16xf32, #tpu.memory_space<vmem_shared>>) target(%dma_start3A_424 : memref<512x16xf32, #tpu.memory_space<hbm>>) target_semaphore(%run_scoped3A_421 : memref<!tpu.dma_semaphore, #tpu.memory_space<semaphore_mem>>)
      %dma_wait3A_427 = arith.constant 0 : i32
      %dma_wait3A_428 = tpu.memref_slice %arg7[%arg0, %add3A_396, %dma_wait3A_427] : memref<2x100096x16xf32, #tpu.memory_space<hbm>> -> memref<1x512x16xf32, #tpu.memory_space<hbm>>
      %dma_wait3A_429 = tpu.memref_squeeze %dma_wait3A_428 : memref<1x512x16xf32, #tpu.memory_space<hbm>> -> memref<512x16xf32, #tpu.memory_space<hbm>>
      %dma_wait3A_430 = arith.constant 0 : i32
      %dma_wait3A_431 = tpu.memref_slice %arg14[%add3A_394, %dma_wait3A_430] : memref<100096x16xf32, #tpu.memory_space<vmem_shared>> -> memref<512x16xf32, #tpu.memory_space<vmem_shared>>
      tpu.wait_dma2 semaphore(%run_scoped3A_421 : memref<!tpu.dma_semaphore, #tpu.memory_space<semaphore_mem>>) src(%dma_wait3A_431 : memref<512x16xf32, #tpu.memory_space<vmem_shared>>) dst(%dma_wait3A_429 : memref<512x16xf32, #tpu.memory_space<hbm>>)
      tpu.yield
    }) : () -> ()
    %add3A_397 = arith.constant 3584 : i32
    %add3A_398 = arith.addi %mul3A_6, %add3A_397 : i32
    %add3A_399 = arith.constant 3584 : i32
    %add3A_400 = arith.addi %mul3A_6, %add3A_399 : i32
    "tpu.region"() ({
      %run_scoped3A_421 = tpu.sem_alloc : memref<!tpu.dma_semaphore, #tpu.memory_space<semaphore_mem>>
      %dma_start3A_422 = arith.constant 0 : i32
      %dma_start3A_423 = tpu.memref_slice %arg7[%arg0, %add3A_400, %dma_start3A_422] : memref<2x100096x16xf32, #tpu.memory_space<hbm>> -> memref<1x512x16xf32, #tpu.memory_space<hbm>>
      %dma_start3A_424 = tpu.memref_squeeze %dma_start3A_423 : memref<1x512x16xf32, #tpu.memory_space<hbm>> -> memref<512x16xf32, #tpu.memory_space<hbm>>
      %dma_start3A_425 = arith.constant 0 : i32
      %dma_start3A_426 = tpu.memref_slice %arg14[%add3A_398, %dma_start3A_425] : memref<100096x16xf32, #tpu.memory_space<vmem_shared>> -> memref<512x16xf32, #tpu.memory_space<vmem_shared>>
      tpu.enqueue_dma source(%dma_start3A_426 : memref<512x16xf32, #tpu.memory_space<vmem_shared>>) target(%dma_start3A_424 : memref<512x16xf32, #tpu.memory_space<hbm>>) target_semaphore(%run_scoped3A_421 : memref<!tpu.dma_semaphore, #tpu.memory_space<semaphore_mem>>)
      %dma_wait3A_427 = arith.constant 0 : i32
      %dma_wait3A_428 = tpu.memref_slice %arg7[%arg0, %add3A_400, %dma_wait3A_427] : memref<2x100096x16xf32, #tpu.memory_space<hbm>> -> memref<1x512x16xf32, #tpu.memory_space<hbm>>
      %dma_wait3A_429 = tpu.memref_squeeze %dma_wait3A_428 : memref<1x512x16xf32, #tpu.memory_space<hbm>> -> memref<512x16xf32, #tpu.memory_space<hbm>>
      %dma_wait3A_430 = arith.constant 0 : i32
      %dma_wait3A_431 = tpu.memref_slice %arg14[%add3A_398, %dma_wait3A_430] : memref<100096x16xf32, #tpu.memory_space<vmem_shared>> -> memref<512x16xf32, #tpu.memory_space<vmem_shared>>
      tpu.wait_dma2 semaphore(%run_scoped3A_421 : memref<!tpu.dma_semaphore, #tpu.memory_space<semaphore_mem>>) src(%dma_wait3A_431 : memref<512x16xf32, #tpu.memory_space<vmem_shared>>) dst(%dma_wait3A_429 : memref<512x16xf32, #tpu.memory_space<hbm>>)
      tpu.yield
    }) : () -> ()
    %add3A_401 = arith.constant 4096 : i32
    %add3A_402 = arith.addi %mul3A_6, %add3A_401 : i32
    %add3A_403 = arith.constant 4096 : i32
    %add3A_404 = arith.addi %mul3A_6, %add3A_403 : i32
    "tpu.region"() ({
      %run_scoped3A_421 = tpu.sem_alloc : memref<!tpu.dma_semaphore, #tpu.memory_space<semaphore_mem>>
      %dma_start3A_422 = arith.constant 0 : i32
      %dma_start3A_423 = tpu.memref_slice %arg7[%arg0, %add3A_404, %dma_start3A_422] : memref<2x100096x16xf32, #tpu.memory_space<hbm>> -> memref<1x512x16xf32, #tpu.memory_space<hbm>>
      %dma_start3A_424 = tpu.memref_squeeze %dma_start3A_423 : memref<1x512x16xf32, #tpu.memory_space<hbm>> -> memref<512x16xf32, #tpu.memory_space<hbm>>
      %dma_start3A_425 = arith.constant 0 : i32
      %dma_start3A_426 = tpu.memref_slice %arg14[%add3A_402, %dma_start3A_425] : memref<100096x16xf32, #tpu.memory_space<vmem_shared>> -> memref<512x16xf32, #tpu.memory_space<vmem_shared>>
      tpu.enqueue_dma source(%dma_start3A_426 : memref<512x16xf32, #tpu.memory_space<vmem_shared>>) target(%dma_start3A_424 : memref<512x16xf32, #tpu.memory_space<hbm>>) target_semaphore(%run_scoped3A_421 : memref<!tpu.dma_semaphore, #tpu.memory_space<semaphore_mem>>)
      %dma_wait3A_427 = arith.constant 0 : i32
      %dma_wait3A_428 = tpu.memref_slice %arg7[%arg0, %add3A_404, %dma_wait3A_427] : memref<2x100096x16xf32, #tpu.memory_space<hbm>> -> memref<1x512x16xf32, #tpu.memory_space<hbm>>
      %dma_wait3A_429 = tpu.memref_squeeze %dma_wait3A_428 : memref<1x512x16xf32, #tpu.memory_space<hbm>> -> memref<512x16xf32, #tpu.memory_space<hbm>>
      %dma_wait3A_430 = arith.constant 0 : i32
      %dma_wait3A_431 = tpu.memref_slice %arg14[%add3A_402, %dma_wait3A_430] : memref<100096x16xf32, #tpu.memory_space<vmem_shared>> -> memref<512x16xf32, #tpu.memory_space<vmem_shared>>
      tpu.wait_dma2 semaphore(%run_scoped3A_421 : memref<!tpu.dma_semaphore, #tpu.memory_space<semaphore_mem>>) src(%dma_wait3A_431 : memref<512x16xf32, #tpu.memory_space<vmem_shared>>) dst(%dma_wait3A_429 : memref<512x16xf32, #tpu.memory_space<hbm>>)
      tpu.yield
    }) : () -> ()
    %add3A_405 = arith.constant 4608 : i32
    %add3A_406 = arith.addi %mul3A_6, %add3A_405 : i32
    %add3A_407 = arith.constant 4608 : i32
    %add3A_408 = arith.addi %mul3A_6, %add3A_407 : i32
    "tpu.region"() ({
      %run_scoped3A_421 = tpu.sem_alloc : memref<!tpu.dma_semaphore, #tpu.memory_space<semaphore_mem>>
      %dma_start3A_422 = arith.constant 0 : i32
      %dma_start3A_423 = tpu.memref_slice %arg7[%arg0, %add3A_408, %dma_start3A_422] : memref<2x100096x16xf32, #tpu.memory_space<hbm>> -> memref<1x512x16xf32, #tpu.memory_space<hbm>>
      %dma_start3A_424 = tpu.memref_squeeze %dma_start3A_423 : memref<1x512x16xf32, #tpu.memory_space<hbm>> -> memref<512x16xf32, #tpu.memory_space<hbm>>
      %dma_start3A_425 = arith.constant 0 : i32
      %dma_start3A_426 = tpu.memref_slice %arg14[%add3A_406, %dma_start3A_425] : memref<100096x16xf32, #tpu.memory_space<vmem_shared>> -> memref<512x16xf32, #tpu.memory_space<vmem_shared>>
      tpu.enqueue_dma source(%dma_start3A_426 : memref<512x16xf32, #tpu.memory_space<vmem_shared>>) target(%dma_start3A_424 : memref<512x16xf32, #tpu.memory_space<hbm>>) target_semaphore(%run_scoped3A_421 : memref<!tpu.dma_semaphore, #tpu.memory_space<semaphore_mem>>)
      %dma_wait3A_427 = arith.constant 0 : i32
      %dma_wait3A_428 = tpu.memref_slice %arg7[%arg0, %add3A_408, %dma_wait3A_427] : memref<2x100096x16xf32, #tpu.memory_space<hbm>> -> memref<1x512x16xf32, #tpu.memory_space<hbm>>
      %dma_wait3A_429 = tpu.memref_squeeze %dma_wait3A_428 : memref<1x512x16xf32, #tpu.memory_space<hbm>> -> memref<512x16xf32, #tpu.memory_space<hbm>>
      %dma_wait3A_430 = arith.constant 0 : i32
      %dma_wait3A_431 = tpu.memref_slice %arg14[%add3A_406, %dma_wait3A_430] : memref<100096x16xf32, #tpu.memory_space<vmem_shared>> -> memref<512x16xf32, #tpu.memory_space<vmem_shared>>
      tpu.wait_dma2 semaphore(%run_scoped3A_421 : memref<!tpu.dma_semaphore, #tpu.memory_space<semaphore_mem>>) src(%dma_wait3A_431 : memref<512x16xf32, #tpu.memory_space<vmem_shared>>) dst(%dma_wait3A_429 : memref<512x16xf32, #tpu.memory_space<hbm>>)
      tpu.yield
    }) : () -> ()
    %add3A_409 = arith.constant 5120 : i32
    %add3A_410 = arith.addi %mul3A_6, %add3A_409 : i32
    %add3A_411 = arith.constant 5120 : i32
    %add3A_412 = arith.addi %mul3A_6, %add3A_411 : i32
    "tpu.region"() ({
      %run_scoped3A_421 = tpu.sem_alloc : memref<!tpu.dma_semaphore, #tpu.memory_space<semaphore_mem>>
      %dma_start3A_422 = arith.constant 0 : i32
      %dma_start3A_423 = tpu.memref_slice %arg7[%arg0, %add3A_412, %dma_start3A_422] : memref<2x100096x16xf32, #tpu.memory_space<hbm>> -> memref<1x512x16xf32, #tpu.memory_space<hbm>>
      %dma_start3A_424 = tpu.memref_squeeze %dma_start3A_423 : memref<1x512x16xf32, #tpu.memory_space<hbm>> -> memref<512x16xf32, #tpu.memory_space<hbm>>
      %dma_start3A_425 = arith.constant 0 : i32
      %dma_start3A_426 = tpu.memref_slice %arg14[%add3A_410, %dma_start3A_425] : memref<100096x16xf32, #tpu.memory_space<vmem_shared>> -> memref<512x16xf32, #tpu.memory_space<vmem_shared>>
      tpu.enqueue_dma source(%dma_start3A_426 : memref<512x16xf32, #tpu.memory_space<vmem_shared>>) target(%dma_start3A_424 : memref<512x16xf32, #tpu.memory_space<hbm>>) target_semaphore(%run_scoped3A_421 : memref<!tpu.dma_semaphore, #tpu.memory_space<semaphore_mem>>)
      %dma_wait3A_427 = arith.constant 0 : i32
      %dma_wait3A_428 = tpu.memref_slice %arg7[%arg0, %add3A_412, %dma_wait3A_427] : memref<2x100096x16xf32, #tpu.memory_space<hbm>> -> memref<1x512x16xf32, #tpu.memory_space<hbm>>
      %dma_wait3A_429 = tpu.memref_squeeze %dma_wait3A_428 : memref<1x512x16xf32, #tpu.memory_space<hbm>> -> memref<512x16xf32, #tpu.memory_space<hbm>>
      %dma_wait3A_430 = arith.constant 0 : i32
      %dma_wait3A_431 = tpu.memref_slice %arg14[%add3A_410, %dma_wait3A_430] : memref<100096x16xf32, #tpu.memory_space<vmem_shared>> -> memref<512x16xf32, #tpu.memory_space<vmem_shared>>
      tpu.wait_dma2 semaphore(%run_scoped3A_421 : memref<!tpu.dma_semaphore, #tpu.memory_space<semaphore_mem>>) src(%dma_wait3A_431 : memref<512x16xf32, #tpu.memory_space<vmem_shared>>) dst(%dma_wait3A_429 : memref<512x16xf32, #tpu.memory_space<hbm>>)
      tpu.yield
    }) : () -> ()
    %add3A_413 = arith.constant 5632 : i32
    %add3A_414 = arith.addi %mul3A_6, %add3A_413 : i32
    %add3A_415 = arith.constant 5632 : i32
    %add3A_416 = arith.addi %mul3A_6, %add3A_415 : i32
    "tpu.region"() ({
      %run_scoped3A_421 = tpu.sem_alloc : memref<!tpu.dma_semaphore, #tpu.memory_space<semaphore_mem>>
      %dma_start3A_422 = arith.constant 0 : i32
      %dma_start3A_423 = tpu.memref_slice %arg7[%arg0, %add3A_416, %dma_start3A_422] : memref<2x100096x16xf32, #tpu.memory_space<hbm>> -> memref<1x512x16xf32, #tpu.memory_space<hbm>>
      %dma_start3A_424 = tpu.memref_squeeze %dma_start3A_423 : memref<1x512x16xf32, #tpu.memory_space<hbm>> -> memref<512x16xf32, #tpu.memory_space<hbm>>
      %dma_start3A_425 = arith.constant 0 : i32
      %dma_start3A_426 = tpu.memref_slice %arg14[%add3A_414, %dma_start3A_425] : memref<100096x16xf32, #tpu.memory_space<vmem_shared>> -> memref<512x16xf32, #tpu.memory_space<vmem_shared>>
      tpu.enqueue_dma source(%dma_start3A_426 : memref<512x16xf32, #tpu.memory_space<vmem_shared>>) target(%dma_start3A_424 : memref<512x16xf32, #tpu.memory_space<hbm>>) target_semaphore(%run_scoped3A_421 : memref<!tpu.dma_semaphore, #tpu.memory_space<semaphore_mem>>)
      %dma_wait3A_427 = arith.constant 0 : i32
      %dma_wait3A_428 = tpu.memref_slice %arg7[%arg0, %add3A_416, %dma_wait3A_427] : memref<2x100096x16xf32, #tpu.memory_space<hbm>> -> memref<1x512x16xf32, #tpu.memory_space<hbm>>
      %dma_wait3A_429 = tpu.memref_squeeze %dma_wait3A_428 : memref<1x512x16xf32, #tpu.memory_space<hbm>> -> memref<512x16xf32, #tpu.memory_space<hbm>>
      %dma_wait3A_430 = arith.constant 0 : i32
      %dma_wait3A_431 = tpu.memref_slice %arg14[%add3A_414, %dma_wait3A_430] : memref<100096x16xf32, #tpu.memory_space<vmem_shared>> -> memref<512x16xf32, #tpu.memory_space<vmem_shared>>
      tpu.wait_dma2 semaphore(%run_scoped3A_421 : memref<!tpu.dma_semaphore, #tpu.memory_space<semaphore_mem>>) src(%dma_wait3A_431 : memref<512x16xf32, #tpu.memory_space<vmem_shared>>) dst(%dma_wait3A_429 : memref<512x16xf32, #tpu.memory_space<hbm>>)
      tpu.yield
    }) : () -> ()
    %add3A_417 = arith.constant 6144 : i32
    %add3A_418 = arith.addi %mul3A_6, %add3A_417 : i32
    %add3A_419 = arith.constant 6144 : i32
    %add3A_420 = arith.addi %mul3A_6, %add3A_419 : i32
    "tpu.region"() ({
      %run_scoped3A_421 = tpu.sem_alloc : memref<!tpu.dma_semaphore, #tpu.memory_space<semaphore_mem>>
      %dma_start3A_422 = arith.constant 0 : i32
      %dma_start3A_423 = tpu.memref_slice %arg7[%arg0, %add3A_420, %dma_start3A_422] : memref<2x100096x16xf32, #tpu.memory_space<hbm>> -> memref<1x112x16xf32, #tpu.memory_space<hbm>>
      %dma_start3A_424 = tpu.memref_squeeze %dma_start3A_423 : memref<1x112x16xf32, #tpu.memory_space<hbm>> -> memref<112x16xf32, #tpu.memory_space<hbm>>
      %dma_start3A_425 = arith.constant 0 : i32
      %dma_start3A_426 = tpu.memref_slice %arg14[%add3A_418, %dma_start3A_425] : memref<100096x16xf32, #tpu.memory_space<vmem_shared>> -> memref<112x16xf32, #tpu.memory_space<vmem_shared>>
      tpu.enqueue_dma source(%dma_start3A_426 : memref<112x16xf32, #tpu.memory_space<vmem_shared>>) target(%dma_start3A_424 : memref<112x16xf32, #tpu.memory_space<hbm>>) target_semaphore(%run_scoped3A_421 : memref<!tpu.dma_semaphore, #tpu.memory_space<semaphore_mem>>)
      %dma_wait3A_427 = arith.constant 0 : i32
      %dma_wait3A_428 = tpu.memref_slice %arg7[%arg0, %add3A_420, %dma_wait3A_427] : memref<2x100096x16xf32, #tpu.memory_space<hbm>> -> memref<1x112x16xf32, #tpu.memory_space<hbm>>
      %dma_wait3A_429 = tpu.memref_squeeze %dma_wait3A_428 : memref<1x112x16xf32, #tpu.memory_space<hbm>> -> memref<112x16xf32, #tpu.memory_space<hbm>>
      %dma_wait3A_430 = arith.constant 0 : i32
      %dma_wait3A_431 = tpu.memref_slice %arg14[%add3A_418, %dma_wait3A_430] : memref<100096x16xf32, #tpu.memory_space<vmem_shared>> -> memref<112x16xf32, #tpu.memory_space<vmem_shared>>
      tpu.wait_dma2 semaphore(%run_scoped3A_421 : memref<!tpu.dma_semaphore, #tpu.memory_space<semaphore_mem>>) src(%dma_wait3A_431 : memref<112x16xf32, #tpu.memory_space<vmem_shared>>) dst(%dma_wait3A_429 : memref<112x16xf32, #tpu.memory_space<hbm>>)
      tpu.yield
    }) : () -> ()
    return
  }
}

module attributes {stable_mosaic.version = 14 : i64} {
  func.func @_tc_body(%arg0: i32, %arg1: memref<1x736x128xf32, #tpu.memory_space<vmem>>, %arg2: memref<1x736x128xf32, #tpu.memory_space<vmem>>, %arg3: memref<256x512xf32, #tpu.memory_space<vmem>>, %arg4: memref<256x512xf32, #tpu.memory_space<vmem>>, %arg5: memref<736x512xf32, #tpu.memory_space<vmem>>) attributes {dimension_semantics = [#tpu.dimension_semantics<arbitrary>], iteration_bounds = array<i64: 17>, scalar_prefetch = 0 : i64, scratch_operands = 0 : i64, tpu.core_type = #tpu.core_type<tc>, window_params = [{transform_indices = @transform_0, window_bounds = array<i64: 1, 736, 128>}, {transform_indices = @transform_1, window_bounds = array<i64: 1, 736, 128>}, {pipeline_mode = #tpu.pipeline_mode<synchronous>, transform_indices = @transform_2, window_bounds = array<i64: 256, 512>}, {pipeline_mode = #tpu.pipeline_mode<synchronous>, transform_indices = @transform_3, window_bounds = array<i64: 256, 512>}, {transform_indices = @transform_4, window_bounds = array<i64: 736, 512>}]} {
    %get3A = arith.constant 0 : index
    %get3A_0 = arith.constant 0 : index
    %get3A_1 = arith.constant 0 : index
    %get3A_2 = vector.load %arg1[%get3A, %get3A_0, %get3A_1] : memref<1x736x128xf32, #tpu.memory_space<vmem>>, vector<1x736x128xf32>
    %get3A_3 = vector.shape_cast %get3A_2 : vector<1x736x128xf32> to vector<736x128xf32>
    %max3A = arith.constant 0.000000e+00 : f32
    %max3A_4 = vector.broadcast %max3A : f32 to vector<736x128xf32>
    %max3A_5 = arith.maximumf %get3A_3, %max3A_4 : vector<736x128xf32>
    %get3A_6 = arith.constant 0 : index
    %get3A_7 = arith.constant 0 : index
    %get3A_8 = arith.constant 0 : index
    %get3A_9 = vector.load %arg2[%get3A_6, %get3A_7, %get3A_8] : memref<1x736x128xf32, #tpu.memory_space<vmem>>, vector<1x736x128xf32>
    %get3A_10 = vector.shape_cast %get3A_9 : vector<1x736x128xf32> to vector<736x128xf32>
    %max3A_11 = arith.constant 0.000000e+00 : f32
    %max3A_12 = vector.broadcast %max3A_11 : f32 to vector<736x128xf32>
    %max3A_13 = arith.maximumf %get3A_10, %max3A_12 : vector<736x128xf32>
    %concatenate3A = tpu.concatenate %max3A_5, %max3A_13 in 1 : vector<736x128xf32>, vector<736x128xf32> -> vector<736x256xf32>
    %get3A_14 = arith.constant 0 : index
    %get3A_15 = arith.constant 0 : index
    %get3A_16 = vector.load %arg3[%get3A_14, %get3A_15] : memref<256x512xf32, #tpu.memory_space<vmem>>, vector<256x512xf32>
    %dot_general3A = arith.constant dense<0.000000e+00> : vector<736x512xf32>
    %dot_general3A_17 = tpu.matmul %concatenate3A, %get3A_16, %dot_general3A {dimension_numbers = #tpu.dot_dimension_numbers<[1], [0], [0], [1], [0, 0, 1, 1], [], []>, transpose_lhs_hint = false} : vector<736x256xf32>, vector<256x512xf32>, vector<736x512xf32> -> vector<736x512xf32>
    %get3A_18 = arith.constant 0 : index
    %get3A_19 = arith.constant 0 : index
    %get3A_20 = vector.load %arg4[%get3A_18, %get3A_19] : memref<256x512xf32, #tpu.memory_space<vmem>>, vector<256x512xf32>
    %dot_general3A_21 = arith.constant dense<0.000000e+00> : vector<736x512xf32>
    %dot_general3A_22 = tpu.matmul %concatenate3A, %get3A_20, %dot_general3A_21 {dimension_numbers = #tpu.dot_dimension_numbers<[1], [0], [0], [1], [0, 0, 1, 1], [], []>, transpose_lhs_hint = false} : vector<736x256xf32>, vector<256x512xf32>, vector<736x512xf32> -> vector<736x512xf32>
    %iota3A = tpu.iota {dimensions = array<i32: 0>} : vector<736x512xi32>
    %mul3A = arith.constant 736 : i32
    %mul3A_23 = arith.muli %arg0, %mul3A : i32
    %add3A = vector.broadcast %mul3A_23 : i32 to vector<736x512xi32>
    %add3A_24 = arith.addi %iota3A, %add3A : vector<736x512xi32>
    %lt3A = arith.constant 3750 : i32
    %lt3A_25 = vector.broadcast %lt3A : i32 to vector<736x512xi32>
    %lt3A_26 = arith.cmpi slt, %add3A_24, %lt3A_25 : vector<736x512xi32>
    %select_n3A = arith.select %lt3A_26, %dot_general3A_17, %dot_general3A_22 : vector<736x512xi1>, vector<736x512xf32>
    %max3A_27 = arith.constant 0.000000e+00 : f32
    %max3A_28 = vector.broadcast %max3A_27 : f32 to vector<736x512xf32>
    %max3A_29 = arith.maximumf %select_n3A, %max3A_28 : vector<736x512xf32>
    %swap3A = arith.constant 0 : index
    %swap3A_30 = arith.constant 0 : index
    %swap3A_31 = vector.load %arg5[%swap3A, %swap3A_30] : memref<736x512xf32, #tpu.memory_space<vmem>>, vector<736x512xf32>
    tpu.vector_store %arg5[%swap3A, %swap3A_30], %max3A_29 {strides = array<i32>} : memref<736x512xf32, #tpu.memory_space<vmem>>, vector<736x512xf32>,
    return
  }
  func.func @transform_0(%arg0: i32) -> (i32, i32, i32) {
    %c0_i32 = arith.constant 0 : i32
    %c0_i32_0 = arith.constant 0 : i32
    %c0_i32_1 = arith.constant 0 : i32
    return %c0_i32, %arg0, %c0_i32_0 : i32, i32, i32
  }
  func.func @transform_1(%arg0: i32) -> (i32, i32, i32) {
    %c1_i32 = arith.constant 1 : i32
    %c0_i32 = arith.constant 0 : i32
    %c0_i32_0 = arith.constant 0 : i32
    return %c1_i32, %arg0, %c0_i32 : i32, i32, i32
  }
  func.func @transform_2(%arg0: i32) -> (i32, i32) {
    %c0_i32 = arith.constant 0 : i32
    %c0_i32_0 = arith.constant 0 : i32
    %c0_i32_1 = arith.constant 0 : i32
    return %c0_i32, %c0_i32_0 : i32, i32
  }
  func.func @transform_3(%arg0: i32) -> (i32, i32) {
    %c0_i32 = arith.constant 0 : i32
    %c0_i32_0 = arith.constant 0 : i32
    %c0_i32_1 = arith.constant 0 : i32
    return %c0_i32, %c0_i32_0 : i32, i32
  }
  func.func @transform_4(%arg0: i32) -> (i32, i32) {
    %c0_i32 = arith.constant 0 : i32
    %c0_i32_0 = arith.constant 0 : i32
    return %arg0, %c0_i32 : i32, i32
  }
}

</mosaic_0001>

<sc_bundles>
// kernel: kernel.4.cloned.1.call-start
scs
__scs_entry_jumppad:
0x0: {  	(pc) =	sbr.rel $0x88, $3  }
0x1: {  	(tag) =	ssettag $0x0;
	lr =	simm.s32 $0x1  }
0x2: {  	[smem:$0x3F9B] =	sst lr;
	_ =	strace $0xD0000000  }
0x3: {  	_ = 	snop  }
0x4: {  	_ = 	snop  }
0x5: {  	_ = 	snop  }
0x6: {  	_ = 	snop  }
0x7: {  	_ = 	snop  }
__scs_overlays_trampoline_lowered:
0x8: {  	[smem:$0x3FAA] =	sst s0  }
0x9: {  	[smem:$0x3FAB] =	sst s1  }
0xa: {  	[smem:$0x3FAC] =	sst s2  }
0xb: {  	[smem:$0x3FAD] =	sst s3  }
0xc: {  	[smem:$0x3FAE] =	sst s4  }
0xd: {  	[smem:$0x3FAF] =	sst s5  }
0xe: {  	[smem:$0x3FB0] =	sst s6  }
0xf: {  	[smem:$0x3FB1] =	sst s7  }
0x10: {  	[smem:$0x3FB2] =	sst s8  }
0x11: {  	[smem:$0x3FB3] =	sst s9;
	s0 =	simm.s32 @!p0 $0x0  }
0x12: {  	s1 =	sld [smem:$0x3F99];
	s0 =	simm.s32 @p0 $0x1  }
0x13: {  	[smem:$0x3FB4] =	sst s0;
	s0 =	simm.s32 @!p1 $0x0  }
0x14: {  	s2 =	sld [smem:$0x3F98];
	s0 =	simm.s32 @p1 $0x1  }
0x15: {  	[smem:$0x3FB5] =	sst s0;
	s0 =	simm.s32 @!p2 $0x0  }
0x16: {  	s3 =	sld [smem:$0x3FDB];
	s0 =	simm.s32 @p2 $0x1  }
0x17: {  	s4 =	simm.s32 $0x1BF5;
	[smem:$0x3FB7] =	sst s0  }
0x18: {  	s0 =	sld [smem:$0x3F9A];
	_ =	swait.ge [sflag:s4], $0x0  }
0x19: {  	s7 =	sld [smem:$0x3F9B]  }
0x1a: {  	s8 =	sadd.s32 $0xFFFFE003, lr  }
0x1b: {  	s9 =	sadd.s32 $0xFFFFFEF7, lr;
	s5 =	simm.s32 $0xFFFFFFFF;
	p2 =	slt.u32 s8, $0xFFFFF086  }
0x1c: {  	p1 =	slt.u32 s9, $0xF7A;
	s5 =	simm.s32 @!p2 $0x0  }
0x1d: {  	s5 =	simm.s32 @p1 $0x1;
	p0 =	seq.s32 s7, s2  }
0x1e: {  	s7 =	smul.u32 @!p0 $0xF7A, s2;
	p2 =	seq.s32 @!p0 s5, $0x0  }
0x1f: {  	s9 =	smul.u32 $0xF7A, s1;
	s8 =	simm.s32 @!p0 $0x1BF5;
	p2 =	por !p2, p0  }
0x20: {  	[sflag:s8] =	ssyncset.s32 @!p0 $0xFFFFF086;
	s6 =	sadd.s32 @!p0 s3, s7;
	s7 =	simm.s32 @!p0 $0x108  }
0x21: {  	s3 =	sadd.s32 s3, s9;
	s6 =	sadd.s32 @!p0 $0x88, s6;
	s7 =	simm.s32 @p2 $0x1082  }
0x22: {  	[simem:s7], [sflag:s8] =	dma.local @!p0 [hbm:s6], $0xF7A  }
0x23: {  	s9 =	sor.u32 $0xD0000000, s2;
	s6 =	simm.s32 $0x108;
	_ =	swait.ge @!p0 [sflag:s8], $0x0  }
0x24: {  	s3 =	sadd.s32 $0x88, s3;
	s6 =	simm.s32 @!p1 $0x1082;
	[sflag:s4] =	ssyncset.s32 $0xFFFFF086  }
0x25: {  	[simem:s6], [sflag:s4] =	dma.local [hbm:s3], $0xF7A  }
0x26: {  	[smem:$0x3F9B] =	sst s1;
	(tag) =	ssettag s2;
	_ =	strace s9  }
0x27: {  	s1 =	sld [smem:$0x3FAB]  }
0x28: {  	s2 =	sld [smem:$0x3FAC]  }
0x29: {  	s4 =	sld [smem:$0x3FAE]  }
0x2a: {  	p0 =	seq.s32 s5, $0x0;
	s5 =	sld [smem:$0x3FAF]  }
0x2b: {  	s6 =	sld [smem:$0x3FB0]  }
0x2c: {  	s7 =	sld [smem:$0x3FB1]  }
0x2d: {  	s3 =	simm.s32 $0x108;
	s8 =	sld [smem:$0x3FB2]  }
0x2e: {  	s3 =	simm.s32 @!p0 $0x1082;
	s9 =	sld [smem:$0x3FB3]  }
0x2f: {  	lr =	sadd.s32 s0, s3;
	s0 =	sld [smem:$0x3FAA]  }
0x30: {  	s3 =	sld [smem:$0x3FAD]  }
0x31: {  	[smem:$0x3FB6] =	sst s10  }
0x32: {  	s10 =	sld [smem:$0x3FB4];
	_ =	sdelay $0x3  }
0x33: {  	p0 =	seq.s32 s10, $0x1;
	s10 =	sld [smem:$0x3FB6];
	_ =	sdelay $0x3  }
0x34: {  	[smem:$0x3FB6] =	sst s10  }
0x35: {  	s10 =	sld [smem:$0x3FB5];
	_ =	sdelay $0x3  }
0x36: {  	p1 =	seq.s32 s10, $0x1;
	s10 =	sld [smem:$0x3FB6];
	_ =	sdelay $0x3  }
0x37: {  	[smem:$0x3FB6] =	sst s10  }
0x38: {  	s10 =	sld [smem:$0x3FB7]  }
0x39: {  	_ = 	snop;
	(pc) =	sbr.ind lr, $3  }
0x3a: {  	_ = 	snop  }
0x3b: {  	_ = 	snop  }
0x3c: {  	p2 =	seq.s32 s10, $0x1;
	s10 =	sld [smem:$0x3FB6]  }
0x3d: {  	_ =	shalt  }
0x3e: {  	_ =	shalt  }
0x3f: {  	_ =	shalt  }
0x40: {  	_ =	shalt  }
0x41: {  	_ =	shalt  }
0x42: {  	_ =	shalt  }
0x43: {  	_ =	shalt  }
0x44: {  	_ =	shalt  }
0x45: {  	_ =	shalt  }
0x46: {  	_ =	shalt  }
0x47: {  	_ =	shalt  }
0x48: {  	_ =	shalt  }
0x49: {  	_ =	shalt  }
0x4a: {  	_ =	shalt  }
0x4b: {  	_ =	shalt  }
0x4c: {  	_ =	shalt  }
0x4d: {  	_ =	shalt  }
0x4e: {  	_ =	shalt  }
0x4f: {  	_ =	shalt  }
0x50: {  	_ =	shalt  }
0x51: {  	_ =	shalt  }
0x52: {  	_ =	shalt  }
0x53: {  	_ =	shalt  }
0x54: {  	_ =	shalt  }
0x55: {  	_ =	shalt  }
0x56: {  	_ =	shalt  }
0x57: {  	_ =	shalt  }
0x58: {  	_ =	shalt  }
0x59: {  	_ =	shalt  }
0x5a: {  	_ =	shalt  }
0x5b: {  	_ =	shalt  }
0x5c: {  	_ =	shalt  }
0x5d: {  	_ =	shalt  }
0x5e: {  	_ =	shalt  }
0x5f: {  	_ =	shalt  }
0x60: {  	_ =	shalt  }
0x61: {  	_ =	shalt  }
0x62: {  	_ =	shalt  }
0x63: {  	_ =	shalt  }
0x64: {  	_ =	shalt  }
0x65: {  	_ =	shalt  }
0x66: {  	_ =	shalt  }
0x67: {  	_ =	shalt  }
0x68: {  	_ =	shalt  }
0x69: {  	_ =	shalt  }
0x6a: {  	_ =	shalt  }
0x6b: {  	_ =	shalt  }
0x6c: {  	_ =	shalt  }
0x6d: {  	_ =	shalt  }
0x6e: {  	_ =	shalt  }
0x6f: {  	_ =	shalt  }
0x70: {  	_ =	shalt  }
0x71: {  	_ =	shalt  }
0x72: {  	_ =	shalt  }
0x73: {  	_ =	shalt  }
0x74: {  	_ =	shalt  }
0x75: {  	_ =	shalt  }
0x76: {  	_ =	shalt  }
0x77: {  	_ =	shalt  }
0x78: {  	_ =	shalt  }
0x79: {  	_ =	shalt  }
0x7a: {  	_ =	shalt  }
0x7b: {  	_ =	shalt  }
0x7c: {  	_ =	shalt  }
0x7d: {  	_ =	shalt  }
0x7e: {  	_ =	shalt  }
0x7f: {  	_ =	shalt  }
0x80: {  	_ =	shalt  }
0x81: {  	_ =	shalt  }
0x82: {  	_ =	shalt  }
0x83: {  	_ =	shalt  }
0x84: {  	_ =	shalt  }
0x85: {  	_ =	shalt  }
0x86: {  	_ =	shalt  }
0x87: {  	_ =	shalt  }
.Lfunc_end0:
.L_simem_size_0:
called_computation_lowered:
.L_overlay_start_0:
0x88: {  	s2 =	sld [smem:$0x3FD9]  }
0x89: {  	s3 =	sld [smem:$0x3FFE];
	_ =	sdelay $0x1  }
0x8a: {  	s1 =	srdreg.scid  }
0x8b: {  	s0 =	sand.u32 $0x1, s1  }
0x8c: {  	s14 =	sshll.u32 s0, $0xA;
	s2 =	sadd.s32 s3, s2  }
0x8d: {  	s2 =	sadd.s32 s2, s14  }
0x8e: {  	[smem:$0x3FC2] =	sst s2  }
0x8f: {  	_ = 	snop  }
0x90: {  	s2 =	sld [smem:$0x3FD0];
	_ =	sdelay $0x1  }
0x91: {  	s15 =	sld [smem:$0x3FC8]  }
0x92: {  	s5 =	simm.s32 $0xA;
	s6 =	simm.s32 $0x10;
	s4 =	sld [smem:$0x3FC7]  }
0x93: {  	[smem:s6], [sflag:s5] =	dma.local [hbm:s2], $0x1  }
0x94: {  	_ =	swait.eq [sflag:s5], $0x1  }
0x95: {  	[sflag:s5] =	ssyncset.done $0x0  }
0x96: {  	s16 =	sld [smem:$0x10];
	[sflag:s5] =	ssyncadd.s32 $0xFFFFFFFF  }
0x97: {  	s17 =	sld [smem:$0x11];
	(tm) =	ssettm $0x1  }
0x98: {  	s18 =	sld [smem:$0x3FFB];
	_ =	sdelay $0x3  }
0x99: {  	_ =	strace s18  }
0x9a: {  	s6 =	sld [smem:$0x3FFC];
	_ =	sdelay $0x3  }
0x9b: {  	_ =	strace s6  }
0x9c: {  	s6 =	sld [smem:$0x3FFD];
	_ =	sdelay $0x3  }
0x9d: {  	_ =	strace s6  }
0x9e: {  	_ =	strace $0x8FFFFFFF  }
0x9f: {  	s19 =	sld [smem:$0x3FDB];
	_ =	sdelay $0x1  }
0xa0: {  	s7 =	simm.s32 $_scs_section_size  }
0xa1: {  	s8 =	simm.s32 $_size__tile_overlayer_lowered;
	s9 =	simm.s32 $_tile_overlayer_lowered  }
0xa2: {  	s22 =	simm.s32 $0x1BFF;
	s21 =	sshll.u32 s9, $0x1;
	s6 =	sadd.s32 s7, s19  }
0xa3: {  	s10 =	simm.s32 $0x0;
	s20 =	sshll.u32 s8, $0x1;
	s8 =	sadd.s32 s21, s6  }
0xa4: {  	[timem:s10], [sflag:s22] =	dma.local [hbm:s8], s20  }
0xa5: {  	_ =	swait.ge [sflag:s22], s20  }
0xa6: {  	s7 =	ssub.s32 $0x0, s20;
	[sflag:s22] =	ssyncset.done $0x0  }
0xa7: {  	[sflag:s22] =	ssyncadd.s32 s7;
	_ =	sdelay $0x1  }
0xa8: {  	s23 =	simm.s32 $0x1B8B  }
0xa9: {  	_ =	swait.ge [sflag:s23], $0x1  }
0xaa: {  	[sflag:s23] =	ssyncset.done $0x0  }
0xab: {  	s25 =	simm.s32 $0x1B8E;
	s24 =	sld [smem:$0x3FFE];
	[sflag:s23] =	ssyncadd.s32 $0xFFFFFFFF  }
0xac: {  	s26 =	simm.s32 $execute0_lowered;
	[smem:$0x3FD2] =	sst s25  }
0xad: {  	s8 =	sshll.u32 s26, $0x1;
	_ =	strace $0x80000046;
	[dreg:$0x1] =	wrdreg $0xFFFFFFFF  }
0xae: {  	s28 =	simm.s32 $_size_execute0_lowered;
	s6 =	sadd.s32 s6, s8;
	[dreg:$0x0] =	wrdreg $0x0  }
0xaf: {  	s8 =	sshll.u32 s28, $0x1;
	[dreg:$0x2] =	wrdreg s6  }
0xb0: {  	[dreg:$0x3] =	wrdreg s8  }
0xb1: {  	[dreg:$0x4] =	wrdreg $0xC0  }
0xb2: {  	_ =	task [dreg:s10], $0x5FFFF  }
0xb3: {  	[dreg:$0x1] =	wrdreg $0xFFFFFFFF  }
0xb4: {  	[dreg:$0x0] =	wrdreg $0x60  }
0xb5: {  	[dreg:$0x2] =	wrdreg s24  }
0xb6: {  	[dreg:$0x3] =	wrdreg s15  }
0xb7: {  	[dreg:$0x4] =	wrdreg s16  }
0xb8: {  	[dreg:$0x5] =	wrdreg s4  }
0xb9: {  	[dreg:$0x6] =	wrdreg s17  }
0xba: {  	[dreg:$0x7] =	wrdreg $0x68000  }
0xbb: {  	[dreg:$0x8] =	wrdreg $0x9  }
0xbc: {  	_ =	task.clear_ibuf [dreg:s10], $0x9FFFF;
	_ =	strace $0x90000046  }
0xbd: {  	s29 =	simm.s32 $0x9;
	_ =	strace $0x80000048  }
0xbe: {  	_ =	swait.ge [sflag:s29], $0x1  }
0xbf: {  	[sflag:s29] =	ssyncadd.s32 $0xFFFFFFFF  }
0xc0: {  	_ =	strace $0x90000048  }
0xc1: {  	_ =	sfence  }
0xc2: {  	s30 =	sld [smem:$0x0];
	_ =	sdelay $0x2  }
0xc3: {  	s31 =	sshll.u32 s1, $0xD;
	s1 =	sshrl.u32 s1, $0x2  }
0xc4: {  	s3 =	sand.u32 $0x4000, s31;
	s1 =	sadd.s32 s1, s30  }
0xc5: {  	s0 =	sor.u32 s3, s0;
	s1 =	sshll.u32 s1, $0x11  }
0xc6: {  	s0 =	sor.u32 s1, s0  }
0xc7: {  	s0 =	sadd.s32 $0x8F2B, s0  }
0xc8: {  	[sflag:s0] =	ssyncadd.remote.s32 $0x1  }
0xc9: {  	_ =	sfence.sel $0xFFFF  }
0xca: {  	[dreg:$0x0] =	wrdreg $0xFFFFFFFF;
	(pc) =	sbr.abs _section_cstart, $3  }
0xcb: {  	[dreg:$0x1] =	wrdreg $0xFFFFFFFF  }
0xcc: {  	_ =	task.clear_ibuf [dreg:s10], $0x2FFFF;
	_ =	strace $0x9FFFFFFF  }
0xcd: {  	(tm) =	ssettm $0x7FFFFFFF  }
tec
execute0_lowered:
.L_overlay_start_1:
0x0: {  	(tag) =	ssettag $0x1  }
0x1: {  	s1 =	srdreg.scid  }
0x2: {  	s0 =	rddreg [dreg:$0x4];
	s24 =	stileid.u32  }
0x3: {  	s6 =	sand.u32 $0x1, s1;
	s1 =	simm.s32 $0x0;
	s2 =	smul.u32 $0x18700, s24  }
0x4: {  	s3 =	ssub.s32 $0x2, s6;
	[smem:$0x7FF] =	sst s1  }
0x5: {  	s13 =	smul.u32 $0x187000, s6;
	s4 =	sshrl.u32 s3, $0x1;
	s5 =	sadd.s32 $0x6000, s2  }
0x6: {  	s8 =	sadd.s32 $0x8000, s2;
	s9 =	sadd.s32 $0xA000, s2;
	s10 =	sadd.s32 $0xC000, s2  }
0x7: {  	s12 =	sadd.s32 $0xE000, s2;
	s16 =	sadd.s32 $0x10000, s2;
	s18 =	sadd.s32 $0x12000, s2  }
0x8: {  	s7 =	ssub.s32 s3, s4;
	s3 =	sadd.s32 $0x2000, s2;
	s4 =	sadd.s32 $0x4000, s2  }
0x9: {  	s11 =	sadd.s32 s2, s13;
	s25 =	sadd.s32 s13, s5;
	s26 =	sadd.s32 s13, s8  }
0xa: {  	s31 =	sadd.s32 s13, s9;
	s14 =	sadd.s32 s13, s3;
	s11 =	sshrl.u32 s11, $0x3  }
0xb: {  	s15 =	sadd.s32 s13, s4;
	s14 =	sshrl.u32 s14, $0x3;
	s11 =	sadd.s32 s0, s11  }
0xc: {  	s15 =	sshrl.u32 s15, $0x3;
	[dreg:$0x7] =	wrdreg s11;
	s22 =	sadd.s32 s0, s14  }
0xd: {  	s23 =	sadd.s32 s0, s15;
	s11 =	sshrl.u32 s25, $0x3;
	[dreg:$0x8] =	wrdreg s22  }
0xe: {  	s14 =	sshrl.u32 s26, $0x3;
	[dreg:$0x9] =	wrdreg s23;
	s11 =	sadd.s32 s0, s11  }
0xf: {  	s15 =	sshrl.u32 s31, $0x3;
	s14 =	sadd.s32 s0, s14;
	[dreg:$0xa] =	wrdreg s11  }
0x10: {  	s17 =	sadd.s32 s13, s10;
	s15 =	sadd.s32 s0, s15;
	[dreg:$0xb] =	wrdreg s14  }
0x11: {  	s20 =	sadd.s32 s13, s12;
	s21 =	sadd.s32 s13, s16;
	[dreg:$0xc] =	wrdreg s15  }
0x12: {  	s11 =	sshrl.u32 s17, $0x3;
	s15 =	sshrl.u32 s21, $0x3;
	s21 =	rddreg [dreg:$0x0]  }
0x13: {  	s14 =	sshrl.u32 s20, $0x3;
	s17 =	rddreg [dreg:$0x5];
	s11 =	sadd.s32 s0, s11  }
0x14: {  	s19 =	sadd.s32 $0x14000, s2;
	s22 =	sadd.s32 s0, s14;
	[dreg:$0xd] =	wrdreg s11  }
0x15: {  	s25 =	sadd.s32 s13, s18;
	s23 =	sadd.s32 s0, s15;
	[dreg:$0xe] =	wrdreg s22  }
0x16: {  	s26 =	sadd.s32 s13, s19;
	s31 =	sshrl.u32 s25, $0x3;
	[dreg:$0xf] =	wrdreg s23  }
0x17: {  	s14 =	sshrl.u32 s26, $0x3;
	s15 =	sadd.s32 s0, s31;
	s11 =	rddreg [dreg:$0x1]  }
0x18: {  	[dreg:$0x10] =	wrdreg s15;
	s14 =	sadd.s32 s0, s14;
	s22 =	sadd.s32 $0x16000, s2  }
0x19: {  	s15 =	rddreg [dreg:$0x3];
	s23 =	sadd.s32 $0x18000, s2;
	s20 =	sadd.s32 s13, s22  }
0x1a: {  	[dreg:$0x11] =	wrdreg s14;
	s13 =	sadd.s32 s13, s23;
	s20 =	sshrl.u32 s20, $0x3  }
0x1b: {  	s14 =	rddreg [dreg:$0x2];
	s13 =	sshrl.u32 s13, $0x3;
	s20 =	sadd.s32 s0, s20  }
0x1c: {  	s0 =	sadd.s32 s0, s13;
	[dreg:$0x12] =	wrdreg s20  }
0x1d: {  	s30 =	sadd.s32 s8, s17;
	s8 =	sadd.s32 s9, s17;
	[dreg:$0x13] =	wrdreg s0  }
0x1e: {  	s9 =	sadd.s32 s10, s17;
	_ =	strace $0x80000047;
	[dreg:$0x16] =	wrdreg s8  }
0x1f: {  	s10 =	sadd.s32 s12, s17;
	[dreg:$0x17] =	wrdreg s9  }
0x20: {  	s25 =	sadd.s32 s2, s17;
	s12 =	sadd.s32 s16, s17;
	[dreg:$0x18] =	wrdreg s10  }
0x21: {  	s26 =	sadd.s32 s3, s17;
	s13 =	sadd.s32 s18, s17;
	[dreg:$0x19] =	wrdreg s12  }
0x22: {  	s16 =	sadd.s32 s19, s17;
	s3 =	sshll.u32 s24, $0x6;
	[dreg:$0x1a] =	wrdreg s13  }
0x23: {  	s18 =	sadd.s32 s22, s17;
	s22 =	sor.u32 $0x400, s3;
	[dreg:$0x1b] =	wrdreg s16  }
0x24: {  	s28 =	sadd.s32 s4, s17;
	s31 =	sadd.s32 s11, s22;
	[dreg:$0x1c] =	wrdreg s18  }
0x25: {  	s19 =	ssub.s32 $0xC34, s24;
	s2 =	sadd.s32 s15, s22;
	[dreg:$0x1f] =	wrdreg s31  }
0x26: {  	s29 =	sadd.s32 s5, s17;
	s5 =	sshrl.u32 s19, $0x4;
	[smem:$0x7EF] =	sst s2  }
0x27: {  	s23 =	sadd.s32 s23, s17;
	s4 =	sand.u32 $0x1, s5;
	[dreg:$0x14] =	wrdreg s29  }
0x28: {  	s20 =	sadd.s32 $0x7A1E00, s21;
	s21 =	sadd.s32 $0xC00, s21;
	[dreg:$0x15] =	wrdreg s30  }
0x29: {  	s8 =	sshll.u32 s19, $0x7;
	s24 =	sadd.s32 s21, s22;
	[dreg:$0x1d] =	wrdreg s23  }
0x2a: {  	s13 =	sadd.s32 s14, s22;
	s10 =	sadd.s32 $0x5, s4;
	[dreg:$0x1e] =	wrdreg s24  }
0x2b: {  	s9 =	sshll.u32 s4, $0xD;
	s31 =	smax.u32 s7, $0x1;
	[smem:$0x7F0] =	sst s13  }
0x2c: {  	s12 =	sadd.s32 $0x7, s4;
	[smem:$0x7F5] =	sst s31;
	s4 =	sadd.s32 $0x2800, s9  }
0x2d: {  	s8 =	sand.u32 $0x1800, s8;
	s13 =	sadd.s32 $0x3800, s9;
	[smem:$0x7F6] =	sst s4  }
0x2e: {  	s31 =	sadd.s32 s14, s3;
	s16 =	sshrl.u32 s8, $0x2;
	[smem:$0x7F8] =	sst s13  }
0x2f: {  	s2 =	sor.u32 $0x40, s8;
	s8 =	sadd.s32 $0x3000, s9;
	[smem:$0x7FD] =	sst s31  }
0x30: {  	s18 =	sor.u32 $0x1800, s16;
	[smem:$0x7F7] =	sst s8  }
0x31: {  	s19 =	sor.u32 $0x1880, s16;
	[smem:$0x7F1] =	sst s18  }
0x32: {  	s22 =	sor.u32 $0x1900, s16;
	[smem:$0x7F2] =	sst s19  }
0x33: {  	v0 =	vimm.f32 $0.0e+00;
	v55 =	vimm.s32 $0x0;
	v56 =	vimm.s32 $0x1;
	s24 =	sor.u32 $0x1980, s16;
	s16 =	sor.u32 $0x4000, s9;
	[smem:$0x7F3] =	sst s22  }
0x34: {  	v57 =	vimm.s32 $0x2;
	v58 =	vimm.s32 $0x3;
	v60 =	vimm.s32 $0x4;
	s7 =	sshrl.u32 s2, $0x2;
	s8 =	simm.s32 $0x1;
	[smem:$0x7F4] =	sst s24  }
0x35: {  	v7 =	vimm.s32 $0x5;
	v8 =	vimm.s32 $0x6;
	v9 =	vimm.s32 $0x7;
	[smem:$0x7F9] =	sst s16;
	s19 =	sadd.s32 $0x2900, s9;
	s18 =	sadd.s32 s21, s3  }
0x36: {  	v10 =	vimm.s32 $0x8;
	v11 =	vimm.s32 $0x9;
	v6 =	vmov s6;
	s6 =	sor.u32 $0x2000, s7;
	s22 =	sadd.s32 s11, s3;
	[smem:$0x7FA] =	sst s18  }
0x37: {  	v12 =	vimm.s32 $0xA;
	v13 =	vimm.s32 $0xB;
	v14 =	vimm.s32 $0xC;
	s24 =	sadd.s32 s15, s3;
	s7 =	simm.s32 $0x9;
	[smem:$0x7FB] =	sst s22  }
0x38: {  	v15 =	vimm.s32 $0xD;
	v16 =	vimm.s32 $0xE;
	v17 =	vimm.s32 $0xF;
	[tilespmem:$0x1FFF0] =	vst v6;
	s9 =	simm.s32 $0x80;
	[smem:$0x7FC] =	sst s24;
	s18 =	simm.s32 $0x2800  }
.LBB2_1:
0x39: {  	s13 =	simm.s32 $0x40;
	s16 =	simm.s32 $0x0  }
.LBB2_2:
0x3a: {  	p0 =	sne.s32 s13, $0x7FC0;
	[tilespmem:s16+$0x2800] =	vst v0;
	s16 =	smov.u32 s13;
	s13 =	sadd.s32 $0x40, s13  }
.Ltmp0:
0x3b: {  	(pc) =	sbr.rel @p0 .LBB2_2-.Ltmp0, $2  }
0x3c: {  	_ =	sdelay $0x2  }
0x3d: {  	s16 =	sshra.s32 s16, $0x2  }
0x3e: {  	[tilespmem:s16+$0x2800] =	vst v0  }
0x3f: {  	[spmem:s25] =	stream.linear.scatter [tilespmem:s18], [sflag:$0x9], $0x2000, $0x38;
	[tilespmem:$0x1EF00] =	vst v63  }
0x40: {  	_ =	swait.ge [sflag:s7], $0x2000  }
0x41: {  	[sflag:s7] =	ssyncset.done $0x0  }
0x42: {  	[sflag:s7] =	ssyncadd.s32 $0xFFFFE000  }
0x43: {  	[spmem:s26] =	stream.linear.scatter [tilespmem:s18], [sflag:$0x9], $0x2000, $0x38;
	[tilespmem:$0x1EF00] =	vst v63  }
0x44: {  	_ =	swait.ge [sflag:s7], $0x2000  }
0x45: {  	[sflag:s7] =	ssyncset.done $0x0  }
0x46: {  	[sflag:s7] =	ssyncadd.s32 $0xFFFFE000  }
0x47: {  	[spmem:s28] =	stream.linear.scatter [tilespmem:s18], [sflag:$0x9], $0x2000, $0x38;
	[tilespmem:$0x1EF00] =	vst v63  }
0x48: {  	_ =	swait.ge [sflag:s7], $0x2000  }
0x49: {  	[sflag:s7] =	ssyncset.done $0x0  }
0x4a: {  	[sflag:s7] =	ssyncadd.s32 $0xFFFFE000  }
0x4b: {  	[spmem:s29] =	stream.linear.scatter [tilespmem:s18], [sflag:$0x9], $0x2000, $0x38;
	[tilespmem:$0x1EF00] =	vst v63  }
0x4c: {  	_ =	swait.ge [sflag:s7], $0x2000  }
0x4d: {  	[sflag:s7] =	ssyncset.done $0x0  }
0x4e: {  	[sflag:s7] =	ssyncadd.s32 $0xFFFFE000  }
0x4f: {  	[spmem:s30] =	stream.linear.scatter [tilespmem:s18], [sflag:$0x9], $0x2000, $0x38;
	[tilespmem:$0x1EF00] =	vst v63  }
0x50: {  	_ =	swait.ge [sflag:s7], $0x2000  }
0x51: {  	[sflag:s7] =	ssyncset.done $0x0  }
0x52: {  	s13 =	rddreg [dreg:$0x16];
	[sflag:s7] =	ssyncadd.s32 $0xFFFFE000  }
0x53: {  	[spmem:s13] =	stream.linear.scatter [tilespmem:s18], [sflag:$0x9], $0x2000, $0x38;
	[tilespmem:$0x1EF00] =	vst v63  }
0x54: {  	_ =	swait.ge [sflag:s7], $0x2000  }
0x55: {  	[sflag:s7] =	ssyncset.done $0x0  }
0x56: {  	s29 =	rddreg [dreg:$0x17];
	[sflag:s7] =	ssyncadd.s32 $0xFFFFE000  }
0x57: {  	[spmem:s29] =	stream.linear.scatter [tilespmem:s18], [sflag:$0x9], $0x2000, $0x38;
	[tilespmem:$0x1EF00] =	vst v63  }
0x58: {  	_ =	swait.ge [sflag:s7], $0x2000  }
0x59: {  	[sflag:s7] =	ssyncset.done $0x0  }
0x5a: {  	s30 =	rddreg [dreg:$0x18];
	[sflag:s7] =	ssyncadd.s32 $0xFFFFE000  }
0x5b: {  	[spmem:s30] =	stream.linear.scatter [tilespmem:s18], [sflag:$0x9], $0x2000, $0x38;
	[tilespmem:$0x1EF00] =	vst v63  }
0x5c: {  	_ =	swait.ge [sflag:s7], $0x2000  }
0x5d: {  	[sflag:s7] =	ssyncset.done $0x0  }
0x5e: {  	s31 =	rddreg [dreg:$0x19];
	[sflag:s7] =	ssyncadd.s32 $0xFFFFE000  }
0x5f: {  	[spmem:s31] =	stream.linear.scatter [tilespmem:s18], [sflag:$0x9], $0x2000, $0x38;
	[tilespmem:$0x1EF00] =	vst v63  }
0x60: {  	_ =	swait.ge [sflag:s7], $0x2000  }
0x61: {  	[sflag:s7] =	ssyncset.done $0x0  }
0x62: {  	s16 =	rddreg [dreg:$0x1a];
	[sflag:s7] =	ssyncadd.s32 $0xFFFFE000  }
0x63: {  	[spmem:s16] =	stream.linear.scatter [tilespmem:s18], [sflag:$0x9], $0x2000, $0x38;
	[tilespmem:$0x1EF00] =	vst v63  }
0x64: {  	_ =	swait.ge [sflag:s7], $0x2000  }
0x65: {  	[sflag:s7] =	ssyncset.done $0x0  }
0x66: {  	s22 =	rddreg [dreg:$0x1b];
	[sflag:s7] =	ssyncadd.s32 $0xFFFFE000  }
0x67: {  	[spmem:s22] =	stream.linear.scatter [tilespmem:s18], [sflag:$0x9], $0x2000, $0x38;
	[tilespmem:$0x1EF00] =	vst v63  }
0x68: {  	_ =	swait.ge [sflag:s7], $0x2000  }
0x69: {  	[sflag:s7] =	ssyncset.done $0x0  }
0x6a: {  	s24 =	rddreg [dreg:$0x1c];
	[sflag:s7] =	ssyncadd.s32 $0xFFFFE000  }
0x6b: {  	[spmem:s24] =	stream.linear.scatter [tilespmem:s18], [sflag:$0x9], $0x2000, $0x38;
	[tilespmem:$0x1EF00] =	vst v63  }
0x6c: {  	_ =	swait.ge [sflag:s7], $0x2000  }
0x6d: {  	[sflag:s7] =	ssyncset.done $0x0  }
0x6e: {  	[sflag:s7] =	ssyncadd.s32 $0xFFFFE000  }
0x6f: {  	[spmem:s23] =	stream.linear.scatter [tilespmem:s18], [sflag:$0x9], $0x700, $0x38;
	[tilespmem:$0x1EF00] =	vst v63  }
0x70: {  	_ =	swait.ge [sflag:s7], $0x700  }
0x71: {  	[sflag:s7] =	ssyncset.done $0x0  }
0x72: {  	[sflag:s7] =	ssyncadd.s32 $0xFFFFF900  }
0x73: {  	[bflag:$0x0] =	sbarrier.arrive $0xFFFF  }
0x74: {  	s0 =	smov.u32 s25;
	s25 =	sld [smem:$0x7FA];
	_ =	sdelay $0x1  }
0x75: {  	s2 =	smov.u32 s26;
	s13 =	simm.s32 $0x0;
	s26 =	sld [smem:$0x7FB]  }
0x76: {  	[tilespmem:s13], [sflag:$0x1] =	stream.linear.gather [hbm4b:s25+s13], $0x200, $0x38;
	[tilespmem:$0x1EF00] =	vst v63  }
0x77: {  	s4 =	smov.u32 s28;
	s22 =	simm.s32 $0x800;
	s28 =	sld [smem:$0x7FC]  }
0x78: {  	[tilespmem:s22], [sflag:$0x1] =	stream.linear.gather [hbm4b:s26+s13], $0x200, $0x38;
	[tilespmem:$0x1EF00] =	vst v63  }
0x79: {  	s29 =	simm.s32 $0x2000;
	s30 =	sld [smem:$0x7FD]  }
0x7a: {  	[tilespmem:s29], [sflag:$0x1] =	stream.linear.gather [hbm4b:s28+s13], $0x200, $0x38;
	[tilespmem:$0x1EF00] =	vst v63  }
0x7b: {  	s31 =	simm.s32 $0x1800;
	s23 =	rddreg [dreg:$0x1e]  }
0x7c: {  	[tilespmem:s31], [sflag:$0x1] =	stream.linear.gather [hbm4b:s30+s13], $0x200, $0x38;
	[tilespmem:$0x1EF00] =	vst v63  }
0x7d: {  	s24 =	simm.s32 $0x200;
	s25 =	rddreg [dreg:$0x1f]  }
0x7e: {  	[tilespmem:s24], [sflag:$0x2] =	stream.linear.gather [hbm4b:s23+s13], $0x200, $0x38;
	[tilespmem:$0x1EF00] =	vst v63  }
0x7f: {  	s26 =	simm.s32 $0xA00;
	s28 =	sld [smem:$0x7EF]  }
0x80: {  	[tilespmem:s26], [sflag:$0x2] =	stream.linear.gather [hbm4b:s25+s13], $0x200, $0x38;
	[tilespmem:$0x1EF00] =	vst v63  }
0x81: {  	s29 =	simm.s32 $0x2200;
	s30 =	sld [smem:$0x7F0]  }
0x82: {  	[tilespmem:s29], [sflag:$0x2] =	stream.linear.gather [hbm4b:s28+s13], $0x200, $0x38;
	[tilespmem:$0x1EF00] =	vst v63  }
0x83: {  	s31 =	simm.s32 $0x1A00  }
0x84: {  	[tilespmem:s31], [sflag:$0x2] =	stream.linear.gather [hbm4b:s30+s13], $0x200, $0x38;
	[tilespmem:$0x1EF00] =	vst v63  }
0x85: {  	_ =	swait.ge [sflag:s8], $0x200  }
0x86: {  	[sflag:s8] =	ssyncset.done $0x0  }
0x87: {  	[sflag:s8] =	ssyncadd.s32 $0xFFFFFE00  }
0x88: {  	_ =	swait.ge [sflag:s8], $0x200  }
0x89: {  	[sflag:s8] =	ssyncset.done $0x0  }
0x8a: {  	[sflag:s8] =	ssyncadd.s32 $0xFFFFFE00  }
0x8b: {  	_ =	swait.ge [sflag:s8], $0x200  }
0x8c: {  	[sflag:s8] =	ssyncset.done $0x0  }
0x8d: {  	[sflag:s8] =	ssyncadd.s32 $0xFFFFFE00  }
0x8e: {  	_ =	swait.ge [sflag:s8], $0x200  }
0x8f: {  	[sflag:s8] =	ssyncset.done $0x0  }
0x90: {  	s16 =	simm.s32 $0x0;
	[sflag:s8] =	ssyncadd.s32 $0xFFFFFE00  }
0x91: {  	v18 =	vld [tilespmem:s16+$0x800];
	_ =	sdelay $0x1  }
0x92: {  	v19 =	vld [tilespmem:s16+$0x0];
	_ =	sdelay $0x1  }
0x93: {  	s22 =	simm.s32 $0x40  }
.LBB2_4:
0x94: {  	s23 =	sshra.s32 s22, $0x2;
	p0 =	sne.s32 s22, $0x7C0;
	s22 =	sadd.s32 $0x40, s22;
	v20 =	vmul.u32 $0x186A0, v18  }
.Ltmp1:
0x95: {  	v18 =	vld [tilespmem:s23+$0x800];
	(pc) =	sbr.rel @p0 .LBB2_4-.Ltmp1, $4  }
0x96: {  	v20 =	vadd.s32 v19, v20  }
0x97: {  	v19 =	vld [tilespmem:s23+$0x0];
	v20 =	vshll.u32 v20, $0x1  }
0x98: {  	v20 =	vor.u32 v6, v20  }
0x99: {  	[tilespmem:s16+$0x1000] =	vst v20;
	s16 =	smov.u32 s23  }
0x9a: {  	v18 =	vmul.u32 $0x186A0, v18  }
.Ltmp2:
0x9b: {  	_ = 	snop;
	(pc) =	sbr.rel .LBB2_6-.Ltmp2, $4  }
0x9c: {  	v18 =	vadd.s32 v19, v18  }
0x9d: {  	v18 =	vshll.u32 v18, $0x1  }
0x9e: {  	v18 =	vor.u32 v6, v18  }
0x9f: {  	p0 =	por $0x1, $0x1;
	s22 =	simm.s32 $0xFFFFF800;
	s23 =	simm.s32 $0x1;
	[tilespmem:s16+$0x1000] =	vst v18  }
.LBB2_14:
0xa0: {  	s24 =	sadd.s32 $0x2, s13  }
0xa1: {  	p1 =	sgt.u32 s24, s5  }
0xa2: {  	s25 =	sand.u32 @!p1 $0x3, s24;
	s24 =	sshll.u32 @!p1 s24, $0xA  }
0xa3: {  	s29 =	simm.s32 @!p1 $0x0;
	s24 =	sor.u32 @!p1 s3, s24  }
0xa4: {  	s26 =	sadd.s32 @!p1 $0x1, s25;
	s25 =	sshll.u32 @!p1 s25, $0x9;
	s28 =	sadd.s32 @!p1 s21, s24  }
0xa5: {  	[tilespmem:s25], [sflag:s26] =	stream.linear.gather @!p1 [hbm4b:s28+s29], $0x200, $0x38;
	[tilespmem:$0x1EF00] =	vst v63  }
0xa6: {  	s30 =	sadd.s32 @!p1 s11, s24;
	s28 =	sor.u32 @!p1 $0x800, s25  }
0xa7: {  	[tilespmem:s28], [sflag:s26] =	stream.linear.gather @!p1 [hbm4b:s30+s29], $0x200, $0x38;
	[tilespmem:$0x1EF00] =	vst v63  }
0xa8: {  	s28 =	sor.u32 @!p1 $0x2000, s25;
	s30 =	sadd.s32 @!p1 s15, s24  }
0xa9: {  	[tilespmem:s28], [sflag:s26] =	stream.linear.gather @!p1 [hbm4b:s30+s29], $0x200, $0x38;
	[tilespmem:$0x1EF00] =	vst v63  }
0xaa: {  	s25 =	sor.u32 @!p1 $0x1800, s25;
	s24 =	sadd.s32 @!p1 s14, s24  }
0xab: {  	[tilespmem:s25], [sflag:s26] =	stream.linear.gather @!p1 [hbm4b:s24+s29], $0x200, $0x38;
	[tilespmem:$0x1EF00] =	vst v63  }
0xac: {  	p1 =	sne.s32 s13, s5  }
.Ltmp3:
0xad: {  	_ = 	snop;
	(pc) =	sbr.rel @!p1 .LBB2_15-.Ltmp3, $3  }
0xae: {  	_ =	sdelay $0x1  }
0xaf: {  	p0 =	por !p0, !p0  }
0xb0: {  	s22 =	sadd.s32 $0x800, s22;
	s23 =	sadd.s32 $0x1, s23;
	s13 =	smov.u32 s16  }
.LBB2_6:
0xb1: {  	s16 =	sand.u32 $0x1, s13;
	p1 =	slt.u32 s13, $0x2  }
0xb2: {  	s24 =	sadd.s32 @!p1 $0x7, s16  }
0xb3: {  	_ =	swait.ge @!p1 [sflag:s24], $0x2000  }
0xb4: {  	s25 =	sshll.u32 s13, $0x9;
	[sflag:s24] =	ssyncset.done @!p1 $0x0  }
0xb5: {  	s25 =	sand.u32 $0x600, s25;
	[sflag:s24] =	ssyncadd.s32 @!p1 $0xFFFFE000;
	s24 =	sshll.u32 s16, $0xD  }
0xb6: {  	s28 =	sor.u32 $0x1000, s25;
	s16 =	sadd.s32 $0x5, s16;
	s26 =	sadd.s32 $0x2800, s24  }
0xb7: {  	[tilespmem:s26], [sflag:s16] =	stream.indirect.gather [hbm4b:s20+s9], $0x10, s28, s9, $0xb8;
	[tilespmem:$0x1EF00] =	vst v63  }
0xb8: {  	s29 =	sor.u32 $0x1080, s25;
	p1 =	seq.s32 s13, $0x0;
	s31 =	sadd.s32 $0x3000, s24  }
0xb9: {  	[tilespmem:s31], [sflag:s16] =	stream.indirect.gather [hbm4b:s20+s9], $0x10, s29, s9, $0xb8;
	[tilespmem:$0x1EF00] =	vst v63  }
.Ltmp4:
0xba: {  	_ = 	snop;
	(pc) =	sbr.rel @p1 .LBB2_10-.Ltmp4, $4  }
0xbb: {  	s30 =	sadd.s32 $0x3800, s24;
	s31 =	sor.u32 $0x1100, s25  }
0xbc: {  	[tilespmem:s30], [sflag:s16] =	stream.indirect.gather [hbm4b:s20+s9], $0x10, s31, s9, $0xb8;
	[tilespmem:$0x1EF00] =	vst v63  }
0xbd: {  	s24 =	sor.u32 $0x4000, s24;
	s25 =	sor.u32 $0x1180, s25  }
0xbe: {  	[tilespmem:s24], [sflag:s16] =	stream.indirect.gather [hbm4b:s20+s9], $0x10, s25, s9, $0xb8;
	[tilespmem:$0x1EF00] =	vst v63  }
0xbf: {  	s26 =	sadd.s32 $0xFFFFFFFF, s13  }
0xc0: {  	s24 =	sand.u32 $0x1, s26  }
0xc1: {  	s25 =	sadd.s32 $0x5, s24  }
0xc2: {  	s16 =	sshrl.u32 s22, $0x2;
	_ =	swait.ge [sflag:s25], $0x2000  }
0xc3: {  	s28 =	simm.s32 $0x1;
	s16 =	sand.u32 $0x600, s16;
	[sflag:s25] =	ssyncset.done $0x0  }
0xc4: {  	s28 =	simm.s32 @!p0 $0x0;
	s16 =	sor.u32 $0x2010, s16;
	[sflag:s25] =	ssyncadd.s32 $0xFFFFE000  }
0xc5: {  	s25 =	sshll.u32 s28, $0xD;
	v23 =	vld [tilespmem:s16+$0x0]  }
0xc6: {  	s25 =	sadd.s32 $0x2900, s25;
	v18 =	vld [tilespmem:s16+$0xFFFFFFF0]  }
0xc7: {  	v19 =	vld [tilespmem:s25+$0xF0]  }
0xc8: {  	v20 =	vld [tilespmem:s25+$0xFFFFFF00]  }
0xc9: {  	v21 =	vld [tilespmem:s25+$0xFFFFFF10]  }
0xca: {  	v22 =	vld [tilespmem:s25+$0xFFFFFF20];
	v24 =	vperm.xlane v23, v55;
	v25 =	vperm.xlane v23, v17  }
0xcb: {  	v28 =	vld [tilespmem:s25+$0xFFFFFF30];
	v26 =	vperm.xlane v18, v55;
	v27 =	vperm.xlane v18, v56  }
0xcc: {  	v30 =	vld [tilespmem:s25+$0xFFFFFF40];
	v29 =	vperm.xlane v18, v57;
	v31 =	vperm.xlane v18, v60  }
0xcd: {  	v32 =	vld [tilespmem:s25+$0xFFFFFF50];
	v33 =	vperm.xlane v18, v7;
	v35 =	vperm.xlane v18, v8  }
0xce: {  	v34 =	vld [tilespmem:s25+$0xFFFFFF60];
	v37 =	vperm.xlane v18, v9;
	v38 =	vperm.xlane v18, v10  }
0xcf: {  	v36 =	vld [tilespmem:s25+$0xFFFFFF70];
	v40 =	vperm.xlane v18, v11;
	v41 =	vperm.xlane v18, v12  }
0xd0: {  	v39 =	vld [tilespmem:s25+$0xFFFFFF80];
	v43 =	vperm.xlane v18, v13;
	v44 =	vperm.xlane v18, v14  }
0xd1: {  	v42 =	vld [tilespmem:s25+$0xFFFFFF90];
	v3 =	vperm.xlane v23, v57;
	v61 =	vperm.xlane v23, v58  }
0xd2: {  	v53 =	vld [tilespmem:s25+$0xFFFFFFD0];
	v63 =	vperm.xlane v23, v60;
	v51 =	vperm.xlane v23, v9  }
0xd3: {  	v54 =	vld [tilespmem:s25+$0xFFFFFFE0];
	v19 =	vmul.f32 v25, v19;
	v25 =	vperm.xlane v18, v58  }
0xd4: {  	v1 =	vld [tilespmem:s25+$0xFFFFFFF0];
	v20 =	vmul.f32 v26, v20;
	v21 =	vmul.f32 v27, v21  }
0xd5: {  	v62 =	vld [tilespmem:s25+$0x30];
	v27 =	vperm.xlane v18, v15;
	v22 =	vmul.f32 v29, v22  }
0xd6: {  	v2 =	vld [tilespmem:s25+$0x0];
	v31 =	vmul.f32 v31, v30;
	v30 =	vperm.xlane v18, v16  }
0xd7: {  	v59 =	vld [tilespmem:s25+$0x10];
	v45 =	vmul.f32 v33, v32;
	v18 =	vperm.xlane v18, v17  }
0xd8: {  	v49 =	vld [tilespmem:s25+$0x50];
	v34 =	vmul.f32 v35, v34;
	v0 =	vmul.f32 v37, v36  }
0xd9: {  	v52 =	vld [tilespmem:s25+$0x70];
	v46 =	vmul.f32 v38, v39;
	v42 =	vmul.f32 v40, v42  }
0xda: {  	v29 =	vld [tilespmem:s25+$0xFFFFFFB0];
	v37 =	vmul.f32 v61, v62;
	v28 =	vmul.f32 v25, v28;
	[tilespmem:s25+$0xF0] =	vst v19  }
0xdb: {  	v26 =	vld [tilespmem:s25+$0xFFFFFFA0];
	v19 =	vperm.xlane v23, v56;
	[tilespmem:s25+$0xFFFFFF10] =	vst v21;
	v21 =	vperm.xlane v23, v7  }
0xdc: {  	v48 =	vld [tilespmem:s25+$0x40];
	v32 =	vmul.f32 v18, v1;
	[tilespmem:s25+$0xFFFFFF20] =	vst v22;
	v22 =	vperm.xlane v23, v8  }
0xdd: {  	v50 =	vld [tilespmem:s25+$0x60];
	[tilespmem:s25+$0xFFFFFF00] =	vst v20;
	v18 =	vperm.xlane v23, v11;
	v20 =	vperm.xlane v23, v12  }
0xde: {  	v25 =	vld [tilespmem:s25+$0xFFFFFFC0];
	[tilespmem:s25+$0xFFFFFF60] =	vst v34;
	v34 =	vmul.f32 v51, v52;
	v33 =	vmul.f32 v19, v59  }
0xdf: {  	v19 =	vperm.xlane v23, v13;
	v36 =	vmul.f32 v43, v29;
	v29 =	vld [tilespmem:s25+$0x20]  }
0xe0: {  	v38 =	vld [tilespmem:s25+$0x90];
	[tilespmem:s25+$0xFFFFFF30] =	vst v28;
	v28 =	vmul.f32 v21, v49;
	v47 =	vmul.f32 v41, v26  }
0xe1: {  	[tilespmem:s25+$0xFFFFFF40] =	vst v31;
	v26 =	vmul.f32 v27, v53;
	v27 =	vmul.f32 v30, v54;
	v54 =	vld [tilespmem:s25+$0x80]  }
0xe2: {  	v39 =	vld [tilespmem:s25+$0xA0];
	[tilespmem:s25+$0xFFFFFF50] =	vst v45;
	v21 =	vperm.xlane v23, v14;
	v30 =	vmul.f32 v24, v2  }
0xe3: {  	v40 =	vld [tilespmem:s25+$0xB0];
	[tilespmem:s25+$0xFFFFFF70] =	vst v0;
	v53 =	vperm.xlane v23, v10;
	v24 =	vmul.f32 v63, v48  }
0xe4: {  	s26 =	sshll.u32 s26, $0xB;
	[tilespmem:s25+$0xFFFFFF90] =	vst v42;
	v42 =	vld [tilespmem:s25+$0xD0];
	v25 =	vmul.f32 v44, v25;
	v31 =	vmul.f32 v3, v29  }
0xe5: {  	s31 =	simm.s32 $0x0;
	s28 =	sand.u32 $0x1800, s26;
	s26 =	sshll.u32 s24, $0xD;
	[tilespmem:s25+$0xFFFFFF80] =	vst v46;
	v41 =	vld [tilespmem:s25+$0xC0];
	v29 =	vmul.f32 v22, v50;
	v22 =	vperm.xlane v23, v15  }
0xe6: {  	s29 =	sadd.s32 $0x2800, s26;
	s16 =	sadd.s32 $0x20, s16;
	s30 =	smov.u32 s25;
	v43 =	vld [tilespmem:s25+$0xE0];
	[tilespmem:s25+$0xFFFFFFA0] =	vst v47;
	v23 =	vperm.xlane v23, v16;
	v35 =	vmul.f32 v53, v54  }
.LBB2_8:
0xe7: {  	v44 =	vld [tilespmem:s16+$0x0];
	s31 =	sadd.s32 $0x2, s31;
	[tilespmem:s25+$0xFFFFFFB0] =	vst v36;
	v18 =	vmul.f32 v18, v38;
	v20 =	vmul.f32 v20, v39  }
0xe8: {  	v36 =	vld [tilespmem:s16+$0xFFFFFFF0]  }
0xe9: {  	s25 =	sadd.s32 $0x200, s25;
	p1 =	slt.u32 s31, $0x1E;
	[tilespmem:s30+$0xFFFFFFC0] =	vst v25;
	v19 =	vmul.f32 v19, v40  }
0xea: {  	v25 =	vld [tilespmem:s25+$0xF0];
	[tilespmem:s30+$0xFFFFFFD0] =	vst v26;
	v21 =	vmul.f32 v21, v41  }
0xeb: {  	v26 =	vld [tilespmem:s25+$0xFFFFFF00];
	[tilespmem:s30+$0xFFFFFFE0] =	vst v27;
	v22 =	vmul.f32 v22, v42;
	v23 =	vmul.f32 v23, v43  }
0xec: {  	v27 =	vld [tilespmem:s25+$0xFFFFFF10];
	[tilespmem:s30+$0xFFFFFFF0] =	vst v32;
	v39 =	vperm.xlane v44, v55;
	v38 =	vperm.xlane v44, v17  }
0xed: {  	v32 =	vld [tilespmem:s25+$0xFFFFFF20];
	[tilespmem:s30+$0x0] =	vst v30;
	v61 =	vperm.xlane v44, v7;
	v30 =	vperm.xlane v36, v55  }
0xee: {  	v40 =	vperm.xlane v36, v56;
	v41 =	vld [tilespmem:s25+$0xFFFFFF30];
	[tilespmem:s30+$0x10] =	vst v33;
	v33 =	vperm.xlane v36, v57  }
0xef: {  	v46 =	vperm.xlane v36, v8;
	v42 =	vld [tilespmem:s25+$0xFFFFFF40];
	v25 =	vmul.f32 v38, v25;
	[tilespmem:s30+$0x20] =	vst v31  }
0xf0: {  	v31 =	vperm.xlane v36, v58;
	v38 =	vperm.xlane v36, v60;
	v43 =	vld [tilespmem:s25+$0xFFFFFF50];
	[tilespmem:s30+$0x30] =	vst v37  }
0xf1: {  	v47 =	vperm.xlane v36, v9;
	v37 =	vperm.xlane v36, v7;
	v45 =	vld [tilespmem:s25+$0xFFFFFF60];
	[tilespmem:s25+$0xF0] =	vst v25  }
0xf2: {  	v48 =	vperm.xlane v36, v10;
	v49 =	vperm.xlane v36, v11;
	v25 =	vld [tilespmem:s25+$0xFFFFFF70];
	[tilespmem:s30+$0x40] =	vst v24  }
0xf3: {  	v50 =	vperm.xlane v36, v12;
	v51 =	vperm.xlane v36, v13;
	v24 =	vld [tilespmem:s25+$0xFFFFFF80];
	[tilespmem:s30+$0x50] =	vst v28  }
0xf4: {  	v0 =	vimm.s32 $0x1;
	v52 =	vperm.xlane v36, v14;
	v53 =	vperm.xlane v36, v15;
	v28 =	vld [tilespmem:s25+$0xFFFFFF90];
	[tilespmem:s30+$0x60] =	vst v29  }
0xf5: {  	v54 =	vperm.xlane v36, v16;
	v56 =	vperm.xlane v44, v0;
	v0 =	vimm.s32 $0x2;
	v29 =	vld [tilespmem:s25+$0xFFFFFFA0];
	[tilespmem:s30+$0x70] =	vst v34  }
0xf6: {  	v55 =	vperm.xlane v36, v17;
	v57 =	vperm.xlane v44, v0;
	v0 =	vimm.s32 $0x3;
	v34 =	vld [tilespmem:s25+$0xFFFFFFB0];
	[tilespmem:s30+$0x80] =	vst v35  }
0xf7: {  	v63 =	vperm.xlane v44, v8;
	v58 =	vperm.xlane v44, v0;
	v0 =	vimm.s32 $0x4;
	v35 =	vld [tilespmem:s25+$0xFFFFFFC0];
	[tilespmem:s30+$0x90] =	vst v18  }
0xf8: {  	v1 =	vperm.xlane v44, v9;
	v60 =	vperm.xlane v44, v0;
	v59 =	vld [tilespmem:s25+$0xFFFFFFD0];
	[tilespmem:s30+$0xA0] =	vst v20  }
0xf9: {  	v2 =	vperm.xlane v44, v10;
	v26 =	vmul.f32 v30, v26;
	v62 =	vld [tilespmem:s25+$0xFFFFFFE0];
	[tilespmem:s30+$0xB0] =	vst v19  }
0xfa: {  	v27 =	vmul.f32 v40, v27;
	v18 =	vperm.xlane v44, v11;
	v0 =	vld [tilespmem:s25+$0xFFFFFFF0];
	[tilespmem:s30+$0xC0] =	vst v21  }
0xfb: {  	v20 =	vperm.xlane v44, v12;
	v19 =	vperm.xlane v44, v13;
	v3 =	vld [tilespmem:s25+$0x0];
	[tilespmem:s30+$0xD0] =	vst v22  }
0xfc: {  	v21 =	vperm.xlane v44, v14;
	v22 =	vperm.xlane v44, v15;
	v4 =	vld [tilespmem:s25+$0x10];
	[tilespmem:s30+$0xE0] =	vst v23;
	s30 =	smov.u32 s25  }
0xfd: {  	v30 =	vmul.f32 v33, v32;
	v23 =	vperm.xlane v44, v16;
	v5 =	vld [tilespmem:s25+$0x20]  }
0xfe: {  	v32 =	vmul.f32 v46, v45;
	v33 =	vmul.f32 v47, v25;
	v44 =	vld [tilespmem:s25+$0x30]  }
0xff: {  	[tilespmem:s25+$0xFFFFFF00] =	vst v26;
	v26 =	vmul.f32 v31, v41;
	v31 =	vmul.f32 v38, v42;
	v41 =	vld [tilespmem:s25+$0x40]  }
0x100: {  	v24 =	vmul.f32 v48, v24;
	[tilespmem:s25+$0xFFFFFF10] =	vst v27;
	v27 =	vmul.f32 v37, v43;
	v42 =	vld [tilespmem:s25+$0x50]  }
0x101: {  	v28 =	vmul.f32 v49, v28;
	v45 =	vmul.f32 v50, v29;
	[tilespmem:s25+$0xFFFFFF20] =	vst v30;
	v43 =	vld [tilespmem:s25+$0x60]  }
0x102: {  	v36 =	vmul.f32 v51, v34;
	v25 =	vmul.f32 v52, v35;
	[tilespmem:s25+$0xFFFFFF30] =	vst v26;
	v46 =	vld [tilespmem:s25+$0x70]  }
0x103: {  	v30 =	vmul.f32 v39, v3;
	v26 =	vmul.f32 v53, v59;
	[tilespmem:s25+$0xFFFFFF40] =	vst v31;
	v35 =	vld [tilespmem:s25+$0x80]  }
0x104: {  	v31 =	vmul.f32 v57, v5;
	[tilespmem:s25+$0xFFFFFF50] =	vst v27;
	v27 =	vmul.f32 v54, v62;
	v38 =	vld [tilespmem:s25+$0x90]  }
.Ltmp5:
0x105: {  	v57 =	vimm.s32 $0x2;
	[tilespmem:s25+$0xFFFFFF60] =	vst v32;
	v32 =	vmul.f32 v55, v0;
	v55 =	vimm.s32 $0x0;
	v39 =	vld [tilespmem:s25+$0xA0];
	(pc) =	sbr.rel @p1 .LBB2_8-.Ltmp5, $4  }
0x106: {  	v37 =	vmul.f32 v58, v44;
	[tilespmem:s25+$0xFFFFFF70] =	vst v33;
	v33 =	vmul.f32 v56, v4;
	v56 =	vimm.s32 $0x1;
	v40 =	vld [tilespmem:s25+$0xB0]  }
0x107: {  	v58 =	vimm.s32 $0x3;
	[tilespmem:s25+$0xFFFFFF80] =	vst v24;
	v24 =	vmul.f32 v60, v41;
	v60 =	vimm.s32 $0x4;
	v41 =	vld [tilespmem:s25+$0xC0]  }
0x108: {  	v29 =	vmul.f32 v63, v43;
	[tilespmem:s25+$0xFFFFFF90] =	vst v28;
	v28 =	vmul.f32 v61, v42;
	v42 =	vld [tilespmem:s25+$0xD0]  }
0x109: {  	s16 =	sadd.s32 $0x20, s16;
	v34 =	vmul.f32 v1, v46;
	v35 =	vmul.f32 v2, v35;
	[tilespmem:s25+$0xFFFFFFA0] =	vst v45;
	v43 =	vld [tilespmem:s25+$0xE0]  }
0x10a: {  	[tilespmem:s25+$0xFFFFFFB0] =	vst v36  }
0x10b: {  	[tilespmem:s30+$0x0] =	vst v30  }
0x10c: {  	[tilespmem:s30+$0x10] =	vst v33  }
0x10d: {  	[tilespmem:s30+$0x20] =	vst v31  }
0x10e: {  	[tilespmem:s30+$0x30] =	vst v37  }
0x10f: {  	[tilespmem:s30+$0x40] =	vst v24  }
0x110: {  	[tilespmem:s30+$0x50] =	vst v28  }
0x111: {  	[tilespmem:s30+$0x60] =	vst v29  }
0x112: {  	[tilespmem:s30+$0xFFFFFFC0] =	vst v25  }
0x113: {  	[tilespmem:s30+$0xFFFFFFD0] =	vst v26  }
0x114: {  	[tilespmem:s30+$0xFFFFFFE0] =	vst v27  }
0x115: {  	[tilespmem:s30+$0xFFFFFFF0] =	vst v32  }
0x116: {  	v0 =	vmul.f32 v18, v38;
	[tilespmem:s30+$0x70] =	vst v34  }
0x117: {  	v1 =	vmul.f32 v20, v39;
	[tilespmem:s30+$0x80] =	vst v35  }
0x118: {  	v2 =	vmul.f32 v19, v40;
	[tilespmem:s30+$0x90] =	vst v0  }
0x119: {  	v61 =	vmul.f32 v21, v41;
	[tilespmem:s30+$0xA0] =	vst v1  }
0x11a: {  	v62 =	vmul.f32 v22, v42;
	[tilespmem:s30+$0xB0] =	vst v2  }
0x11b: {  	v63 =	vmul.f32 v23, v43;
	[tilespmem:s30+$0xC0] =	vst v61  }
0x11c: {  	s16 =	sshrl.u32 s28, $0x2;
	[tilespmem:s30+$0xD0] =	vst v62  }
0x11d: {  	s24 =	sadd.s32 $0x7, s24;
	[tilespmem:s30+$0xE0] =	vst v63;
	s30 =	sor.u32 $0x1800, s16  }
0x11e: {  	[spmem:s17] =	stream.indirect.scatter.add.f32 [tilespmem:s29], [sflag:s24], $0x10, s30, s9, $0xb8;
	[tilespmem:$0x1EF00] =	vst v63  }
0x11f: {  	s31 =	sadd.s32 $0x3000, s26;
	s28 =	sadd.s32 $0x1880, s16  }
0x120: {  	[spmem:s17] =	stream.indirect.scatter.add.f32 [tilespmem:s31], [sflag:s24], $0x10, s28, s9, $0xb8;
	[tilespmem:$0x1EF00] =	vst v63  }
0x121: {  	s29 =	sadd.s32 $0x3800, s26;
	s30 =	sadd.s32 $0x1900, s16  }
0x122: {  	[spmem:s17] =	stream.indirect.scatter.add.f32 [tilespmem:s29], [sflag:s24], $0x10, s30, s9, $0xb8;
	[tilespmem:$0x1EF00] =	vst v63  }
0x123: {  	s16 =	sadd.s32 $0x1980, s16;
	s31 =	sor.u32 $0x4000, s26  }
0x124: {  	[spmem:s17] =	stream.indirect.scatter.add.f32 [tilespmem:s31], [sflag:s24], $0x10, s16, s9, $0xb8;
	[tilespmem:$0x1EF00] =	vst v63  }
.LBB2_10:
0x125: {  	p1 =	sge.u32 s13, s5  }
.Ltmp6:
0x126: {  	_ = 	snop;
	(pc) =	sbr.rel @p1 .LBB2_14-.Ltmp6, $2  }
0x127: {  	_ =	sdelay $0x2  }
0x128: {  	s16 =	sadd.s32 $0x1, s13  }
0x129: {  	s24 =	sand.u32 $0x3, s16  }
0x12a: {  	s24 =	sadd.s32 $0x1, s24  }
0x12b: {  	_ =	swait.ge [sflag:s24], $0x200  }
0x12c: {  	[sflag:s24] =	ssyncset.done $0x0  }
0x12d: {  	[sflag:s24] =	ssyncadd.s32 $0xFFFFFE00  }
0x12e: {  	_ =	swait.ge [sflag:s24], $0x200  }
0x12f: {  	s25 =	sshll.u32 s23, $0x9;
	[sflag:s24] =	ssyncset.done $0x0  }
0x130: {  	s25 =	sand.u32 $0x600, s25;
	[sflag:s24] =	ssyncadd.s32 $0xFFFFFE00  }
0x131: {  	s26 =	sor.u32 $0x800, s25;
	_ =	swait.ge [sflag:s24], $0x200  }
0x132: {  	v20 =	vmov s26;
	[sflag:s24] =	ssyncset.done $0x0  }
0x133: {  	[sflag:s24] =	ssyncadd.s32 $0xFFFFFE00  }
0x134: {  	v19 =	vmov s25;
	_ =	swait.ge [sflag:s24], $0x200  }
0x135: {  	s28 =	sor.u32 $0x1000, s25;
	[sflag:s24] =	ssyncset.done $0x0  }
0x136: {  	s25 =	simm.s32 $0x40;
	v18 =	vmov s28;
	[sflag:s24] =	ssyncadd.s32 $0xFFFFFE00;
	s24 =	simm.s32 $0x0  }
.LBB2_12:
0x137: {  	p1 =	sne.s32 s25, $0x7C0;
	v0 =	vld.idx.msk [tilespmem:v20+s24+$0x0 ss:$0x1], $0xffff;
	_ =	sdelay $0x1  }
0x138: {  	v1 =	vld.idx.msk [tilespmem:v19+s24+$0x0 ss:$0x1], $0xffff;
	_ =	sdelay $0x3  }
0x139: {  	v0 =	vmul.u32 $0x186A0, v0  }
.Ltmp7:
0x13a: {  	(pc) =	sbr.rel @p1 .LBB2_12-.Ltmp7, $4  }
0x13b: {  	v0 =	vadd.s32 v1, v0  }
0x13c: {  	v0 =	vshll.u32 v0, $0x1  }
0x13d: {  	v0 =	vor.u32 v6, v0  }
0x13e: {  	[tilespmem:v18+s24+$0x0 ss:$0x1] =	vst.idx.msk $0xffff, v0;
	s24 =	sshra.s32 s25, $0x2;
	s25 =	sadd.s32 $0x40, s25  }
0x13f: {  	_ =	sdelay $0x3  }
0x140: {  	v0 =	vld.idx.msk [tilespmem:v20+s24+$0x0 ss:$0x1], $0xffff;
	_ =	sdelay $0x1  }
0x141: {  	v1 =	vld.idx.msk [tilespmem:v19+s24+$0x0 ss:$0x1], $0xffff;
	_ =	sdelay $0x2  }
0x142: {  	v0 =	vmul.u32 $0x186A0, v0  }
.Ltmp8:
0x143: {  	_ = 	snop;
	(pc) =	sbr.rel .LBB2_14-.Ltmp8, $4  }
0x144: {  	v0 =	vadd.s32 v1, v0  }
0x145: {  	v0 =	vshll.u32 v0, $0x1  }
0x146: {  	v0 =	vor.u32 v6, v0  }
0x147: {  	[tilespmem:v18+s24+$0x0 ss:$0x1] =	vst.idx.msk $0xffff, v0  }
.LBB2_15:
0x148: {  	_ =	swait.ge [sflag:s10], $0x2000  }
0x149: {  	[sflag:s10] =	ssyncset.done $0x0  }
0x14a: {  	[sflag:s10] =	ssyncadd.s32 $0xFFFFE000  }
0x14b: {  	v0 =	vld [tilespmem:s6+$0x0]  }
0x14c: {  	v1 =	vld [tilespmem:s6+$0xFFFFFFF0]  }
0x14d: {  	v2 =	vld [tilespmem:s19+$0xF0]  }
0x14e: {  	v3 =	vld [tilespmem:s19+$0xFFFFFF00]  }
0x14f: {  	v4 =	vld [tilespmem:s19+$0xFFFFFF10]  }
0x150: {  	v5 =	vld [tilespmem:s19+$0xFFFFFF20];
	v18 =	vperm.xlane v0, v55;
	v19 =	vperm.xlane v0, v17  }
0x151: {  	v22 =	vld [tilespmem:s19+$0xFFFFFF30];
	v20 =	vperm.xlane v1, v55;
	v21 =	vperm.xlane v1, v56  }
0x152: {  	v24 =	vld [tilespmem:s19+$0xFFFFFF40];
	v23 =	vperm.xlane v1, v57;
	v25 =	vperm.xlane v1, v60  }
0x153: {  	v26 =	vld [tilespmem:s19+$0xFFFFFF50];
	v27 =	vperm.xlane v1, v7;
	v29 =	vperm.xlane v1, v8  }
0x154: {  	v28 =	vld [tilespmem:s19+$0xFFFFFF60];
	v31 =	vperm.xlane v1, v9;
	v32 =	vperm.xlane v1, v10  }
0x155: {  	v30 =	vld [tilespmem:s19+$0xFFFFFF70];
	v34 =	vperm.xlane v1, v11;
	v35 =	vperm.xlane v1, v12  }
0x156: {  	v33 =	vld [tilespmem:s19+$0xFFFFFF80];
	v37 =	vperm.xlane v1, v13;
	v38 =	vperm.xlane v1, v14  }
0x157: {  	v36 =	vld [tilespmem:s19+$0xFFFFFF90];
	v39 =	vperm.xlane v1, v16;
	v42 =	vperm.xlane v0, v56  }
0x158: {  	v54 =	vld [tilespmem:s19+$0x0];
	v59 =	vperm.xlane v0, v58;
	v61 =	vperm.xlane v0, v60  }
0x159: {  	v62 =	vld [tilespmem:s19+$0x50];
	v45 =	vperm.xlane v0, v9;
	v46 =	vperm.xlane v0, v10  }
0x15a: {  	v63 =	vld [tilespmem:s19+$0x70];
	v2 =	vmul.f32 v19, v2;
	v19 =	vperm.xlane v1, v58  }
0x15b: {  	v3 =	vmul.f32 v20, v3;
	v20 =	vld [tilespmem:s19+$0xFFFFFFA0];
	v4 =	vmul.f32 v21, v4  }
0x15c: {  	v21 =	vperm.xlane v1, v15;
	v5 =	vmul.f32 v23, v5;
	v23 =	vld [tilespmem:s19+$0xFFFFFFB0]  }
0x15d: {  	v25 =	vmul.f32 v25, v24;
	v26 =	vmul.f32 v27, v26;
	v27 =	vld [tilespmem:s19+$0xFFFFFFD0]  }
0x15e: {  	v1 =	vperm.xlane v1, v17;
	v40 =	vmul.f32 v29, v28;
	v29 =	vld [tilespmem:s19+$0xFFFFFFE0]  }
0x15f: {  	v30 =	vmul.f32 v31, v30;
	v31 =	vld [tilespmem:s19+$0xFFFFFFF0];
	v41 =	vmul.f32 v32, v33  }
0x160: {  	v43 =	vmul.f32 v34, v36;
	v19 =	vmul.f32 v19, v22;
	v22 =	vld [tilespmem:s19+$0xFFFFFFC0]  }
0x161: {  	v32 =	vmul.f32 v18, v54;
	[tilespmem:s19+$0xF0] =	vst v2;
	v44 =	vmul.f32 v35, v20;
	v20 =	vld [tilespmem:s19+$0x10]  }
0x162: {  	v18 =	vperm.xlane v0, v11;
	[tilespmem:s19+$0xFFFFFF10] =	vst v4;
	v28 =	vmul.f32 v21, v27;
	v21 =	vld [tilespmem:s19+$0x30]  }
0x163: {  	v4 =	vperm.xlane v0, v7;
	[tilespmem:s19+$0xFFFFFF20] =	vst v5;
	v5 =	vperm.xlane v0, v8;
	v27 =	vld [tilespmem:s19+$0x40]  }
0x164: {  	[tilespmem:s19+$0xFFFFFF30] =	vst v19;
	v19 =	vperm.xlane v0, v13;
	v35 =	vmul.f32 v1, v31;
	v31 =	vld [tilespmem:s19+$0x60]  }
0x165: {  	v47 =	vld [tilespmem:s19+$0x80];
	[tilespmem:s19+$0xFFFFFF70] =	vst v30;
	v30 =	vmul.f32 v4, v62;
	v33 =	vmul.f32 v37, v23  }
0x166: {  	[tilespmem:s19+$0xFFFFFF00] =	vst v3;
	v23 =	vperm.xlane v0, v57;
	v24 =	vmul.f32 v38, v22;
	v22 =	vld [tilespmem:s19+$0x20]  }
0x167: {  	[tilespmem:s19+$0xFFFFFF60] =	vst v40;
	v40 =	vld [tilespmem:s19+$0xB0];
	v29 =	vmul.f32 v39, v29;
	v36 =	vmul.f32 v42, v20  }
0x168: {  	[tilespmem:s19+$0xFFFFFF40] =	vst v25;
	v39 =	vld [tilespmem:s19+$0xA0];
	v37 =	vmul.f32 v59, v21;
	v25 =	vmul.f32 v61, v27  }
0x169: {  	[tilespmem:s19+$0xFFFFFF50] =	vst v26;
	v38 =	vld [tilespmem:s19+$0x90];
	v21 =	vperm.xlane v0, v14;
	v26 =	vmul.f32 v5, v31  }
0x16a: {  	[tilespmem:s19+$0xFFFFFF80] =	vst v41;
	v41 =	vld [tilespmem:s19+$0xC0];
	v20 =	vperm.xlane v0, v15;
	v31 =	vmul.f32 v45, v63  }
0x16b: {  	s22 =	simm.s32 $0x0;
	[tilespmem:s19+$0xFFFFFF90] =	vst v43;
	v43 =	vld [tilespmem:s19+$0xE0];
	v27 =	vmul.f32 v46, v47;
	v34 =	vmul.f32 v23, v22  }
0x16c: {  	s24 =	sadd.s32 $0x20, s6;
	s23 =	smov.u32 s19;
	s13 =	smov.u32 s19;
	[tilespmem:s19+$0xFFFFFFA0] =	vst v44;
	v42 =	vld [tilespmem:s19+$0xD0];
	v22 =	vperm.xlane v0, v12;
	v23 =	vperm.xlane v0, v16  }
.LBB2_16:
0x16d: {  	v0 =	vld [tilespmem:s24+$0x0]  }
0x16e: {  	s22 =	sadd.s32 $0x2, s22;
	[tilespmem:s23+$0xFFFFFFB0] =	vst v33;
	v1 =	vmul.f32 v18, v38;
	v2 =	vmul.f32 v22, v39  }
0x16f: {  	s23 =	sadd.s32 $0x200, s23;
	v3 =	vld [tilespmem:s24+$0xFFFFFFF0];
	p0 =	slt.u32 s22, $0x1E;
	[tilespmem:s13+$0xFFFFFFC0] =	vst v24;
	v4 =	vmul.f32 v19, v40  }
0x170: {  	v5 =	vld [tilespmem:s23+$0xF0];
	[tilespmem:s13+$0xFFFFFFD0] =	vst v28;
	v19 =	vmul.f32 v21, v41  }
0x171: {  	v24 =	vld [tilespmem:s23+$0xFFFFFF00];
	[tilespmem:s13+$0xFFFFFFE0] =	vst v29;
	v20 =	vmul.f32 v20, v42  }
0x172: {  	v28 =	vld [tilespmem:s23+$0xFFFFFF10];
	[tilespmem:s13+$0xFFFFFFF0] =	vst v35;
	v23 =	vmul.f32 v23, v43;
	v39 =	vperm.xlane v0, v55  }
0x173: {  	v29 =	vld [tilespmem:s23+$0xFFFFFF20];
	v18 =	vperm.xlane v0, v17;
	[tilespmem:s13+$0x0] =	vst v32;
	v52 =	vperm.xlane v0, v56  }
0x174: {  	v32 =	vperm.xlane v3, v55;
	v33 =	vperm.xlane v3, v56;
	v35 =	vld [tilespmem:s23+$0xFFFFFF30];
	[tilespmem:s13+$0x10] =	vst v36  }
0x175: {  	v36 =	vperm.xlane v3, v57;
	v38 =	vld [tilespmem:s23+$0xFFFFFF40];
	v5 =	vmul.f32 v18, v5;
	[tilespmem:s13+$0x20] =	vst v34  }
0x176: {  	v40 =	vperm.xlane v3, v60;
	v34 =	vperm.xlane v3, v58;
	v41 =	vld [tilespmem:s23+$0xFFFFFF50];
	[tilespmem:s13+$0x30] =	vst v37  }
0x177: {  	v43 =	vperm.xlane v3, v8;
	v37 =	vperm.xlane v3, v7;
	v42 =	vld [tilespmem:s23+$0xFFFFFF60];
	[tilespmem:s23+$0xF0] =	vst v5  }
0x178: {  	v44 =	vperm.xlane v3, v9;
	v45 =	vperm.xlane v3, v10;
	v5 =	vld [tilespmem:s23+$0xFFFFFF70];
	[tilespmem:s13+$0x40] =	vst v25  }
0x179: {  	v46 =	vperm.xlane v3, v11;
	v47 =	vperm.xlane v3, v12;
	v25 =	vld [tilespmem:s23+$0xFFFFFF80];
	[tilespmem:s13+$0x50] =	vst v30  }
0x17a: {  	v48 =	vperm.xlane v3, v13;
	v49 =	vperm.xlane v3, v14;
	v30 =	vld [tilespmem:s23+$0xFFFFFF90];
	[tilespmem:s13+$0x60] =	vst v26  }
0x17b: {  	v50 =	vperm.xlane v3, v15;
	v51 =	vperm.xlane v3, v16;
	v26 =	vld [tilespmem:s23+$0xFFFFFFA0];
	[tilespmem:s13+$0x70] =	vst v31  }
0x17c: {  	v53 =	vperm.xlane v0, v57;
	v3 =	vperm.xlane v3, v17;
	v31 =	vld [tilespmem:s23+$0xFFFFFFB0];
	[tilespmem:s13+$0x80] =	vst v27  }
0x17d: {  	v54 =	vperm.xlane v0, v58;
	v59 =	vperm.xlane v0, v10;
	v27 =	vld [tilespmem:s23+$0xFFFFFFC0];
	[tilespmem:s13+$0x90] =	vst v1  }
0x17e: {  	v55 =	vperm.xlane v0, v60;
	v56 =	vperm.xlane v0, v7;
	v1 =	vld [tilespmem:s23+$0xFFFFFFD0];
	[tilespmem:s13+$0xA0] =	vst v2  }
0x17f: {  	v57 =	vperm.xlane v0, v8;
	v58 =	vperm.xlane v0, v9;
	v2 =	vld [tilespmem:s23+$0xFFFFFFE0];
	[tilespmem:s13+$0xB0] =	vst v4  }
0x180: {  	v22 =	vperm.xlane v0, v12;
	v18 =	vperm.xlane v0, v11;
	v4 =	vld [tilespmem:s23+$0xFFFFFFF0];
	[tilespmem:s13+$0xC0] =	vst v19  }
0x181: {  	v21 =	vperm.xlane v0, v14;
	v19 =	vperm.xlane v0, v13;
	v60 =	vld [tilespmem:s23+$0x0];
	[tilespmem:s13+$0xD0] =	vst v20  }
0x182: {  	v24 =	vmul.f32 v32, v24;
	v20 =	vperm.xlane v0, v15;
	v61 =	vld [tilespmem:s23+$0x10];
	[tilespmem:s13+$0xE0] =	vst v23;
	s13 =	smov.u32 s23  }
0x183: {  	v32 =	vmul.f32 v43, v42;
	v23 =	vperm.xlane v0, v16;
	v62 =	vld [tilespmem:s23+$0x20]  }
0x184: {  	v0 =	vmul.f32 v33, v28;
	v28 =	vmul.f32 v36, v29;
	v63 =	vld [tilespmem:s23+$0x30]  }
0x185: {  	v29 =	vmul.f32 v40, v38;
	[tilespmem:s23+$0xFFFFFF00] =	vst v24;
	v24 =	vmul.f32 v34, v35;
	v6 =	vld [tilespmem:s23+$0x40]  }
0x186: {  	v5 =	vmul.f32 v44, v5;
	[tilespmem:s23+$0xFFFFFF10] =	vst v0;
	v0 =	vmul.f32 v37, v41;
	v42 =	vld [tilespmem:s23+$0x50]  }
0x187: {  	v25 =	vmul.f32 v45, v25;
	v30 =	vmul.f32 v46, v30;
	[tilespmem:s23+$0xFFFFFF20] =	vst v28;
	v43 =	vld [tilespmem:s23+$0x60]  }
0x188: {  	v44 =	vmul.f32 v47, v26;
	v33 =	vmul.f32 v48, v31;
	[tilespmem:s23+$0xFFFFFF30] =	vst v24;
	v45 =	vld [tilespmem:s23+$0x70]  }
0x189: {  	v35 =	vmul.f32 v3, v4;
	v24 =	vmul.f32 v49, v27;
	[tilespmem:s23+$0xFFFFFF40] =	vst v29;
	v27 =	vld [tilespmem:s23+$0x80]  }
0x18a: {  	v28 =	vmul.f32 v50, v1;
	v29 =	vmul.f32 v51, v2;
	[tilespmem:s23+$0xFFFFFF50] =	vst v0;
	v38 =	vld [tilespmem:s23+$0x90]  }
.Ltmp9:
0x18b: {  	v36 =	vmul.f32 v52, v61;
	[tilespmem:s23+$0xFFFFFF60] =	vst v32;
	v32 =	vmul.f32 v39, v60;
	v60 =	vimm.s32 $0x4;
	v39 =	vld [tilespmem:s23+$0xA0];
	(pc) =	sbr.rel @p0 .LBB2_16-.Ltmp9, $4  }
0x18c: {  	v34 =	vmul.f32 v53, v62;
	v37 =	vmul.f32 v54, v63;
	[tilespmem:s23+$0xFFFFFF70] =	vst v5;
	v40 =	vld [tilespmem:s23+$0xB0]  }
0x18d: {  	v26 =	vmul.f32 v57, v43;
	[tilespmem:s23+$0xFFFFFF80] =	vst v25;
	v25 =	vmul.f32 v55, v6;
	v55 =	vimm.s32 $0x0;
	v41 =	vld [tilespmem:s23+$0xC0]  }
0x18e: {  	v57 =	vimm.s32 $0x2;
	[tilespmem:s23+$0xFFFFFF90] =	vst v30;
	v30 =	vmul.f32 v56, v42;
	v56 =	vimm.s32 $0x1;
	v42 =	vld [tilespmem:s23+$0xD0]  }
0x18f: {  	s24 =	sadd.s32 $0x20, s24;
	v31 =	vmul.f32 v58, v45;
	v58 =	vimm.s32 $0x3;
	v27 =	vmul.f32 v59, v27;
	[tilespmem:s23+$0xFFFFFFA0] =	vst v44;
	v43 =	vld [tilespmem:s23+$0xE0]  }
0x190: {  	[tilespmem:s23+$0xFFFFFFB0] =	vst v33  }
0x191: {  	[tilespmem:s13+$0x0] =	vst v32  }
0x192: {  	[tilespmem:s13+$0x10] =	vst v36  }
0x193: {  	[tilespmem:s13+$0x20] =	vst v34  }
0x194: {  	[tilespmem:s13+$0x30] =	vst v37  }
0x195: {  	[tilespmem:s13+$0x40] =	vst v25  }
0x196: {  	[tilespmem:s13+$0x50] =	vst v30  }
0x197: {  	[tilespmem:s13+$0x60] =	vst v26  }
0x198: {  	[tilespmem:s13+$0xFFFFFFC0] =	vst v24  }
0x199: {  	[tilespmem:s13+$0xFFFFFFD0] =	vst v28  }
0x19a: {  	[tilespmem:s13+$0xFFFFFFE0] =	vst v29  }
0x19b: {  	[tilespmem:s13+$0xFFFFFFF0] =	vst v35  }
0x19c: {  	v0 =	vmul.f32 v18, v38;
	[tilespmem:s13+$0x70] =	vst v31  }
0x19d: {  	v1 =	vmul.f32 v22, v39;
	[tilespmem:s13+$0x80] =	vst v27  }
0x19e: {  	v2 =	vmul.f32 v19, v40;
	[tilespmem:s13+$0x90] =	vst v0  }
0x19f: {  	v0 =	vmul.f32 v21, v41;
	[tilespmem:s13+$0xA0] =	vst v1  }
0x1a0: {  	v1 =	vmul.f32 v20, v42;
	[tilespmem:s13+$0xB0] =	vst v2  }
0x1a1: {  	v2 =	vmul.f32 v23, v43;
	[tilespmem:s13+$0xC0] =	vst v0  }
0x1a2: {  	[tilespmem:s13+$0xD0] =	vst v1  }
0x1a3: {  	[tilespmem:s13+$0xE0] =	vst v2  }
0x1a4: {  	s13 =	sld [smem:$0x7F1]  }
0x1a5: {  	s16 =	sld [smem:$0x7F6]  }
0x1a6: {  	s26 =	sld [smem:$0x7F2]  }
0x1a7: {  	s31 =	sld [smem:$0x7F7]  }
0x1a8: {  	s22 =	sld [smem:$0x7F3]  }
0x1a9: {  	s23 =	sld [smem:$0x7F8]  }
0x1aa: {  	[spmem:s17] =	stream.indirect.scatter.add.f32 [tilespmem:s16], [sflag:s12], $0x10, s13, s9, $0xb8;
	[tilespmem:$0x1EF00] =	vst v63  }
0x1ab: {  	s24 =	sld [smem:$0x7F4]  }
0x1ac: {  	[spmem:s17] =	stream.indirect.scatter.add.f32 [tilespmem:s31], [sflag:s12], $0x10, s26, s9, $0xb8;
	[tilespmem:$0x1EF00] =	vst v63  }
0x1ad: {  	s25 =	sld [smem:$0x7F9]  }
0x1ae: {  	[spmem:s17] =	stream.indirect.scatter.add.f32 [tilespmem:s23], [sflag:s12], $0x10, s22, s9, $0xb8;
	[tilespmem:$0x1EF00] =	vst v63  }
0x1af: {  	s26 =	simm.s32 $0x7  }
0x1b0: {  	[spmem:s17] =	stream.indirect.scatter.add.f32 [tilespmem:s25], [sflag:s12], $0x10, s24, s9, $0xb8;
	[tilespmem:$0x1EF00] =	vst v63  }
0x1b1: {  	_ =	swait.ge [sflag:s26], $0x2000  }
0x1b2: {  	[sflag:s26] =	ssyncset.done $0x0  }
0x1b3: {  	s31 =	simm.s32 $0x8;
	[sflag:s26] =	ssyncadd.s32 $0xFFFFE000  }
0x1b4: {  	_ =	swait.ge [sflag:s31], $0x2000  }
0x1b5: {  	[sflag:s31] =	ssyncset.done $0x0  }
0x1b6: {  	[sflag:s31] =	ssyncadd.s32 $0xFFFFE000  }
0x1b7: {  	s13 =	sor.u32 $0x1C09, s3;
	[bflag:$0x0] =	sbarrier.arrive $0xFFFF  }
0x1b8: {  	s25 =	smov.u32 s0;
	s0 =	sshrl.u32 s0, $0x3;
	s22 =	rddreg [dreg:$0x7]  }
0x1b9: {  	[hbm:s22], [sflag:s13] =	dma.local [spmem:s0], $0x400  }
0x1ba: {  	_ =	swait.ge [sflag:s7], $0x400  }
0x1bb: {  	[sflag:s7] =	ssyncset.done $0x0  }
0x1bc: {  	s23 =	sshrl.u32 s2, $0x3;
	s24 =	rddreg [dreg:$0x8];
	[sflag:s7] =	ssyncadd.s32 $0xFFFFFC00  }
0x1bd: {  	[hbm:s24], [sflag:s13] =	dma.local [spmem:s23], $0x400  }
0x1be: {  	_ =	swait.ge [sflag:s7], $0x400  }
0x1bf: {  	[sflag:s7] =	ssyncset.done $0x0  }
0x1c0: {  	s31 =	sshrl.u32 s4, $0x3;
	s0 =	rddreg [dreg:$0x9];
	[sflag:s7] =	ssyncadd.s32 $0xFFFFFC00  }
0x1c1: {  	[hbm:s0], [sflag:s13] =	dma.local [spmem:s31], $0x400  }
0x1c2: {  	s28 =	smov.u32 s4;
	_ =	swait.ge [sflag:s7], $0x400  }
0x1c3: {  	s26 =	smov.u32 s2;
	[sflag:s7] =	ssyncset.done $0x0;
	s29 =	rddreg [dreg:$0x14]  }
0x1c4: {  	s4 =	rddreg [dreg:$0xa];
	[sflag:s7] =	ssyncadd.s32 $0xFFFFFC00;
	s2 =	sshrl.u32 s29, $0x3  }
0x1c5: {  	[hbm:s4], [sflag:s13] =	dma.local [spmem:s2], $0x400  }
0x1c6: {  	_ =	swait.ge [sflag:s7], $0x400  }
0x1c7: {  	[sflag:s7] =	ssyncset.done $0x0;
	s30 =	rddreg [dreg:$0x15]  }
0x1c8: {  	s24 =	rddreg [dreg:$0xb];
	[sflag:s7] =	ssyncadd.s32 $0xFFFFFC00;
	s23 =	sshrl.u32 s30, $0x3  }
0x1c9: {  	[hbm:s24], [sflag:s13] =	dma.local [spmem:s23], $0x400  }
0x1ca: {  	_ =	swait.ge [sflag:s7], $0x400  }
0x1cb: {  	[sflag:s7] =	ssyncset.done $0x0;
	s31 =	rddreg [dreg:$0x16]  }
0x1cc: {  	s4 =	rddreg [dreg:$0xc];
	[sflag:s7] =	ssyncadd.s32 $0xFFFFFC00;
	s2 =	sshrl.u32 s31, $0x3  }
0x1cd: {  	[hbm:s4], [sflag:s13] =	dma.local [spmem:s2], $0x400  }
0x1ce: {  	_ =	swait.ge [sflag:s7], $0x400  }
0x1cf: {  	[sflag:s7] =	ssyncset.done $0x0;
	s22 =	rddreg [dreg:$0x17]  }
0x1d0: {  	s24 =	rddreg [dreg:$0xd];
	[sflag:s7] =	ssyncadd.s32 $0xFFFFFC00;
	s23 =	sshrl.u32 s22, $0x3  }
0x1d1: {  	[hbm:s24], [sflag:s13] =	dma.local [spmem:s23], $0x400  }
0x1d2: {  	_ =	swait.ge [sflag:s7], $0x400  }
0x1d3: {  	[sflag:s7] =	ssyncset.done $0x0;
	s31 =	rddreg [dreg:$0x18]  }
0x1d4: {  	s4 =	rddreg [dreg:$0xe];
	[sflag:s7] =	ssyncadd.s32 $0xFFFFFC00;
	s2 =	sshrl.u32 s31, $0x3  }
0x1d5: {  	[hbm:s4], [sflag:s13] =	dma.local [spmem:s2], $0x400  }
0x1d6: {  	_ =	swait.ge [sflag:s7], $0x400  }
0x1d7: {  	[sflag:s7] =	ssyncset.done $0x0;
	s22 =	rddreg [dreg:$0x19]  }
0x1d8: {  	s24 =	rddreg [dreg:$0xf];
	[sflag:s7] =	ssyncadd.s32 $0xFFFFFC00;
	s23 =	sshrl.u32 s22, $0x3  }
0x1d9: {  	[hbm:s24], [sflag:s13] =	dma.local [spmem:s23], $0x400  }
0x1da: {  	_ =	swait.ge [sflag:s7], $0x400  }
0x1db: {  	[sflag:s7] =	ssyncset.done $0x0;
	s31 =	rddreg [dreg:$0x1a]  }
0x1dc: {  	s4 =	rddreg [dreg:$0x10];
	[sflag:s7] =	ssyncadd.s32 $0xFFFFFC00;
	s2 =	sshrl.u32 s31, $0x3  }
0x1dd: {  	[hbm:s4], [sflag:s13] =	dma.local [spmem:s2], $0x400  }
0x1de: {  	_ =	swait.ge [sflag:s7], $0x400  }
0x1df: {  	[sflag:s7] =	ssyncset.done $0x0;
	s22 =	rddreg [dreg:$0x1b]  }
0x1e0: {  	s24 =	rddreg [dreg:$0x11];
	[sflag:s7] =	ssyncadd.s32 $0xFFFFFC00;
	s23 =	sshrl.u32 s22, $0x3  }
0x1e1: {  	[hbm:s24], [sflag:s13] =	dma.local [spmem:s23], $0x400  }
0x1e2: {  	_ =	swait.ge [sflag:s7], $0x400  }
0x1e3: {  	[sflag:s7] =	ssyncset.done $0x0;
	s31 =	rddreg [dreg:$0x1c]  }
0x1e4: {  	s4 =	rddreg [dreg:$0x12];
	[sflag:s7] =	ssyncadd.s32 $0xFFFFFC00;
	s2 =	sshrl.u32 s31, $0x3  }
0x1e5: {  	[hbm:s4], [sflag:s13] =	dma.local [spmem:s2], $0x400  }
0x1e6: {  	_ =	swait.ge [sflag:s7], $0x400  }
0x1e7: {  	[sflag:s7] =	ssyncset.done $0x0;
	s23 =	rddreg [dreg:$0x1d]  }
0x1e8: {  	s24 =	rddreg [dreg:$0x13];
	[sflag:s7] =	ssyncadd.s32 $0xFFFFFC00;
	s22 =	sshrl.u32 s23, $0x3  }
0x1e9: {  	[hbm:s24], [sflag:s13] =	dma.local [spmem:s22], $0xE0  }
0x1ea: {  	_ =	swait.ge [sflag:s7], $0xE0  }
0x1eb: {  	s31 =	sld [smem:$0x7F5];
	_ =	sdelay $0x1  }
0x1ec: {  	s1 =	sadd.s32 $0x1, s1  }
0x1ed: {  	p0 =	sne.s32 s1, s31  }
.Ltmp10:
0x1ee: {  	_ = 	snop;
	(pc) =	sbr.rel @p0 .LBB2_1-.Ltmp10, $3  }
0x1ef: {  	_ =	sdelay $0x1  }
0x1f0: {  	[sflag:s7] =	ssyncset.done $0x0  }
0x1f1: {  	v0 =	vimm.f32 $0.0e+00;
	v6 =	vld [tilespmem:$0x1FFF0];
	[sflag:s7] =	ssyncadd.s32 $0xFFFFFF20  }
0x1f2: {  	_ =	sfence.sel $0x180000  }
0x1f3: {  	[bflag:$0x0] =	sbarrier.arrive $0xFFFF  }
0x1f4: {  	_ =	strace $0x90000047  }
0x1f5: {  	s0 =	stileid.u32;
	[bflag:$0x2] =	sbarrier.arrive $0xFFFF  }
0x1f6: {  	p0 =	sne.s32 s0, $0x0;
	s0 =	rddreg [dreg:$0x6]  }
0x1f7: {  	s0 =	sadd.s32 @!p0 $0x100000, s0  }
0x1f8: {  	[sflag:s0] =	ssyncadd.tile.s32 @!p0 $0x1;
	_ =	shalt  }
.Lfunc_end2:
_tile_overlayer_lowered:
.L_overlay_start_2:
0x1f9: {  	(tag) =	ssettag $0x2  }
0x1fa: {  	s0 =	rddreg [dreg:$0x0];
	s2 =	stileid.u32  }
0x1fb: {  	s1 =	rddreg [dreg:$0x1];
	p0 =	sne.s32 s2, $0x0  }
0x1fc: {  	s3 =	rddreg [dreg:$0x2];
	[bflag:$0x3] =	sbarrier.arrive $0xFFFF;
	s2 =	simm.s32 @!p0 $0x1C09  }
0x1fd: {  	[timem:s3], [sflag:s2] =	dma.local @!p0 [hbm:s0], s1  }
0x1fe: {  	s0 =	simm.s32 @!p0 $0x9  }
0x1ff: {  	_ =	swait.ge @!p0 [sflag:s0], s1  }
0x200: {  	s1 =	ssub.s32 @!p0 $0x0, s1;
	[sflag:s0] =	ssyncset.done @!p0 $0x0  }
0x201: {  	[sflag:s0] =	ssyncadd.s32 @!p0 s1  }
0x202: {  	[bflag:$0x3] =	sbarrier.arrive $0xFFFF  }
0x203: {  	_ =	shalt  }

</sc_bundles>
